<compile_context>
chip_gen: v7x
topology: tpu7x:2x2x1
jax: 0.10.2.dev20260603
libtpu: 0.0.44.dev20260713+nightly
codegen_flags: <defaults>
</compile_context>

<pallas_src>
import functools

import jax
import jax.numpy as jnp
from jax import lax
from jax.experimental import pallas as pl
from jax.experimental.pallas import tpu as pltpu
from jax.experimental.pallas import tpu_sc as plsc

B, T, V = 16, 512, 64
BLANK = V - 1
NEG = -1e30
LANES = 16
JPAD = 640


def _k1_body(x_ref, predsk_ref, len_ref):
    CH = 64
    chunks = []
    for c in range(T // CH):
        x = x_ref[:, c * CH:(c + 1) * CH, :]
        m = jnp.max(x, axis=2, keepdims=True)
        iota_v = lax.broadcasted_iota(jnp.int32, (B, CH, V), 2)
        chunks.append(jnp.min(jnp.where(x >= m, iota_v, V), axis=2))
    preds = jnp.concatenate(chunks, axis=1)
    prev = jnp.concatenate(
        [jnp.full((B, 1), -1, jnp.int32), preds[:, :-1]], axis=1)
    keep = (preds != prev) & (preds != BLANK)
    predsk_ref[...] = jnp.where(keep, preds, -1)
    len_ref[...] = jnp.sum(keep.astype(jnp.int32), axis=1, keepdims=True)


_k1 = pl.pallas_call(
    _k1_body,
    out_shape=(jax.ShapeDtypeStruct((B, T), jnp.int32),
               jax.ShapeDtypeStruct((B, 1), jnp.int32)),
)


def _sc_compact_body(predsk_hbm, labels_hbm, in_v, out_v):
    wid = lax.axis_index("s") * 2 + lax.axis_index("c")

    @pl.when(wid < B)
    def _():
        pltpu.sync_copy(predsk_hbm.at[wid], in_v)
        zeros = jnp.zeros((LANES,), jnp.int32)
        for c in range(T // LANES):
            out_v[pl.ds(c * LANES, LANES)] = zeros

        one = jnp.ones((LANES,), jnp.int32)
        zero = jnp.zeros((LANES,), jnp.int32)

        def body(c, tot):
            p = in_v[pl.ds(c * LANES, LANES)]
            k = p >= 0
            ki = jnp.where(k, one, zero)
            pos = plsc.cumsum(ki) - ki
            plsc.store_scatter(out_v, [pos + tot], p, mask=k)
            return tot + jnp.sum(ki)

        lax.fori_loop(0, T // LANES, body, jnp.int32(0))
        pltpu.sync_copy(out_v, labels_hbm.at[wid])


@functools.cache
def _sc_compact():
    return pl.kernel(
        _sc_compact_body,
        mesh=plsc.VectorSubcoreMesh(core_axis_name="c", subcore_axis_name="s",
                                    num_cores=2),
        out_type=jax.ShapeDtypeStruct((B, T), jnp.int32),
        scratch_types=[pltpu.VMEM((T,), jnp.int32),
                       pltpu.VMEM((T,), jnp.int32)],
        compiler_params=pltpu.CompilerParams(needs_layout_passes=False),
    )


def _k3_body(x_ref, labels_ref, len_ref, prob_ref, lp_ref, g_ref):
    CH = 64
    for c in range(T // CH):
        x = x_ref[:, c * CH:(c + 1) * CH, :]
        m = jnp.max(x, axis=2, keepdims=True)
        lse = m + jnp.log(jnp.sum(jnp.exp(x - m), axis=2, keepdims=True))
        lp_ref[:, c * CH:(c + 1) * CH, :] = x - lse

    for b in range(B):
        lab = labels_ref[b, :]
        ext = jnp.concatenate(
            [lab, jnp.full((1,), BLANK, jnp.int32),
             jnp.full((JPAD - T - 1,), -7, jnp.int32)])
        oh = jnp.where(lax.broadcasted_iota(jnp.int32, (V, JPAD), 0)
                       == ext[None, :], 1.4426950408889634, 0.0)
        for tc in range(4):
            lpb = lp_ref[b, tc * 128:(tc + 1) * 128, :]
            r = lax.dot_general(lpb, oh, (((1,), (0,)), ((), ())),
                                preferred_element_type=jnp.float32)
            g_ref[pl.ds(tc * 128, 128), b, :] = r

    L = len_ref[...]
    labs = labels_ref[...]
    lab_prev = jnp.concatenate(
        [jnp.full((B, 1), BLANK, jnp.int32), labs[:, :-1]], axis=1)
    je = lax.broadcasted_iota(jnp.int32, (B, T + 1), 1)
    jo = lax.broadcasted_iota(jnp.int32, (B, T), 1)
    valid_o = jo < L
    skip_add = jnp.where((labs != BLANK) & (labs != lab_prev), 0.0, NEG)

    negcol = jnp.full((B, 1), NEG, jnp.float32)

    g0 = g_ref[0]
    a_e = jnp.where(je == 0, g0[:, T:T + 1], NEG)
    a_o = jnp.where((jo == 0) & valid_o, g0[:, 0:1], NEG)

    def step(t, carry):
        a_e, a_o = carry
        go = g_ref[t, :, :T]
        gb = g_ref[t, :, T:T + 1]
        sh = jnp.concatenate([negcol, a_o], axis=1)
        me = jnp.maximum(a_e, sh)
        new_e = me + jnp.log2(jnp.exp2(a_e - me) + jnp.exp2(sh - me)) + gb
        a2 = sh[:, :T] + skip_add
        ae_s = a_e[:, :T]
        mo = jnp.maximum(jnp.maximum(a_o, ae_s), a2)
        so = jnp.exp2(a_o - mo) + jnp.exp2(ae_s - mo) + jnp.exp2(a2 - mo)
        new_o = mo + jnp.log2(so) + go
        return new_e, new_o

    a_e, a_o = lax.fori_loop(1, T, step, (a_e, a_o), unroll=32)

    a_last = jnp.sum(jnp.where(je == L, a_e, 0.0), axis=1, keepdims=True)
    a_prev = jnp.sum(jnp.where(jo == L - 1, a_o, 0.0), axis=1, keepdims=True)
    m2 = jnp.maximum(a_last, a_prev)
    tot2 = m2 + jnp.log2(jnp.exp2(a_last - m2) + jnp.exp2(a_prev - m2))
    tot = jnp.where(L > 0, tot2, a_last)
    prob_ref[...] = jnp.exp2(tot)


_k3 = pl.pallas_call(
    _k3_body,
    out_shape=jax.ShapeDtypeStruct((B, 1), jnp.float32),
    scratch_shapes=[pltpu.VMEM((B, T, V), jnp.float32),
                    pltpu.VMEM((T, B, JPAD), jnp.float32)],
)


def kernel(inputs):
    predsk, len2 = _k1(inputs)
    labels = _sc_compact()(predsk)
    prob2 = _k3(inputs, labels, len2)
    return labels, len2.reshape(B), prob2.reshape(B)

# --- scband reference (transcript-rebuilt; emitter-appended) ---
"""Pipeline reference for scband-ctcgreedy-decoder-54073638257107 (READ-ONLY COPY).

The authoritative reference and input builder live on the scoring server;
editing this copy changes nothing except your own understanding.
"""

import jax, jax.numpy as jnp
import numpy as np

B, T, V = 16, 512, 64


def setup_inputs(seed: int = 0) -> dict:
    key = jax.random.key(seed)
    inputs = jax.random.normal(key, (B, T, V), dtype=jnp.float32)
    return {"inputs": inputs}


def _greedy_decode(logits):
    b, t, v = logits.shape
    blank = v - 1
    preds = jnp.argmax(logits, axis=-1)  # [B, T]
    prev = jnp.concatenate([jnp.full((b, 1), -1, preds.dtype), preds[:, :-1]], axis=1)
    # merge_repeated=True: keep first of each run, then drop blanks
    keep = (preds != prev) & (preds != blank)
    pos = jnp.arange(t)[None, :]
    sort_key = jnp.where(keep, pos, t + pos)
    order = jnp.argsort(sort_key, axis=1)
    gathered = jnp.take_along_axis(preds, order, axis=1)
    lengths = keep.sum(axis=1).astype(jnp.int32)
    labels = jnp.where(pos < lengths[:, None], gathered, 0)
    return labels, lengths


def _ctc_loss(logits, labels, label_lengths):
    b, t, v = logits.shape
    blank = v - 1
    log_probs = jax.nn.log_softmax(logits, axis=-1)
    Lmax = labels.shape[1]
    S = 2 * Lmax + 1
    NEG = -1e30
    ext = jnp.full((b, S), blank, dtype=labels.dtype)
    ext = ext.at[:, 1::2].set(labels)
    s_idx = jnp.arange(S)
    valid = s_idx[None, :] < (2 * label_lengths[:, None] + 1)
    ext_m2 = jnp.concatenate([jnp.full((b, 2), blank, ext.dtype), ext[:, :-2]], axis=1)
    skip_ok = (ext != blank) & (ext != ext_m2)
    lp0 = log_probs[:, 0, :]
    alpha = jnp.full((b, S), NEG, dtype=jnp.float32)
    alpha = alpha.at[:, 0].set(lp0[:, blank])
    v1 = jnp.take_along_axis(lp0, ext[:, 1:2], axis=1)[:, 0]
    alpha = alpha.at[:, 1].set(jnp.where(label_lengths > 0, v1, NEG))
    alpha = jnp.where(valid, alpha, NEG)

    def step(a, lp_t):
        a1 = jnp.concatenate([jnp.full((b, 1), NEG, a.dtype), a[:, :-1]], axis=1)
        a2 = jnp.concatenate([jnp.full((b, 2), NEG, a.dtype), a[:, :-2]], axis=1)
        a2 = jnp.where(skip_ok, a2, NEG)
        s = jnp.logaddexp(jnp.logaddexp(a, a1), a2)
        lp_ext = jnp.take_along_axis(lp_t, ext, axis=1)
        new = jnp.where(valid, s + lp_ext, NEG)
        return new, None

    alpha, _ = jax.lax.scan(step, alpha, jnp.transpose(log_probs[:, 1:, :], (1, 0, 2)))
    idx_last = 2 * label_lengths
    a_last = jnp.take_along_axis(alpha, idx_last[:, None], axis=1)[:, 0]
    a_prev = jnp.take_along_axis(alpha, jnp.maximum(idx_last - 1, 0)[:, None], axis=1)[:, 0]
    tot = jnp.where(label_lengths > 0, jnp.logaddexp(a_last, a_prev), a_last)
    return -tot


def reference(inputs):
    # tf.nn.ctc_greedy_decoder equivalent (decoded ids instead of strings;
    # the StringLookup/reduce_join step is a pure id->string formatting step)
    labels, lengths = _greedy_decode(inputs)
    loss = _ctc_loss(inputs, labels, lengths)
    probability = jnp.exp(-loss)
    return labels, lengths, probability

if __name__ == "__main__":
    import jax
    _d = setup_inputs()
    print(jax.jit(kernel)(*tuple(_d.values())))

</pallas_src>

<mosaic_0001>
#map = affine_map<(d0, d1) -> (0, 0)>
module attributes {stable_mosaic.version = 14 : i64} {
  func.func @_sc_compact_body(%arg0: i32, %arg1: i32, %arg2: memref<16x512xi32, #tpu.memory_space<hbm>>, %arg3: memref<16x512xi32, #tpu.memory_space<hbm>>, %arg4: memref<512xi32, #tpu.memory_space<vmem>>, %arg5: memref<512xi32, #tpu.memory_space<vmem>>) attributes {dimension_semantics = [#tpu.dimension_semantics<core_parallel>, #tpu.dimension_semantics<subcore_parallel>], iteration_bounds = array<i64: 2, 16>, scalar_prefetch = 0 : i64, scratch_operands = 2 : i64, tpu.core_type = #tpu.core_type<sc_vector_subcore>, window_params = [{transform_indices = #map}, {transform_indices = #map}]} {
    %mul3A = arith.constant 2 : i32
    %mul3A_0 = arith.muli %arg1, %mul3A : i32
    %add3A = arith.addi %mul3A_0, %arg0 : i32
    %lt3A = arith.constant 16 : i32
    %lt3A_1 = arith.cmpi slt, %add3A, %lt3A : i32
    %convert_element_type3A = arith.extui %lt3A_1 : i1 to i32
    %cond3A = arith.constant 0 : i32
    %cond3A_2 = arith.cmpi ne, %convert_element_type3A, %cond3A : i32
    scf.if %cond3A_2 {
      "tpu.region"() ({
        %run_scoped3A = tpu.sem_alloc : memref<!tpu.dma_semaphore, #tpu.memory_space<semaphore_mem>>
        %dma_start3A = arith.constant 0 : i32
        %dma_start3A_77 = tpu.memref_slice %arg2[%add3A, %dma_start3A] : memref<16x512xi32, #tpu.memory_space<hbm>> -> memref<1x512xi32, #tpu.memory_space<hbm>>
        %dma_start3A_78 = tpu.memref_squeeze %dma_start3A_77 : memref<1x512xi32, #tpu.memory_space<hbm>> -> memref<512xi32, #tpu.memory_space<hbm>>
        %dma_start3A_79 = arith.constant 0 : i32
        %dma_start3A_80 = tpu.memref_slice %arg2[%add3A, %dma_start3A_79] : memref<16x512xi32, #tpu.memory_space<hbm>> -> memref<1x512xi32, #tpu.memory_space<hbm>>
        %dma_start3A_81 = tpu.memref_squeeze %dma_start3A_80 : memref<1x512xi32, #tpu.memory_space<hbm>> -> memref<512xi32, #tpu.memory_space<hbm>>
        tpu.enqueue_dma source(%dma_start3A_81 : memref<512xi32, #tpu.memory_space<hbm>>) target(%arg4 : memref<512xi32, #tpu.memory_space<vmem>>) target_semaphore(%run_scoped3A : memref<!tpu.dma_semaphore, #tpu.memory_space<semaphore_mem>>)
        %dma_wait3A = arith.constant 0 : i32
        %dma_wait3A_82 = tpu.memref_slice %arg2[%add3A, %dma_wait3A] : memref<16x512xi32, #tpu.memory_space<hbm>> -> memref<1x512xi32, #tpu.memory_space<hbm>>
        %dma_wait3A_83 = tpu.memref_squeeze %dma_wait3A_82 : memref<1x512xi32, #tpu.memory_space<hbm>> -> memref<512xi32, #tpu.memory_space<hbm>>
        %dma_wait3A_84 = arith.constant 0 : i32
        %dma_wait3A_85 = tpu.memref_slice %arg2[%add3A, %dma_wait3A_84] : memref<16x512xi32, #tpu.memory_space<hbm>> -> memref<1x512xi32, #tpu.memory_space<hbm>>
        %dma_wait3A_86 = tpu.memref_squeeze %dma_wait3A_85 : memref<1x512xi32, #tpu.memory_space<hbm>> -> memref<512xi32, #tpu.memory_space<hbm>>
        tpu.wait_dma2 semaphore(%run_scoped3A : memref<!tpu.dma_semaphore, #tpu.memory_space<semaphore_mem>>) src(%dma_wait3A_86 : memref<512xi32, #tpu.memory_space<hbm>>) dst(%arg4 : memref<512xi32, #tpu.memory_space<vmem>>)
        tpu.yield
      }) : () -> ()
      %broadcast_in_dim3A = arith.constant 0 : i32
      %broadcast_in_dim3A_3 = vector.broadcast %broadcast_in_dim3A : i32 to vector<16xi32>
      %swap3A = arith.constant 0 : index
      %swap3A_4 = tpu.vector_load %arg5[%swap3A] {strides = array<i32>} : memref<512xi32, #tpu.memory_space<vmem>>, vector<16xi32>,
      tpu.vector_store %arg5[%swap3A], %broadcast_in_dim3A_3 {strides = array<i32>} : memref<512xi32, #tpu.memory_space<vmem>>, vector<16xi32>,
      %swap3A_5 = arith.constant 16 : index
      %swap3A_6 = tpu.vector_load %arg5[%swap3A_5] {strides = array<i32>} : memref<512xi32, #tpu.memory_space<vmem>>, vector<16xi32>,
      tpu.vector_store %arg5[%swap3A_5], %broadcast_in_dim3A_3 {strides = array<i32>} : memref<512xi32, #tpu.memory_space<vmem>>, vector<16xi32>,
      %swap3A_7 = arith.constant 32 : index
      %swap3A_8 = tpu.vector_load %arg5[%swap3A_7] {strides = array<i32>} : memref<512xi32, #tpu.memory_space<vmem>>, vector<16xi32>,
      tpu.vector_store %arg5[%swap3A_7], %broadcast_in_dim3A_3 {strides = array<i32>} : memref<512xi32, #tpu.memory_space<vmem>>, vector<16xi32>,
      %swap3A_9 = arith.constant 48 : index
      %swap3A_10 = tpu.vector_load %arg5[%swap3A_9] {strides = array<i32>} : memref<512xi32, #tpu.memory_space<vmem>>, vector<16xi32>,
      tpu.vector_store %arg5[%swap3A_9], %broadcast_in_dim3A_3 {strides = array<i32>} : memref<512xi32, #tpu.memory_space<vmem>>, vector<16xi32>,
      %swap3A_11 = arith.constant 64 : index
      %swap3A_12 = tpu.vector_load %arg5[%swap3A_11] {strides = array<i32>} : memref<512xi32, #tpu.memory_space<vmem>>, vector<16xi32>,
      tpu.vector_store %arg5[%swap3A_11], %broadcast_in_dim3A_3 {strides = array<i32>} : memref<512xi32, #tpu.memory_space<vmem>>, vector<16xi32>,
      %swap3A_13 = arith.constant 80 : index
      %swap3A_14 = tpu.vector_load %arg5[%swap3A_13] {strides = array<i32>} : memref<512xi32, #tpu.memory_space<vmem>>, vector<16xi32>,
      tpu.vector_store %arg5[%swap3A_13], %broadcast_in_dim3A_3 {strides = array<i32>} : memref<512xi32, #tpu.memory_space<vmem>>, vector<16xi32>,
      %swap3A_15 = arith.constant 96 : index
      %swap3A_16 = tpu.vector_load %arg5[%swap3A_15] {strides = array<i32>} : memref<512xi32, #tpu.memory_space<vmem>>, vector<16xi32>,
      tpu.vector_store %arg5[%swap3A_15], %broadcast_in_dim3A_3 {strides = array<i32>} : memref<512xi32, #tpu.memory_space<vmem>>, vector<16xi32>,
      %swap3A_17 = arith.constant 112 : index
      %swap3A_18 = tpu.vector_load %arg5[%swap3A_17] {strides = array<i32>} : memref<512xi32, #tpu.memory_space<vmem>>, vector<16xi32>,
      tpu.vector_store %arg5[%swap3A_17], %broadcast_in_dim3A_3 {strides = array<i32>} : memref<512xi32, #tpu.memory_space<vmem>>, vector<16xi32>,
      %swap3A_19 = arith.constant 128 : index
      %swap3A_20 = tpu.vector_load %arg5[%swap3A_19] {strides = array<i32>} : memref<512xi32, #tpu.memory_space<vmem>>, vector<16xi32>,
      tpu.vector_store %arg5[%swap3A_19], %broadcast_in_dim3A_3 {strides = array<i32>} : memref<512xi32, #tpu.memory_space<vmem>>, vector<16xi32>,
      %swap3A_21 = arith.constant 144 : index
      %swap3A_22 = tpu.vector_load %arg5[%swap3A_21] {strides = array<i32>} : memref<512xi32, #tpu.memory_space<vmem>>, vector<16xi32>,
      tpu.vector_store %arg5[%swap3A_21], %broadcast_in_dim3A_3 {strides = array<i32>} : memref<512xi32, #tpu.memory_space<vmem>>, vector<16xi32>,
      %swap3A_23 = arith.constant 160 : index
      %swap3A_24 = tpu.vector_load %arg5[%swap3A_23] {strides = array<i32>} : memref<512xi32, #tpu.memory_space<vmem>>, vector<16xi32>,
      tpu.vector_store %arg5[%swap3A_23], %broadcast_in_dim3A_3 {strides = array<i32>} : memref<512xi32, #tpu.memory_space<vmem>>, vector<16xi32>,
      %swap3A_25 = arith.constant 176 : index
      %swap3A_26 = tpu.vector_load %arg5[%swap3A_25] {strides = array<i32>} : memref<512xi32, #tpu.memory_space<vmem>>, vector<16xi32>,
      tpu.vector_store %arg5[%swap3A_25], %broadcast_in_dim3A_3 {strides = array<i32>} : memref<512xi32, #tpu.memory_space<vmem>>, vector<16xi32>,
      %swap3A_27 = arith.constant 192 : index
      %swap3A_28 = tpu.vector_load %arg5[%swap3A_27] {strides = array<i32>} : memref<512xi32, #tpu.memory_space<vmem>>, vector<16xi32>,
      tpu.vector_store %arg5[%swap3A_27], %broadcast_in_dim3A_3 {strides = array<i32>} : memref<512xi32, #tpu.memory_space<vmem>>, vector<16xi32>,
      %swap3A_29 = arith.constant 208 : index
      %swap3A_30 = tpu.vector_load %arg5[%swap3A_29] {strides = array<i32>} : memref<512xi32, #tpu.memory_space<vmem>>, vector<16xi32>,
      tpu.vector_store %arg5[%swap3A_29], %broadcast_in_dim3A_3 {strides = array<i32>} : memref<512xi32, #tpu.memory_space<vmem>>, vector<16xi32>,
      %swap3A_31 = arith.constant 224 : index
      %swap3A_32 = tpu.vector_load %arg5[%swap3A_31] {strides = array<i32>} : memref<512xi32, #tpu.memory_space<vmem>>, vector<16xi32>,
      tpu.vector_store %arg5[%swap3A_31], %broadcast_in_dim3A_3 {strides = array<i32>} : memref<512xi32, #tpu.memory_space<vmem>>, vector<16xi32>,
      %swap3A_33 = arith.constant 240 : index
      %swap3A_34 = tpu.vector_load %arg5[%swap3A_33] {strides = array<i32>} : memref<512xi32, #tpu.memory_space<vmem>>, vector<16xi32>,
      tpu.vector_store %arg5[%swap3A_33], %broadcast_in_dim3A_3 {strides = array<i32>} : memref<512xi32, #tpu.memory_space<vmem>>, vector<16xi32>,
      %swap3A_35 = arith.constant 256 : index
      %swap3A_36 = tpu.vector_load %arg5[%swap3A_35] {strides = array<i32>} : memref<512xi32, #tpu.memory_space<vmem>>, vector<16xi32>,
      tpu.vector_store %arg5[%swap3A_35], %broadcast_in_dim3A_3 {strides = array<i32>} : memref<512xi32, #tpu.memory_space<vmem>>, vector<16xi32>,
      %swap3A_37 = arith.constant 272 : index
      %swap3A_38 = tpu.vector_load %arg5[%swap3A_37] {strides = array<i32>} : memref<512xi32, #tpu.memory_space<vmem>>, vector<16xi32>,
      tpu.vector_store %arg5[%swap3A_37], %broadcast_in_dim3A_3 {strides = array<i32>} : memref<512xi32, #tpu.memory_space<vmem>>, vector<16xi32>,
      %swap3A_39 = arith.constant 288 : index
      %swap3A_40 = tpu.vector_load %arg5[%swap3A_39] {strides = array<i32>} : memref<512xi32, #tpu.memory_space<vmem>>, vector<16xi32>,
      tpu.vector_store %arg5[%swap3A_39], %broadcast_in_dim3A_3 {strides = array<i32>} : memref<512xi32, #tpu.memory_space<vmem>>, vector<16xi32>,
      %swap3A_41 = arith.constant 304 : index
      %swap3A_42 = tpu.vector_load %arg5[%swap3A_41] {strides = array<i32>} : memref<512xi32, #tpu.memory_space<vmem>>, vector<16xi32>,
      tpu.vector_store %arg5[%swap3A_41], %broadcast_in_dim3A_3 {strides = array<i32>} : memref<512xi32, #tpu.memory_space<vmem>>, vector<16xi32>,
      %swap3A_43 = arith.constant 320 : index
      %swap3A_44 = tpu.vector_load %arg5[%swap3A_43] {strides = array<i32>} : memref<512xi32, #tpu.memory_space<vmem>>, vector<16xi32>,
      tpu.vector_store %arg5[%swap3A_43], %broadcast_in_dim3A_3 {strides = array<i32>} : memref<512xi32, #tpu.memory_space<vmem>>, vector<16xi32>,
      %swap3A_45 = arith.constant 336 : index
      %swap3A_46 = tpu.vector_load %arg5[%swap3A_45] {strides = array<i32>} : memref<512xi32, #tpu.memory_space<vmem>>, vector<16xi32>,
      tpu.vector_store %arg5[%swap3A_45], %broadcast_in_dim3A_3 {strides = array<i32>} : memref<512xi32, #tpu.memory_space<vmem>>, vector<16xi32>,
      %swap3A_47 = arith.constant 352 : index
      %swap3A_48 = tpu.vector_load %arg5[%swap3A_47] {strides = array<i32>} : memref<512xi32, #tpu.memory_space<vmem>>, vector<16xi32>,
      tpu.vector_store %arg5[%swap3A_47], %broadcast_in_dim3A_3 {strides = array<i32>} : memref<512xi32, #tpu.memory_space<vmem>>, vector<16xi32>,
      %swap3A_49 = arith.constant 368 : index
      %swap3A_50 = tpu.vector_load %arg5[%swap3A_49] {strides = array<i32>} : memref<512xi32, #tpu.memory_space<vmem>>, vector<16xi32>,
      tpu.vector_store %arg5[%swap3A_49], %broadcast_in_dim3A_3 {strides = array<i32>} : memref<512xi32, #tpu.memory_space<vmem>>, vector<16xi32>,
      %swap3A_51 = arith.constant 384 : index
      %swap3A_52 = tpu.vector_load %arg5[%swap3A_51] {strides = array<i32>} : memref<512xi32, #tpu.memory_space<vmem>>, vector<16xi32>,
      tpu.vector_store %arg5[%swap3A_51], %broadcast_in_dim3A_3 {strides = array<i32>} : memref<512xi32, #tpu.memory_space<vmem>>, vector<16xi32>,
      %swap3A_53 = arith.constant 400 : index
      %swap3A_54 = tpu.vector_load %arg5[%swap3A_53] {strides = array<i32>} : memref<512xi32, #tpu.memory_space<vmem>>, vector<16xi32>,
      tpu.vector_store %arg5[%swap3A_53], %broadcast_in_dim3A_3 {strides = array<i32>} : memref<512xi32, #tpu.memory_space<vmem>>, vector<16xi32>,
      %swap3A_55 = arith.constant 416 : index
      %swap3A_56 = tpu.vector_load %arg5[%swap3A_55] {strides = array<i32>} : memref<512xi32, #tpu.memory_space<vmem>>, vector<16xi32>,
      tpu.vector_store %arg5[%swap3A_55], %broadcast_in_dim3A_3 {strides = array<i32>} : memref<512xi32, #tpu.memory_space<vmem>>, vector<16xi32>,
      %swap3A_57 = arith.constant 432 : index
      %swap3A_58 = tpu.vector_load %arg5[%swap3A_57] {strides = array<i32>} : memref<512xi32, #tpu.memory_space<vmem>>, vector<16xi32>,
      tpu.vector_store %arg5[%swap3A_57], %broadcast_in_dim3A_3 {strides = array<i32>} : memref<512xi32, #tpu.memory_space<vmem>>, vector<16xi32>,
      %swap3A_59 = arith.constant 448 : index
      %swap3A_60 = tpu.vector_load %arg5[%swap3A_59] {strides = array<i32>} : memref<512xi32, #tpu.memory_space<vmem>>, vector<16xi32>,
      tpu.vector_store %arg5[%swap3A_59], %broadcast_in_dim3A_3 {strides = array<i32>} : memref<512xi32, #tpu.memory_space<vmem>>, vector<16xi32>,
      %swap3A_61 = arith.constant 464 : index
      %swap3A_62 = tpu.vector_load %arg5[%swap3A_61] {strides = array<i32>} : memref<512xi32, #tpu.memory_space<vmem>>, vector<16xi32>,
      tpu.vector_store %arg5[%swap3A_61], %broadcast_in_dim3A_3 {strides = array<i32>} : memref<512xi32, #tpu.memory_space<vmem>>, vector<16xi32>,
      %swap3A_63 = arith.constant 480 : index
      %swap3A_64 = tpu.vector_load %arg5[%swap3A_63] {strides = array<i32>} : memref<512xi32, #tpu.memory_space<vmem>>, vector<16xi32>,
      tpu.vector_store %arg5[%swap3A_63], %broadcast_in_dim3A_3 {strides = array<i32>} : memref<512xi32, #tpu.memory_space<vmem>>, vector<16xi32>,
      %swap3A_65 = arith.constant 496 : index
      %swap3A_66 = tpu.vector_load %arg5[%swap3A_65] {strides = array<i32>} : memref<512xi32, #tpu.memory_space<vmem>>, vector<16xi32>,
      tpu.vector_store %arg5[%swap3A_65], %broadcast_in_dim3A_3 {strides = array<i32>} : memref<512xi32, #tpu.memory_space<vmem>>, vector<16xi32>,
      %broadcast_in_dim3A_67 = arith.constant 1 : i32
      %broadcast_in_dim3A_68 = vector.broadcast %broadcast_in_dim3A_67 : i32 to vector<16xi32>
      %broadcast_in_dim3A_69 = arith.constant 0 : i32
      %broadcast_in_dim3A_70 = vector.broadcast %broadcast_in_dim3A_69 : i32 to vector<16xi32>
      %scan3A = arith.constant 0 : i32
      %scan3A_71 = arith.constant 0 : i32
      %scan3A_72 = arith.constant 32 : i32
      %scan3A_73 = arith.addi %scan3A_71, %scan3A_72 : i32
      %scan3A_74 = arith.constant 1 : i32
      %scan3A_75 = scf.for %scan3A_77 = %scan3A_71 to %scan3A_73 step %scan3A_74 iter_args(%scan3A_78 = %scan3A) -> (i32)  : i32 {
        %mul3A_79 = arith.constant 16 : i32
        %mul3A_80 = arith.muli %scan3A_77, %mul3A_79 : i32
        %get3A = arith.index_cast %mul3A_80 : i32 to index
        %get3A_81 = tpu.vector_load %arg4[%get3A] {strides = array<i32>} : memref<512xi32, #tpu.memory_space<vmem>>, vector<16xi32>,
        %ge3A = arith.constant 0 : i32
        %ge3A_82 = vector.broadcast %ge3A : i32 to vector<16xi32>
        %ge3A_83 = arith.cmpi sge, %get3A_81, %ge3A_82 : vector<16xi32>
        %select_n3A = arith.select %ge3A_83, %broadcast_in_dim3A_68, %broadcast_in_dim3A_70 : vector<16xi1>, vector<16xi32>
        %broadcast_in_dim3A_84 = arith.constant true
        %broadcast_in_dim3A_85 = vector.broadcast %broadcast_in_dim3A_84 : i1 to vector<16xi1>
        %masked_cumsum3A = tpu.scan <sum>, %select_n3A masked %broadcast_in_dim3A_85 : vector<16xi32>, vector<16xi1> -> vector<16xi32>
        %sub3A = arith.subi %masked_cumsum3A, %select_n3A : vector<16xi32>
        %add3A_86 = vector.broadcast %scan3A_78 : i32 to vector<16xi32>
        %add3A_87 = arith.addi %sub3A, %add3A_86 : vector<16xi32>
        tpu.vector_store_idx %arg5[%add3A_87], %get3A_81 masked %ge3A_83 : memref<512xi32, #tpu.memory_space<vmem>>[vector<16xi32>], vector<16xi32>, vector<16xi1>
        %reduce_sum3A = arith.constant true
        %reduce_sum3A_88 = vector.broadcast %reduce_sum3A : i1 to vector<16xi1>
        %reduce_sum3A_89 = tpu.scan <sum>, %select_n3A masked %reduce_sum3A_88 : vector<16xi32>, vector<16xi1> -> vector<16xi32>
        %reduce_sum3A_90 = vector.extract %reduce_sum3A_89[15] : i32 from vector<16xi32>
        %add3A_91 = arith.addi %scan3A_78, %reduce_sum3A_90 : i32
        scf.yield %add3A_91 : i32
      }
      %scan3A_76 = arith.constant 32 : i32
      "tpu.region"() ({
        %run_scoped3A = tpu.sem_alloc : memref<!tpu.dma_semaphore, #tpu.memory_space<semaphore_mem>>
        %dma_start3A = arith.constant 0 : i32
        %dma_start3A_77 = tpu.memref_slice %arg3[%add3A, %dma_start3A] : memref<16x512xi32, #tpu.memory_space<hbm>> -> memref<1x512xi32, #tpu.memory_space<hbm>>
        %dma_start3A_78 = tpu.memref_squeeze %dma_start3A_77 : memref<1x512xi32, #tpu.memory_space<hbm>> -> memref<512xi32, #tpu.memory_space<hbm>>
        %dma_start3A_79 = arith.constant 0 : i32
        %dma_start3A_80 = tpu.memref_slice %arg3[%add3A, %dma_start3A_79] : memref<16x512xi32, #tpu.memory_space<hbm>> -> memref<1x512xi32, #tpu.memory_space<hbm>>
        %dma_start3A_81 = tpu.memref_squeeze %dma_start3A_80 : memref<1x512xi32, #tpu.memory_space<hbm>> -> memref<512xi32, #tpu.memory_space<hbm>>
        tpu.enqueue_dma source(%arg5 : memref<512xi32, #tpu.memory_space<vmem>>) target(%dma_start3A_81 : memref<512xi32, #tpu.memory_space<hbm>>) target_semaphore(%run_scoped3A : memref<!tpu.dma_semaphore, #tpu.memory_space<semaphore_mem>>)
        %dma_wait3A = arith.constant 0 : i32
        %dma_wait3A_82 = tpu.memref_slice %arg3[%add3A, %dma_wait3A] : memref<16x512xi32, #tpu.memory_space<hbm>> -> memref<1x512xi32, #tpu.memory_space<hbm>>
        %dma_wait3A_83 = tpu.memref_squeeze %dma_wait3A_82 : memref<1x512xi32, #tpu.memory_space<hbm>> -> memref<512xi32, #tpu.memory_space<hbm>>
        %dma_wait3A_84 = arith.constant 0 : i32
        %dma_wait3A_85 = tpu.memref_slice %arg3[%add3A, %dma_wait3A_84] : memref<16x512xi32, #tpu.memory_space<hbm>> -> memref<1x512xi32, #tpu.memory_space<hbm>>
        %dma_wait3A_86 = tpu.memref_squeeze %dma_wait3A_85 : memref<1x512xi32, #tpu.memory_space<hbm>> -> memref<512xi32, #tpu.memory_space<hbm>>
        tpu.wait_dma2 semaphore(%run_scoped3A : memref<!tpu.dma_semaphore, #tpu.memory_space<semaphore_mem>>) src(%arg5 : memref<512xi32, #tpu.memory_space<vmem>>) dst(%dma_wait3A_86 : memref<512xi32, #tpu.memory_space<hbm>>)
        tpu.yield
      }) : () -> ()
    } else {
    }
    return
  }
}

module attributes {stable_mosaic.version = 14 : i64} {
  func.func @_k1_body(%arg0: memref<16x512x64xf32, #tpu.memory_space<vmem>>, %arg1: memref<16x512xi32, #tpu.memory_space<vmem>>, %arg2: memref<16x1xi32, #tpu.memory_space<vmem>>) attributes {dimension_semantics = [], scalar_prefetch = 0 : i64, scratch_operands = 0 : i64, tpu.core_type = #tpu.core_type<tc>} {
    %get3A = arith.constant 0 : index
    %get3A_0 = arith.constant 0 : index
    %get3A_1 = arith.constant 0 : index
    %get3A_2 = vector.load %arg0[%get3A, %get3A_0, %get3A_1] : memref<16x512x64xf32, #tpu.memory_space<vmem>>, vector<16x64x64xf32>
    %reduce_max3A = arith.constant dense<0xFF800000> : vector<16x64xf32>
    %reduce_max3A_3 = vector.multi_reduction <maximumf>, %get3A_2, %reduce_max3A [2] : vector<16x64x64xf32> to vector<16x64xf32>
    %broadcast_in_dim3A = vector.shape_cast %reduce_max3A_3 : vector<16x64xf32> to vector<16x64x1xf32>
    %iota3A = tpu.iota {dimensions = array<i32: 2>} : vector<16x64x64xi32>
    %ge3A = vector.broadcast %broadcast_in_dim3A : vector<16x64x1xf32> to vector<16x64x64xf32>
    %ge3A_4 = arith.cmpf oge, %get3A_2, %ge3A : vector<16x64x64xf32>
    %jit3A = arith.constant 64 : i32
    %broadcast_in_dim3A_5 = vector.broadcast %jit3A : i32 to vector<16x64x64xi32>
    %select_n3A = arith.select %ge3A_4, %iota3A, %broadcast_in_dim3A_5 : vector<16x64x64xi1>, vector<16x64x64xi32>
    %reduce_min3A = arith.constant dense<2147483647> : vector<16x64xi32>
    %reduce_min3A_6 = vector.multi_reduction <minsi>, %select_n3A, %reduce_min3A [2] : vector<16x64x64xi32> to vector<16x64xi32>
    %get3A_7 = arith.constant 0 : index
    %get3A_8 = arith.constant 64 : index
    %get3A_9 = arith.constant 0 : index
    %get3A_10 = vector.load %arg0[%get3A_7, %get3A_8, %get3A_9] : memref<16x512x64xf32, #tpu.memory_space<vmem>>, vector<16x64x64xf32>
    %reduce_max3A_11 = arith.constant dense<0xFF800000> : vector<16x64xf32>
    %reduce_max3A_12 = vector.multi_reduction <maximumf>, %get3A_10, %reduce_max3A_11 [2] : vector<16x64x64xf32> to vector<16x64xf32>
    %broadcast_in_dim3A_13 = vector.shape_cast %reduce_max3A_12 : vector<16x64xf32> to vector<16x64x1xf32>
    %iota3A_14 = tpu.iota {dimensions = array<i32: 2>} : vector<16x64x64xi32>
    %ge3A_15 = vector.broadcast %broadcast_in_dim3A_13 : vector<16x64x1xf32> to vector<16x64x64xf32>
    %ge3A_16 = arith.cmpf oge, %get3A_10, %ge3A_15 : vector<16x64x64xf32>
    %jit3A_17 = arith.constant 64 : i32
    %broadcast_in_dim3A_18 = vector.broadcast %jit3A_17 : i32 to vector<16x64x64xi32>
    %select_n3A_19 = arith.select %ge3A_16, %iota3A_14, %broadcast_in_dim3A_18 : vector<16x64x64xi1>, vector<16x64x64xi32>
    %reduce_min3A_20 = arith.constant dense<2147483647> : vector<16x64xi32>
    %reduce_min3A_21 = vector.multi_reduction <minsi>, %select_n3A_19, %reduce_min3A_20 [2] : vector<16x64x64xi32> to vector<16x64xi32>
    %get3A_22 = arith.constant 0 : index
    %get3A_23 = arith.constant 128 : index
    %get3A_24 = arith.constant 0 : index
    %get3A_25 = vector.load %arg0[%get3A_22, %get3A_23, %get3A_24] : memref<16x512x64xf32, #tpu.memory_space<vmem>>, vector<16x64x64xf32>
    %reduce_max3A_26 = arith.constant dense<0xFF800000> : vector<16x64xf32>
    %reduce_max3A_27 = vector.multi_reduction <maximumf>, %get3A_25, %reduce_max3A_26 [2] : vector<16x64x64xf32> to vector<16x64xf32>
    %broadcast_in_dim3A_28 = vector.shape_cast %reduce_max3A_27 : vector<16x64xf32> to vector<16x64x1xf32>
    %iota3A_29 = tpu.iota {dimensions = array<i32: 2>} : vector<16x64x64xi32>
    %ge3A_30 = vector.broadcast %broadcast_in_dim3A_28 : vector<16x64x1xf32> to vector<16x64x64xf32>
    %ge3A_31 = arith.cmpf oge, %get3A_25, %ge3A_30 : vector<16x64x64xf32>
    %jit3A_32 = arith.constant 64 : i32
    %broadcast_in_dim3A_33 = vector.broadcast %jit3A_32 : i32 to vector<16x64x64xi32>
    %select_n3A_34 = arith.select %ge3A_31, %iota3A_29, %broadcast_in_dim3A_33 : vector<16x64x64xi1>, vector<16x64x64xi32>
    %reduce_min3A_35 = arith.constant dense<2147483647> : vector<16x64xi32>
    %reduce_min3A_36 = vector.multi_reduction <minsi>, %select_n3A_34, %reduce_min3A_35 [2] : vector<16x64x64xi32> to vector<16x64xi32>
    %get3A_37 = arith.constant 0 : index
    %get3A_38 = arith.constant 192 : index
    %get3A_39 = arith.constant 0 : index
    %get3A_40 = vector.load %arg0[%get3A_37, %get3A_38, %get3A_39] : memref<16x512x64xf32, #tpu.memory_space<vmem>>, vector<16x64x64xf32>
    %reduce_max3A_41 = arith.constant dense<0xFF800000> : vector<16x64xf32>
    %reduce_max3A_42 = vector.multi_reduction <maximumf>, %get3A_40, %reduce_max3A_41 [2] : vector<16x64x64xf32> to vector<16x64xf32>
    %broadcast_in_dim3A_43 = vector.shape_cast %reduce_max3A_42 : vector<16x64xf32> to vector<16x64x1xf32>
    %iota3A_44 = tpu.iota {dimensions = array<i32: 2>} : vector<16x64x64xi32>
    %ge3A_45 = vector.broadcast %broadcast_in_dim3A_43 : vector<16x64x1xf32> to vector<16x64x64xf32>
    %ge3A_46 = arith.cmpf oge, %get3A_40, %ge3A_45 : vector<16x64x64xf32>
    %jit3A_47 = arith.constant 64 : i32
    %broadcast_in_dim3A_48 = vector.broadcast %jit3A_47 : i32 to vector<16x64x64xi32>
    %select_n3A_49 = arith.select %ge3A_46, %iota3A_44, %broadcast_in_dim3A_48 : vector<16x64x64xi1>, vector<16x64x64xi32>
    %reduce_min3A_50 = arith.constant dense<2147483647> : vector<16x64xi32>
    %reduce_min3A_51 = vector.multi_reduction <minsi>, %select_n3A_49, %reduce_min3A_50 [2] : vector<16x64x64xi32> to vector<16x64xi32>
    %get3A_52 = arith.constant 0 : index
    %get3A_53 = arith.constant 256 : index
    %get3A_54 = arith.constant 0 : index
    %get3A_55 = vector.load %arg0[%get3A_52, %get3A_53, %get3A_54] : memref<16x512x64xf32, #tpu.memory_space<vmem>>, vector<16x64x64xf32>
    %reduce_max3A_56 = arith.constant dense<0xFF800000> : vector<16x64xf32>
    %reduce_max3A_57 = vector.multi_reduction <maximumf>, %get3A_55, %reduce_max3A_56 [2] : vector<16x64x64xf32> to vector<16x64xf32>
    %broadcast_in_dim3A_58 = vector.shape_cast %reduce_max3A_57 : vector<16x64xf32> to vector<16x64x1xf32>
    %iota3A_59 = tpu.iota {dimensions = array<i32: 2>} : vector<16x64x64xi32>
    %ge3A_60 = vector.broadcast %broadcast_in_dim3A_58 : vector<16x64x1xf32> to vector<16x64x64xf32>
    %ge3A_61 = arith.cmpf oge, %get3A_55, %ge3A_60 : vector<16x64x64xf32>
    %jit3A_62 = arith.constant 64 : i32
    %broadcast_in_dim3A_63 = vector.broadcast %jit3A_62 : i32 to vector<16x64x64xi32>
    %select_n3A_64 = arith.select %ge3A_61, %iota3A_59, %broadcast_in_dim3A_63 : vector<16x64x64xi1>, vector<16x64x64xi32>
    %reduce_min3A_65 = arith.constant dense<2147483647> : vector<16x64xi32>
    %reduce_min3A_66 = vector.multi_reduction <minsi>, %select_n3A_64, %reduce_min3A_65 [2] : vector<16x64x64xi32> to vector<16x64xi32>
    %get3A_67 = arith.constant 0 : index
    %get3A_68 = arith.constant 320 : index
    %get3A_69 = arith.constant 0 : index
    %get3A_70 = vector.load %arg0[%get3A_67, %get3A_68, %get3A_69] : memref<16x512x64xf32, #tpu.memory_space<vmem>>, vector<16x64x64xf32>
    %reduce_max3A_71 = arith.constant dense<0xFF800000> : vector<16x64xf32>
    %reduce_max3A_72 = vector.multi_reduction <maximumf>, %get3A_70, %reduce_max3A_71 [2] : vector<16x64x64xf32> to vector<16x64xf32>
    %broadcast_in_dim3A_73 = vector.shape_cast %reduce_max3A_72 : vector<16x64xf32> to vector<16x64x1xf32>
    %iota3A_74 = tpu.iota {dimensions = array<i32: 2>} : vector<16x64x64xi32>
    %ge3A_75 = vector.broadcast %broadcast_in_dim3A_73 : vector<16x64x1xf32> to vector<16x64x64xf32>
    %ge3A_76 = arith.cmpf oge, %get3A_70, %ge3A_75 : vector<16x64x64xf32>
    %jit3A_77 = arith.constant 64 : i32
    %broadcast_in_dim3A_78 = vector.broadcast %jit3A_77 : i32 to vector<16x64x64xi32>
    %select_n3A_79 = arith.select %ge3A_76, %iota3A_74, %broadcast_in_dim3A_78 : vector<16x64x64xi1>, vector<16x64x64xi32>
    %reduce_min3A_80 = arith.constant dense<2147483647> : vector<16x64xi32>
    %reduce_min3A_81 = vector.multi_reduction <minsi>, %select_n3A_79, %reduce_min3A_80 [2] : vector<16x64x64xi32> to vector<16x64xi32>
    %get3A_82 = arith.constant 0 : index
    %get3A_83 = arith.constant 384 : index
    %get3A_84 = arith.constant 0 : index
    %get3A_85 = vector.load %arg0[%get3A_82, %get3A_83, %get3A_84] : memref<16x512x64xf32, #tpu.memory_space<vmem>>, vector<16x64x64xf32>
    %reduce_max3A_86 = arith.constant dense<0xFF800000> : vector<16x64xf32>
    %reduce_max3A_87 = vector.multi_reduction <maximumf>, %get3A_85, %reduce_max3A_86 [2] : vector<16x64x64xf32> to vector<16x64xf32>
    %broadcast_in_dim3A_88 = vector.shape_cast %reduce_max3A_87 : vector<16x64xf32> to vector<16x64x1xf32>
    %iota3A_89 = tpu.iota {dimensions = array<i32: 2>} : vector<16x64x64xi32>
    %ge3A_90 = vector.broadcast %broadcast_in_dim3A_88 : vector<16x64x1xf32> to vector<16x64x64xf32>
    %ge3A_91 = arith.cmpf oge, %get3A_85, %ge3A_90 : vector<16x64x64xf32>
    %jit3A_92 = arith.constant 64 : i32
    %broadcast_in_dim3A_93 = vector.broadcast %jit3A_92 : i32 to vector<16x64x64xi32>
    %select_n3A_94 = arith.select %ge3A_91, %iota3A_89, %broadcast_in_dim3A_93 : vector<16x64x64xi1>, vector<16x64x64xi32>
    %reduce_min3A_95 = arith.constant dense<2147483647> : vector<16x64xi32>
    %reduce_min3A_96 = vector.multi_reduction <minsi>, %select_n3A_94, %reduce_min3A_95 [2] : vector<16x64x64xi32> to vector<16x64xi32>
    %get3A_97 = arith.constant 0 : index
    %get3A_98 = arith.constant 448 : index
    %get3A_99 = arith.constant 0 : index
    %get3A_100 = vector.load %arg0[%get3A_97, %get3A_98, %get3A_99] : memref<16x512x64xf32, #tpu.memory_space<vmem>>, vector<16x64x64xf32>
    %reduce_max3A_101 = arith.constant dense<0xFF800000> : vector<16x64xf32>
    %reduce_max3A_102 = vector.multi_reduction <maximumf>, %get3A_100, %reduce_max3A_101 [2] : vector<16x64x64xf32> to vector<16x64xf32>
    %broadcast_in_dim3A_103 = vector.shape_cast %reduce_max3A_102 : vector<16x64xf32> to vector<16x64x1xf32>
    %iota3A_104 = tpu.iota {dimensions = array<i32: 2>} : vector<16x64x64xi32>
    %ge3A_105 = vector.broadcast %broadcast_in_dim3A_103 : vector<16x64x1xf32> to vector<16x64x64xf32>
    %ge3A_106 = arith.cmpf oge, %get3A_100, %ge3A_105 : vector<16x64x64xf32>
    %jit3A_107 = arith.constant 64 : i32
    %broadcast_in_dim3A_108 = vector.broadcast %jit3A_107 : i32 to vector<16x64x64xi32>
    %select_n3A_109 = arith.select %ge3A_106, %iota3A_104, %broadcast_in_dim3A_108 : vector<16x64x64xi1>, vector<16x64x64xi32>
    %reduce_min3A_110 = arith.constant dense<2147483647> : vector<16x64xi32>
    %reduce_min3A_111 = vector.multi_reduction <minsi>, %select_n3A_109, %reduce_min3A_110 [2] : vector<16x64x64xi32> to vector<16x64xi32>
    %concatenate3A = tpu.concatenate %reduce_min3A_6, %reduce_min3A_21, %reduce_min3A_36, %reduce_min3A_51, %reduce_min3A_66, %reduce_min3A_81, %reduce_min3A_96, %reduce_min3A_111 in 1 : vector<16x64xi32>, vector<16x64xi32>, vector<16x64xi32>, vector<16x64xi32>, vector<16x64xi32>, vector<16x64xi32>, vector<16x64xi32>, vector<16x64xi32> -> vector<16x512xi32>
    %broadcast_in_dim3A_112 = arith.constant -1 : i32
    %broadcast_in_dim3A_113 = vector.broadcast %broadcast_in_dim3A_112 : i32 to vector<16x1xi32>
    %slice3A = vector.extract_strided_slice %concatenate3A {offsets = [0, 0], sizes = [16, 511], strides = [1, 1]} : vector<16x512xi32> to vector<16x511xi32>
    %concatenate3A_114 = tpu.concatenate %broadcast_in_dim3A_113, %slice3A in 1 : vector<16x1xi32>, vector<16x511xi32> -> vector<16x512xi32>
    %ne3A = arith.cmpi ne, %concatenate3A, %concatenate3A_114 : vector<16x512xi32>
    %ne3A_115 = arith.constant 63 : i32
    %ne3A_116 = vector.broadcast %ne3A_115 : i32 to vector<16x512xi32>
    %ne3A_117 = arith.cmpi ne, %concatenate3A, %ne3A_116 : vector<16x512xi32>
    %and3A = arith.andi %ne3A, %ne3A_117 : vector<16x512xi1>
    %jit3A_118 = arith.constant -1 : i32
    %broadcast_in_dim3A_119 = vector.broadcast %jit3A_118 : i32 to vector<16x512xi32>
    %select_n3A_120 = arith.select %and3A, %concatenate3A, %broadcast_in_dim3A_119 : vector<16x512xi1>, vector<16x512xi32>
    %swap3A = arith.constant 0 : index
    %swap3A_121 = arith.constant 0 : index
    %swap3A_122 = vector.load %arg1[%swap3A, %swap3A_121] : memref<16x512xi32, #tpu.memory_space<vmem>>, vector<16x512xi32>
    tpu.vector_store %arg1[%swap3A, %swap3A_121], %select_n3A_120 {strides = array<i32>} : memref<16x512xi32, #tpu.memory_space<vmem>>, vector<16x512xi32>,
    %convert_element_type3A = arith.extui %and3A : vector<16x512xi1> to vector<16x512xi32>
    %reduce_sum3A = arith.constant dense<0> : vector<16xi32>
    %reduce_sum3A_123 = vector.multi_reduction <add>, %convert_element_type3A, %reduce_sum3A [1] : vector<16x512xi32> to vector<16xi32>
    %broadcast_in_dim3A_124 = vector.shape_cast %reduce_sum3A_123 : vector<16xi32> to vector<16x1xi32>
    %swap3A_125 = arith.constant 0 : index
    %swap3A_126 = arith.constant 0 : index
    %swap3A_127 = vector.load %arg2[%swap3A_125, %swap3A_126] : memref<16x1xi32, #tpu.memory_space<vmem>>, vector<16x1xi32>
    tpu.vector_store %arg2[%swap3A_125, %swap3A_126], %broadcast_in_dim3A_124 {strides = array<i32>} : memref<16x1xi32, #tpu.memory_space<vmem>>, vector<16x1xi32>,
    return
  }
}

module attributes {stable_mosaic.version = 14 : i64} {
  func.func @_k3_body(%arg0: memref<16x512x64xf32, #tpu.memory_space<vmem>>, %arg1: memref<16x512xi32, #tpu.memory_space<vmem>>, %arg2: memref<16x1xi32, #tpu.memory_space<vmem>>, %arg3: memref<16x1xf32, #tpu.memory_space<vmem>>, %arg4: memref<16x512x64xf32, #tpu.memory_space<vmem>>, %arg5: memref<512x16x640xf32, #tpu.memory_space<vmem>>) attributes {dimension_semantics = [], scalar_prefetch = 0 : i64, scratch_operands = 2 : i64, tpu.core_type = #tpu.core_type<tc>} {
    %get3A = arith.constant 0 : index
    %get3A_0 = arith.constant 0 : index
    %get3A_1 = arith.constant 0 : index
    %get3A_2 = vector.load %arg0[%get3A, %get3A_0, %get3A_1] : memref<16x512x64xf32, #tpu.memory_space<vmem>>, vector<16x64x64xf32>
    %reduce_max3A = arith.constant dense<0xFF800000> : vector<16x64xf32>
    %reduce_max3A_3 = vector.multi_reduction <maximumf>, %get3A_2, %reduce_max3A [2] : vector<16x64x64xf32> to vector<16x64xf32>
    %broadcast_in_dim3A = vector.shape_cast %reduce_max3A_3 : vector<16x64xf32> to vector<16x64x1xf32>
    %sub3A = vector.broadcast %broadcast_in_dim3A : vector<16x64x1xf32> to vector<16x64x64xf32>
    %sub3A_4 = arith.subf %get3A_2, %sub3A : vector<16x64x64xf32>
    %exp3A = math.exp %sub3A_4 : vector<16x64x64xf32>
    %reduce_sum3A = arith.constant dense<0.000000e+00> : vector<16x64xf32>
    %reduce_sum3A_5 = vector.multi_reduction <add>, %exp3A, %reduce_sum3A [2] : vector<16x64x64xf32> to vector<16x64xf32>
    %broadcast_in_dim3A_6 = vector.shape_cast %reduce_sum3A_5 : vector<16x64xf32> to vector<16x64x1xf32>
    %log3A = math.log %broadcast_in_dim3A_6 : vector<16x64x1xf32>
    %add3A = arith.addf %broadcast_in_dim3A, %log3A : vector<16x64x1xf32>
    %sub3A_7 = vector.broadcast %add3A : vector<16x64x1xf32> to vector<16x64x64xf32>
    %sub3A_8 = arith.subf %get3A_2, %sub3A_7 : vector<16x64x64xf32>
    %swap3A = arith.constant 0 : index
    %swap3A_9 = arith.constant 0 : index
    %swap3A_10 = arith.constant 0 : index
    %swap3A_11 = vector.load %arg4[%swap3A, %swap3A_9, %swap3A_10] : memref<16x512x64xf32, #tpu.memory_space<vmem>>, vector<16x64x64xf32>
    tpu.vector_store %arg4[%swap3A, %swap3A_9, %swap3A_10], %sub3A_8 {strides = array<i32>} : memref<16x512x64xf32, #tpu.memory_space<vmem>>, vector<16x64x64xf32>,
    %get3A_12 = arith.constant 0 : index
    %get3A_13 = arith.constant 64 : index
    %get3A_14 = arith.constant 0 : index
    %get3A_15 = vector.load %arg0[%get3A_12, %get3A_13, %get3A_14] : memref<16x512x64xf32, #tpu.memory_space<vmem>>, vector<16x64x64xf32>
    %reduce_max3A_16 = arith.constant dense<0xFF800000> : vector<16x64xf32>
    %reduce_max3A_17 = vector.multi_reduction <maximumf>, %get3A_15, %reduce_max3A_16 [2] : vector<16x64x64xf32> to vector<16x64xf32>
    %broadcast_in_dim3A_18 = vector.shape_cast %reduce_max3A_17 : vector<16x64xf32> to vector<16x64x1xf32>
    %sub3A_19 = vector.broadcast %broadcast_in_dim3A_18 : vector<16x64x1xf32> to vector<16x64x64xf32>
    %sub3A_20 = arith.subf %get3A_15, %sub3A_19 : vector<16x64x64xf32>
    %exp3A_21 = math.exp %sub3A_20 : vector<16x64x64xf32>
    %reduce_sum3A_22 = arith.constant dense<0.000000e+00> : vector<16x64xf32>
    %reduce_sum3A_23 = vector.multi_reduction <add>, %exp3A_21, %reduce_sum3A_22 [2] : vector<16x64x64xf32> to vector<16x64xf32>
    %broadcast_in_dim3A_24 = vector.shape_cast %reduce_sum3A_23 : vector<16x64xf32> to vector<16x64x1xf32>
    %log3A_25 = math.log %broadcast_in_dim3A_24 : vector<16x64x1xf32>
    %add3A_26 = arith.addf %broadcast_in_dim3A_18, %log3A_25 : vector<16x64x1xf32>
    %sub3A_27 = vector.broadcast %add3A_26 : vector<16x64x1xf32> to vector<16x64x64xf32>
    %sub3A_28 = arith.subf %get3A_15, %sub3A_27 : vector<16x64x64xf32>
    %swap3A_29 = arith.constant 0 : index
    %swap3A_30 = arith.constant 64 : index
    %swap3A_31 = arith.constant 0 : index
    %swap3A_32 = vector.load %arg4[%swap3A_29, %swap3A_30, %swap3A_31] : memref<16x512x64xf32, #tpu.memory_space<vmem>>, vector<16x64x64xf32>
    tpu.vector_store %arg4[%swap3A_29, %swap3A_30, %swap3A_31], %sub3A_28 {strides = array<i32>} : memref<16x512x64xf32, #tpu.memory_space<vmem>>, vector<16x64x64xf32>,
    %get3A_33 = arith.constant 0 : index
    %get3A_34 = arith.constant 128 : index
    %get3A_35 = arith.constant 0 : index
    %get3A_36 = vector.load %arg0[%get3A_33, %get3A_34, %get3A_35] : memref<16x512x64xf32, #tpu.memory_space<vmem>>, vector<16x64x64xf32>
    %reduce_max3A_37 = arith.constant dense<0xFF800000> : vector<16x64xf32>
    %reduce_max3A_38 = vector.multi_reduction <maximumf>, %get3A_36, %reduce_max3A_37 [2] : vector<16x64x64xf32> to vector<16x64xf32>
    %broadcast_in_dim3A_39 = vector.shape_cast %reduce_max3A_38 : vector<16x64xf32> to vector<16x64x1xf32>
    %sub3A_40 = vector.broadcast %broadcast_in_dim3A_39 : vector<16x64x1xf32> to vector<16x64x64xf32>
    %sub3A_41 = arith.subf %get3A_36, %sub3A_40 : vector<16x64x64xf32>
    %exp3A_42 = math.exp %sub3A_41 : vector<16x64x64xf32>
    %reduce_sum3A_43 = arith.constant dense<0.000000e+00> : vector<16x64xf32>
    %reduce_sum3A_44 = vector.multi_reduction <add>, %exp3A_42, %reduce_sum3A_43 [2] : vector<16x64x64xf32> to vector<16x64xf32>
    %broadcast_in_dim3A_45 = vector.shape_cast %reduce_sum3A_44 : vector<16x64xf32> to vector<16x64x1xf32>
    %log3A_46 = math.log %broadcast_in_dim3A_45 : vector<16x64x1xf32>
    %add3A_47 = arith.addf %broadcast_in_dim3A_39, %log3A_46 : vector<16x64x1xf32>
    %sub3A_48 = vector.broadcast %add3A_47 : vector<16x64x1xf32> to vector<16x64x64xf32>
    %sub3A_49 = arith.subf %get3A_36, %sub3A_48 : vector<16x64x64xf32>
    %swap3A_50 = arith.constant 0 : index
    %swap3A_51 = arith.constant 128 : index
    %swap3A_52 = arith.constant 0 : index
    %swap3A_53 = vector.load %arg4[%swap3A_50, %swap3A_51, %swap3A_52] : memref<16x512x64xf32, #tpu.memory_space<vmem>>, vector<16x64x64xf32>
    tpu.vector_store %arg4[%swap3A_50, %swap3A_51, %swap3A_52], %sub3A_49 {strides = array<i32>} : memref<16x512x64xf32, #tpu.memory_space<vmem>>, vector<16x64x64xf32>,
    %get3A_54 = arith.constant 0 : index
    %get3A_55 = arith.constant 192 : index
    %get3A_56 = arith.constant 0 : index
    %get3A_57 = vector.load %arg0[%get3A_54, %get3A_55, %get3A_56] : memref<16x512x64xf32, #tpu.memory_space<vmem>>, vector<16x64x64xf32>
    %reduce_max3A_58 = arith.constant dense<0xFF800000> : vector<16x64xf32>
    %reduce_max3A_59 = vector.multi_reduction <maximumf>, %get3A_57, %reduce_max3A_58 [2] : vector<16x64x64xf32> to vector<16x64xf32>
    %broadcast_in_dim3A_60 = vector.shape_cast %reduce_max3A_59 : vector<16x64xf32> to vector<16x64x1xf32>
    %sub3A_61 = vector.broadcast %broadcast_in_dim3A_60 : vector<16x64x1xf32> to vector<16x64x64xf32>
    %sub3A_62 = arith.subf %get3A_57, %sub3A_61 : vector<16x64x64xf32>
    %exp3A_63 = math.exp %sub3A_62 : vector<16x64x64xf32>
    %reduce_sum3A_64 = arith.constant dense<0.000000e+00> : vector<16x64xf32>
    %reduce_sum3A_65 = vector.multi_reduction <add>, %exp3A_63, %reduce_sum3A_64 [2] : vector<16x64x64xf32> to vector<16x64xf32>
    %broadcast_in_dim3A_66 = vector.shape_cast %reduce_sum3A_65 : vector<16x64xf32> to vector<16x64x1xf32>
    %log3A_67 = math.log %broadcast_in_dim3A_66 : vector<16x64x1xf32>
    %add3A_68 = arith.addf %broadcast_in_dim3A_60, %log3A_67 : vector<16x64x1xf32>
    %sub3A_69 = vector.broadcast %add3A_68 : vector<16x64x1xf32> to vector<16x64x64xf32>
    %sub3A_70 = arith.subf %get3A_57, %sub3A_69 : vector<16x64x64xf32>
    %swap3A_71 = arith.constant 0 : index
    %swap3A_72 = arith.constant 192 : index
    %swap3A_73 = arith.constant 0 : index
    %swap3A_74 = vector.load %arg4[%swap3A_71, %swap3A_72, %swap3A_73] : memref<16x512x64xf32, #tpu.memory_space<vmem>>, vector<16x64x64xf32>
    tpu.vector_store %arg4[%swap3A_71, %swap3A_72, %swap3A_73], %sub3A_70 {strides = array<i32>} : memref<16x512x64xf32, #tpu.memory_space<vmem>>, vector<16x64x64xf32>,
    %get3A_75 = arith.constant 0 : index
    %get3A_76 = arith.constant 256 : index
    %get3A_77 = arith.constant 0 : index
    %get3A_78 = vector.load %arg0[%get3A_75, %get3A_76, %get3A_77] : memref<16x512x64xf32, #tpu.memory_space<vmem>>, vector<16x64x64xf32>
    %reduce_max3A_79 = arith.constant dense<0xFF800000> : vector<16x64xf32>
    %reduce_max3A_80 = vector.multi_reduction <maximumf>, %get3A_78, %reduce_max3A_79 [2] : vector<16x64x64xf32> to vector<16x64xf32>
    %broadcast_in_dim3A_81 = vector.shape_cast %reduce_max3A_80 : vector<16x64xf32> to vector<16x64x1xf32>
    %sub3A_82 = vector.broadcast %broadcast_in_dim3A_81 : vector<16x64x1xf32> to vector<16x64x64xf32>
    %sub3A_83 = arith.subf %get3A_78, %sub3A_82 : vector<16x64x64xf32>
    %exp3A_84 = math.exp %sub3A_83 : vector<16x64x64xf32>
    %reduce_sum3A_85 = arith.constant dense<0.000000e+00> : vector<16x64xf32>
    %reduce_sum3A_86 = vector.multi_reduction <add>, %exp3A_84, %reduce_sum3A_85 [2] : vector<16x64x64xf32> to vector<16x64xf32>
    %broadcast_in_dim3A_87 = vector.shape_cast %reduce_sum3A_86 : vector<16x64xf32> to vector<16x64x1xf32>
    %log3A_88 = math.log %broadcast_in_dim3A_87 : vector<16x64x1xf32>
    %add3A_89 = arith.addf %broadcast_in_dim3A_81, %log3A_88 : vector<16x64x1xf32>
    %sub3A_90 = vector.broadcast %add3A_89 : vector<16x64x1xf32> to vector<16x64x64xf32>
    %sub3A_91 = arith.subf %get3A_78, %sub3A_90 : vector<16x64x64xf32>
    %swap3A_92 = arith.constant 0 : index
    %swap3A_93 = arith.constant 256 : index
    %swap3A_94 = arith.constant 0 : index
    %swap3A_95 = vector.load %arg4[%swap3A_92, %swap3A_93, %swap3A_94] : memref<16x512x64xf32, #tpu.memory_space<vmem>>, vector<16x64x64xf32>
    tpu.vector_store %arg4[%swap3A_92, %swap3A_93, %swap3A_94], %sub3A_91 {strides = array<i32>} : memref<16x512x64xf32, #tpu.memory_space<vmem>>, vector<16x64x64xf32>,
    %get3A_96 = arith.constant 0 : index
    %get3A_97 = arith.constant 320 : index
    %get3A_98 = arith.constant 0 : index
    %get3A_99 = vector.load %arg0[%get3A_96, %get3A_97, %get3A_98] : memref<16x512x64xf32, #tpu.memory_space<vmem>>, vector<16x64x64xf32>
    %reduce_max3A_100 = arith.constant dense<0xFF800000> : vector<16x64xf32>
    %reduce_max3A_101 = vector.multi_reduction <maximumf>, %get3A_99, %reduce_max3A_100 [2] : vector<16x64x64xf32> to vector<16x64xf32>
    %broadcast_in_dim3A_102 = vector.shape_cast %reduce_max3A_101 : vector<16x64xf32> to vector<16x64x1xf32>
    %sub3A_103 = vector.broadcast %broadcast_in_dim3A_102 : vector<16x64x1xf32> to vector<16x64x64xf32>
    %sub3A_104 = arith.subf %get3A_99, %sub3A_103 : vector<16x64x64xf32>
    %exp3A_105 = math.exp %sub3A_104 : vector<16x64x64xf32>
    %reduce_sum3A_106 = arith.constant dense<0.000000e+00> : vector<16x64xf32>
    %reduce_sum3A_107 = vector.multi_reduction <add>, %exp3A_105, %reduce_sum3A_106 [2] : vector<16x64x64xf32> to vector<16x64xf32>
    %broadcast_in_dim3A_108 = vector.shape_cast %reduce_sum3A_107 : vector<16x64xf32> to vector<16x64x1xf32>
    %log3A_109 = math.log %broadcast_in_dim3A_108 : vector<16x64x1xf32>
    %add3A_110 = arith.addf %broadcast_in_dim3A_102, %log3A_109 : vector<16x64x1xf32>
    %sub3A_111 = vector.broadcast %add3A_110 : vector<16x64x1xf32> to vector<16x64x64xf32>
    %sub3A_112 = arith.subf %get3A_99, %sub3A_111 : vector<16x64x64xf32>
    %swap3A_113 = arith.constant 0 : index
    %swap3A_114 = arith.constant 320 : index
    %swap3A_115 = arith.constant 0 : index
    %swap3A_116 = vector.load %arg4[%swap3A_113, %swap3A_114, %swap3A_115] : memref<16x512x64xf32, #tpu.memory_space<vmem>>, vector<16x64x64xf32>
    tpu.vector_store %arg4[%swap3A_113, %swap3A_114, %swap3A_115], %sub3A_112 {strides = array<i32>} : memref<16x512x64xf32, #tpu.memory_space<vmem>>, vector<16x64x64xf32>,
    %get3A_117 = arith.constant 0 : index
    %get3A_118 = arith.constant 384 : index
    %get3A_119 = arith.constant 0 : index
    %get3A_120 = vector.load %arg0[%get3A_117, %get3A_118, %get3A_119] : memref<16x512x64xf32, #tpu.memory_space<vmem>>, vector<16x64x64xf32>
    %reduce_max3A_121 = arith.constant dense<0xFF800000> : vector<16x64xf32>
    %reduce_max3A_122 = vector.multi_reduction <maximumf>, %get3A_120, %reduce_max3A_121 [2] : vector<16x64x64xf32> to vector<16x64xf32>
    %broadcast_in_dim3A_123 = vector.shape_cast %reduce_max3A_122 : vector<16x64xf32> to vector<16x64x1xf32>
    %sub3A_124 = vector.broadcast %broadcast_in_dim3A_123 : vector<16x64x1xf32> to vector<16x64x64xf32>
    %sub3A_125 = arith.subf %get3A_120, %sub3A_124 : vector<16x64x64xf32>
    %exp3A_126 = math.exp %sub3A_125 : vector<16x64x64xf32>
    %reduce_sum3A_127 = arith.constant dense<0.000000e+00> : vector<16x64xf32>
    %reduce_sum3A_128 = vector.multi_reduction <add>, %exp3A_126, %reduce_sum3A_127 [2] : vector<16x64x64xf32> to vector<16x64xf32>
    %broadcast_in_dim3A_129 = vector.shape_cast %reduce_sum3A_128 : vector<16x64xf32> to vector<16x64x1xf32>
    %log3A_130 = math.log %broadcast_in_dim3A_129 : vector<16x64x1xf32>
    %add3A_131 = arith.addf %broadcast_in_dim3A_123, %log3A_130 : vector<16x64x1xf32>
    %sub3A_132 = vector.broadcast %add3A_131 : vector<16x64x1xf32> to vector<16x64x64xf32>
    %sub3A_133 = arith.subf %get3A_120, %sub3A_132 : vector<16x64x64xf32>
    %swap3A_134 = arith.constant 0 : index
    %swap3A_135 = arith.constant 384 : index
    %swap3A_136 = arith.constant 0 : index
    %swap3A_137 = vector.load %arg4[%swap3A_134, %swap3A_135, %swap3A_136] : memref<16x512x64xf32, #tpu.memory_space<vmem>>, vector<16x64x64xf32>
    tpu.vector_store %arg4[%swap3A_134, %swap3A_135, %swap3A_136], %sub3A_133 {strides = array<i32>} : memref<16x512x64xf32, #tpu.memory_space<vmem>>, vector<16x64x64xf32>,
    %get3A_138 = arith.constant 0 : index
    %get3A_139 = arith.constant 448 : index
    %get3A_140 = arith.constant 0 : index
    %get3A_141 = vector.load %arg0[%get3A_138, %get3A_139, %get3A_140] : memref<16x512x64xf32, #tpu.memory_space<vmem>>, vector<16x64x64xf32>
    %reduce_max3A_142 = arith.constant dense<0xFF800000> : vector<16x64xf32>
    %reduce_max3A_143 = vector.multi_reduction <maximumf>, %get3A_141, %reduce_max3A_142 [2] : vector<16x64x64xf32> to vector<16x64xf32>
    %broadcast_in_dim3A_144 = vector.shape_cast %reduce_max3A_143 : vector<16x64xf32> to vector<16x64x1xf32>
    %sub3A_145 = vector.broadcast %broadcast_in_dim3A_144 : vector<16x64x1xf32> to vector<16x64x64xf32>
    %sub3A_146 = arith.subf %get3A_141, %sub3A_145 : vector<16x64x64xf32>
    %exp3A_147 = math.exp %sub3A_146 : vector<16x64x64xf32>
    %reduce_sum3A_148 = arith.constant dense<0.000000e+00> : vector<16x64xf32>
    %reduce_sum3A_149 = vector.multi_reduction <add>, %exp3A_147, %reduce_sum3A_148 [2] : vector<16x64x64xf32> to vector<16x64xf32>
    %broadcast_in_dim3A_150 = vector.shape_cast %reduce_sum3A_149 : vector<16x64xf32> to vector<16x64x1xf32>
    %log3A_151 = math.log %broadcast_in_dim3A_150 : vector<16x64x1xf32>
    %add3A_152 = arith.addf %broadcast_in_dim3A_144, %log3A_151 : vector<16x64x1xf32>
    %sub3A_153 = vector.broadcast %add3A_152 : vector<16x64x1xf32> to vector<16x64x64xf32>
    %sub3A_154 = arith.subf %get3A_141, %sub3A_153 : vector<16x64x64xf32>
    %swap3A_155 = arith.constant 0 : index
    %swap3A_156 = arith.constant 448 : index
    %swap3A_157 = arith.constant 0 : index
    %swap3A_158 = vector.load %arg4[%swap3A_155, %swap3A_156, %swap3A_157] : memref<16x512x64xf32, #tpu.memory_space<vmem>>, vector<16x64x64xf32>
    tpu.vector_store %arg4[%swap3A_155, %swap3A_156, %swap3A_157], %sub3A_154 {strides = array<i32>} : memref<16x512x64xf32, #tpu.memory_space<vmem>>, vector<16x64x64xf32>,
    %get3A_159 = arith.constant 0 : index
    %get3A_160 = arith.constant 0 : index
    %get3A_161 = vector.load %arg1[%get3A_159, %get3A_160] : memref<16x512xi32, #tpu.memory_space<vmem>>, vector<1x512xi32>
    %get3A_162 = vector.shape_cast %get3A_161 : vector<1x512xi32> to vector<512xi32>
    %broadcast_in_dim3A_163 = arith.constant 63 : i32
    %broadcast_in_dim3A_164 = vector.broadcast %broadcast_in_dim3A_163 : i32 to vector<1xi32>
    %broadcast_in_dim3A_165 = arith.constant -7 : i32
    %broadcast_in_dim3A_166 = vector.broadcast %broadcast_in_dim3A_165 : i32 to vector<127xi32>
    %concatenate3A = tpu.concatenate %get3A_162, %broadcast_in_dim3A_164, %broadcast_in_dim3A_166 in 0 : vector<512xi32>, vector<1xi32>, vector<127xi32> -> vector<640xi32>
    %iota3A = tpu.iota {dimensions = array<i32: 0>} : vector<64x640xi32>
    %broadcast_in_dim3A_167 = vector.shape_cast %concatenate3A : vector<640xi32> to vector<1x640xi32>
    %eq3A = vector.broadcast %broadcast_in_dim3A_167 : vector<1x640xi32> to vector<64x640xi32>
    %eq3A_168 = arith.cmpi eq, %iota3A, %eq3A : vector<64x640xi32>
    %jit3A = arith.constant 1.44269502 : f32
    %jit3A_169 = arith.constant 0.000000e+00 : f32
    %broadcast_in_dim3A_170 = vector.broadcast %jit3A : f32 to vector<64x640xf32>
    %broadcast_in_dim3A_171 = vector.broadcast %jit3A_169 : f32 to vector<64x640xf32>
    %select_n3A = arith.select %eq3A_168, %broadcast_in_dim3A_170, %broadcast_in_dim3A_171 : vector<64x640xi1>, vector<64x640xf32>
    %get3A_172 = arith.constant 0 : index
    %get3A_173 = arith.constant 0 : index
    %get3A_174 = arith.constant 0 : index
    %get3A_175 = vector.load %arg4[%get3A_172, %get3A_173, %get3A_174] : memref<16x512x64xf32, #tpu.memory_space<vmem>>, vector<1x128x64xf32>
    %get3A_176 = vector.shape_cast %get3A_175 : vector<1x128x64xf32> to vector<128x64xf32>
    %dot_general3A = arith.constant dense<0.000000e+00> : vector<128x640xf32>
    %dot_general3A_177 = tpu.matmul %get3A_176, %select_n3A, %dot_general3A {dimension_numbers = #tpu.dot_dimension_numbers<[1], [0], [0], [1], [0, 0, 1, 1], [], []>, transpose_lhs_hint = false} : vector<128x64xf32>, vector<64x640xf32>, vector<128x640xf32> -> vector<128x640xf32>
    %swap3A_178 = arith.constant 0 : index
    %swap3A_179 = arith.constant 0 : index
    %swap3A_180 = arith.constant 0 : index
    %swap3A_181 = vector.load %arg5[%swap3A_178, %swap3A_179, %swap3A_180] : memref<512x16x640xf32, #tpu.memory_space<vmem>>, vector<128x1x640xf32>
    %swap3A_182 = vector.shape_cast %swap3A_181 : vector<128x1x640xf32> to vector<128x640xf32>
    %swap3A_183 = vector.shape_cast %dot_general3A_177 : vector<128x640xf32> to vector<128x1x640xf32>
    tpu.vector_store %arg5[%swap3A_178, %swap3A_179, %swap3A_180], %swap3A_183 {strides = array<i32>} : memref<512x16x640xf32, #tpu.memory_space<vmem>>, vector<128x1x640xf32>,
    %get3A_184 = arith.constant 0 : index
    %get3A_185 = arith.constant 128 : index
    %get3A_186 = arith.constant 0 : index
    %get3A_187 = vector.load %arg4[%get3A_184, %get3A_185, %get3A_186] : memref<16x512x64xf32, #tpu.memory_space<vmem>>, vector<1x128x64xf32>
    %get3A_188 = vector.shape_cast %get3A_187 : vector<1x128x64xf32> to vector<128x64xf32>
    %dot_general3A_189 = arith.constant dense<0.000000e+00> : vector<128x640xf32>
    %dot_general3A_190 = tpu.matmul %get3A_188, %select_n3A, %dot_general3A_189 {dimension_numbers = #tpu.dot_dimension_numbers<[1], [0], [0], [1], [0, 0, 1, 1], [], []>, transpose_lhs_hint = false} : vector<128x64xf32>, vector<64x640xf32>, vector<128x640xf32> -> vector<128x640xf32>
    %swap3A_191 = arith.constant 128 : index
    %swap3A_192 = arith.constant 0 : index
    %swap3A_193 = arith.constant 0 : index
    %swap3A_194 = vector.load %arg5[%swap3A_191, %swap3A_192, %swap3A_193] : memref<512x16x640xf32, #tpu.memory_space<vmem>>, vector<128x1x640xf32>
    %swap3A_195 = vector.shape_cast %swap3A_194 : vector<128x1x640xf32> to vector<128x640xf32>
    %swap3A_196 = vector.shape_cast %dot_general3A_190 : vector<128x640xf32> to vector<128x1x640xf32>
    tpu.vector_store %arg5[%swap3A_191, %swap3A_192, %swap3A_193], %swap3A_196 {strides = array<i32>} : memref<512x16x640xf32, #tpu.memory_space<vmem>>, vector<128x1x640xf32>,
    %get3A_197 = arith.constant 0 : index
    %get3A_198 = arith.constant 256 : index
    %get3A_199 = arith.constant 0 : index
    %get3A_200 = vector.load %arg4[%get3A_197, %get3A_198, %get3A_199] : memref<16x512x64xf32, #tpu.memory_space<vmem>>, vector<1x128x64xf32>
    %get3A_201 = vector.shape_cast %get3A_200 : vector<1x128x64xf32> to vector<128x64xf32>
    %dot_general3A_202 = arith.constant dense<0.000000e+00> : vector<128x640xf32>
    %dot_general3A_203 = tpu.matmul %get3A_201, %select_n3A, %dot_general3A_202 {dimension_numbers = #tpu.dot_dimension_numbers<[1], [0], [0], [1], [0, 0, 1, 1], [], []>, transpose_lhs_hint = false} : vector<128x64xf32>, vector<64x640xf32>, vector<128x640xf32> -> vector<128x640xf32>
    %swap3A_204 = arith.constant 256 : index
    %swap3A_205 = arith.constant 0 : index
    %swap3A_206 = arith.constant 0 : index
    %swap3A_207 = vector.load %arg5[%swap3A_204, %swap3A_205, %swap3A_206] : memref<512x16x640xf32, #tpu.memory_space<vmem>>, vector<128x1x640xf32>
    %swap3A_208 = vector.shape_cast %swap3A_207 : vector<128x1x640xf32> to vector<128x640xf32>
    %swap3A_209 = vector.shape_cast %dot_general3A_203 : vector<128x640xf32> to vector<128x1x640xf32>
    tpu.vector_store %arg5[%swap3A_204, %swap3A_205, %swap3A_206], %swap3A_209 {strides = array<i32>} : memref<512x16x640xf32, #tpu.memory_space<vmem>>, vector<128x1x640xf32>,
    %get3A_210 = arith.constant 0 : index
    %get3A_211 = arith.constant 384 : index
    %get3A_212 = arith.constant 0 : index
    %get3A_213 = vector.load %arg4[%get3A_210, %get3A_211, %get3A_212] : memref<16x512x64xf32, #tpu.memory_space<vmem>>, vector<1x128x64xf32>
    %get3A_214 = vector.shape_cast %get3A_213 : vector<1x128x64xf32> to vector<128x64xf32>
    %dot_general3A_215 = arith.constant dense<0.000000e+00> : vector<128x640xf32>
    %dot_general3A_216 = tpu.matmul %get3A_214, %select_n3A, %dot_general3A_215 {dimension_numbers = #tpu.dot_dimension_numbers<[1], [0], [0], [1], [0, 0, 1, 1], [], []>, transpose_lhs_hint = false} : vector<128x64xf32>, vector<64x640xf32>, vector<128x640xf32> -> vector<128x640xf32>
    %swap3A_217 = arith.constant 384 : index
    %swap3A_218 = arith.constant 0 : index
    %swap3A_219 = arith.constant 0 : index
    %swap3A_220 = vector.load %arg5[%swap3A_217, %swap3A_218, %swap3A_219] : memref<512x16x640xf32, #tpu.memory_space<vmem>>, vector<128x1x640xf32>
    %swap3A_221 = vector.shape_cast %swap3A_220 : vector<128x1x640xf32> to vector<128x640xf32>
    %swap3A_222 = vector.shape_cast %dot_general3A_216 : vector<128x640xf32> to vector<128x1x640xf32>
    tpu.vector_store %arg5[%swap3A_217, %swap3A_218, %swap3A_219], %swap3A_222 {strides = array<i32>} : memref<512x16x640xf32, #tpu.memory_space<vmem>>, vector<128x1x640xf32>,
    %get3A_223 = arith.constant 1 : index
    %get3A_224 = arith.constant 0 : index
    %get3A_225 = vector.load %arg1[%get3A_223, %get3A_224] : memref<16x512xi32, #tpu.memory_space<vmem>>, vector<1x512xi32>
    %get3A_226 = vector.shape_cast %get3A_225 : vector<1x512xi32> to vector<512xi32>
    %broadcast_in_dim3A_227 = arith.constant 63 : i32
    %broadcast_in_dim3A_228 = vector.broadcast %broadcast_in_dim3A_227 : i32 to vector<1xi32>
    %broadcast_in_dim3A_229 = arith.constant -7 : i32
    %broadcast_in_dim3A_230 = vector.broadcast %broadcast_in_dim3A_229 : i32 to vector<127xi32>
    %concatenate3A_231 = tpu.concatenate %get3A_226, %broadcast_in_dim3A_228, %broadcast_in_dim3A_230 in 0 : vector<512xi32>, vector<1xi32>, vector<127xi32> -> vector<640xi32>
    %iota3A_232 = tpu.iota {dimensions = array<i32: 0>} : vector<64x640xi32>
    %broadcast_in_dim3A_233 = vector.shape_cast %concatenate3A_231 : vector<640xi32> to vector<1x640xi32>
    %eq3A_234 = vector.broadcast %broadcast_in_dim3A_233 : vector<1x640xi32> to vector<64x640xi32>
    %eq3A_235 = arith.cmpi eq, %iota3A_232, %eq3A_234 : vector<64x640xi32>
    %jit3A_236 = arith.constant 1.44269502 : f32
    %jit3A_237 = arith.constant 0.000000e+00 : f32
    %broadcast_in_dim3A_238 = vector.broadcast %jit3A_236 : f32 to vector<64x640xf32>
    %broadcast_in_dim3A_239 = vector.broadcast %jit3A_237 : f32 to vector<64x640xf32>
    %select_n3A_240 = arith.select %eq3A_235, %broadcast_in_dim3A_238, %broadcast_in_dim3A_239 : vector<64x640xi1>, vector<64x640xf32>
    %get3A_241 = arith.constant 1 : index
    %get3A_242 = arith.constant 0 : index
    %get3A_243 = arith.constant 0 : index
    %get3A_244 = vector.load %arg4[%get3A_241, %get3A_242, %get3A_243] : memref<16x512x64xf32, #tpu.memory_space<vmem>>, vector<1x128x64xf32>
    %get3A_245 = vector.shape_cast %get3A_244 : vector<1x128x64xf32> to vector<128x64xf32>
    %dot_general3A_246 = arith.constant dense<0.000000e+00> : vector<128x640xf32>
    %dot_general3A_247 = tpu.matmul %get3A_245, %select_n3A_240, %dot_general3A_246 {dimension_numbers = #tpu.dot_dimension_numbers<[1], [0], [0], [1], [0, 0, 1, 1], [], []>, transpose_lhs_hint = false} : vector<128x64xf32>, vector<64x640xf32>, vector<128x640xf32> -> vector<128x640xf32>
    %swap3A_248 = arith.constant 0 : index
    %swap3A_249 = arith.constant 1 : index
    %swap3A_250 = arith.constant 0 : index
    %swap3A_251 = vector.load %arg5[%swap3A_248, %swap3A_249, %swap3A_250] : memref<512x16x640xf32, #tpu.memory_space<vmem>>, vector<128x1x640xf32>
    %swap3A_252 = vector.shape_cast %swap3A_251 : vector<128x1x640xf32> to vector<128x640xf32>
    %swap3A_253 = vector.shape_cast %dot_general3A_247 : vector<128x640xf32> to vector<128x1x640xf32>
    tpu.vector_store %arg5[%swap3A_248, %swap3A_249, %swap3A_250], %swap3A_253 {strides = array<i32>} : memref<512x16x640xf32, #tpu.memory_space<vmem>>, vector<128x1x640xf32>,
    %get3A_254 = arith.constant 1 : index
    %get3A_255 = arith.constant 128 : index
    %get3A_256 = arith.constant 0 : index
    %get3A_257 = vector.load %arg4[%get3A_254, %get3A_255, %get3A_256] : memref<16x512x64xf32, #tpu.memory_space<vmem>>, vector<1x128x64xf32>
    %get3A_258 = vector.shape_cast %get3A_257 : vector<1x128x64xf32> to vector<128x64xf32>
    %dot_general3A_259 = arith.constant dense<0.000000e+00> : vector<128x640xf32>
    %dot_general3A_260 = tpu.matmul %get3A_258, %select_n3A_240, %dot_general3A_259 {dimension_numbers = #tpu.dot_dimension_numbers<[1], [0], [0], [1], [0, 0, 1, 1], [], []>, transpose_lhs_hint = false} : vector<128x64xf32>, vector<64x640xf32>, vector<128x640xf32> -> vector<128x640xf32>
    %swap3A_261 = arith.constant 128 : index
    %swap3A_262 = arith.constant 1 : index
    %swap3A_263 = arith.constant 0 : index
    %swap3A_264 = vector.load %arg5[%swap3A_261, %swap3A_262, %swap3A_263] : memref<512x16x640xf32, #tpu.memory_space<vmem>>, vector<128x1x640xf32>
    %swap3A_265 = vector.shape_cast %swap3A_264 : vector<128x1x640xf32> to vector<128x640xf32>
    %swap3A_266 = vector.shape_cast %dot_general3A_260 : vector<128x640xf32> to vector<128x1x640xf32>
    tpu.vector_store %arg5[%swap3A_261, %swap3A_262, %swap3A_263], %swap3A_266 {strides = array<i32>} : memref<512x16x640xf32, #tpu.memory_space<vmem>>, vector<128x1x640xf32>,
    %get3A_267 = arith.constant 1 : index
    %get3A_268 = arith.constant 256 : index
    %get3A_269 = arith.constant 0 : index
    %get3A_270 = vector.load %arg4[%get3A_267, %get3A_268, %get3A_269] : memref<16x512x64xf32, #tpu.memory_space<vmem>>, vector<1x128x64xf32>
    %get3A_271 = vector.shape_cast %get3A_270 : vector<1x128x64xf32> to vector<128x64xf32>
    %dot_general3A_272 = arith.constant dense<0.000000e+00> : vector<128x640xf32>
    %dot_general3A_273 = tpu.matmul %get3A_271, %select_n3A_240, %dot_general3A_272 {dimension_numbers = #tpu.dot_dimension_numbers<[1], [0], [0], [1], [0, 0, 1, 1], [], []>, transpose_lhs_hint = false} : vector<128x64xf32>, vector<64x640xf32>, vector<128x640xf32> -> vector<128x640xf32>
    %swap3A_274 = arith.constant 256 : index
    %swap3A_275 = arith.constant 1 : index
    %swap3A_276 = arith.constant 0 : index
    %swap3A_277 = vector.load %arg5[%swap3A_274, %swap3A_275, %swap3A_276] : memref<512x16x640xf32, #tpu.memory_space<vmem>>, vector<128x1x640xf32>
    %swap3A_278 = vector.shape_cast %swap3A_277 : vector<128x1x640xf32> to vector<128x640xf32>
    %swap3A_279 = vector.shape_cast %dot_general3A_273 : vector<128x640xf32> to vector<128x1x640xf32>
    tpu.vector_store %arg5[%swap3A_274, %swap3A_275, %swap3A_276], %swap3A_279 {strides = array<i32>} : memref<512x16x640xf32, #tpu.memory_space<vmem>>, vector<128x1x640xf32>,
    %get3A_280 = arith.constant 1 : index
    %get3A_281 = arith.constant 384 : index
    %get3A_282 = arith.constant 0 : index
    %get3A_283 = vector.load %arg4[%get3A_280, %get3A_281, %get3A_282] : memref<16x512x64xf32, #tpu.memory_space<vmem>>, vector<1x128x64xf32>
    %get3A_284 = vector.shape_cast %get3A_283 : vector<1x128x64xf32> to vector<128x64xf32>
    %dot_general3A_285 = arith.constant dense<0.000000e+00> : vector<128x640xf32>
    %dot_general3A_286 = tpu.matmul %get3A_284, %select_n3A_240, %dot_general3A_285 {dimension_numbers = #tpu.dot_dimension_numbers<[1], [0], [0], [1], [0, 0, 1, 1], [], []>, transpose_lhs_hint = false} : vector<128x64xf32>, vector<64x640xf32>, vector<128x640xf32> -> vector<128x640xf32>
    %swap3A_287 = arith.constant 384 : index
    %swap3A_288 = arith.constant 1 : index
    %swap3A_289 = arith.constant 0 : index
    %swap3A_290 = vector.load %arg5[%swap3A_287, %swap3A_288, %swap3A_289] : memref<512x16x640xf32, #tpu.memory_space<vmem>>, vector<128x1x640xf32>
    %swap3A_291 = vector.shape_cast %swap3A_290 : vector<128x1x640xf32> to vector<128x640xf32>
    %swap3A_292 = vector.shape_cast %dot_general3A_286 : vector<128x640xf32> to vector<128x1x640xf32>
    tpu.vector_store %arg5[%swap3A_287, %swap3A_288, %swap3A_289], %swap3A_292 {strides = array<i32>} : memref<512x16x640xf32, #tpu.memory_space<vmem>>, vector<128x1x640xf32>,
    %get3A_293 = arith.constant 2 : index
    %get3A_294 = arith.constant 0 : index
    %get3A_295 = vector.load %arg1[%get3A_293, %get3A_294] : memref<16x512xi32, #tpu.memory_space<vmem>>, vector<1x512xi32>
    %get3A_296 = vector.shape_cast %get3A_295 : vector<1x512xi32> to vector<512xi32>
    %broadcast_in_dim3A_297 = arith.constant 63 : i32
    %broadcast_in_dim3A_298 = vector.broadcast %broadcast_in_dim3A_297 : i32 to vector<1xi32>
    %broadcast_in_dim3A_299 = arith.constant -7 : i32
    %broadcast_in_dim3A_300 = vector.broadcast %broadcast_in_dim3A_299 : i32 to vector<127xi32>
    %concatenate3A_301 = tpu.concatenate %get3A_296, %broadcast_in_dim3A_298, %broadcast_in_dim3A_300 in 0 : vector<512xi32>, vector<1xi32>, vector<127xi32> -> vector<640xi32>
    %iota3A_302 = tpu.iota {dimensions = array<i32: 0>} : vector<64x640xi32>
    %broadcast_in_dim3A_303 = vector.shape_cast %concatenate3A_301 : vector<640xi32> to vector<1x640xi32>
    %eq3A_304 = vector.broadcast %broadcast_in_dim3A_303 : vector<1x640xi32> to vector<64x640xi32>
    %eq3A_305 = arith.cmpi eq, %iota3A_302, %eq3A_304 : vector<64x640xi32>
    %jit3A_306 = arith.constant 1.44269502 : f32
    %jit3A_307 = arith.constant 0.000000e+00 : f32
    %broadcast_in_dim3A_308 = vector.broadcast %jit3A_306 : f32 to vector<64x640xf32>
    %broadcast_in_dim3A_309 = vector.broadcast %jit3A_307 : f32 to vector<64x640xf32>
    %select_n3A_310 = arith.select %eq3A_305, %broadcast_in_dim3A_308, %broadcast_in_dim3A_309 : vector<64x640xi1>, vector<64x640xf32>
    %get3A_311 = arith.constant 2 : index
    %get3A_312 = arith.constant 0 : index
    %get3A_313 = arith.constant 0 : index
    %get3A_314 = vector.load %arg4[%get3A_311, %get3A_312, %get3A_313] : memref<16x512x64xf32, #tpu.memory_space<vmem>>, vector<1x128x64xf32>
    %get3A_315 = vector.shape_cast %get3A_314 : vector<1x128x64xf32> to vector<128x64xf32>
    %dot_general3A_316 = arith.constant dense<0.000000e+00> : vector<128x640xf32>
    %dot_general3A_317 = tpu.matmul %get3A_315, %select_n3A_310, %dot_general3A_316 {dimension_numbers = #tpu.dot_dimension_numbers<[1], [0], [0], [1], [0, 0, 1, 1], [], []>, transpose_lhs_hint = false} : vector<128x64xf32>, vector<64x640xf32>, vector<128x640xf32> -> vector<128x640xf32>
    %swap3A_318 = arith.constant 0 : index
    %swap3A_319 = arith.constant 2 : index
    %swap3A_320 = arith.constant 0 : index
    %swap3A_321 = vector.load %arg5[%swap3A_318, %swap3A_319, %swap3A_320] : memref<512x16x640xf32, #tpu.memory_space<vmem>>, vector<128x1x640xf32>
    %swap3A_322 = vector.shape_cast %swap3A_321 : vector<128x1x640xf32> to vector<128x640xf32>
    %swap3A_323 = vector.shape_cast %dot_general3A_317 : vector<128x640xf32> to vector<128x1x640xf32>
    tpu.vector_store %arg5[%swap3A_318, %swap3A_319, %swap3A_320], %swap3A_323 {strides = array<i32>} : memref<512x16x640xf32, #tpu.memory_space<vmem>>, vector<128x1x640xf32>,
    %get3A_324 = arith.constant 2 : index
    %get3A_325 = arith.constant 128 : index
    %get3A_326 = arith.constant 0 : index
    %get3A_327 = vector.load %arg4[%get3A_324, %get3A_325, %get3A_326] : memref<16x512x64xf32, #tpu.memory_space<vmem>>, vector<1x128x64xf32>
    %get3A_328 = vector.shape_cast %get3A_327 : vector<1x128x64xf32> to vector<128x64xf32>
    %dot_general3A_329 = arith.constant dense<0.000000e+00> : vector<128x640xf32>
    %dot_general3A_330 = tpu.matmul %get3A_328, %select_n3A_310, %dot_general3A_329 {dimension_numbers = #tpu.dot_dimension_numbers<[1], [0], [0], [1], [0, 0, 1, 1], [], []>, transpose_lhs_hint = false} : vector<128x64xf32>, vector<64x640xf32>, vector<128x640xf32> -> vector<128x640xf32>
    %swap3A_331 = arith.constant 128 : index
    %swap3A_332 = arith.constant 2 : index
    %swap3A_333 = arith.constant 0 : index
    %swap3A_334 = vector.load %arg5[%swap3A_331, %swap3A_332, %swap3A_333] : memref<512x16x640xf32, #tpu.memory_space<vmem>>, vector<128x1x640xf32>
    %swap3A_335 = vector.shape_cast %swap3A_334 : vector<128x1x640xf32> to vector<128x640xf32>
    %swap3A_336 = vector.shape_cast %dot_general3A_330 : vector<128x640xf32> to vector<128x1x640xf32>
    tpu.vector_store %arg5[%swap3A_331, %swap3A_332, %swap3A_333], %swap3A_336 {strides = array<i32>} : memref<512x16x640xf32, #tpu.memory_space<vmem>>, vector<128x1x640xf32>,
    %get3A_337 = arith.constant 2 : index
    %get3A_338 = arith.constant 256 : index
    %get3A_339 = arith.constant 0 : index
    %get3A_340 = vector.load %arg4[%get3A_337, %get3A_338, %get3A_339] : memref<16x512x64xf32, #tpu.memory_space<vmem>>, vector<1x128x64xf32>
    %get3A_341 = vector.shape_cast %get3A_340 : vector<1x128x64xf32> to vector<128x64xf32>
    %dot_general3A_342 = arith.constant dense<0.000000e+00> : vector<128x640xf32>
    %dot_general3A_343 = tpu.matmul %get3A_341, %select_n3A_310, %dot_general3A_342 {dimension_numbers = #tpu.dot_dimension_numbers<[1], [0], [0], [1], [0, 0, 1, 1], [], []>, transpose_lhs_hint = false} : vector<128x64xf32>, vector<64x640xf32>, vector<128x640xf32> -> vector<128x640xf32>
    %swap3A_344 = arith.constant 256 : index
    %swap3A_345 = arith.constant 2 : index
    %swap3A_346 = arith.constant 0 : index
    %swap3A_347 = vector.load %arg5[%swap3A_344, %swap3A_345, %swap3A_346] : memref<512x16x640xf32, #tpu.memory_space<vmem>>, vector<128x1x640xf32>
    %swap3A_348 = vector.shape_cast %swap3A_347 : vector<128x1x640xf32> to vector<128x640xf32>
    %swap3A_349 = vector.shape_cast %dot_general3A_343 : vector<128x640xf32> to vector<128x1x640xf32>
    tpu.vector_store %arg5[%swap3A_344, %swap3A_345, %swap3A_346], %swap3A_349 {strides = array<i32>} : memref<512x16x640xf32, #tpu.memory_space<vmem>>, vector<128x1x640xf32>,
    %get3A_350 = arith.constant 2 : index
    %get3A_351 = arith.constant 384 : index
    %get3A_352 = arith.constant 0 : index
    %get3A_353 = vector.load %arg4[%get3A_350, %get3A_351, %get3A_352] : memref<16x512x64xf32, #tpu.memory_space<vmem>>, vector<1x128x64xf32>
    %get3A_354 = vector.shape_cast %get3A_353 : vector<1x128x64xf32> to vector<128x64xf32>
    %dot_general3A_355 = arith.constant dense<0.000000e+00> : vector<128x640xf32>
    %dot_general3A_356 = tpu.matmul %get3A_354, %select_n3A_310, %dot_general3A_355 {dimension_numbers = #tpu.dot_dimension_numbers<[1], [0], [0], [1], [0, 0, 1, 1], [], []>, transpose_lhs_hint = false} : vector<128x64xf32>, vector<64x640xf32>, vector<128x640xf32> -> vector<128x640xf32>
    %swap3A_357 = arith.constant 384 : index
    %swap3A_358 = arith.constant 2 : index
    %swap3A_359 = arith.constant 0 : index
    %swap3A_360 = vector.load %arg5[%swap3A_357, %swap3A_358, %swap3A_359] : memref<512x16x640xf32, #tpu.memory_space<vmem>>, vector<128x1x640xf32>
    %swap3A_361 = vector.shape_cast %swap3A_360 : vector<128x1x640xf32> to vector<128x640xf32>
    %swap3A_362 = vector.shape_cast %dot_general3A_356 : vector<128x640xf32> to vector<128x1x640xf32>
    tpu.vector_store %arg5[%swap3A_357, %swap3A_358, %swap3A_359], %swap3A_362 {strides = array<i32>} : memref<512x16x640xf32, #tpu.memory_space<vmem>>, vector<128x1x640xf32>,
    %get3A_363 = arith.constant 3 : index
    %get3A_364 = arith.constant 0 : index
    %get3A_365 = vector.load %arg1[%get3A_363, %get3A_364] : memref<16x512xi32, #tpu.memory_space<vmem>>, vector<1x512xi32>
    %get3A_366 = vector.shape_cast %get3A_365 : vector<1x512xi32> to vector<512xi32>
    %broadcast_in_dim3A_367 = arith.constant 63 : i32
    %broadcast_in_dim3A_368 = vector.broadcast %broadcast_in_dim3A_367 : i32 to vector<1xi32>
    %broadcast_in_dim3A_369 = arith.constant -7 : i32
    %broadcast_in_dim3A_370 = vector.broadcast %broadcast_in_dim3A_369 : i32 to vector<127xi32>
    %concatenate3A_371 = tpu.concatenate %get3A_366, %broadcast_in_dim3A_368, %broadcast_in_dim3A_370 in 0 : vector<512xi32>, vector<1xi32>, vector<127xi32> -> vector<640xi32>
    %iota3A_372 = tpu.iota {dimensions = array<i32: 0>} : vector<64x640xi32>
    %broadcast_in_dim3A_373 = vector.shape_cast %concatenate3A_371 : vector<640xi32> to vector<1x640xi32>
    %eq3A_374 = vector.broadcast %broadcast_in_dim3A_373 : vector<1x640xi32> to vector<64x640xi32>
    %eq3A_375 = arith.cmpi eq, %iota3A_372, %eq3A_374 : vector<64x640xi32>
    %jit3A_376 = arith.constant 1.44269502 : f32
    %jit3A_377 = arith.constant 0.000000e+00 : f32
    %broadcast_in_dim3A_378 = vector.broadcast %jit3A_376 : f32 to vector<64x640xf32>
    %broadcast_in_dim3A_379 = vector.broadcast %jit3A_377 : f32 to vector<64x640xf32>
    %select_n3A_380 = arith.select %eq3A_375, %broadcast_in_dim3A_378, %broadcast_in_dim3A_379 : vector<64x640xi1>, vector<64x640xf32>
    %get3A_381 = arith.constant 3 : index
    %get3A_382 = arith.constant 0 : index
    %get3A_383 = arith.constant 0 : index
    %get3A_384 = vector.load %arg4[%get3A_381, %get3A_382, %get3A_383] : memref<16x512x64xf32, #tpu.memory_space<vmem>>, vector<1x128x64xf32>
    %get3A_385 = vector.shape_cast %get3A_384 : vector<1x128x64xf32> to vector<128x64xf32>
    %dot_general3A_386 = arith.constant dense<0.000000e+00> : vector<128x640xf32>
    %dot_general3A_387 = tpu.matmul %get3A_385, %select_n3A_380, %dot_general3A_386 {dimension_numbers = #tpu.dot_dimension_numbers<[1], [0], [0], [1], [0, 0, 1, 1], [], []>, transpose_lhs_hint = false} : vector<128x64xf32>, vector<64x640xf32>, vector<128x640xf32> -> vector<128x640xf32>
    %swap3A_388 = arith.constant 0 : index
    %swap3A_389 = arith.constant 3 : index
    %swap3A_390 = arith.constant 0 : index
    %swap3A_391 = vector.load %arg5[%swap3A_388, %swap3A_389, %swap3A_390] : memref<512x16x640xf32, #tpu.memory_space<vmem>>, vector<128x1x640xf32>
    %swap3A_392 = vector.shape_cast %swap3A_391 : vector<128x1x640xf32> to vector<128x640xf32>
    %swap3A_393 = vector.shape_cast %dot_general3A_387 : vector<128x640xf32> to vector<128x1x640xf32>
    tpu.vector_store %arg5[%swap3A_388, %swap3A_389, %swap3A_390], %swap3A_393 {strides = array<i32>} : memref<512x16x640xf32, #tpu.memory_space<vmem>>, vector<128x1x640xf32>,
    %get3A_394 = arith.constant 3 : index
    %get3A_395 = arith.constant 128 : index
    %get3A_396 = arith.constant 0 : index
    %get3A_397 = vector.load %arg4[%get3A_394, %get3A_395, %get3A_396] : memref<16x512x64xf32, #tpu.memory_space<vmem>>, vector<1x128x64xf32>
    %get3A_398 = vector.shape_cast %get3A_397 : vector<1x128x64xf32> to vector<128x64xf32>
    %dot_general3A_399 = arith.constant dense<0.000000e+00> : vector<128x640xf32>
    %dot_general3A_400 = tpu.matmul %get3A_398, %select_n3A_380, %dot_general3A_399 {dimension_numbers = #tpu.dot_dimension_numbers<[1], [0], [0], [1], [0, 0, 1, 1], [], []>, transpose_lhs_hint = false} : vector<128x64xf32>, vector<64x640xf32>, vector<128x640xf32> -> vector<128x640xf32>
    %swap3A_401 = arith.constant 128 : index
    %swap3A_402 = arith.constant 3 : index
    %swap3A_403 = arith.constant 0 : index
    %swap3A_404 = vector.load %arg5[%swap3A_401, %swap3A_402, %swap3A_403] : memref<512x16x640xf32, #tpu.memory_space<vmem>>, vector<128x1x640xf32>
    %swap3A_405 = vector.shape_cast %swap3A_404 : vector<128x1x640xf32> to vector<128x640xf32>
    %swap3A_406 = vector.shape_cast %dot_general3A_400 : vector<128x640xf32> to vector<128x1x640xf32>
    tpu.vector_store %arg5[%swap3A_401, %swap3A_402, %swap3A_403], %swap3A_406 {strides = array<i32>} : memref<512x16x640xf32, #tpu.memory_space<vmem>>, vector<128x1x640xf32>,
    %get3A_407 = arith.constant 3 : index
    %get3A_408 = arith.constant 256 : index
    %get3A_409 = arith.constant 0 : index
    %get3A_410 = vector.load %arg4[%get3A_407, %get3A_408, %get3A_409] : memref<16x512x64xf32, #tpu.memory_space<vmem>>, vector<1x128x64xf32>
    %get3A_411 = vector.shape_cast %get3A_410 : vector<1x128x64xf32> to vector<128x64xf32>
    %dot_general3A_412 = arith.constant dense<0.000000e+00> : vector<128x640xf32>
    %dot_general3A_413 = tpu.matmul %get3A_411, %select_n3A_380, %dot_general3A_412 {dimension_numbers = #tpu.dot_dimension_numbers<[1], [0], [0], [1], [0, 0, 1, 1], [], []>, transpose_lhs_hint = false} : vector<128x64xf32>, vector<64x640xf32>, vector<128x640xf32> -> vector<128x640xf32>
    %swap3A_414 = arith.constant 256 : index
    %swap3A_415 = arith.constant 3 : index
    %swap3A_416 = arith.constant 0 : index
    %swap3A_417 = vector.load %arg5[%swap3A_414, %swap3A_415, %swap3A_416] : memref<512x16x640xf32, #tpu.memory_space<vmem>>, vector<128x1x640xf32>
    %swap3A_418 = vector.shape_cast %swap3A_417 : vector<128x1x640xf32> to vector<128x640xf32>
    %swap3A_419 = vector.shape_cast %dot_general3A_413 : vector<128x640xf32> to vector<128x1x640xf32>
    tpu.vector_store %arg5[%swap3A_414, %swap3A_415, %swap3A_416], %swap3A_419 {strides = array<i32>} : memref<512x16x640xf32, #tpu.memory_space<vmem>>, vector<128x1x640xf32>,
    %get3A_420 = arith.constant 3 : index
    %get3A_421 = arith.constant 384 : index
    %get3A_422 = arith.constant 0 : index
    %get3A_423 = vector.load %arg4[%get3A_420, %get3A_421, %get3A_422] : memref<16x512x64xf32, #tpu.memory_space<vmem>>, vector<1x128x64xf32>
    %get3A_424 = vector.shape_cast %get3A_423 : vector<1x128x64xf32> to vector<128x64xf32>
    %dot_general3A_425 = arith.constant dense<0.000000e+00> : vector<128x640xf32>
    %dot_general3A_426 = tpu.matmul %get3A_424, %select_n3A_380, %dot_general3A_425 {dimension_numbers = #tpu.dot_dimension_numbers<[1], [0], [0], [1], [0, 0, 1, 1], [], []>, transpose_lhs_hint = false} : vector<128x64xf32>, vector<64x640xf32>, vector<128x640xf32> -> vector<128x640xf32>
    %swap3A_427 = arith.constant 384 : index
    %swap3A_428 = arith.constant 3 : index
    %swap3A_429 = arith.constant 0 : index
    %swap3A_430 = vector.load %arg5[%swap3A_427, %swap3A_428, %swap3A_429] : memref<512x16x640xf32, #tpu.memory_space<vmem>>, vector<128x1x640xf32>
    %swap3A_431 = vector.shape_cast %swap3A_430 : vector<128x1x640xf32> to vector<128x640xf32>
    %swap3A_432 = vector.shape_cast %dot_general3A_426 : vector<128x640xf32> to vector<128x1x640xf32>
    tpu.vector_store %arg5[%swap3A_427, %swap3A_428, %swap3A_429], %swap3A_432 {strides = array<i32>} : memref<512x16x640xf32, #tpu.memory_space<vmem>>, vector<128x1x640xf32>,
    %get3A_433 = arith.constant 4 : index
    %get3A_434 = arith.constant 0 : index
    %get3A_435 = vector.load %arg1[%get3A_433, %get3A_434] : memref<16x512xi32, #tpu.memory_space<vmem>>, vector<1x512xi32>
    %get3A_436 = vector.shape_cast %get3A_435 : vector<1x512xi32> to vector<512xi32>
    %broadcast_in_dim3A_437 = arith.constant 63 : i32
    %broadcast_in_dim3A_438 = vector.broadcast %broadcast_in_dim3A_437 : i32 to vector<1xi32>
    %broadcast_in_dim3A_439 = arith.constant -7 : i32
    %broadcast_in_dim3A_440 = vector.broadcast %broadcast_in_dim3A_439 : i32 to vector<127xi32>
    %concatenate3A_441 = tpu.concatenate %get3A_436, %broadcast_in_dim3A_438, %broadcast_in_dim3A_440 in 0 : vector<512xi32>, vector<1xi32>, vector<127xi32> -> vector<640xi32>
    %iota3A_442 = tpu.iota {dimensions = array<i32: 0>} : vector<64x640xi32>
    %broadcast_in_dim3A_443 = vector.shape_cast %concatenate3A_441 : vector<640xi32> to vector<1x640xi32>
    %eq3A_444 = vector.broadcast %broadcast_in_dim3A_443 : vector<1x640xi32> to vector<64x640xi32>
    %eq3A_445 = arith.cmpi eq, %iota3A_442, %eq3A_444 : vector<64x640xi32>
    %jit3A_446 = arith.constant 1.44269502 : f32
    %jit3A_447 = arith.constant 0.000000e+00 : f32
    %broadcast_in_dim3A_448 = vector.broadcast %jit3A_446 : f32 to vector<64x640xf32>
    %broadcast_in_dim3A_449 = vector.broadcast %jit3A_447 : f32 to vector<64x640xf32>
    %select_n3A_450 = arith.select %eq3A_445, %broadcast_in_dim3A_448, %broadcast_in_dim3A_449 : vector<64x640xi1>, vector<64x640xf32>
    %get3A_451 = arith.constant 4 : index
    %get3A_452 = arith.constant 0 : index
    %get3A_453 = arith.constant 0 : index
    %get3A_454 = vector.load %arg4[%get3A_451, %get3A_452, %get3A_453] : memref<16x512x64xf32, #tpu.memory_space<vmem>>, vector<1x128x64xf32>
    %get3A_455 = vector.shape_cast %get3A_454 : vector<1x128x64xf32> to vector<128x64xf32>
    %dot_general3A_456 = arith.constant dense<0.000000e+00> : vector<128x640xf32>
    %dot_general3A_457 = tpu.matmul %get3A_455, %select_n3A_450, %dot_general3A_456 {dimension_numbers = #tpu.dot_dimension_numbers<[1], [0], [0], [1], [0, 0, 1, 1], [], []>, transpose_lhs_hint = false} : vector<128x64xf32>, vector<64x640xf32>, vector<128x640xf32> -> vector<128x640xf32>
    %swap3A_458 = arith.constant 0 : index
    %swap3A_459 = arith.constant 4 : index
    %swap3A_460 = arith.constant 0 : index
    %swap3A_461 = vector.load %arg5[%swap3A_458, %swap3A_459, %swap3A_460] : memref<512x16x640xf32, #tpu.memory_space<vmem>>, vector<128x1x640xf32>
    %swap3A_462 = vector.shape_cast %swap3A_461 : vector<128x1x640xf32> to vector<128x640xf32>
    %swap3A_463 = vector.shape_cast %dot_general3A_457 : vector<128x640xf32> to vector<128x1x640xf32>
    tpu.vector_store %arg5[%swap3A_458, %swap3A_459, %swap3A_460], %swap3A_463 {strides = array<i32>} : memref<512x16x640xf32, #tpu.memory_space<vmem>>, vector<128x1x640xf32>,
    %get3A_464 = arith.constant 4 : index
    %get3A_465 = arith.constant 128 : index
    %get3A_466 = arith.constant 0 : index
    %get3A_467 = vector.load %arg4[%get3A_464, %get3A_465, %get3A_466] : memref<16x512x64xf32, #tpu.memory_space<vmem>>, vector<1x128x64xf32>
    %get3A_468 = vector.shape_cast %get3A_467 : vector<1x128x64xf32> to vector<128x64xf32>
    %dot_general3A_469 = arith.constant dense<0.000000e+00> : vector<128x640xf32>
    %dot_general3A_470 = tpu.matmul %get3A_468, %select_n3A_450, %dot_general3A_469 {dimension_numbers = #tpu.dot_dimension_numbers<[1], [0], [0], [1], [0, 0, 1, 1], [], []>, transpose_lhs_hint = false} : vector<128x64xf32>, vector<64x640xf32>, vector<128x640xf32> -> vector<128x640xf32>
    %swap3A_471 = arith.constant 128 : index
    %swap3A_472 = arith.constant 4 : index
    %swap3A_473 = arith.constant 0 : index
    %swap3A_474 = vector.load %arg5[%swap3A_471, %swap3A_472, %swap3A_473] : memref<512x16x640xf32, #tpu.memory_space<vmem>>, vector<128x1x640xf32>
    %swap3A_475 = vector.shape_cast %swap3A_474 : vector<128x1x640xf32> to vector<128x640xf32>
    %swap3A_476 = vector.shape_cast %dot_general3A_470 : vector<128x640xf32> to vector<128x1x640xf32>
    tpu.vector_store %arg5[%swap3A_471, %swap3A_472, %swap3A_473], %swap3A_476 {strides = array<i32>} : memref<512x16x640xf32, #tpu.memory_space<vmem>>, vector<128x1x640xf32>,
    %get3A_477 = arith.constant 4 : index
    %get3A_478 = arith.constant 256 : index
    %get3A_479 = arith.constant 0 : index
    %get3A_480 = vector.load %arg4[%get3A_477, %get3A_478, %get3A_479] : memref<16x512x64xf32, #tpu.memory_space<vmem>>, vector<1x128x64xf32>
    %get3A_481 = vector.shape_cast %get3A_480 : vector<1x128x64xf32> to vector<128x64xf32>
    %dot_general3A_482 = arith.constant dense<0.000000e+00> : vector<128x640xf32>
    %dot_general3A_483 = tpu.matmul %get3A_481, %select_n3A_450, %dot_general3A_482 {dimension_numbers = #tpu.dot_dimension_numbers<[1], [0], [0], [1], [0, 0, 1, 1], [], []>, transpose_lhs_hint = false} : vector<128x64xf32>, vector<64x640xf32>, vector<128x640xf32> -> vector<128x640xf32>
    %swap3A_484 = arith.constant 256 : index
    %swap3A_485 = arith.constant 4 : index
    %swap3A_486 = arith.constant 0 : index
    %swap3A_487 = vector.load %arg5[%swap3A_484, %swap3A_485, %swap3A_486] : memref<512x16x640xf32, #tpu.memory_space<vmem>>, vector<128x1x640xf32>
    %swap3A_488 = vector.shape_cast %swap3A_487 : vector<128x1x640xf32> to vector<128x640xf32>
    %swap3A_489 = vector.shape_cast %dot_general3A_483 : vector<128x640xf32> to vector<128x1x640xf32>
    tpu.vector_store %arg5[%swap3A_484, %swap3A_485, %swap3A_486], %swap3A_489 {strides = array<i32>} : memref<512x16x640xf32, #tpu.memory_space<vmem>>, vector<128x1x640xf32>,
    %get3A_490 = arith.constant 4 : index
    %get3A_491 = arith.constant 384 : index
    %get3A_492 = arith.constant 0 : index
    %get3A_493 = vector.load %arg4[%get3A_490, %get3A_491, %get3A_492] : memref<16x512x64xf32, #tpu.memory_space<vmem>>, vector<1x128x64xf32>
    %get3A_494 = vector.shape_cast %get3A_493 : vector<1x128x64xf32> to vector<128x64xf32>
    %dot_general3A_495 = arith.constant dense<0.000000e+00> : vector<128x640xf32>
    %dot_general3A_496 = tpu.matmul %get3A_494, %select_n3A_450, %dot_general3A_495 {dimension_numbers = #tpu.dot_dimension_numbers<[1], [0], [0], [1], [0, 0, 1, 1], [], []>, transpose_lhs_hint = false} : vector<128x64xf32>, vector<64x640xf32>, vector<128x640xf32> -> vector<128x640xf32>
    %swap3A_497 = arith.constant 384 : index
    %swap3A_498 = arith.constant 4 : index
    %swap3A_499 = arith.constant 0 : index
    %swap3A_500 = vector.load %arg5[%swap3A_497, %swap3A_498, %swap3A_499] : memref<512x16x640xf32, #tpu.memory_space<vmem>>, vector<128x1x640xf32>
    %swap3A_501 = vector.shape_cast %swap3A_500 : vector<128x1x640xf32> to vector<128x640xf32>
    %swap3A_502 = vector.shape_cast %dot_general3A_496 : vector<128x640xf32> to vector<128x1x640xf32>
    tpu.vector_store %arg5[%swap3A_497, %swap3A_498, %swap3A_499], %swap3A_502 {strides = array<i32>} : memref<512x16x640xf32, #tpu.memory_space<vmem>>, vector<128x1x640xf32>,
    %get3A_503 = arith.constant 5 : index
    %get3A_504 = arith.constant 0 : index
    %get3A_505 = vector.load %arg1[%get3A_503, %get3A_504] : memref<16x512xi32, #tpu.memory_space<vmem>>, vector<1x512xi32>
    %get3A_506 = vector.shape_cast %get3A_505 : vector<1x512xi32> to vector<512xi32>
    %broadcast_in_dim3A_507 = arith.constant 63 : i32
    %broadcast_in_dim3A_508 = vector.broadcast %broadcast_in_dim3A_507 : i32 to vector<1xi32>
    %broadcast_in_dim3A_509 = arith.constant -7 : i32
    %broadcast_in_dim3A_510 = vector.broadcast %broadcast_in_dim3A_509 : i32 to vector<127xi32>
    %concatenate3A_511 = tpu.concatenate %get3A_506, %broadcast_in_dim3A_508, %broadcast_in_dim3A_510 in 0 : vector<512xi32>, vector<1xi32>, vector<127xi32> -> vector<640xi32>
    %iota3A_512 = tpu.iota {dimensions = array<i32: 0>} : vector<64x640xi32>
    %broadcast_in_dim3A_513 = vector.shape_cast %concatenate3A_511 : vector<640xi32> to vector<1x640xi32>
    %eq3A_514 = vector.broadcast %broadcast_in_dim3A_513 : vector<1x640xi32> to vector<64x640xi32>
    %eq3A_515 = arith.cmpi eq, %iota3A_512, %eq3A_514 : vector<64x640xi32>
    %jit3A_516 = arith.constant 1.44269502 : f32
    %jit3A_517 = arith.constant 0.000000e+00 : f32
    %broadcast_in_dim3A_518 = vector.broadcast %jit3A_516 : f32 to vector<64x640xf32>
    %broadcast_in_dim3A_519 = vector.broadcast %jit3A_517 : f32 to vector<64x640xf32>
    %select_n3A_520 = arith.select %eq3A_515, %broadcast_in_dim3A_518, %broadcast_in_dim3A_519 : vector<64x640xi1>, vector<64x640xf32>
    %get3A_521 = arith.constant 5 : index
    %get3A_522 = arith.constant 0 : index
    %get3A_523 = arith.constant 0 : index
    %get3A_524 = vector.load %arg4[%get3A_521, %get3A_522, %get3A_523] : memref<16x512x64xf32, #tpu.memory_space<vmem>>, vector<1x128x64xf32>
    %get3A_525 = vector.shape_cast %get3A_524 : vector<1x128x64xf32> to vector<128x64xf32>
    %dot_general3A_526 = arith.constant dense<0.000000e+00> : vector<128x640xf32>
    %dot_general3A_527 = tpu.matmul %get3A_525, %select_n3A_520, %dot_general3A_526 {dimension_numbers = #tpu.dot_dimension_numbers<[1], [0], [0], [1], [0, 0, 1, 1], [], []>, transpose_lhs_hint = false} : vector<128x64xf32>, vector<64x640xf32>, vector<128x640xf32> -> vector<128x640xf32>
    %swap3A_528 = arith.constant 0 : index
    %swap3A_529 = arith.constant 5 : index
    %swap3A_530 = arith.constant 0 : index
    %swap3A_531 = vector.load %arg5[%swap3A_528, %swap3A_529, %swap3A_530] : memref<512x16x640xf32, #tpu.memory_space<vmem>>, vector<128x1x640xf32>
    %swap3A_532 = vector.shape_cast %swap3A_531 : vector<128x1x640xf32> to vector<128x640xf32>
    %swap3A_533 = vector.shape_cast %dot_general3A_527 : vector<128x640xf32> to vector<128x1x640xf32>
    tpu.vector_store %arg5[%swap3A_528, %swap3A_529, %swap3A_530], %swap3A_533 {strides = array<i32>} : memref<512x16x640xf32, #tpu.memory_space<vmem>>, vector<128x1x640xf32>,
    %get3A_534 = arith.constant 5 : index
    %get3A_535 = arith.constant 128 : index
    %get3A_536 = arith.constant 0 : index
    %get3A_537 = vector.load %arg4[%get3A_534, %get3A_535, %get3A_536] : memref<16x512x64xf32, #tpu.memory_space<vmem>>, vector<1x128x64xf32>
    %get3A_538 = vector.shape_cast %get3A_537 : vector<1x128x64xf32> to vector<128x64xf32>
    %dot_general3A_539 = arith.constant dense<0.000000e+00> : vector<128x640xf32>
    %dot_general3A_540 = tpu.matmul %get3A_538, %select_n3A_520, %dot_general3A_539 {dimension_numbers = #tpu.dot_dimension_numbers<[1], [0], [0], [1], [0, 0, 1, 1], [], []>, transpose_lhs_hint = false} : vector<128x64xf32>, vector<64x640xf32>, vector<128x640xf32> -> vector<128x640xf32>
    %swap3A_541 = arith.constant 128 : index
    %swap3A_542 = arith.constant 5 : index
    %swap3A_543 = arith.constant 0 : index
    %swap3A_544 = vector.load %arg5[%swap3A_541, %swap3A_542, %swap3A_543] : memref<512x16x640xf32, #tpu.memory_space<vmem>>, vector<128x1x640xf32>
    %swap3A_545 = vector.shape_cast %swap3A_544 : vector<128x1x640xf32> to vector<128x640xf32>
    %swap3A_546 = vector.shape_cast %dot_general3A_540 : vector<128x640xf32> to vector<128x1x640xf32>
    tpu.vector_store %arg5[%swap3A_541, %swap3A_542, %swap3A_543], %swap3A_546 {strides = array<i32>} : memref<512x16x640xf32, #tpu.memory_space<vmem>>, vector<128x1x640xf32>,
    %get3A_547 = arith.constant 5 : index
    %get3A_548 = arith.constant 256 : index
    %get3A_549 = arith.constant 0 : index
    %get3A_550 = vector.load %arg4[%get3A_547, %get3A_548, %get3A_549] : memref<16x512x64xf32, #tpu.memory_space<vmem>>, vector<1x128x64xf32>
    %get3A_551 = vector.shape_cast %get3A_550 : vector<1x128x64xf32> to vector<128x64xf32>
    %dot_general3A_552 = arith.constant dense<0.000000e+00> : vector<128x640xf32>
    %dot_general3A_553 = tpu.matmul %get3A_551, %select_n3A_520, %dot_general3A_552 {dimension_numbers = #tpu.dot_dimension_numbers<[1], [0], [0], [1], [0, 0, 1, 1], [], []>, transpose_lhs_hint = false} : vector<128x64xf32>, vector<64x640xf32>, vector<128x640xf32> -> vector<128x640xf32>
    %swap3A_554 = arith.constant 256 : index
    %swap3A_555 = arith.constant 5 : index
    %swap3A_556 = arith.constant 0 : index
    %swap3A_557 = vector.load %arg5[%swap3A_554, %swap3A_555, %swap3A_556] : memref<512x16x640xf32, #tpu.memory_space<vmem>>, vector<128x1x640xf32>
    %swap3A_558 = vector.shape_cast %swap3A_557 : vector<128x1x640xf32> to vector<128x640xf32>
    %swap3A_559 = vector.shape_cast %dot_general3A_553 : vector<128x640xf32> to vector<128x1x640xf32>
    tpu.vector_store %arg5[%swap3A_554, %swap3A_555, %swap3A_556], %swap3A_559 {strides = array<i32>} : memref<512x16x640xf32, #tpu.memory_space<vmem>>, vector<128x1x640xf32>,
    %get3A_560 = arith.constant 5 : index
    %get3A_561 = arith.constant 384 : index
    %get3A_562 = arith.constant 0 : index
    %get3A_563 = vector.load %arg4[%get3A_560, %get3A_561, %get3A_562] : memref<16x512x64xf32, #tpu.memory_space<vmem>>, vector<1x128x64xf32>
    %get3A_564 = vector.shape_cast %get3A_563 : vector<1x128x64xf32> to vector<128x64xf32>
    %dot_general3A_565 = arith.constant dense<0.000000e+00> : vector<128x640xf32>
    %dot_general3A_566 = tpu.matmul %get3A_564, %select_n3A_520, %dot_general3A_565 {dimension_numbers = #tpu.dot_dimension_numbers<[1], [0], [0], [1], [0, 0, 1, 1], [], []>, transpose_lhs_hint = false} : vector<128x64xf32>, vector<64x640xf32>, vector<128x640xf32> -> vector<128x640xf32>
    %swap3A_567 = arith.constant 384 : index
    %swap3A_568 = arith.constant 5 : index
    %swap3A_569 = arith.constant 0 : index
    %swap3A_570 = vector.load %arg5[%swap3A_567, %swap3A_568, %swap3A_569] : memref<512x16x640xf32, #tpu.memory_space<vmem>>, vector<128x1x640xf32>
    %swap3A_571 = vector.shape_cast %swap3A_570 : vector<128x1x640xf32> to vector<128x640xf32>
    %swap3A_572 = vector.shape_cast %dot_general3A_566 : vector<128x640xf32> to vector<128x1x640xf32>
    tpu.vector_store %arg5[%swap3A_567, %swap3A_568, %swap3A_569], %swap3A_572 {strides = array<i32>} : memref<512x16x640xf32, #tpu.memory_space<vmem>>, vector<128x1x640xf32>,
    %get3A_573 = arith.constant 6 : index
    %get3A_574 = arith.constant 0 : index
    %get3A_575 = vector.load %arg1[%get3A_573, %get3A_574] : memref<16x512xi32, #tpu.memory_space<vmem>>, vector<1x512xi32>
    %get3A_576 = vector.shape_cast %get3A_575 : vector<1x512xi32> to vector<512xi32>
    %broadcast_in_dim3A_577 = arith.constant 63 : i32
    %broadcast_in_dim3A_578 = vector.broadcast %broadcast_in_dim3A_577 : i32 to vector<1xi32>
    %broadcast_in_dim3A_579 = arith.constant -7 : i32
    %broadcast_in_dim3A_580 = vector.broadcast %broadcast_in_dim3A_579 : i32 to vector<127xi32>
    %concatenate3A_581 = tpu.concatenate %get3A_576, %broadcast_in_dim3A_578, %broadcast_in_dim3A_580 in 0 : vector<512xi32>, vector<1xi32>, vector<127xi32> -> vector<640xi32>
    %iota3A_582 = tpu.iota {dimensions = array<i32: 0>} : vector<64x640xi32>
    %broadcast_in_dim3A_583 = vector.shape_cast %concatenate3A_581 : vector<640xi32> to vector<1x640xi32>
    %eq3A_584 = vector.broadcast %broadcast_in_dim3A_583 : vector<1x640xi32> to vector<64x640xi32>
    %eq3A_585 = arith.cmpi eq, %iota3A_582, %eq3A_584 : vector<64x640xi32>
    %jit3A_586 = arith.constant 1.44269502 : f32
    %jit3A_587 = arith.constant 0.000000e+00 : f32
    %broadcast_in_dim3A_588 = vector.broadcast %jit3A_586 : f32 to vector<64x640xf32>
    %broadcast_in_dim3A_589 = vector.broadcast %jit3A_587 : f32 to vector<64x640xf32>
    %select_n3A_590 = arith.select %eq3A_585, %broadcast_in_dim3A_588, %broadcast_in_dim3A_589 : vector<64x640xi1>, vector<64x640xf32>
    %get3A_591 = arith.constant 6 : index
    %get3A_592 = arith.constant 0 : index
    %get3A_593 = arith.constant 0 : index
    %get3A_594 = vector.load %arg4[%get3A_591, %get3A_592, %get3A_593] : memref<16x512x64xf32, #tpu.memory_space<vmem>>, vector<1x128x64xf32>
    %get3A_595 = vector.shape_cast %get3A_594 : vector<1x128x64xf32> to vector<128x64xf32>
    %dot_general3A_596 = arith.constant dense<0.000000e+00> : vector<128x640xf32>
    %dot_general3A_597 = tpu.matmul %get3A_595, %select_n3A_590, %dot_general3A_596 {dimension_numbers = #tpu.dot_dimension_numbers<[1], [0], [0], [1], [0, 0, 1, 1], [], []>, transpose_lhs_hint = false} : vector<128x64xf32>, vector<64x640xf32>, vector<128x640xf32> -> vector<128x640xf32>
    %swap3A_598 = arith.constant 0 : index
    %swap3A_599 = arith.constant 6 : index
    %swap3A_600 = arith.constant 0 : index
    %swap3A_601 = vector.load %arg5[%swap3A_598, %swap3A_599, %swap3A_600] : memref<512x16x640xf32, #tpu.memory_space<vmem>>, vector<128x1x640xf32>
    %swap3A_602 = vector.shape_cast %swap3A_601 : vector<128x1x640xf32> to vector<128x640xf32>
    %swap3A_603 = vector.shape_cast %dot_general3A_597 : vector<128x640xf32> to vector<128x1x640xf32>
    tpu.vector_store %arg5[%swap3A_598, %swap3A_599, %swap3A_600], %swap3A_603 {strides = array<i32>} : memref<512x16x640xf32, #tpu.memory_space<vmem>>, vector<128x1x640xf32>,
    %get3A_604 = arith.constant 6 : index
    %get3A_605 = arith.constant 128 : index
    %get3A_606 = arith.constant 0 : index
    %get3A_607 = vector.load %arg4[%get3A_604, %get3A_605, %get3A_606] : memref<16x512x64xf32, #tpu.memory_space<vmem>>, vector<1x128x64xf32>
    %get3A_608 = vector.shape_cast %get3A_607 : vector<1x128x64xf32> to vector<128x64xf32>
    %dot_general3A_609 = arith.constant dense<0.000000e+00> : vector<128x640xf32>
    %dot_general3A_610 = tpu.matmul %get3A_608, %select_n3A_590, %dot_general3A_609 {dimension_numbers = #tpu.dot_dimension_numbers<[1], [0], [0], [1], [0, 0, 1, 1], [], []>, transpose_lhs_hint = false} : vector<128x64xf32>, vector<64x640xf32>, vector<128x640xf32> -> vector<128x640xf32>
    %swap3A_611 = arith.constant 128 : index
    %swap3A_612 = arith.constant 6 : index
    %swap3A_613 = arith.constant 0 : index
    %swap3A_614 = vector.load %arg5[%swap3A_611, %swap3A_612, %swap3A_613] : memref<512x16x640xf32, #tpu.memory_space<vmem>>, vector<128x1x640xf32>
    %swap3A_615 = vector.shape_cast %swap3A_614 : vector<128x1x640xf32> to vector<128x640xf32>
    %swap3A_616 = vector.shape_cast %dot_general3A_610 : vector<128x640xf32> to vector<128x1x640xf32>
    tpu.vector_store %arg5[%swap3A_611, %swap3A_612, %swap3A_613], %swap3A_616 {strides = array<i32>} : memref<512x16x640xf32, #tpu.memory_space<vmem>>, vector<128x1x640xf32>,
    %get3A_617 = arith.constant 6 : index
    %get3A_618 = arith.constant 256 : index
    %get3A_619 = arith.constant 0 : index
    %get3A_620 = vector.load %arg4[%get3A_617, %get3A_618, %get3A_619] : memref<16x512x64xf32, #tpu.memory_space<vmem>>, vector<1x128x64xf32>
    %get3A_621 = vector.shape_cast %get3A_620 : vector<1x128x64xf32> to vector<128x64xf32>
    %dot_general3A_622 = arith.constant dense<0.000000e+00> : vector<128x640xf32>
    %dot_general3A_623 = tpu.matmul %get3A_621, %select_n3A_590, %dot_general3A_622 {dimension_numbers = #tpu.dot_dimension_numbers<[1], [0], [0], [1], [0, 0, 1, 1], [], []>, transpose_lhs_hint = false} : vector<128x64xf32>, vector<64x640xf32>, vector<128x640xf32> -> vector<128x640xf32>
    %swap3A_624 = arith.constant 256 : index
    %swap3A_625 = arith.constant 6 : index
    %swap3A_626 = arith.constant 0 : index
    %swap3A_627 = vector.load %arg5[%swap3A_624, %swap3A_625, %swap3A_626] : memref<512x16x640xf32, #tpu.memory_space<vmem>>, vector<128x1x640xf32>
    %swap3A_628 = vector.shape_cast %swap3A_627 : vector<128x1x640xf32> to vector<128x640xf32>
    %swap3A_629 = vector.shape_cast %dot_general3A_623 : vector<128x640xf32> to vector<128x1x640xf32>
    tpu.vector_store %arg5[%swap3A_624, %swap3A_625, %swap3A_626], %swap3A_629 {strides = array<i32>} : memref<512x16x640xf32, #tpu.memory_space<vmem>>, vector<128x1x640xf32>,
    %get3A_630 = arith.constant 6 : index
    %get3A_631 = arith.constant 384 : index
    %get3A_632 = arith.constant 0 : index
    %get3A_633 = vector.load %arg4[%get3A_630, %get3A_631, %get3A_632] : memref<16x512x64xf32, #tpu.memory_space<vmem>>, vector<1x128x64xf32>
    %get3A_634 = vector.shape_cast %get3A_633 : vector<1x128x64xf32> to vector<128x64xf32>
    %dot_general3A_635 = arith.constant dense<0.000000e+00> : vector<128x640xf32>
    %dot_general3A_636 = tpu.matmul %get3A_634, %select_n3A_590, %dot_general3A_635 {dimension_numbers = #tpu.dot_dimension_numbers<[1], [0], [0], [1], [0, 0, 1, 1], [], []>, transpose_lhs_hint = false} : vector<128x64xf32>, vector<64x640xf32>, vector<128x640xf32> -> vector<128x640xf32>
    %swap3A_637 = arith.constant 384 : index
    %swap3A_638 = arith.constant 6 : index
    %swap3A_639 = arith.constant 0 : index
    %swap3A_640 = vector.load %arg5[%swap3A_637, %swap3A_638, %swap3A_639] : memref<512x16x640xf32, #tpu.memory_space<vmem>>, vector<128x1x640xf32>
    %swap3A_641 = vector.shape_cast %swap3A_640 : vector<128x1x640xf32> to vector<128x640xf32>
    %swap3A_642 = vector.shape_cast %dot_general3A_636 : vector<128x640xf32> to vector<128x1x640xf32>
    tpu.vector_store %arg5[%swap3A_637, %swap3A_638, %swap3A_639], %swap3A_642 {strides = array<i32>} : memref<512x16x640xf32, #tpu.memory_space<vmem>>, vector<128x1x640xf32>,
    %get3A_643 = arith.constant 7 : index
    %get3A_644 = arith.constant 0 : index
    %get3A_645 = vector.load %arg1[%get3A_643, %get3A_644] : memref<16x512xi32, #tpu.memory_space<vmem>>, vector<1x512xi32>
    %get3A_646 = vector.shape_cast %get3A_645 : vector<1x512xi32> to vector<512xi32>
    %broadcast_in_dim3A_647 = arith.constant 63 : i32
    %broadcast_in_dim3A_648 = vector.broadcast %broadcast_in_dim3A_647 : i32 to vector<1xi32>
    %broadcast_in_dim3A_649 = arith.constant -7 : i32
    %broadcast_in_dim3A_650 = vector.broadcast %broadcast_in_dim3A_649 : i32 to vector<127xi32>
    %concatenate3A_651 = tpu.concatenate %get3A_646, %broadcast_in_dim3A_648, %broadcast_in_dim3A_650 in 0 : vector<512xi32>, vector<1xi32>, vector<127xi32> -> vector<640xi32>
    %iota3A_652 = tpu.iota {dimensions = array<i32: 0>} : vector<64x640xi32>
    %broadcast_in_dim3A_653 = vector.shape_cast %concatenate3A_651 : vector<640xi32> to vector<1x640xi32>
    %eq3A_654 = vector.broadcast %broadcast_in_dim3A_653 : vector<1x640xi32> to vector<64x640xi32>
    %eq3A_655 = arith.cmpi eq, %iota3A_652, %eq3A_654 : vector<64x640xi32>
    %jit3A_656 = arith.constant 1.44269502 : f32
    %jit3A_657 = arith.constant 0.000000e+00 : f32
    %broadcast_in_dim3A_658 = vector.broadcast %jit3A_656 : f32 to vector<64x640xf32>
    %broadcast_in_dim3A_659 = vector.broadcast %jit3A_657 : f32 to vector<64x640xf32>
    %select_n3A_660 = arith.select %eq3A_655, %broadcast_in_dim3A_658, %broadcast_in_dim3A_659 : vector<64x640xi1>, vector<64x640xf32>
    %get3A_661 = arith.constant 7 : index
    %get3A_662 = arith.constant 0 : index
    %get3A_663 = arith.constant 0 : index
    %get3A_664 = vector.load %arg4[%get3A_661, %get3A_662, %get3A_663] : memref<16x512x64xf32, #tpu.memory_space<vmem>>, vector<1x128x64xf32>
    %get3A_665 = vector.shape_cast %get3A_664 : vector<1x128x64xf32> to vector<128x64xf32>
    %dot_general3A_666 = arith.constant dense<0.000000e+00> : vector<128x640xf32>
    %dot_general3A_667 = tpu.matmul %get3A_665, %select_n3A_660, %dot_general3A_666 {dimension_numbers = #tpu.dot_dimension_numbers<[1], [0], [0], [1], [0, 0, 1, 1], [], []>, transpose_lhs_hint = false} : vector<128x64xf32>, vector<64x640xf32>, vector<128x640xf32> -> vector<128x640xf32>
    %swap3A_668 = arith.constant 0 : index
    %swap3A_669 = arith.constant 7 : index
    %swap3A_670 = arith.constant 0 : index
    %swap3A_671 = vector.load %arg5[%swap3A_668, %swap3A_669, %swap3A_670] : memref<512x16x640xf32, #tpu.memory_space<vmem>>, vector<128x1x640xf32>
    %swap3A_672 = vector.shape_cast %swap3A_671 : vector<128x1x640xf32> to vector<128x640xf32>
    %swap3A_673 = vector.shape_cast %dot_general3A_667 : vector<128x640xf32> to vector<128x1x640xf32>
    tpu.vector_store %arg5[%swap3A_668, %swap3A_669, %swap3A_670], %swap3A_673 {strides = array<i32>} : memref<512x16x640xf32, #tpu.memory_space<vmem>>, vector<128x1x640xf32>,
    %get3A_674 = arith.constant 7 : index
    %get3A_675 = arith.constant 128 : index
    %get3A_676 = arith.constant 0 : index
    %get3A_677 = vector.load %arg4[%get3A_674, %get3A_675, %get3A_676] : memref<16x512x64xf32, #tpu.memory_space<vmem>>, vector<1x128x64xf32>
    %get3A_678 = vector.shape_cast %get3A_677 : vector<1x128x64xf32> to vector<128x64xf32>
    %dot_general3A_679 = arith.constant dense<0.000000e+00> : vector<128x640xf32>
    %dot_general3A_680 = tpu.matmul %get3A_678, %select_n3A_660, %dot_general3A_679 {dimension_numbers = #tpu.dot_dimension_numbers<[1], [0], [0], [1], [0, 0, 1, 1], [], []>, transpose_lhs_hint = false} : vector<128x64xf32>, vector<64x640xf32>, vector<128x640xf32> -> vector<128x640xf32>
    %swap3A_681 = arith.constant 128 : index
    %swap3A_682 = arith.constant 7 : index
    %swap3A_683 = arith.constant 0 : index
    %swap3A_684 = vector.load %arg5[%swap3A_681, %swap3A_682, %swap3A_683] : memref<512x16x640xf32, #tpu.memory_space<vmem>>, vector<128x1x640xf32>
    %swap3A_685 = vector.shape_cast %swap3A_684 : vector<128x1x640xf32> to vector<128x640xf32>
    %swap3A_686 = vector.shape_cast %dot_general3A_680 : vector<128x640xf32> to vector<128x1x640xf32>
    tpu.vector_store %arg5[%swap3A_681, %swap3A_682, %swap3A_683], %swap3A_686 {strides = array<i32>} : memref<512x16x640xf32, #tpu.memory_space<vmem>>, vector<128x1x640xf32>,
    %get3A_687 = arith.constant 7 : index
    %get3A_688 = arith.constant 256 : index
    %get3A_689 = arith.constant 0 : index
    %get3A_690 = vector.load %arg4[%get3A_687, %get3A_688, %get3A_689] : memref<16x512x64xf32, #tpu.memory_space<vmem>>, vector<1x128x64xf32>
    %get3A_691 = vector.shape_cast %get3A_690 : vector<1x128x64xf32> to vector<128x64xf32>
    %dot_general3A_692 = arith.constant dense<0.000000e+00> : vector<128x640xf32>
    %dot_general3A_693 = tpu.matmul %get3A_691, %select_n3A_660, %dot_general3A_692 {dimension_numbers = #tpu.dot_dimension_numbers<[1], [0], [0], [1], [0, 0, 1, 1], [], []>, transpose_lhs_hint = false} : vector<128x64xf32>, vector<64x640xf32>, vector<128x640xf32> -> vector<128x640xf32>
    %swap3A_694 = arith.constant 256 : index
    %swap3A_695 = arith.constant 7 : index
    %swap3A_696 = arith.constant 0 : index
    %swap3A_697 = vector.load %arg5[%swap3A_694, %swap3A_695, %swap3A_696] : memref<512x16x640xf32, #tpu.memory_space<vmem>>, vector<128x1x640xf32>
    %swap3A_698 = vector.shape_cast %swap3A_697 : vector<128x1x640xf32> to vector<128x640xf32>
    %swap3A_699 = vector.shape_cast %dot_general3A_693 : vector<128x640xf32> to vector<128x1x640xf32>
    tpu.vector_store %arg5[%swap3A_694, %swap3A_695, %swap3A_696], %swap3A_699 {strides = array<i32>} : memref<512x16x640xf32, #tpu.memory_space<vmem>>, vector<128x1x640xf32>,
    %get3A_700 = arith.constant 7 : index
    %get3A_701 = arith.constant 384 : index
    %get3A_702 = arith.constant 0 : index
    %get3A_703 = vector.load %arg4[%get3A_700, %get3A_701, %get3A_702] : memref<16x512x64xf32, #tpu.memory_space<vmem>>, vector<1x128x64xf32>
    %get3A_704 = vector.shape_cast %get3A_703 : vector<1x128x64xf32> to vector<128x64xf32>
    %dot_general3A_705 = arith.constant dense<0.000000e+00> : vector<128x640xf32>
    %dot_general3A_706 = tpu.matmul %get3A_704, %select_n3A_660, %dot_general3A_705 {dimension_numbers = #tpu.dot_dimension_numbers<[1], [0], [0], [1], [0, 0, 1, 1], [], []>, transpose_lhs_hint = false} : vector<128x64xf32>, vector<64x640xf32>, vector<128x640xf32> -> vector<128x640xf32>
    %swap3A_707 = arith.constant 384 : index
    %swap3A_708 = arith.constant 7 : index
    %swap3A_709 = arith.constant 0 : index
    %swap3A_710 = vector.load %arg5[%swap3A_707, %swap3A_708, %swap3A_709] : memref<512x16x640xf32, #tpu.memory_space<vmem>>, vector<128x1x640xf32>
    %swap3A_711 = vector.shape_cast %swap3A_710 : vector<128x1x640xf32> to vector<128x640xf32>
    %swap3A_712 = vector.shape_cast %dot_general3A_706 : vector<128x640xf32> to vector<128x1x640xf32>
    tpu.vector_store %arg5[%swap3A_707, %swap3A_708, %swap3A_709], %swap3A_712 {strides = array<i32>} : memref<512x16x640xf32, #tpu.memory_space<vmem>>, vector<128x1x640xf32>,
    %get3A_713 = arith.constant 8 : index
    %get3A_714 = arith.constant 0 : index
    %get3A_715 = vector.load %arg1[%get3A_713, %get3A_714] : memref<16x512xi32, #tpu.memory_space<vmem>>, vector<1x512xi32>
    %get3A_716 = vector.shape_cast %get3A_715 : vector<1x512xi32> to vector<512xi32>
    %broadcast_in_dim3A_717 = arith.constant 63 : i32
    %broadcast_in_dim3A_718 = vector.broadcast %broadcast_in_dim3A_717 : i32 to vector<1xi32>
    %broadcast_in_dim3A_719 = arith.constant -7 : i32
    %broadcast_in_dim3A_720 = vector.broadcast %broadcast_in_dim3A_719 : i32 to vector<127xi32>
    %concatenate3A_721 = tpu.concatenate %get3A_716, %broadcast_in_dim3A_718, %broadcast_in_dim3A_720 in 0 : vector<512xi32>, vector<1xi32>, vector<127xi32> -> vector<640xi32>
    %iota3A_722 = tpu.iota {dimensions = array<i32: 0>} : vector<64x640xi32>
    %broadcast_in_dim3A_723 = vector.shape_cast %concatenate3A_721 : vector<640xi32> to vector<1x640xi32>
    %eq3A_724 = vector.broadcast %broadcast_in_dim3A_723 : vector<1x640xi32> to vector<64x640xi32>
    %eq3A_725 = arith.cmpi eq, %iota3A_722, %eq3A_724 : vector<64x640xi32>
    %jit3A_726 = arith.constant 1.44269502 : f32
    %jit3A_727 = arith.constant 0.000000e+00 : f32
    %broadcast_in_dim3A_728 = vector.broadcast %jit3A_726 : f32 to vector<64x640xf32>
    %broadcast_in_dim3A_729 = vector.broadcast %jit3A_727 : f32 to vector<64x640xf32>
    %select_n3A_730 = arith.select %eq3A_725, %broadcast_in_dim3A_728, %broadcast_in_dim3A_729 : vector<64x640xi1>, vector<64x640xf32>
    %get3A_731 = arith.constant 8 : index
    %get3A_732 = arith.constant 0 : index
    %get3A_733 = arith.constant 0 : index
    %get3A_734 = vector.load %arg4[%get3A_731, %get3A_732, %get3A_733] : memref<16x512x64xf32, #tpu.memory_space<vmem>>, vector<1x128x64xf32>
    %get3A_735 = vector.shape_cast %get3A_734 : vector<1x128x64xf32> to vector<128x64xf32>
    %dot_general3A_736 = arith.constant dense<0.000000e+00> : vector<128x640xf32>
    %dot_general3A_737 = tpu.matmul %get3A_735, %select_n3A_730, %dot_general3A_736 {dimension_numbers = #tpu.dot_dimension_numbers<[1], [0], [0], [1], [0, 0, 1, 1], [], []>, transpose_lhs_hint = false} : vector<128x64xf32>, vector<64x640xf32>, vector<128x640xf32> -> vector<128x640xf32>
    %swap3A_738 = arith.constant 0 : index
    %swap3A_739 = arith.constant 8 : index
    %swap3A_740 = arith.constant 0 : index
    %swap3A_741 = vector.load %arg5[%swap3A_738, %swap3A_739, %swap3A_740] : memref<512x16x640xf32, #tpu.memory_space<vmem>>, vector<128x1x640xf32>
    %swap3A_742 = vector.shape_cast %swap3A_741 : vector<128x1x640xf32> to vector<128x640xf32>
    %swap3A_743 = vector.shape_cast %dot_general3A_737 : vector<128x640xf32> to vector<128x1x640xf32>
    tpu.vector_store %arg5[%swap3A_738, %swap3A_739, %swap3A_740], %swap3A_743 {strides = array<i32>} : memref<512x16x640xf32, #tpu.memory_space<vmem>>, vector<128x1x640xf32>,
    %get3A_744 = arith.constant 8 : index
    %get3A_745 = arith.constant 128 : index
    %get3A_746 = arith.constant 0 : index
    %get3A_747 = vector.load %arg4[%get3A_744, %get3A_745, %get3A_746] : memref<16x512x64xf32, #tpu.memory_space<vmem>>, vector<1x128x64xf32>
    %get3A_748 = vector.shape_cast %get3A_747 : vector<1x128x64xf32> to vector<128x64xf32>
    %dot_general3A_749 = arith.constant dense<0.000000e+00> : vector<128x640xf32>
    %dot_general3A_750 = tpu.matmul %get3A_748, %select_n3A_730, %dot_general3A_749 {dimension_numbers = #tpu.dot_dimension_numbers<[1], [0], [0], [1], [0, 0, 1, 1], [], []>, transpose_lhs_hint = false} : vector<128x64xf32>, vector<64x640xf32>, vector<128x640xf32> -> vector<128x640xf32>
    %swap3A_751 = arith.constant 128 : index
    %swap3A_752 = arith.constant 8 : index
    %swap3A_753 = arith.constant 0 : index
    %swap3A_754 = vector.load %arg5[%swap3A_751, %swap3A_752, %swap3A_753] : memref<512x16x640xf32, #tpu.memory_space<vmem>>, vector<128x1x640xf32>
    %swap3A_755 = vector.shape_cast %swap3A_754 : vector<128x1x640xf32> to vector<128x640xf32>
    %swap3A_756 = vector.shape_cast %dot_general3A_750 : vector<128x640xf32> to vector<128x1x640xf32>
    tpu.vector_store %arg5[%swap3A_751, %swap3A_752, %swap3A_753], %swap3A_756 {strides = array<i32>} : memref<512x16x640xf32, #tpu.memory_space<vmem>>, vector<128x1x640xf32>,
    %get3A_757 = arith.constant 8 : index
    %get3A_758 = arith.constant 256 : index
    %get3A_759 = arith.constant 0 : index
    %get3A_760 = vector.load %arg4[%get3A_757, %get3A_758, %get3A_759] : memref<16x512x64xf32, #tpu.memory_space<vmem>>, vector<1x128x64xf32>
    %get3A_761 = vector.shape_cast %get3A_760 : vector<1x128x64xf32> to vector<128x64xf32>
    %dot_general3A_762 = arith.constant dense<0.000000e+00> : vector<128x640xf32>
    %dot_general3A_763 = tpu.matmul %get3A_761, %select_n3A_730, %dot_general3A_762 {dimension_numbers = #tpu.dot_dimension_numbers<[1], [0], [0], [1], [0, 0, 1, 1], [], []>, transpose_lhs_hint = false} : vector<128x64xf32>, vector<64x640xf32>, vector<128x640xf32> -> vector<128x640xf32>
    %swap3A_764 = arith.constant 256 : index
    %swap3A_765 = arith.constant 8 : index
    %swap3A_766 = arith.constant 0 : index
    %swap3A_767 = vector.load %arg5[%swap3A_764, %swap3A_765, %swap3A_766] : memref<512x16x640xf32, #tpu.memory_space<vmem>>, vector<128x1x640xf32>
    %swap3A_768 = vector.shape_cast %swap3A_767 : vector<128x1x640xf32> to vector<128x640xf32>
    %swap3A_769 = vector.shape_cast %dot_general3A_763 : vector<128x640xf32> to vector<128x1x640xf32>
    tpu.vector_store %arg5[%swap3A_764, %swap3A_765, %swap3A_766], %swap3A_769 {strides = array<i32>} : memref<512x16x640xf32, #tpu.memory_space<vmem>>, vector<128x1x640xf32>,
    %get3A_770 = arith.constant 8 : index
    %get3A_771 = arith.constant 384 : index
    %get3A_772 = arith.constant 0 : index
    %get3A_773 = vector.load %arg4[%get3A_770, %get3A_771, %get3A_772] : memref<16x512x64xf32, #tpu.memory_space<vmem>>, vector<1x128x64xf32>
    %get3A_774 = vector.shape_cast %get3A_773 : vector<1x128x64xf32> to vector<128x64xf32>
    %dot_general3A_775 = arith.constant dense<0.000000e+00> : vector<128x640xf32>
    %dot_general3A_776 = tpu.matmul %get3A_774, %select_n3A_730, %dot_general3A_775 {dimension_numbers = #tpu.dot_dimension_numbers<[1], [0], [0], [1], [0, 0, 1, 1], [], []>, transpose_lhs_hint = false} : vector<128x64xf32>, vector<64x640xf32>, vector<128x640xf32> -> vector<128x640xf32>
    %swap3A_777 = arith.constant 384 : index
    %swap3A_778 = arith.constant 8 : index
    %swap3A_779 = arith.constant 0 : index
    %swap3A_780 = vector.load %arg5[%swap3A_777, %swap3A_778, %swap3A_779] : memref<512x16x640xf32, #tpu.memory_space<vmem>>, vector<128x1x640xf32>
    %swap3A_781 = vector.shape_cast %swap3A_780 : vector<128x1x640xf32> to vector<128x640xf32>
    %swap3A_782 = vector.shape_cast %dot_general3A_776 : vector<128x640xf32> to vector<128x1x640xf32>
    tpu.vector_store %arg5[%swap3A_777, %swap3A_778, %swap3A_779], %swap3A_782 {strides = array<i32>} : memref<512x16x640xf32, #tpu.memory_space<vmem>>, vector<128x1x640xf32>,
    %get3A_783 = arith.constant 9 : index
    %get3A_784 = arith.constant 0 : index
    %get3A_785 = vector.load %arg1[%get3A_783, %get3A_784] : memref<16x512xi32, #tpu.memory_space<vmem>>, vector<1x512xi32>
    %get3A_786 = vector.shape_cast %get3A_785 : vector<1x512xi32> to vector<512xi32>
    %broadcast_in_dim3A_787 = arith.constant 63 : i32
    %broadcast_in_dim3A_788 = vector.broadcast %broadcast_in_dim3A_787 : i32 to vector<1xi32>
    %broadcast_in_dim3A_789 = arith.constant -7 : i32
    %broadcast_in_dim3A_790 = vector.broadcast %broadcast_in_dim3A_789 : i32 to vector<127xi32>
    %concatenate3A_791 = tpu.concatenate %get3A_786, %broadcast_in_dim3A_788, %broadcast_in_dim3A_790 in 0 : vector<512xi32>, vector<1xi32>, vector<127xi32> -> vector<640xi32>
    %iota3A_792 = tpu.iota {dimensions = array<i32: 0>} : vector<64x640xi32>
    %broadcast_in_dim3A_793 = vector.shape_cast %concatenate3A_791 : vector<640xi32> to vector<1x640xi32>
    %eq3A_794 = vector.broadcast %broadcast_in_dim3A_793 : vector<1x640xi32> to vector<64x640xi32>
    %eq3A_795 = arith.cmpi eq, %iota3A_792, %eq3A_794 : vector<64x640xi32>
    %jit3A_796 = arith.constant 1.44269502 : f32
    %jit3A_797 = arith.constant 0.000000e+00 : f32
    %broadcast_in_dim3A_798 = vector.broadcast %jit3A_796 : f32 to vector<64x640xf32>
    %broadcast_in_dim3A_799 = vector.broadcast %jit3A_797 : f32 to vector<64x640xf32>
    %select_n3A_800 = arith.select %eq3A_795, %broadcast_in_dim3A_798, %broadcast_in_dim3A_799 : vector<64x640xi1>, vector<64x640xf32>
    %get3A_801 = arith.constant 9 : index
    %get3A_802 = arith.constant 0 : index
    %get3A_803 = arith.constant 0 : index
    %get3A_804 = vector.load %arg4[%get3A_801, %get3A_802, %get3A_803] : memref<16x512x64xf32, #tpu.memory_space<vmem>>, vector<1x128x64xf32>
    %get3A_805 = vector.shape_cast %get3A_804 : vector<1x128x64xf32> to vector<128x64xf32>
    %dot_general3A_806 = arith.constant dense<0.000000e+00> : vector<128x640xf32>
    %dot_general3A_807 = tpu.matmul %get3A_805, %select_n3A_800, %dot_general3A_806 {dimension_numbers = #tpu.dot_dimension_numbers<[1], [0], [0], [1], [0, 0, 1, 1], [], []>, transpose_lhs_hint = false} : vector<128x64xf32>, vector<64x640xf32>, vector<128x640xf32> -> vector<128x640xf32>
    %swap3A_808 = arith.constant 0 : index
    %swap3A_809 = arith.constant 9 : index
    %swap3A_810 = arith.constant 0 : index
    %swap3A_811 = vector.load %arg5[%swap3A_808, %swap3A_809, %swap3A_810] : memref<512x16x640xf32, #tpu.memory_space<vmem>>, vector<128x1x640xf32>
    %swap3A_812 = vector.shape_cast %swap3A_811 : vector<128x1x640xf32> to vector<128x640xf32>
    %swap3A_813 = vector.shape_cast %dot_general3A_807 : vector<128x640xf32> to vector<128x1x640xf32>
    tpu.vector_store %arg5[%swap3A_808, %swap3A_809, %swap3A_810], %swap3A_813 {strides = array<i32>} : memref<512x16x640xf32, #tpu.memory_space<vmem>>, vector<128x1x640xf32>,
    %get3A_814 = arith.constant 9 : index
    %get3A_815 = arith.constant 128 : index
    %get3A_816 = arith.constant 0 : index
    %get3A_817 = vector.load %arg4[%get3A_814, %get3A_815, %get3A_816] : memref<16x512x64xf32, #tpu.memory_space<vmem>>, vector<1x128x64xf32>
    %get3A_818 = vector.shape_cast %get3A_817 : vector<1x128x64xf32> to vector<128x64xf32>
    %dot_general3A_819 = arith.constant dense<0.000000e+00> : vector<128x640xf32>
    %dot_general3A_820 = tpu.matmul %get3A_818, %select_n3A_800, %dot_general3A_819 {dimension_numbers = #tpu.dot_dimension_numbers<[1], [0], [0], [1], [0, 0, 1, 1], [], []>, transpose_lhs_hint = false} : vector<128x64xf32>, vector<64x640xf32>, vector<128x640xf32> -> vector<128x640xf32>
    %swap3A_821 = arith.constant 128 : index
    %swap3A_822 = arith.constant 9 : index
    %swap3A_823 = arith.constant 0 : index
    %swap3A_824 = vector.load %arg5[%swap3A_821, %swap3A_822, %swap3A_823] : memref<512x16x640xf32, #tpu.memory_space<vmem>>, vector<128x1x640xf32>
    %swap3A_825 = vector.shape_cast %swap3A_824 : vector<128x1x640xf32> to vector<128x640xf32>
    %swap3A_826 = vector.shape_cast %dot_general3A_820 : vector<128x640xf32> to vector<128x1x640xf32>
    tpu.vector_store %arg5[%swap3A_821, %swap3A_822, %swap3A_823], %swap3A_826 {strides = array<i32>} : memref<512x16x640xf32, #tpu.memory_space<vmem>>, vector<128x1x640xf32>,
    %get3A_827 = arith.constant 9 : index
    %get3A_828 = arith.constant 256 : index
    %get3A_829 = arith.constant 0 : index
    %get3A_830 = vector.load %arg4[%get3A_827, %get3A_828, %get3A_829] : memref<16x512x64xf32, #tpu.memory_space<vmem>>, vector<1x128x64xf32>
    %get3A_831 = vector.shape_cast %get3A_830 : vector<1x128x64xf32> to vector<128x64xf32>
    %dot_general3A_832 = arith.constant dense<0.000000e+00> : vector<128x640xf32>
    %dot_general3A_833 = tpu.matmul %get3A_831, %select_n3A_800, %dot_general3A_832 {dimension_numbers = #tpu.dot_dimension_numbers<[1], [0], [0], [1], [0, 0, 1, 1], [], []>, transpose_lhs_hint = false} : vector<128x64xf32>, vector<64x640xf32>, vector<128x640xf32> -> vector<128x640xf32>
    %swap3A_834 = arith.constant 256 : index
    %swap3A_835 = arith.constant 9 : index
    %swap3A_836 = arith.constant 0 : index
    %swap3A_837 = vector.load %arg5[%swap3A_834, %swap3A_835, %swap3A_836] : memref<512x16x640xf32, #tpu.memory_space<vmem>>, vector<128x1x640xf32>
    %swap3A_838 = vector.shape_cast %swap3A_837 : vector<128x1x640xf32> to vector<128x640xf32>
    %swap3A_839 = vector.shape_cast %dot_general3A_833 : vector<128x640xf32> to vector<128x1x640xf32>
    tpu.vector_store %arg5[%swap3A_834, %swap3A_835, %swap3A_836], %swap3A_839 {strides = array<i32>} : memref<512x16x640xf32, #tpu.memory_space<vmem>>, vector<128x1x640xf32>,
    %get3A_840 = arith.constant 9 : index
    %get3A_841 = arith.constant 384 : index
    %get3A_842 = arith.constant 0 : index
    %get3A_843 = vector.load %arg4[%get3A_840, %get3A_841, %get3A_842] : memref<16x512x64xf32, #tpu.memory_space<vmem>>, vector<1x128x64xf32>
    %get3A_844 = vector.shape_cast %get3A_843 : vector<1x128x64xf32> to vector<128x64xf32>
    %dot_general3A_845 = arith.constant dense<0.000000e+00> : vector<128x640xf32>
    %dot_general3A_846 = tpu.matmul %get3A_844, %select_n3A_800, %dot_general3A_845 {dimension_numbers = #tpu.dot_dimension_numbers<[1], [0], [0], [1], [0, 0, 1, 1], [], []>, transpose_lhs_hint = false} : vector<128x64xf32>, vector<64x640xf32>, vector<128x640xf32> -> vector<128x640xf32>
    %swap3A_847 = arith.constant 384 : index
    %swap3A_848 = arith.constant 9 : index
    %swap3A_849 = arith.constant 0 : index
    %swap3A_850 = vector.load %arg5[%swap3A_847, %swap3A_848, %swap3A_849] : memref<512x16x640xf32, #tpu.memory_space<vmem>>, vector<128x1x640xf32>
    %swap3A_851 = vector.shape_cast %swap3A_850 : vector<128x1x640xf32> to vector<128x640xf32>
    %swap3A_852 = vector.shape_cast %dot_general3A_846 : vector<128x640xf32> to vector<128x1x640xf32>
    tpu.vector_store %arg5[%swap3A_847, %swap3A_848, %swap3A_849], %swap3A_852 {strides = array<i32>} : memref<512x16x640xf32, #tpu.memory_space<vmem>>, vector<128x1x640xf32>,
    %get3A_853 = arith.constant 10 : index
    %get3A_854 = arith.constant 0 : index
    %get3A_855 = vector.load %arg1[%get3A_853, %get3A_854] : memref<16x512xi32, #tpu.memory_space<vmem>>, vector<1x512xi32>
    %get3A_856 = vector.shape_cast %get3A_855 : vector<1x512xi32> to vector<512xi32>
    %broadcast_in_dim3A_857 = arith.constant 63 : i32
    %broadcast_in_dim3A_858 = vector.broadcast %broadcast_in_dim3A_857 : i32 to vector<1xi32>
    %broadcast_in_dim3A_859 = arith.constant -7 : i32
    %broadcast_in_dim3A_860 = vector.broadcast %broadcast_in_dim3A_859 : i32 to vector<127xi32>
    %concatenate3A_861 = tpu.concatenate %get3A_856, %broadcast_in_dim3A_858, %broadcast_in_dim3A_860 in 0 : vector<512xi32>, vector<1xi32>, vector<127xi32> -> vector<640xi32>
    %iota3A_862 = tpu.iota {dimensions = array<i32: 0>} : vector<64x640xi32>
    %broadcast_in_dim3A_863 = vector.shape_cast %concatenate3A_861 : vector<640xi32> to vector<1x640xi32>
    %eq3A_864 = vector.broadcast %broadcast_in_dim3A_863 : vector<1x640xi32> to vector<64x640xi32>
    %eq3A_865 = arith.cmpi eq, %iota3A_862, %eq3A_864 : vector<64x640xi32>
    %jit3A_866 = arith.constant 1.44269502 : f32
    %jit3A_867 = arith.constant 0.000000e+00 : f32
    %broadcast_in_dim3A_868 = vector.broadcast %jit3A_866 : f32 to vector<64x640xf32>
    %broadcast_in_dim3A_869 = vector.broadcast %jit3A_867 : f32 to vector<64x640xf32>
    %select_n3A_870 = arith.select %eq3A_865, %broadcast_in_dim3A_868, %broadcast_in_dim3A_869 : vector<64x640xi1>, vector<64x640xf32>
    %get3A_871 = arith.constant 10 : index
    %get3A_872 = arith.constant 0 : index
    %get3A_873 = arith.constant 0 : index
    %get3A_874 = vector.load %arg4[%get3A_871, %get3A_872, %get3A_873] : memref<16x512x64xf32, #tpu.memory_space<vmem>>, vector<1x128x64xf32>
    %get3A_875 = vector.shape_cast %get3A_874 : vector<1x128x64xf32> to vector<128x64xf32>
    %dot_general3A_876 = arith.constant dense<0.000000e+00> : vector<128x640xf32>
    %dot_general3A_877 = tpu.matmul %get3A_875, %select_n3A_870, %dot_general3A_876 {dimension_numbers = #tpu.dot_dimension_numbers<[1], [0], [0], [1], [0, 0, 1, 1], [], []>, transpose_lhs_hint = false} : vector<128x64xf32>, vector<64x640xf32>, vector<128x640xf32> -> vector<128x640xf32>
    %swap3A_878 = arith.constant 0 : index
    %swap3A_879 = arith.constant 10 : index
    %swap3A_880 = arith.constant 0 : index
    %swap3A_881 = vector.load %arg5[%swap3A_878, %swap3A_879, %swap3A_880] : memref<512x16x640xf32, #tpu.memory_space<vmem>>, vector<128x1x640xf32>
    %swap3A_882 = vector.shape_cast %swap3A_881 : vector<128x1x640xf32> to vector<128x640xf32>
    %swap3A_883 = vector.shape_cast %dot_general3A_877 : vector<128x640xf32> to vector<128x1x640xf32>
    tpu.vector_store %arg5[%swap3A_878, %swap3A_879, %swap3A_880], %swap3A_883 {strides = array<i32>} : memref<512x16x640xf32, #tpu.memory_space<vmem>>, vector<128x1x640xf32>,
    %get3A_884 = arith.constant 10 : index
    %get3A_885 = arith.constant 128 : index
    %get3A_886 = arith.constant 0 : index
    %get3A_887 = vector.load %arg4[%get3A_884, %get3A_885, %get3A_886] : memref<16x512x64xf32, #tpu.memory_space<vmem>>, vector<1x128x64xf32>
    %get3A_888 = vector.shape_cast %get3A_887 : vector<1x128x64xf32> to vector<128x64xf32>
    %dot_general3A_889 = arith.constant dense<0.000000e+00> : vector<128x640xf32>
    %dot_general3A_890 = tpu.matmul %get3A_888, %select_n3A_870, %dot_general3A_889 {dimension_numbers = #tpu.dot_dimension_numbers<[1], [0], [0], [1], [0, 0, 1, 1], [], []>, transpose_lhs_hint = false} : vector<128x64xf32>, vector<64x640xf32>, vector<128x640xf32> -> vector<128x640xf32>
    %swap3A_891 = arith.constant 128 : index
    %swap3A_892 = arith.constant 10 : index
    %swap3A_893 = arith.constant 0 : index
    %swap3A_894 = vector.load %arg5[%swap3A_891, %swap3A_892, %swap3A_893] : memref<512x16x640xf32, #tpu.memory_space<vmem>>, vector<128x1x640xf32>
    %swap3A_895 = vector.shape_cast %swap3A_894 : vector<128x1x640xf32> to vector<128x640xf32>
    %swap3A_896 = vector.shape_cast %dot_general3A_890 : vector<128x640xf32> to vector<128x1x640xf32>
    tpu.vector_store %arg5[%swap3A_891, %swap3A_892, %swap3A_893], %swap3A_896 {strides = array<i32>} : memref<512x16x640xf32, #tpu.memory_space<vmem>>, vector<128x1x640xf32>,
    %get3A_897 = arith.constant 10 : index
    %get3A_898 = arith.constant 256 : index
    %get3A_899 = arith.constant 0 : index
    %get3A_900 = vector.load %arg4[%get3A_897, %get3A_898, %get3A_899] : memref<16x512x64xf32, #tpu.memory_space<vmem>>, vector<1x128x64xf32>
    %get3A_901 = vector.shape_cast %get3A_900 : vector<1x128x64xf32> to vector<128x64xf32>
    %dot_general3A_902 = arith.constant dense<0.000000e+00> : vector<128x640xf32>
    %dot_general3A_903 = tpu.matmul %get3A_901, %select_n3A_870, %dot_general3A_902 {dimension_numbers = #tpu.dot_dimension_numbers<[1], [0], [0], [1], [0, 0, 1, 1], [], []>, transpose_lhs_hint = false} : vector<128x64xf32>, vector<64x640xf32>, vector<128x640xf32> -> vector<128x640xf32>
    %swap3A_904 = arith.constant 256 : index
    %swap3A_905 = arith.constant 10 : index
    %swap3A_906 = arith.constant 0 : index
    %swap3A_907 = vector.load %arg5[%swap3A_904, %swap3A_905, %swap3A_906] : memref<512x16x640xf32, #tpu.memory_space<vmem>>, vector<128x1x640xf32>
    %swap3A_908 = vector.shape_cast %swap3A_907 : vector<128x1x640xf32> to vector<128x640xf32>
    %swap3A_909 = vector.shape_cast %dot_general3A_903 : vector<128x640xf32> to vector<128x1x640xf32>
    tpu.vector_store %arg5[%swap3A_904, %swap3A_905, %swap3A_906], %swap3A_909 {strides = array<i32>} : memref<512x16x640xf32, #tpu.memory_space<vmem>>, vector<128x1x640xf32>,
    %get3A_910 = arith.constant 10 : index
    %get3A_911 = arith.constant 384 : index
    %get3A_912 = arith.constant 0 : index
    %get3A_913 = vector.load %arg4[%get3A_910, %get3A_911, %get3A_912] : memref<16x512x64xf32, #tpu.memory_space<vmem>>, vector<1x128x64xf32>
    %get3A_914 = vector.shape_cast %get3A_913 : vector<1x128x64xf32> to vector<128x64xf32>
    %dot_general3A_915 = arith.constant dense<0.000000e+00> : vector<128x640xf32>
    %dot_general3A_916 = tpu.matmul %get3A_914, %select_n3A_870, %dot_general3A_915 {dimension_numbers = #tpu.dot_dimension_numbers<[1], [0], [0], [1], [0, 0, 1, 1], [], []>, transpose_lhs_hint = false} : vector<128x64xf32>, vector<64x640xf32>, vector<128x640xf32> -> vector<128x640xf32>
    %swap3A_917 = arith.constant 384 : index
    %swap3A_918 = arith.constant 10 : index
    %swap3A_919 = arith.constant 0 : index
    %swap3A_920 = vector.load %arg5[%swap3A_917, %swap3A_918, %swap3A_919] : memref<512x16x640xf32, #tpu.memory_space<vmem>>, vector<128x1x640xf32>
    %swap3A_921 = vector.shape_cast %swap3A_920 : vector<128x1x640xf32> to vector<128x640xf32>
    %swap3A_922 = vector.shape_cast %dot_general3A_916 : vector<128x640xf32> to vector<128x1x640xf32>
    tpu.vector_store %arg5[%swap3A_917, %swap3A_918, %swap3A_919], %swap3A_922 {strides = array<i32>} : memref<512x16x640xf32, #tpu.memory_space<vmem>>, vector<128x1x640xf32>,
    %get3A_923 = arith.constant 11 : index
    %get3A_924 = arith.constant 0 : index
    %get3A_925 = vector.load %arg1[%get3A_923, %get3A_924] : memref<16x512xi32, #tpu.memory_space<vmem>>, vector<1x512xi32>
    %get3A_926 = vector.shape_cast %get3A_925 : vector<1x512xi32> to vector<512xi32>
    %broadcast_in_dim3A_927 = arith.constant 63 : i32
    %broadcast_in_dim3A_928 = vector.broadcast %broadcast_in_dim3A_927 : i32 to vector<1xi32>
    %broadcast_in_dim3A_929 = arith.constant -7 : i32
    %broadcast_in_dim3A_930 = vector.broadcast %broadcast_in_dim3A_929 : i32 to vector<127xi32>
    %concatenate3A_931 = tpu.concatenate %get3A_926, %broadcast_in_dim3A_928, %broadcast_in_dim3A_930 in 0 : vector<512xi32>, vector<1xi32>, vector<127xi32> -> vector<640xi32>
    %iota3A_932 = tpu.iota {dimensions = array<i32: 0>} : vector<64x640xi32>
    %broadcast_in_dim3A_933 = vector.shape_cast %concatenate3A_931 : vector<640xi32> to vector<1x640xi32>
    %eq3A_934 = vector.broadcast %broadcast_in_dim3A_933 : vector<1x640xi32> to vector<64x640xi32>
    %eq3A_935 = arith.cmpi eq, %iota3A_932, %eq3A_934 : vector<64x640xi32>
    %jit3A_936 = arith.constant 1.44269502 : f32
    %jit3A_937 = arith.constant 0.000000e+00 : f32
    %broadcast_in_dim3A_938 = vector.broadcast %jit3A_936 : f32 to vector<64x640xf32>
    %broadcast_in_dim3A_939 = vector.broadcast %jit3A_937 : f32 to vector<64x640xf32>
    %select_n3A_940 = arith.select %eq3A_935, %broadcast_in_dim3A_938, %broadcast_in_dim3A_939 : vector<64x640xi1>, vector<64x640xf32>
    %get3A_941 = arith.constant 11 : index
    %get3A_942 = arith.constant 0 : index
    %get3A_943 = arith.constant 0 : index
    %get3A_944 = vector.load %arg4[%get3A_941, %get3A_942, %get3A_943] : memref<16x512x64xf32, #tpu.memory_space<vmem>>, vector<1x128x64xf32>
    %get3A_945 = vector.shape_cast %get3A_944 : vector<1x128x64xf32> to vector<128x64xf32>
    %dot_general3A_946 = arith.constant dense<0.000000e+00> : vector<128x640xf32>
    %dot_general3A_947 = tpu.matmul %get3A_945, %select_n3A_940, %dot_general3A_946 {dimension_numbers = #tpu.dot_dimension_numbers<[1], [0], [0], [1], [0, 0, 1, 1], [], []>, transpose_lhs_hint = false} : vector<128x64xf32>, vector<64x640xf32>, vector<128x640xf32> -> vector<128x640xf32>
    %swap3A_948 = arith.constant 0 : index
    %swap3A_949 = arith.constant 11 : index
    %swap3A_950 = arith.constant 0 : index
    %swap3A_951 = vector.load %arg5[%swap3A_948, %swap3A_949, %swap3A_950] : memref<512x16x640xf32, #tpu.memory_space<vmem>>, vector<128x1x640xf32>
    %swap3A_952 = vector.shape_cast %swap3A_951 : vector<128x1x640xf32> to vector<128x640xf32>
    %swap3A_953 = vector.shape_cast %dot_general3A_947 : vector<128x640xf32> to vector<128x1x640xf32>
    tpu.vector_store %arg5[%swap3A_948, %swap3A_949, %swap3A_950], %swap3A_953 {strides = array<i32>} : memref<512x16x640xf32, #tpu.memory_space<vmem>>, vector<128x1x640xf32>,
    %get3A_954 = arith.constant 11 : index
    %get3A_955 = arith.constant 128 : index
    %get3A_956 = arith.constant 0 : index
    %get3A_957 = vector.load %arg4[%get3A_954, %get3A_955, %get3A_956] : memref<16x512x64xf32, #tpu.memory_space<vmem>>, vector<1x128x64xf32>
    %get3A_958 = vector.shape_cast %get3A_957 : vector<1x128x64xf32> to vector<128x64xf32>
    %dot_general3A_959 = arith.constant dense<0.000000e+00> : vector<128x640xf32>
    %dot_general3A_960 = tpu.matmul %get3A_958, %select_n3A_940, %dot_general3A_959 {dimension_numbers = #tpu.dot_dimension_numbers<[1], [0], [0], [1], [0, 0, 1, 1], [], []>, transpose_lhs_hint = false} : vector<128x64xf32>, vector<64x640xf32>, vector<128x640xf32> -> vector<128x640xf32>
    %swap3A_961 = arith.constant 128 : index
    %swap3A_962 = arith.constant 11 : index
    %swap3A_963 = arith.constant 0 : index
    %swap3A_964 = vector.load %arg5[%swap3A_961, %swap3A_962, %swap3A_963] : memref<512x16x640xf32, #tpu.memory_space<vmem>>, vector<128x1x640xf32>
    %swap3A_965 = vector.shape_cast %swap3A_964 : vector<128x1x640xf32> to vector<128x640xf32>
    %swap3A_966 = vector.shape_cast %dot_general3A_960 : vector<128x640xf32> to vector<128x1x640xf32>
    tpu.vector_store %arg5[%swap3A_961, %swap3A_962, %swap3A_963], %swap3A_966 {strides = array<i32>} : memref<512x16x640xf32, #tpu.memory_space<vmem>>, vector<128x1x640xf32>,
    %get3A_967 = arith.constant 11 : index
    %get3A_968 = arith.constant 256 : index
    %get3A_969 = arith.constant 0 : index
    %get3A_970 = vector.load %arg4[%get3A_967, %get3A_968, %get3A_969] : memref<16x512x64xf32, #tpu.memory_space<vmem>>, vector<1x128x64xf32>
    %get3A_971 = vector.shape_cast %get3A_970 : vector<1x128x64xf32> to vector<128x64xf32>
    %dot_general3A_972 = arith.constant dense<0.000000e+00> : vector<128x640xf32>
    %dot_general3A_973 = tpu.matmul %get3A_971, %select_n3A_940, %dot_general3A_972 {dimension_numbers = #tpu.dot_dimension_numbers<[1], [0], [0], [1], [0, 0, 1, 1], [], []>, transpose_lhs_hint = false} : vector<128x64xf32>, vector<64x640xf32>, vector<128x640xf32> -> vector<128x640xf32>
    %swap3A_974 = arith.constant 256 : index
    %swap3A_975 = arith.constant 11 : index
    %swap3A_976 = arith.constant 0 : index
    %swap3A_977 = vector.load %arg5[%swap3A_974, %swap3A_975, %swap3A_976] : memref<512x16x640xf32, #tpu.memory_space<vmem>>, vector<128x1x640xf32>
    %swap3A_978 = vector.shape_cast %swap3A_977 : vector<128x1x640xf32> to vector<128x640xf32>
    %swap3A_979 = vector.shape_cast %dot_general3A_973 : vector<128x640xf32> to vector<128x1x640xf32>
    tpu.vector_store %arg5[%swap3A_974, %swap3A_975, %swap3A_976], %swap3A_979 {strides = array<i32>} : memref<512x16x640xf32, #tpu.memory_space<vmem>>, vector<128x1x640xf32>,
    %get3A_980 = arith.constant 11 : index
    %get3A_981 = arith.constant 384 : index
    %get3A_982 = arith.constant 0 : index
    %get3A_983 = vector.load %arg4[%get3A_980, %get3A_981, %get3A_982] : memref<16x512x64xf32, #tpu.memory_space<vmem>>, vector<1x128x64xf32>
    %get3A_984 = vector.shape_cast %get3A_983 : vector<1x128x64xf32> to vector<128x64xf32>
    %dot_general3A_985 = arith.constant dense<0.000000e+00> : vector<128x640xf32>
    %dot_general3A_986 = tpu.matmul %get3A_984, %select_n3A_940, %dot_general3A_985 {dimension_numbers = #tpu.dot_dimension_numbers<[1], [0], [0], [1], [0, 0, 1, 1], [], []>, transpose_lhs_hint = false} : vector<128x64xf32>, vector<64x640xf32>, vector<128x640xf32> -> vector<128x640xf32>
    %swap3A_987 = arith.constant 384 : index
    %swap3A_988 = arith.constant 11 : index
    %swap3A_989 = arith.constant 0 : index
    %swap3A_990 = vector.load %arg5[%swap3A_987, %swap3A_988, %swap3A_989] : memref<512x16x640xf32, #tpu.memory_space<vmem>>, vector<128x1x640xf32>
    %swap3A_991 = vector.shape_cast %swap3A_990 : vector<128x1x640xf32> to vector<128x640xf32>
    %swap3A_992 = vector.shape_cast %dot_general3A_986 : vector<128x640xf32> to vector<128x1x640xf32>
    tpu.vector_store %arg5[%swap3A_987, %swap3A_988, %swap3A_989], %swap3A_992 {strides = array<i32>} : memref<512x16x640xf32, #tpu.memory_space<vmem>>, vector<128x1x640xf32>,
    %get3A_993 = arith.constant 12 : index
    %get3A_994 = arith.constant 0 : index
    %get3A_995 = vector.load %arg1[%get3A_993, %get3A_994] : memref<16x512xi32, #tpu.memory_space<vmem>>, vector<1x512xi32>
    %get3A_996 = vector.shape_cast %get3A_995 : vector<1x512xi32> to vector<512xi32>
    %broadcast_in_dim3A_997 = arith.constant 63 : i32
    %broadcast_in_dim3A_998 = vector.broadcast %broadcast_in_dim3A_997 : i32 to vector<1xi32>
    %broadcast_in_dim3A_999 = arith.constant -7 : i32
    %broadcast_in_dim3A_1000 = vector.broadcast %broadcast_in_dim3A_999 : i32 to vector<127xi32>
    %concatenate3A_1001 = tpu.concatenate %get3A_996, %broadcast_in_dim3A_998, %broadcast_in_dim3A_1000 in 0 : vector<512xi32>, vector<1xi32>, vector<127xi32> -> vector<640xi32>
    %iota3A_1002 = tpu.iota {dimensions = array<i32: 0>} : vector<64x640xi32>
    %broadcast_in_dim3A_1003 = vector.shape_cast %concatenate3A_1001 : vector<640xi32> to vector<1x640xi32>
    %eq3A_1004 = vector.broadcast %broadcast_in_dim3A_1003 : vector<1x640xi32> to vector<64x640xi32>
    %eq3A_1005 = arith.cmpi eq, %iota3A_1002, %eq3A_1004 : vector<64x640xi32>
    %jit3A_1006 = arith.constant 1.44269502 : f32
    %jit3A_1007 = arith.constant 0.000000e+00 : f32
    %broadcast_in_dim3A_1008 = vector.broadcast %jit3A_1006 : f32 to vector<64x640xf32>
    %broadcast_in_dim3A_1009 = vector.broadcast %jit3A_1007 : f32 to vector<64x640xf32>
    %select_n3A_1010 = arith.select %eq3A_1005, %broadcast_in_dim3A_1008, %broadcast_in_dim3A_1009 : vector<64x640xi1>, vector<64x640xf32>
    %get3A_1011 = arith.constant 12 : index
    %get3A_1012 = arith.constant 0 : index
    %get3A_1013 = arith.constant 0 : index
    %get3A_1014 = vector.load %arg4[%get3A_1011, %get3A_1012, %get3A_1013] : memref<16x512x64xf32, #tpu.memory_space<vmem>>, vector<1x128x64xf32>
    %get3A_1015 = vector.shape_cast %get3A_1014 : vector<1x128x64xf32> to vector<128x64xf32>
    %dot_general3A_1016 = arith.constant dense<0.000000e+00> : vector<128x640xf32>
    %dot_general3A_1017 = tpu.matmul %get3A_1015, %select_n3A_1010, %dot_general3A_1016 {dimension_numbers = #tpu.dot_dimension_numbers<[1], [0], [0], [1], [0, 0, 1, 1], [], []>, transpose_lhs_hint = false} : vector<128x64xf32>, vector<64x640xf32>, vector<128x640xf32> -> vector<128x640xf32>
    %swap3A_1018 = arith.constant 0 : index
    %swap3A_1019 = arith.constant 12 : index
    %swap3A_1020 = arith.constant 0 : index
    %swap3A_1021 = vector.load %arg5[%swap3A_1018, %swap3A_1019, %swap3A_1020] : memref<512x16x640xf32, #tpu.memory_space<vmem>>, vector<128x1x640xf32>
    %swap3A_1022 = vector.shape_cast %swap3A_1021 : vector<128x1x640xf32> to vector<128x640xf32>
    %swap3A_1023 = vector.shape_cast %dot_general3A_1017 : vector<128x640xf32> to vector<128x1x640xf32>
    tpu.vector_store %arg5[%swap3A_1018, %swap3A_1019, %swap3A_1020], %swap3A_1023 {strides = array<i32>} : memref<512x16x640xf32, #tpu.memory_space<vmem>>, vector<128x1x640xf32>,
    %get3A_1024 = arith.constant 12 : index
    %get3A_1025 = arith.constant 128 : index
    %get3A_1026 = arith.constant 0 : index
    %get3A_1027 = vector.load %arg4[%get3A_1024, %get3A_1025, %get3A_1026] : memref<16x512x64xf32, #tpu.memory_space<vmem>>, vector<1x128x64xf32>
    %get3A_1028 = vector.shape_cast %get3A_1027 : vector<1x128x64xf32> to vector<128x64xf32>
    %dot_general3A_1029 = arith.constant dense<0.000000e+00> : vector<128x640xf32>
    %dot_general3A_1030 = tpu.matmul %get3A_1028, %select_n3A_1010, %dot_general3A_1029 {dimension_numbers = #tpu.dot_dimension_numbers<[1], [0], [0], [1], [0, 0, 1, 1], [], []>, transpose_lhs_hint = false} : vector<128x64xf32>, vector<64x640xf32>, vector<128x640xf32> -> vector<128x640xf32>
    %swap3A_1031 = arith.constant 128 : index
    %swap3A_1032 = arith.constant 12 : index
    %swap3A_1033 = arith.constant 0 : index
    %swap3A_1034 = vector.load %arg5[%swap3A_1031, %swap3A_1032, %swap3A_1033] : memref<512x16x640xf32, #tpu.memory_space<vmem>>, vector<128x1x640xf32>
    %swap3A_1035 = vector.shape_cast %swap3A_1034 : vector<128x1x640xf32> to vector<128x640xf32>
    %swap3A_1036 = vector.shape_cast %dot_general3A_1030 : vector<128x640xf32> to vector<128x1x640xf32>
    tpu.vector_store %arg5[%swap3A_1031, %swap3A_1032, %swap3A_1033], %swap3A_1036 {strides = array<i32>} : memref<512x16x640xf32, #tpu.memory_space<vmem>>, vector<128x1x640xf32>,
    %get3A_1037 = arith.constant 12 : index
    %get3A_1038 = arith.constant 256 : index
    %get3A_1039 = arith.constant 0 : index
    %get3A_1040 = vector.load %arg4[%get3A_1037, %get3A_1038, %get3A_1039] : memref<16x512x64xf32, #tpu.memory_space<vmem>>, vector<1x128x64xf32>
    %get3A_1041 = vector.shape_cast %get3A_1040 : vector<1x128x64xf32> to vector<128x64xf32>
    %dot_general3A_1042 = arith.constant dense<0.000000e+00> : vector<128x640xf32>
    %dot_general3A_1043 = tpu.matmul %get3A_1041, %select_n3A_1010, %dot_general3A_1042 {dimension_numbers = #tpu.dot_dimension_numbers<[1], [0], [0], [1], [0, 0, 1, 1], [], []>, transpose_lhs_hint = false} : vector<128x64xf32>, vector<64x640xf32>, vector<128x640xf32> -> vector<128x640xf32>
    %swap3A_1044 = arith.constant 256 : index
    %swap3A_1045 = arith.constant 12 : index
    %swap3A_1046 = arith.constant 0 : index
    %swap3A_1047 = vector.load %arg5[%swap3A_1044, %swap3A_1045, %swap3A_1046] : memref<512x16x640xf32, #tpu.memory_space<vmem>>, vector<128x1x640xf32>
    %swap3A_1048 = vector.shape_cast %swap3A_1047 : vector<128x1x640xf32> to vector<128x640xf32>
    %swap3A_1049 = vector.shape_cast %dot_general3A_1043 : vector<128x640xf32> to vector<128x1x640xf32>
    tpu.vector_store %arg5[%swap3A_1044, %swap3A_1045, %swap3A_1046], %swap3A_1049 {strides = array<i32>} : memref<512x16x640xf32, #tpu.memory_space<vmem>>, vector<128x1x640xf32>,
    %get3A_1050 = arith.constant 12 : index
    %get3A_1051 = arith.constant 384 : index
    %get3A_1052 = arith.constant 0 : index
    %get3A_1053 = vector.load %arg4[%get3A_1050, %get3A_1051, %get3A_1052] : memref<16x512x64xf32, #tpu.memory_space<vmem>>, vector<1x128x64xf32>
    %get3A_1054 = vector.shape_cast %get3A_1053 : vector<1x128x64xf32> to vector<128x64xf32>
    %dot_general3A_1055 = arith.constant dense<0.000000e+00> : vector<128x640xf32>
    %dot_general3A_1056 = tpu.matmul %get3A_1054, %select_n3A_1010, %dot_general3A_1055 {dimension_numbers = #tpu.dot_dimension_numbers<[1], [0], [0], [1], [0, 0, 1, 1], [], []>, transpose_lhs_hint = false} : vector<128x64xf32>, vector<64x640xf32>, vector<128x640xf32> -> vector<128x640xf32>
    %swap3A_1057 = arith.constant 384 : index
    %swap3A_1058 = arith.constant 12 : index
    %swap3A_1059 = arith.constant 0 : index
    %swap3A_1060 = vector.load %arg5[%swap3A_1057, %swap3A_1058, %swap3A_1059] : memref<512x16x640xf32, #tpu.memory_space<vmem>>, vector<128x1x640xf32>
    %swap3A_1061 = vector.shape_cast %swap3A_1060 : vector<128x1x640xf32> to vector<128x640xf32>
    %swap3A_1062 = vector.shape_cast %dot_general3A_1056 : vector<128x640xf32> to vector<128x1x640xf32>
    tpu.vector_store %arg5[%swap3A_1057, %swap3A_1058, %swap3A_1059], %swap3A_1062 {strides = array<i32>} : memref<512x16x640xf32, #tpu.memory_space<vmem>>, vector<128x1x640xf32>,
    %get3A_1063 = arith.constant 13 : index
    %get3A_1064 = arith.constant 0 : index
    %get3A_1065 = vector.load %arg1[%get3A_1063, %get3A_1064] : memref<16x512xi32, #tpu.memory_space<vmem>>, vector<1x512xi32>
    %get3A_1066 = vector.shape_cast %get3A_1065 : vector<1x512xi32> to vector<512xi32>
    %broadcast_in_dim3A_1067 = arith.constant 63 : i32
    %broadcast_in_dim3A_1068 = vector.broadcast %broadcast_in_dim3A_1067 : i32 to vector<1xi32>
    %broadcast_in_dim3A_1069 = arith.constant -7 : i32
    %broadcast_in_dim3A_1070 = vector.broadcast %broadcast_in_dim3A_1069 : i32 to vector<127xi32>
    %concatenate3A_1071 = tpu.concatenate %get3A_1066, %broadcast_in_dim3A_1068, %broadcast_in_dim3A_1070 in 0 : vector<512xi32>, vector<1xi32>, vector<127xi32> -> vector<640xi32>
    %iota3A_1072 = tpu.iota {dimensions = array<i32: 0>} : vector<64x640xi32>
    %broadcast_in_dim3A_1073 = vector.shape_cast %concatenate3A_1071 : vector<640xi32> to vector<1x640xi32>
    %eq3A_1074 = vector.broadcast %broadcast_in_dim3A_1073 : vector<1x640xi32> to vector<64x640xi32>
    %eq3A_1075 = arith.cmpi eq, %iota3A_1072, %eq3A_1074 : vector<64x640xi32>
    %jit3A_1076 = arith.constant 1.44269502 : f32
    %jit3A_1077 = arith.constant 0.000000e+00 : f32
    %broadcast_in_dim3A_1078 = vector.broadcast %jit3A_1076 : f32 to vector<64x640xf32>
    %broadcast_in_dim3A_1079 = vector.broadcast %jit3A_1077 : f32 to vector<64x640xf32>
    %select_n3A_1080 = arith.select %eq3A_1075, %broadcast_in_dim3A_1078, %broadcast_in_dim3A_1079 : vector<64x640xi1>, vector<64x640xf32>
    %get3A_1081 = arith.constant 13 : index
    %get3A_1082 = arith.constant 0 : index
    %get3A_1083 = arith.constant 0 : index
    %get3A_1084 = vector.load %arg4[%get3A_1081, %get3A_1082, %get3A_1083] : memref<16x512x64xf32, #tpu.memory_space<vmem>>, vector<1x128x64xf32>
    %get3A_1085 = vector.shape_cast %get3A_1084 : vector<1x128x64xf32> to vector<128x64xf32>
    %dot_general3A_1086 = arith.constant dense<0.000000e+00> : vector<128x640xf32>
    %dot_general3A_1087 = tpu.matmul %get3A_1085, %select_n3A_1080, %dot_general3A_1086 {dimension_numbers = #tpu.dot_dimension_numbers<[1], [0], [0], [1], [0, 0, 1, 1], [], []>, transpose_lhs_hint = false} : vector<128x64xf32>, vector<64x640xf32>, vector<128x640xf32> -> vector<128x640xf32>
    %swap3A_1088 = arith.constant 0 : index
    %swap3A_1089 = arith.constant 13 : index
    %swap3A_1090 = arith.constant 0 : index
    %swap3A_1091 = vector.load %arg5[%swap3A_1088, %swap3A_1089, %swap3A_1090] : memref<512x16x640xf32, #tpu.memory_space<vmem>>, vector<128x1x640xf32>
    %swap3A_1092 = vector.shape_cast %swap3A_1091 : vector<128x1x640xf32> to vector<128x640xf32>
    %swap3A_1093 = vector.shape_cast %dot_general3A_1087 : vector<128x640xf32> to vector<128x1x640xf32>
    tpu.vector_store %arg5[%swap3A_1088, %swap3A_1089, %swap3A_1090], %swap3A_1093 {strides = array<i32>} : memref<512x16x640xf32, #tpu.memory_space<vmem>>, vector<128x1x640xf32>,
    %get3A_1094 = arith.constant 13 : index
    %get3A_1095 = arith.constant 128 : index
    %get3A_1096 = arith.constant 0 : index
    %get3A_1097 = vector.load %arg4[%get3A_1094, %get3A_1095, %get3A_1096] : memref<16x512x64xf32, #tpu.memory_space<vmem>>, vector<1x128x64xf32>
    %get3A_1098 = vector.shape_cast %get3A_1097 : vector<1x128x64xf32> to vector<128x64xf32>
    %dot_general3A_1099 = arith.constant dense<0.000000e+00> : vector<128x640xf32>
    %dot_general3A_1100 = tpu.matmul %get3A_1098, %select_n3A_1080, %dot_general3A_1099 {dimension_numbers = #tpu.dot_dimension_numbers<[1], [0], [0], [1], [0, 0, 1, 1], [], []>, transpose_lhs_hint = false} : vector<128x64xf32>, vector<64x640xf32>, vector<128x640xf32> -> vector<128x640xf32>
    %swap3A_1101 = arith.constant 128 : index
    %swap3A_1102 = arith.constant 13 : index
    %swap3A_1103 = arith.constant 0 : index
    %swap3A_1104 = vector.load %arg5[%swap3A_1101, %swap3A_1102, %swap3A_1103] : memref<512x16x640xf32, #tpu.memory_space<vmem>>, vector<128x1x640xf32>
    %swap3A_1105 = vector.shape_cast %swap3A_1104 : vector<128x1x640xf32> to vector<128x640xf32>
    %swap3A_1106 = vector.shape_cast %dot_general3A_1100 : vector<128x640xf32> to vector<128x1x640xf32>
    tpu.vector_store %arg5[%swap3A_1101, %swap3A_1102, %swap3A_1103], %swap3A_1106 {strides = array<i32>} : memref<512x16x640xf32, #tpu.memory_space<vmem>>, vector<128x1x640xf32>,
    %get3A_1107 = arith.constant 13 : index
    %get3A_1108 = arith.constant 256 : index
    %get3A_1109 = arith.constant 0 : index
    %get3A_1110 = vector.load %arg4[%get3A_1107, %get3A_1108, %get3A_1109] : memref<16x512x64xf32, #tpu.memory_space<vmem>>, vector<1x128x64xf32>
    %get3A_1111 = vector.shape_cast %get3A_1110 : vector<1x128x64xf32> to vector<128x64xf32>
    %dot_general3A_1112 = arith.constant dense<0.000000e+00> : vector<128x640xf32>
    %dot_general3A_1113 = tpu.matmul %get3A_1111, %select_n3A_1080, %dot_general3A_1112 {dimension_numbers = #tpu.dot_dimension_numbers<[1], [0], [0], [1], [0, 0, 1, 1], [], []>, transpose_lhs_hint = false} : vector<128x64xf32>, vector<64x640xf32>, vector<128x640xf32> -> vector<128x640xf32>
    %swap3A_1114 = arith.constant 256 : index
    %swap3A_1115 = arith.constant 13 : index
    %swap3A_1116 = arith.constant 0 : index
    %swap3A_1117 = vector.load %arg5[%swap3A_1114, %swap3A_1115, %swap3A_1116] : memref<512x16x640xf32, #tpu.memory_space<vmem>>, vector<128x1x640xf32>
    %swap3A_1118 = vector.shape_cast %swap3A_1117 : vector<128x1x640xf32> to vector<128x640xf32>
    %swap3A_1119 = vector.shape_cast %dot_general3A_1113 : vector<128x640xf32> to vector<128x1x640xf32>
    tpu.vector_store %arg5[%swap3A_1114, %swap3A_1115, %swap3A_1116], %swap3A_1119 {strides = array<i32>} : memref<512x16x640xf32, #tpu.memory_space<vmem>>, vector<128x1x640xf32>,
    %get3A_1120 = arith.constant 13 : index
    %get3A_1121 = arith.constant 384 : index
    %get3A_1122 = arith.constant 0 : index
    %get3A_1123 = vector.load %arg4[%get3A_1120, %get3A_1121, %get3A_1122] : memref<16x512x64xf32, #tpu.memory_space<vmem>>, vector<1x128x64xf32>
    %get3A_1124 = vector.shape_cast %get3A_1123 : vector<1x128x64xf32> to vector<128x64xf32>
    %dot_general3A_1125 = arith.constant dense<0.000000e+00> : vector<128x640xf32>
    %dot_general3A_1126 = tpu.matmul %get3A_1124, %select_n3A_1080, %dot_general3A_1125 {dimension_numbers = #tpu.dot_dimension_numbers<[1], [0], [0], [1], [0, 0, 1, 1], [], []>, transpose_lhs_hint = false} : vector<128x64xf32>, vector<64x640xf32>, vector<128x640xf32> -> vector<128x640xf32>
    %swap3A_1127 = arith.constant 384 : index
    %swap3A_1128 = arith.constant 13 : index
    %swap3A_1129 = arith.constant 0 : index
    %swap3A_1130 = vector.load %arg5[%swap3A_1127, %swap3A_1128, %swap3A_1129] : memref<512x16x640xf32, #tpu.memory_space<vmem>>, vector<128x1x640xf32>
    %swap3A_1131 = vector.shape_cast %swap3A_1130 : vector<128x1x640xf32> to vector<128x640xf32>
    %swap3A_1132 = vector.shape_cast %dot_general3A_1126 : vector<128x640xf32> to vector<128x1x640xf32>
    tpu.vector_store %arg5[%swap3A_1127, %swap3A_1128, %swap3A_1129], %swap3A_1132 {strides = array<i32>} : memref<512x16x640xf32, #tpu.memory_space<vmem>>, vector<128x1x640xf32>,
    %get3A_1133 = arith.constant 14 : index
    %get3A_1134 = arith.constant 0 : index
    %get3A_1135 = vector.load %arg1[%get3A_1133, %get3A_1134] : memref<16x512xi32, #tpu.memory_space<vmem>>, vector<1x512xi32>
    %get3A_1136 = vector.shape_cast %get3A_1135 : vector<1x512xi32> to vector<512xi32>
    %broadcast_in_dim3A_1137 = arith.constant 63 : i32
    %broadcast_in_dim3A_1138 = vector.broadcast %broadcast_in_dim3A_1137 : i32 to vector<1xi32>
    %broadcast_in_dim3A_1139 = arith.constant -7 : i32
    %broadcast_in_dim3A_1140 = vector.broadcast %broadcast_in_dim3A_1139 : i32 to vector<127xi32>
    %concatenate3A_1141 = tpu.concatenate %get3A_1136, %broadcast_in_dim3A_1138, %broadcast_in_dim3A_1140 in 0 : vector<512xi32>, vector<1xi32>, vector<127xi32> -> vector<640xi32>
    %iota3A_1142 = tpu.iota {dimensions = array<i32: 0>} : vector<64x640xi32>
    %broadcast_in_dim3A_1143 = vector.shape_cast %concatenate3A_1141 : vector<640xi32> to vector<1x640xi32>
    %eq3A_1144 = vector.broadcast %broadcast_in_dim3A_1143 : vector<1x640xi32> to vector<64x640xi32>
    %eq3A_1145 = arith.cmpi eq, %iota3A_1142, %eq3A_1144 : vector<64x640xi32>
    %jit3A_1146 = arith.constant 1.44269502 : f32
    %jit3A_1147 = arith.constant 0.000000e+00 : f32
    %broadcast_in_dim3A_1148 = vector.broadcast %jit3A_1146 : f32 to vector<64x640xf32>
    %broadcast_in_dim3A_1149 = vector.broadcast %jit3A_1147 : f32 to vector<64x640xf32>
    %select_n3A_1150 = arith.select %eq3A_1145, %broadcast_in_dim3A_1148, %broadcast_in_dim3A_1149 : vector<64x640xi1>, vector<64x640xf32>
    %get3A_1151 = arith.constant 14 : index
    %get3A_1152 = arith.constant 0 : index
    %get3A_1153 = arith.constant 0 : index
    %get3A_1154 = vector.load %arg4[%get3A_1151, %get3A_1152, %get3A_1153] : memref<16x512x64xf32, #tpu.memory_space<vmem>>, vector<1x128x64xf32>
    %get3A_1155 = vector.shape_cast %get3A_1154 : vector<1x128x64xf32> to vector<128x64xf32>
    %dot_general3A_1156 = arith.constant dense<0.000000e+00> : vector<128x640xf32>
    %dot_general3A_1157 = tpu.matmul %get3A_1155, %select_n3A_1150, %dot_general3A_1156 {dimension_numbers = #tpu.dot_dimension_numbers<[1], [0], [0], [1], [0, 0, 1, 1], [], []>, transpose_lhs_hint = false} : vector<128x64xf32>, vector<64x640xf32>, vector<128x640xf32> -> vector<128x640xf32>
    %swap3A_1158 = arith.constant 0 : index
    %swap3A_1159 = arith.constant 14 : index
    %swap3A_1160 = arith.constant 0 : index
    %swap3A_1161 = vector.load %arg5[%swap3A_1158, %swap3A_1159, %swap3A_1160] : memref<512x16x640xf32, #tpu.memory_space<vmem>>, vector<128x1x640xf32>
    %swap3A_1162 = vector.shape_cast %swap3A_1161 : vector<128x1x640xf32> to vector<128x640xf32>
    %swap3A_1163 = vector.shape_cast %dot_general3A_1157 : vector<128x640xf32> to vector<128x1x640xf32>
    tpu.vector_store %arg5[%swap3A_1158, %swap3A_1159, %swap3A_1160], %swap3A_1163 {strides = array<i32>} : memref<512x16x640xf32, #tpu.memory_space<vmem>>, vector<128x1x640xf32>,
    %get3A_1164 = arith.constant 14 : index
    %get3A_1165 = arith.constant 128 : index
    %get3A_1166 = arith.constant 0 : index
    %get3A_1167 = vector.load %arg4[%get3A_1164, %get3A_1165, %get3A_1166] : memref<16x512x64xf32, #tpu.memory_space<vmem>>, vector<1x128x64xf32>
    %get3A_1168 = vector.shape_cast %get3A_1167 : vector<1x128x64xf32> to vector<128x64xf32>
    %dot_general3A_1169 = arith.constant dense<0.000000e+00> : vector<128x640xf32>
    %dot_general3A_1170 = tpu.matmul %get3A_1168, %select_n3A_1150, %dot_general3A_1169 {dimension_numbers = #tpu.dot_dimension_numbers<[1], [0], [0], [1], [0, 0, 1, 1], [], []>, transpose_lhs_hint = false} : vector<128x64xf32>, vector<64x640xf32>, vector<128x640xf32> -> vector<128x640xf32>
    %swap3A_1171 = arith.constant 128 : index
    %swap3A_1172 = arith.constant 14 : index
    %swap3A_1173 = arith.constant 0 : index
    %swap3A_1174 = vector.load %arg5[%swap3A_1171, %swap3A_1172, %swap3A_1173] : memref<512x16x640xf32, #tpu.memory_space<vmem>>, vector<128x1x640xf32>
    %swap3A_1175 = vector.shape_cast %swap3A_1174 : vector<128x1x640xf32> to vector<128x640xf32>
    %swap3A_1176 = vector.shape_cast %dot_general3A_1170 : vector<128x640xf32> to vector<128x1x640xf32>
    tpu.vector_store %arg5[%swap3A_1171, %swap3A_1172, %swap3A_1173], %swap3A_1176 {strides = array<i32>} : memref<512x16x640xf32, #tpu.memory_space<vmem>>, vector<128x1x640xf32>,
    %get3A_1177 = arith.constant 14 : index
    %get3A_1178 = arith.constant 256 : index
    %get3A_1179 = arith.constant 0 : index
    %get3A_1180 = vector.load %arg4[%get3A_1177, %get3A_1178, %get3A_1179] : memref<16x512x64xf32, #tpu.memory_space<vmem>>, vector<1x128x64xf32>
    %get3A_1181 = vector.shape_cast %get3A_1180 : vector<1x128x64xf32> to vector<128x64xf32>
    %dot_general3A_1182 = arith.constant dense<0.000000e+00> : vector<128x640xf32>
    %dot_general3A_1183 = tpu.matmul %get3A_1181, %select_n3A_1150, %dot_general3A_1182 {dimension_numbers = #tpu.dot_dimension_numbers<[1], [0], [0], [1], [0, 0, 1, 1], [], []>, transpose_lhs_hint = false} : vector<128x64xf32>, vector<64x640xf32>, vector<128x640xf32> -> vector<128x640xf32>
    %swap3A_1184 = arith.constant 256 : index
    %swap3A_1185 = arith.constant 14 : index
    %swap3A_1186 = arith.constant 0 : index
    %swap3A_1187 = vector.load %arg5[%swap3A_1184, %swap3A_1185, %swap3A_1186] : memref<512x16x640xf32, #tpu.memory_space<vmem>>, vector<128x1x640xf32>
    %swap3A_1188 = vector.shape_cast %swap3A_1187 : vector<128x1x640xf32> to vector<128x640xf32>
    %swap3A_1189 = vector.shape_cast %dot_general3A_1183 : vector<128x640xf32> to vector<128x1x640xf32>
    tpu.vector_store %arg5[%swap3A_1184, %swap3A_1185, %swap3A_1186], %swap3A_1189 {strides = array<i32>} : memref<512x16x640xf32, #tpu.memory_space<vmem>>, vector<128x1x640xf32>,
    %get3A_1190 = arith.constant 14 : index
    %get3A_1191 = arith.constant 384 : index
    %get3A_1192 = arith.constant 0 : index
    %get3A_1193 = vector.load %arg4[%get3A_1190, %get3A_1191, %get3A_1192] : memref<16x512x64xf32, #tpu.memory_space<vmem>>, vector<1x128x64xf32>
    %get3A_1194 = vector.shape_cast %get3A_1193 : vector<1x128x64xf32> to vector<128x64xf32>
    %dot_general3A_1195 = arith.constant dense<0.000000e+00> : vector<128x640xf32>
    %dot_general3A_1196 = tpu.matmul %get3A_1194, %select_n3A_1150, %dot_general3A_1195 {dimension_numbers = #tpu.dot_dimension_numbers<[1], [0], [0], [1], [0, 0, 1, 1], [], []>, transpose_lhs_hint = false} : vector<128x64xf32>, vector<64x640xf32>, vector<128x640xf32> -> vector<128x640xf32>
    %swap3A_1197 = arith.constant 384 : index
    %swap3A_1198 = arith.constant 14 : index
    %swap3A_1199 = arith.constant 0 : index
    %swap3A_1200 = vector.load %arg5[%swap3A_1197, %swap3A_1198, %swap3A_1199] : memref<512x16x640xf32, #tpu.memory_space<vmem>>, vector<128x1x640xf32>
    %swap3A_1201 = vector.shape_cast %swap3A_1200 : vector<128x1x640xf32> to vector<128x640xf32>
    %swap3A_1202 = vector.shape_cast %dot_general3A_1196 : vector<128x640xf32> to vector<128x1x640xf32>
    tpu.vector_store %arg5[%swap3A_1197, %swap3A_1198, %swap3A_1199], %swap3A_1202 {strides = array<i32>} : memref<512x16x640xf32, #tpu.memory_space<vmem>>, vector<128x1x640xf32>,
    %get3A_1203 = arith.constant 15 : index
    %get3A_1204 = arith.constant 0 : index
    %get3A_1205 = vector.load %arg1[%get3A_1203, %get3A_1204] : memref<16x512xi32, #tpu.memory_space<vmem>>, vector<1x512xi32>
    %get3A_1206 = vector.shape_cast %get3A_1205 : vector<1x512xi32> to vector<512xi32>
    %broadcast_in_dim3A_1207 = arith.constant 63 : i32
    %broadcast_in_dim3A_1208 = vector.broadcast %broadcast_in_dim3A_1207 : i32 to vector<1xi32>
    %broadcast_in_dim3A_1209 = arith.constant -7 : i32
    %broadcast_in_dim3A_1210 = vector.broadcast %broadcast_in_dim3A_1209 : i32 to vector<127xi32>
    %concatenate3A_1211 = tpu.concatenate %get3A_1206, %broadcast_in_dim3A_1208, %broadcast_in_dim3A_1210 in 0 : vector<512xi32>, vector<1xi32>, vector<127xi32> -> vector<640xi32>
    %iota3A_1212 = tpu.iota {dimensions = array<i32: 0>} : vector<64x640xi32>
    %broadcast_in_dim3A_1213 = vector.shape_cast %concatenate3A_1211 : vector<640xi32> to vector<1x640xi32>
    %eq3A_1214 = vector.broadcast %broadcast_in_dim3A_1213 : vector<1x640xi32> to vector<64x640xi32>
    %eq3A_1215 = arith.cmpi eq, %iota3A_1212, %eq3A_1214 : vector<64x640xi32>
    %jit3A_1216 = arith.constant 1.44269502 : f32
    %jit3A_1217 = arith.constant 0.000000e+00 : f32
    %broadcast_in_dim3A_1218 = vector.broadcast %jit3A_1216 : f32 to vector<64x640xf32>
    %broadcast_in_dim3A_1219 = vector.broadcast %jit3A_1217 : f32 to vector<64x640xf32>
    %select_n3A_1220 = arith.select %eq3A_1215, %broadcast_in_dim3A_1218, %broadcast_in_dim3A_1219 : vector<64x640xi1>, vector<64x640xf32>
    %get3A_1221 = arith.constant 15 : index
    %get3A_1222 = arith.constant 0 : index
    %get3A_1223 = arith.constant 0 : index
    %get3A_1224 = vector.load %arg4[%get3A_1221, %get3A_1222, %get3A_1223] : memref<16x512x64xf32, #tpu.memory_space<vmem>>, vector<1x128x64xf32>
    %get3A_1225 = vector.shape_cast %get3A_1224 : vector<1x128x64xf32> to vector<128x64xf32>
    %dot_general3A_1226 = arith.constant dense<0.000000e+00> : vector<128x640xf32>
    %dot_general3A_1227 = tpu.matmul %get3A_1225, %select_n3A_1220, %dot_general3A_1226 {dimension_numbers = #tpu.dot_dimension_numbers<[1], [0], [0], [1], [0, 0, 1, 1], [], []>, transpose_lhs_hint = false} : vector<128x64xf32>, vector<64x640xf32>, vector<128x640xf32> -> vector<128x640xf32>
    %swap3A_1228 = arith.constant 0 : index
    %swap3A_1229 = arith.constant 15 : index
    %swap3A_1230 = arith.constant 0 : index
    %swap3A_1231 = vector.load %arg5[%swap3A_1228, %swap3A_1229, %swap3A_1230] : memref<512x16x640xf32, #tpu.memory_space<vmem>>, vector<128x1x640xf32>
    %swap3A_1232 = vector.shape_cast %swap3A_1231 : vector<128x1x640xf32> to vector<128x640xf32>
    %swap3A_1233 = vector.shape_cast %dot_general3A_1227 : vector<128x640xf32> to vector<128x1x640xf32>
    tpu.vector_store %arg5[%swap3A_1228, %swap3A_1229, %swap3A_1230], %swap3A_1233 {strides = array<i32>} : memref<512x16x640xf32, #tpu.memory_space<vmem>>, vector<128x1x640xf32>,
    %get3A_1234 = arith.constant 15 : index
    %get3A_1235 = arith.constant 128 : index
    %get3A_1236 = arith.constant 0 : index
    %get3A_1237 = vector.load %arg4[%get3A_1234, %get3A_1235, %get3A_1236] : memref<16x512x64xf32, #tpu.memory_space<vmem>>, vector<1x128x64xf32>
    %get3A_1238 = vector.shape_cast %get3A_1237 : vector<1x128x64xf32> to vector<128x64xf32>
    %dot_general3A_1239 = arith.constant dense<0.000000e+00> : vector<128x640xf32>
    %dot_general3A_1240 = tpu.matmul %get3A_1238, %select_n3A_1220, %dot_general3A_1239 {dimension_numbers = #tpu.dot_dimension_numbers<[1], [0], [0], [1], [0, 0, 1, 1], [], []>, transpose_lhs_hint = false} : vector<128x64xf32>, vector<64x640xf32>, vector<128x640xf32> -> vector<128x640xf32>
    %swap3A_1241 = arith.constant 128 : index
    %swap3A_1242 = arith.constant 15 : index
    %swap3A_1243 = arith.constant 0 : index
    %swap3A_1244 = vector.load %arg5[%swap3A_1241, %swap3A_1242, %swap3A_1243] : memref<512x16x640xf32, #tpu.memory_space<vmem>>, vector<128x1x640xf32>
    %swap3A_1245 = vector.shape_cast %swap3A_1244 : vector<128x1x640xf32> to vector<128x640xf32>
    %swap3A_1246 = vector.shape_cast %dot_general3A_1240 : vector<128x640xf32> to vector<128x1x640xf32>
    tpu.vector_store %arg5[%swap3A_1241, %swap3A_1242, %swap3A_1243], %swap3A_1246 {strides = array<i32>} : memref<512x16x640xf32, #tpu.memory_space<vmem>>, vector<128x1x640xf32>,
    %get3A_1247 = arith.constant 15 : index
    %get3A_1248 = arith.constant 256 : index
    %get3A_1249 = arith.constant 0 : index
    %get3A_1250 = vector.load %arg4[%get3A_1247, %get3A_1248, %get3A_1249] : memref<16x512x64xf32, #tpu.memory_space<vmem>>, vector<1x128x64xf32>
    %get3A_1251 = vector.shape_cast %get3A_1250 : vector<1x128x64xf32> to vector<128x64xf32>
    %dot_general3A_1252 = arith.constant dense<0.000000e+00> : vector<128x640xf32>
    %dot_general3A_1253 = tpu.matmul %get3A_1251, %select_n3A_1220, %dot_general3A_1252 {dimension_numbers = #tpu.dot_dimension_numbers<[1], [0], [0], [1], [0, 0, 1, 1], [], []>, transpose_lhs_hint = false} : vector<128x64xf32>, vector<64x640xf32>, vector<128x640xf32> -> vector<128x640xf32>
    %swap3A_1254 = arith.constant 256 : index
    %swap3A_1255 = arith.constant 15 : index
    %swap3A_1256 = arith.constant 0 : index
    %swap3A_1257 = vector.load %arg5[%swap3A_1254, %swap3A_1255, %swap3A_1256] : memref<512x16x640xf32, #tpu.memory_space<vmem>>, vector<128x1x640xf32>
    %swap3A_1258 = vector.shape_cast %swap3A_1257 : vector<128x1x640xf32> to vector<128x640xf32>
    %swap3A_1259 = vector.shape_cast %dot_general3A_1253 : vector<128x640xf32> to vector<128x1x640xf32>
    tpu.vector_store %arg5[%swap3A_1254, %swap3A_1255, %swap3A_1256], %swap3A_1259 {strides = array<i32>} : memref<512x16x640xf32, #tpu.memory_space<vmem>>, vector<128x1x640xf32>,
    %get3A_1260 = arith.constant 15 : index
    %get3A_1261 = arith.constant 384 : index
    %get3A_1262 = arith.constant 0 : index
    %get3A_1263 = vector.load %arg4[%get3A_1260, %get3A_1261, %get3A_1262] : memref<16x512x64xf32, #tpu.memory_space<vmem>>, vector<1x128x64xf32>
    %get3A_1264 = vector.shape_cast %get3A_1263 : vector<1x128x64xf32> to vector<128x64xf32>
    %dot_general3A_1265 = arith.constant dense<0.000000e+00> : vector<128x640xf32>
    %dot_general3A_1266 = tpu.matmul %get3A_1264, %select_n3A_1220, %dot_general3A_1265 {dimension_numbers = #tpu.dot_dimension_numbers<[1], [0], [0], [1], [0, 0, 1, 1], [], []>, transpose_lhs_hint = false} : vector<128x64xf32>, vector<64x640xf32>, vector<128x640xf32> -> vector<128x640xf32>
    %swap3A_1267 = arith.constant 384 : index
    %swap3A_1268 = arith.constant 15 : index
    %swap3A_1269 = arith.constant 0 : index
    %swap3A_1270 = vector.load %arg5[%swap3A_1267, %swap3A_1268, %swap3A_1269] : memref<512x16x640xf32, #tpu.memory_space<vmem>>, vector<128x1x640xf32>
    %swap3A_1271 = vector.shape_cast %swap3A_1270 : vector<128x1x640xf32> to vector<128x640xf32>
    %swap3A_1272 = vector.shape_cast %dot_general3A_1266 : vector<128x640xf32> to vector<128x1x640xf32>
    tpu.vector_store %arg5[%swap3A_1267, %swap3A_1268, %swap3A_1269], %swap3A_1272 {strides = array<i32>} : memref<512x16x640xf32, #tpu.memory_space<vmem>>, vector<128x1x640xf32>,
    %get3A_1273 = arith.constant 0 : index
    %get3A_1274 = arith.constant 0 : index
    %get3A_1275 = vector.load %arg2[%get3A_1273, %get3A_1274] : memref<16x1xi32, #tpu.memory_space<vmem>>, vector<16x1xi32>
    %get3A_1276 = arith.constant 0 : index
    %get3A_1277 = arith.constant 0 : index
    %get3A_1278 = vector.load %arg1[%get3A_1276, %get3A_1277] : memref<16x512xi32, #tpu.memory_space<vmem>>, vector<16x512xi32>
    %broadcast_in_dim3A_1279 = arith.constant 63 : i32
    %broadcast_in_dim3A_1280 = vector.broadcast %broadcast_in_dim3A_1279 : i32 to vector<16x1xi32>
    %slice3A = vector.extract_strided_slice %get3A_1278 {offsets = [0, 0], sizes = [16, 511], strides = [1, 1]} : vector<16x512xi32> to vector<16x511xi32>
    %concatenate3A_1281 = tpu.concatenate %broadcast_in_dim3A_1280, %slice3A in 1 : vector<16x1xi32>, vector<16x511xi32> -> vector<16x512xi32>
    %iota3A_1282 = tpu.iota {dimensions = array<i32: 1>} : vector<16x513xi32>
    %iota3A_1283 = tpu.iota {dimensions = array<i32: 1>} : vector<16x512xi32>
    %lt3A = vector.broadcast %get3A_1275 : vector<16x1xi32> to vector<16x512xi32>
    %lt3A_1284 = arith.cmpi slt, %iota3A_1283, %lt3A : vector<16x512xi32>
    %ne3A = arith.constant 63 : i32
    %ne3A_1285 = vector.broadcast %ne3A : i32 to vector<16x512xi32>
    %ne3A_1286 = arith.cmpi ne, %get3A_1278, %ne3A_1285 : vector<16x512xi32>
    %ne3A_1287 = arith.cmpi ne, %get3A_1278, %concatenate3A_1281 : vector<16x512xi32>
    %and3A = arith.andi %ne3A_1286, %ne3A_1287 : vector<16x512xi1>
    %jit3A_1288 = arith.constant 0.000000e+00 : f32
    %jit3A_1289 = arith.constant -1.000000e+30 : f32
    %broadcast_in_dim3A_1290 = vector.broadcast %jit3A_1288 : f32 to vector<16x512xf32>
    %broadcast_in_dim3A_1291 = vector.broadcast %jit3A_1289 : f32 to vector<16x512xf32>
    %select_n3A_1292 = arith.select %and3A, %broadcast_in_dim3A_1290, %broadcast_in_dim3A_1291 : vector<16x512xi1>, vector<16x512xf32>
    %broadcast_in_dim3A_1293 = arith.constant -1.000000e+30 : f32
    %broadcast_in_dim3A_1294 = vector.broadcast %broadcast_in_dim3A_1293 : f32 to vector<16x1xf32>
    %get3A_1295 = arith.constant 0 : index
    %get3A_1296 = arith.constant 0 : index
    %get3A_1297 = arith.constant 0 : index
    %get3A_1298 = vector.load %arg5[%get3A_1295, %get3A_1296, %get3A_1297] : memref<512x16x640xf32, #tpu.memory_space<vmem>>, vector<1x16x640xf32>
    %get3A_1299 = vector.shape_cast %get3A_1298 : vector<1x16x640xf32> to vector<16x640xf32>
    %eq3A_1300 = arith.constant 0 : i32
    %eq3A_1301 = vector.broadcast %eq3A_1300 : i32 to vector<16x513xi32>
    %eq3A_1302 = arith.cmpi eq, %iota3A_1282, %eq3A_1301 : vector<16x513xi32>
    %slice3A_1303 = vector.extract_strided_slice %get3A_1299 {offsets = [0, 512], sizes = [16, 1], strides = [1, 1]} : vector<16x640xf32> to vector<16x1xf32>
    %jit3A_1304 = arith.constant -1.000000e+30 : f32
    %broadcast_in_dim3A_1305 = vector.shape_cast %slice3A_1303 : vector<16x1xf32> to vector<16x1xf32>
    %broadcast_in_dim3A_1306 = vector.broadcast %broadcast_in_dim3A_1305 : vector<16x1xf32> to vector<16x513xf32>
    %broadcast_in_dim3A_1307 = vector.broadcast %jit3A_1304 : f32 to vector<16x513xf32>
    %select_n3A_1308 = arith.select %eq3A_1302, %broadcast_in_dim3A_1306, %broadcast_in_dim3A_1307 : vector<16x513xi1>, vector<16x513xf32>
    %eq3A_1309 = arith.constant 0 : i32
    %eq3A_1310 = vector.broadcast %eq3A_1309 : i32 to vector<16x512xi32>
    %eq3A_1311 = arith.cmpi eq, %iota3A_1283, %eq3A_1310 : vector<16x512xi32>
    %and3A_1312 = arith.andi %eq3A_1311, %lt3A_1284 : vector<16x512xi1>
    %slice3A_1313 = vector.extract_strided_slice %get3A_1299 {offsets = [0, 0], sizes = [16, 1], strides = [1, 1]} : vector<16x640xf32> to vector<16x1xf32>
    %jit3A_1314 = arith.constant -1.000000e+30 : f32
    %broadcast_in_dim3A_1315 = vector.shape_cast %slice3A_1313 : vector<16x1xf32> to vector<16x1xf32>
    %broadcast_in_dim3A_1316 = vector.broadcast %broadcast_in_dim3A_1315 : vector<16x1xf32> to vector<16x512xf32>
    %broadcast_in_dim3A_1317 = vector.broadcast %jit3A_1314 : f32 to vector<16x512xf32>
    %select_n3A_1318 = arith.select %and3A_1312, %broadcast_in_dim3A_1316, %broadcast_in_dim3A_1317 : vector<16x512xi1>, vector<16x512xf32>
    %scan3A = arith.constant 1 : i32
    %scan3A_1319 = arith.constant 480 : i32
    %scan3A_1320 = arith.addi %scan3A, %scan3A_1319 : i32
    %scan3A_1321 = arith.constant 32 : i32
    %scan3A_1322:2 = scf.for %scan3A_2816 = %scan3A to %scan3A_1320 step %scan3A_1321 iter_args(%scan3A_2817 = %select_n3A_1308, %scan3A_2818 = %select_n3A_1318) -> (vector<16x513xf32>, vector<16x512xf32>)  : i32 {
      %get3A_2819 = arith.index_cast %scan3A_2816 : i32 to index
      %get3A_2820 = arith.constant 0 : index
      %get3A_2821 = arith.constant 0 : index
      %get3A_2822 = vector.load %arg5[%get3A_2819, %get3A_2820, %get3A_2821] : memref<512x16x640xf32, #tpu.memory_space<vmem>>, vector<1x16x512xf32>
      %get3A_2823 = vector.shape_cast %get3A_2822 : vector<1x16x512xf32> to vector<16x512xf32>
      %get3A_2824 = arith.index_cast %scan3A_2816 : i32 to index
      %get3A_2825 = arith.constant 0 : index
      %get3A_2826 = arith.constant 512 : index
      %get3A_2827 = vector.load %arg5[%get3A_2824, %get3A_2825, %get3A_2826] : memref<512x16x640xf32, #tpu.memory_space<vmem>>, vector<1x16x1xf32>
      %get3A_2828 = vector.shape_cast %get3A_2827 : vector<1x16x1xf32> to vector<16x1xf32>
      %concatenate3A_2829 = tpu.concatenate %broadcast_in_dim3A_1294, %scan3A_2818 in 1 : vector<16x1xf32>, vector<16x512xf32> -> vector<16x513xf32>
      %max3A_2830 = arith.maximumf %scan3A_2817, %concatenate3A_2829 : vector<16x513xf32>
      %sub3A_2831 = arith.subf %scan3A_2817, %max3A_2830 : vector<16x513xf32>
      %exp23A_2832 = math.exp2 %sub3A_2831 : vector<16x513xf32>
      %sub3A_2833 = arith.subf %concatenate3A_2829, %max3A_2830 : vector<16x513xf32>
      %exp23A_2834 = math.exp2 %sub3A_2833 : vector<16x513xf32>
      %add3A_2835 = arith.addf %exp23A_2832, %exp23A_2834 : vector<16x513xf32>
      %log3A_2836 = math.log %add3A_2835 : vector<16x513xf32>
      %log3A_2837 = arith.constant 2.000000e+00 : f32
      %log3A_2838 = math.log %log3A_2837 : f32
      %div3A_2839 = vector.broadcast %log3A_2838 : f32 to vector<16x513xf32>
      %div3A_2840 = arith.divf %log3A_2836, %div3A_2839 : vector<16x513xf32>
      %add3A_2841 = arith.addf %max3A_2830, %div3A_2840 : vector<16x513xf32>
      %add3A_2842 = vector.broadcast %get3A_2828 : vector<16x1xf32> to vector<16x513xf32>
      %add3A_2843 = arith.addf %add3A_2841, %add3A_2842 : vector<16x513xf32>
      %slice3A_2844 = vector.extract_strided_slice %concatenate3A_2829 {offsets = [0, 0], sizes = [16, 512], strides = [1, 1]} : vector<16x513xf32> to vector<16x512xf32>
      %add3A_2845 = arith.addf %slice3A_2844, %select_n3A_1292 : vector<16x512xf32>
      %slice3A_2846 = vector.extract_strided_slice %scan3A_2817 {offsets = [0, 0], sizes = [16, 512], strides = [1, 1]} : vector<16x513xf32> to vector<16x512xf32>
      %max3A_2847 = arith.maximumf %scan3A_2818, %slice3A_2846 : vector<16x512xf32>
      %max3A_2848 = arith.maximumf %max3A_2847, %add3A_2845 : vector<16x512xf32>
      %sub3A_2849 = arith.subf %scan3A_2818, %max3A_2848 : vector<16x512xf32>
      %exp23A_2850 = math.exp2 %sub3A_2849 : vector<16x512xf32>
      %sub3A_2851 = arith.subf %slice3A_2846, %max3A_2848 : vector<16x512xf32>
      %exp23A_2852 = math.exp2 %sub3A_2851 : vector<16x512xf32>
      %add3A_2853 = arith.addf %exp23A_2850, %exp23A_2852 : vector<16x512xf32>
      %sub3A_2854 = arith.subf %add3A_2845, %max3A_2848 : vector<16x512xf32>
      %exp23A_2855 = math.exp2 %sub3A_2854 : vector<16x512xf32>
      %add3A_2856 = arith.addf %add3A_2853, %exp23A_2855 : vector<16x512xf32>
      %log3A_2857 = math.log %add3A_2856 : vector<16x512xf32>
      %log3A_2858 = arith.constant 2.000000e+00 : f32
      %log3A_2859 = math.log %log3A_2858 : f32
      %div3A_2860 = vector.broadcast %log3A_2859 : f32 to vector<16x512xf32>
      %div3A_2861 = arith.divf %log3A_2857, %div3A_2860 : vector<16x512xf32>
      %add3A_2862 = arith.addf %max3A_2848, %div3A_2861 : vector<16x512xf32>
      %add3A_2863 = arith.addf %add3A_2862, %get3A_2823 : vector<16x512xf32>
      %scan3A_2864 = arith.constant 1 : i32
      %scan3A_2865 = arith.addi %scan3A_2816, %scan3A_2864 : i32
      %get3A_2866 = arith.index_cast %scan3A_2865 : i32 to index
      %get3A_2867 = arith.constant 0 : index
      %get3A_2868 = arith.constant 0 : index
      %get3A_2869 = vector.load %arg5[%get3A_2866, %get3A_2867, %get3A_2868] : memref<512x16x640xf32, #tpu.memory_space<vmem>>, vector<1x16x512xf32>
      %get3A_2870 = vector.shape_cast %get3A_2869 : vector<1x16x512xf32> to vector<16x512xf32>
      %get3A_2871 = arith.index_cast %scan3A_2865 : i32 to index
      %get3A_2872 = arith.constant 0 : index
      %get3A_2873 = arith.constant 512 : index
      %get3A_2874 = vector.load %arg5[%get3A_2871, %get3A_2872, %get3A_2873] : memref<512x16x640xf32, #tpu.memory_space<vmem>>, vector<1x16x1xf32>
      %get3A_2875 = vector.shape_cast %get3A_2874 : vector<1x16x1xf32> to vector<16x1xf32>
      %concatenate3A_2876 = tpu.concatenate %broadcast_in_dim3A_1294, %add3A_2863 in 1 : vector<16x1xf32>, vector<16x512xf32> -> vector<16x513xf32>
      %max3A_2877 = arith.maximumf %add3A_2843, %concatenate3A_2876 : vector<16x513xf32>
      %sub3A_2878 = arith.subf %add3A_2843, %max3A_2877 : vector<16x513xf32>
      %exp23A_2879 = math.exp2 %sub3A_2878 : vector<16x513xf32>
      %sub3A_2880 = arith.subf %concatenate3A_2876, %max3A_2877 : vector<16x513xf32>
      %exp23A_2881 = math.exp2 %sub3A_2880 : vector<16x513xf32>
      %add3A_2882 = arith.addf %exp23A_2879, %exp23A_2881 : vector<16x513xf32>
      %log3A_2883 = math.log %add3A_2882 : vector<16x513xf32>
      %log3A_2884 = arith.constant 2.000000e+00 : f32
      %log3A_2885 = math.log %log3A_2884 : f32
      %div3A_2886 = vector.broadcast %log3A_2885 : f32 to vector<16x513xf32>
      %div3A_2887 = arith.divf %log3A_2883, %div3A_2886 : vector<16x513xf32>
      %add3A_2888 = arith.addf %max3A_2877, %div3A_2887 : vector<16x513xf32>
      %add3A_2889 = vector.broadcast %get3A_2875 : vector<16x1xf32> to vector<16x513xf32>
      %add3A_2890 = arith.addf %add3A_2888, %add3A_2889 : vector<16x513xf32>
      %slice3A_2891 = vector.extract_strided_slice %concatenate3A_2876 {offsets = [0, 0], sizes = [16, 512], strides = [1, 1]} : vector<16x513xf32> to vector<16x512xf32>
      %add3A_2892 = arith.addf %slice3A_2891, %select_n3A_1292 : vector<16x512xf32>
      %slice3A_2893 = vector.extract_strided_slice %add3A_2843 {offsets = [0, 0], sizes = [16, 512], strides = [1, 1]} : vector<16x513xf32> to vector<16x512xf32>
      %max3A_2894 = arith.maximumf %add3A_2863, %slice3A_2893 : vector<16x512xf32>
      %max3A_2895 = arith.maximumf %max3A_2894, %add3A_2892 : vector<16x512xf32>
      %sub3A_2896 = arith.subf %add3A_2863, %max3A_2895 : vector<16x512xf32>
      %exp23A_2897 = math.exp2 %sub3A_2896 : vector<16x512xf32>
      %sub3A_2898 = arith.subf %slice3A_2893, %max3A_2895 : vector<16x512xf32>
      %exp23A_2899 = math.exp2 %sub3A_2898 : vector<16x512xf32>
      %add3A_2900 = arith.addf %exp23A_2897, %exp23A_2899 : vector<16x512xf32>
      %sub3A_2901 = arith.subf %add3A_2892, %max3A_2895 : vector<16x512xf32>
      %exp23A_2902 = math.exp2 %sub3A_2901 : vector<16x512xf32>
      %add3A_2903 = arith.addf %add3A_2900, %exp23A_2902 : vector<16x512xf32>
      %log3A_2904 = math.log %add3A_2903 : vector<16x512xf32>
      %log3A_2905 = arith.constant 2.000000e+00 : f32
      %log3A_2906 = math.log %log3A_2905 : f32
      %div3A_2907 = vector.broadcast %log3A_2906 : f32 to vector<16x512xf32>
      %div3A_2908 = arith.divf %log3A_2904, %div3A_2907 : vector<16x512xf32>
      %add3A_2909 = arith.addf %max3A_2895, %div3A_2908 : vector<16x512xf32>
      %add3A_2910 = arith.addf %add3A_2909, %get3A_2870 : vector<16x512xf32>
      %scan3A_2911 = arith.constant 2 : i32
      %scan3A_2912 = arith.addi %scan3A_2816, %scan3A_2911 : i32
      %get3A_2913 = arith.index_cast %scan3A_2912 : i32 to index
      %get3A_2914 = arith.constant 0 : index
      %get3A_2915 = arith.constant 0 : index
      %get3A_2916 = vector.load %arg5[%get3A_2913, %get3A_2914, %get3A_2915] : memref<512x16x640xf32, #tpu.memory_space<vmem>>, vector<1x16x512xf32>
      %get3A_2917 = vector.shape_cast %get3A_2916 : vector<1x16x512xf32> to vector<16x512xf32>
      %get3A_2918 = arith.index_cast %scan3A_2912 : i32 to index
      %get3A_2919 = arith.constant 0 : index
      %get3A_2920 = arith.constant 512 : index
      %get3A_2921 = vector.load %arg5[%get3A_2918, %get3A_2919, %get3A_2920] : memref<512x16x640xf32, #tpu.memory_space<vmem>>, vector<1x16x1xf32>
      %get3A_2922 = vector.shape_cast %get3A_2921 : vector<1x16x1xf32> to vector<16x1xf32>
      %concatenate3A_2923 = tpu.concatenate %broadcast_in_dim3A_1294, %add3A_2910 in 1 : vector<16x1xf32>, vector<16x512xf32> -> vector<16x513xf32>
      %max3A_2924 = arith.maximumf %add3A_2890, %concatenate3A_2923 : vector<16x513xf32>
      %sub3A_2925 = arith.subf %add3A_2890, %max3A_2924 : vector<16x513xf32>
      %exp23A_2926 = math.exp2 %sub3A_2925 : vector<16x513xf32>
      %sub3A_2927 = arith.subf %concatenate3A_2923, %max3A_2924 : vector<16x513xf32>
      %exp23A_2928 = math.exp2 %sub3A_2927 : vector<16x513xf32>
      %add3A_2929 = arith.addf %exp23A_2926, %exp23A_2928 : vector<16x513xf32>
      %log3A_2930 = math.log %add3A_2929 : vector<16x513xf32>
      %log3A_2931 = arith.constant 2.000000e+00 : f32
      %log3A_2932 = math.log %log3A_2931 : f32
      %div3A_2933 = vector.broadcast %log3A_2932 : f32 to vector<16x513xf32>
      %div3A_2934 = arith.divf %log3A_2930, %div3A_2933 : vector<16x513xf32>
      %add3A_2935 = arith.addf %max3A_2924, %div3A_2934 : vector<16x513xf32>
      %add3A_2936 = vector.broadcast %get3A_2922 : vector<16x1xf32> to vector<16x513xf32>
      %add3A_2937 = arith.addf %add3A_2935, %add3A_2936 : vector<16x513xf32>
      %slice3A_2938 = vector.extract_strided_slice %concatenate3A_2923 {offsets = [0, 0], sizes = [16, 512], strides = [1, 1]} : vector<16x513xf32> to vector<16x512xf32>
      %add3A_2939 = arith.addf %slice3A_2938, %select_n3A_1292 : vector<16x512xf32>
      %slice3A_2940 = vector.extract_strided_slice %add3A_2890 {offsets = [0, 0], sizes = [16, 512], strides = [1, 1]} : vector<16x513xf32> to vector<16x512xf32>
      %max3A_2941 = arith.maximumf %add3A_2910, %slice3A_2940 : vector<16x512xf32>
      %max3A_2942 = arith.maximumf %max3A_2941, %add3A_2939 : vector<16x512xf32>
      %sub3A_2943 = arith.subf %add3A_2910, %max3A_2942 : vector<16x512xf32>
      %exp23A_2944 = math.exp2 %sub3A_2943 : vector<16x512xf32>
      %sub3A_2945 = arith.subf %slice3A_2940, %max3A_2942 : vector<16x512xf32>
      %exp23A_2946 = math.exp2 %sub3A_2945 : vector<16x512xf32>
      %add3A_2947 = arith.addf %exp23A_2944, %exp23A_2946 : vector<16x512xf32>
      %sub3A_2948 = arith.subf %add3A_2939, %max3A_2942 : vector<16x512xf32>
      %exp23A_2949 = math.exp2 %sub3A_2948 : vector<16x512xf32>
      %add3A_2950 = arith.addf %add3A_2947, %exp23A_2949 : vector<16x512xf32>
      %log3A_2951 = math.log %add3A_2950 : vector<16x512xf32>
      %log3A_2952 = arith.constant 2.000000e+00 : f32
      %log3A_2953 = math.log %log3A_2952 : f32
      %div3A_2954 = vector.broadcast %log3A_2953 : f32 to vector<16x512xf32>
      %div3A_2955 = arith.divf %log3A_2951, %div3A_2954 : vector<16x512xf32>
      %add3A_2956 = arith.addf %max3A_2942, %div3A_2955 : vector<16x512xf32>
      %add3A_2957 = arith.addf %add3A_2956, %get3A_2917 : vector<16x512xf32>
      %scan3A_2958 = arith.constant 3 : i32
      %scan3A_2959 = arith.addi %scan3A_2816, %scan3A_2958 : i32
      %get3A_2960 = arith.index_cast %scan3A_2959 : i32 to index
      %get3A_2961 = arith.constant 0 : index
      %get3A_2962 = arith.constant 0 : index
      %get3A_2963 = vector.load %arg5[%get3A_2960, %get3A_2961, %get3A_2962] : memref<512x16x640xf32, #tpu.memory_space<vmem>>, vector<1x16x512xf32>
      %get3A_2964 = vector.shape_cast %get3A_2963 : vector<1x16x512xf32> to vector<16x512xf32>
      %get3A_2965 = arith.index_cast %scan3A_2959 : i32 to index
      %get3A_2966 = arith.constant 0 : index
      %get3A_2967 = arith.constant 512 : index
      %get3A_2968 = vector.load %arg5[%get3A_2965, %get3A_2966, %get3A_2967] : memref<512x16x640xf32, #tpu.memory_space<vmem>>, vector<1x16x1xf32>
      %get3A_2969 = vector.shape_cast %get3A_2968 : vector<1x16x1xf32> to vector<16x1xf32>
      %concatenate3A_2970 = tpu.concatenate %broadcast_in_dim3A_1294, %add3A_2957 in 1 : vector<16x1xf32>, vector<16x512xf32> -> vector<16x513xf32>
      %max3A_2971 = arith.maximumf %add3A_2937, %concatenate3A_2970 : vector<16x513xf32>
      %sub3A_2972 = arith.subf %add3A_2937, %max3A_2971 : vector<16x513xf32>
      %exp23A_2973 = math.exp2 %sub3A_2972 : vector<16x513xf32>
      %sub3A_2974 = arith.subf %concatenate3A_2970, %max3A_2971 : vector<16x513xf32>
      %exp23A_2975 = math.exp2 %sub3A_2974 : vector<16x513xf32>
      %add3A_2976 = arith.addf %exp23A_2973, %exp23A_2975 : vector<16x513xf32>
      %log3A_2977 = math.log %add3A_2976 : vector<16x513xf32>
      %log3A_2978 = arith.constant 2.000000e+00 : f32
      %log3A_2979 = math.log %log3A_2978 : f32
      %div3A_2980 = vector.broadcast %log3A_2979 : f32 to vector<16x513xf32>
      %div3A_2981 = arith.divf %log3A_2977, %div3A_2980 : vector<16x513xf32>
      %add3A_2982 = arith.addf %max3A_2971, %div3A_2981 : vector<16x513xf32>
      %add3A_2983 = vector.broadcast %get3A_2969 : vector<16x1xf32> to vector<16x513xf32>
      %add3A_2984 = arith.addf %add3A_2982, %add3A_2983 : vector<16x513xf32>
      %slice3A_2985 = vector.extract_strided_slice %concatenate3A_2970 {offsets = [0, 0], sizes = [16, 512], strides = [1, 1]} : vector<16x513xf32> to vector<16x512xf32>
      %add3A_2986 = arith.addf %slice3A_2985, %select_n3A_1292 : vector<16x512xf32>
      %slice3A_2987 = vector.extract_strided_slice %add3A_2937 {offsets = [0, 0], sizes = [16, 512], strides = [1, 1]} : vector<16x513xf32> to vector<16x512xf32>
      %max3A_2988 = arith.maximumf %add3A_2957, %slice3A_2987 : vector<16x512xf32>
      %max3A_2989 = arith.maximumf %max3A_2988, %add3A_2986 : vector<16x512xf32>
      %sub3A_2990 = arith.subf %add3A_2957, %max3A_2989 : vector<16x512xf32>
      %exp23A_2991 = math.exp2 %sub3A_2990 : vector<16x512xf32>
      %sub3A_2992 = arith.subf %slice3A_2987, %max3A_2989 : vector<16x512xf32>
      %exp23A_2993 = math.exp2 %sub3A_2992 : vector<16x512xf32>
      %add3A_2994 = arith.addf %exp23A_2991, %exp23A_2993 : vector<16x512xf32>
      %sub3A_2995 = arith.subf %add3A_2986, %max3A_2989 : vector<16x512xf32>
      %exp23A_2996 = math.exp2 %sub3A_2995 : vector<16x512xf32>
      %add3A_2997 = arith.addf %add3A_2994, %exp23A_2996 : vector<16x512xf32>
      %log3A_2998 = math.log %add3A_2997 : vector<16x512xf32>
      %log3A_2999 = arith.constant 2.000000e+00 : f32
      %log3A_3000 = math.log %log3A_2999 : f32
      %div3A_3001 = vector.broadcast %log3A_3000 : f32 to vector<16x512xf32>
      %div3A_3002 = arith.divf %log3A_2998, %div3A_3001 : vector<16x512xf32>
      %add3A_3003 = arith.addf %max3A_2989, %div3A_3002 : vector<16x512xf32>
      %add3A_3004 = arith.addf %add3A_3003, %get3A_2964 : vector<16x512xf32>
      %scan3A_3005 = arith.constant 4 : i32
      %scan3A_3006 = arith.addi %scan3A_2816, %scan3A_3005 : i32
      %get3A_3007 = arith.index_cast %scan3A_3006 : i32 to index
      %get3A_3008 = arith.constant 0 : index
      %get3A_3009 = arith.constant 0 : index
      %get3A_3010 = vector.load %arg5[%get3A_3007, %get3A_3008, %get3A_3009] : memref<512x16x640xf32, #tpu.memory_space<vmem>>, vector<1x16x512xf32>
      %get3A_3011 = vector.shape_cast %get3A_3010 : vector<1x16x512xf32> to vector<16x512xf32>
      %get3A_3012 = arith.index_cast %scan3A_3006 : i32 to index
      %get3A_3013 = arith.constant 0 : index
      %get3A_3014 = arith.constant 512 : index
      %get3A_3015 = vector.load %arg5[%get3A_3012, %get3A_3013, %get3A_3014] : memref<512x16x640xf32, #tpu.memory_space<vmem>>, vector<1x16x1xf32>
      %get3A_3016 = vector.shape_cast %get3A_3015 : vector<1x16x1xf32> to vector<16x1xf32>
      %concatenate3A_3017 = tpu.concatenate %broadcast_in_dim3A_1294, %add3A_3004 in 1 : vector<16x1xf32>, vector<16x512xf32> -> vector<16x513xf32>
      %max3A_3018 = arith.maximumf %add3A_2984, %concatenate3A_3017 : vector<16x513xf32>
      %sub3A_3019 = arith.subf %add3A_2984, %max3A_3018 : vector<16x513xf32>
      %exp23A_3020 = math.exp2 %sub3A_3019 : vector<16x513xf32>
      %sub3A_3021 = arith.subf %concatenate3A_3017, %max3A_3018 : vector<16x513xf32>
      %exp23A_3022 = math.exp2 %sub3A_3021 : vector<16x513xf32>
      %add3A_3023 = arith.addf %exp23A_3020, %exp23A_3022 : vector<16x513xf32>
      %log3A_3024 = math.log %add3A_3023 : vector<16x513xf32>
      %log3A_3025 = arith.constant 2.000000e+00 : f32
      %log3A_3026 = math.log %log3A_3025 : f32
      %div3A_3027 = vector.broadcast %log3A_3026 : f32 to vector<16x513xf32>
      %div3A_3028 = arith.divf %log3A_3024, %div3A_3027 : vector<16x513xf32>
      %add3A_3029 = arith.addf %max3A_3018, %div3A_3028 : vector<16x513xf32>
      %add3A_3030 = vector.broadcast %get3A_3016 : vector<16x1xf32> to vector<16x513xf32>
      %add3A_3031 = arith.addf %add3A_3029, %add3A_3030 : vector<16x513xf32>
      %slice3A_3032 = vector.extract_strided_slice %concatenate3A_3017 {offsets = [0, 0], sizes = [16, 512], strides = [1, 1]} : vector<16x513xf32> to vector<16x512xf32>
      %add3A_3033 = arith.addf %slice3A_3032, %select_n3A_1292 : vector<16x512xf32>
      %slice3A_3034 = vector.extract_strided_slice %add3A_2984 {offsets = [0, 0], sizes = [16, 512], strides = [1, 1]} : vector<16x513xf32> to vector<16x512xf32>
      %max3A_3035 = arith.maximumf %add3A_3004, %slice3A_3034 : vector<16x512xf32>
      %max3A_3036 = arith.maximumf %max3A_3035, %add3A_3033 : vector<16x512xf32>
      %sub3A_3037 = arith.subf %add3A_3004, %max3A_3036 : vector<16x512xf32>
      %exp23A_3038 = math.exp2 %sub3A_3037 : vector<16x512xf32>
      %sub3A_3039 = arith.subf %slice3A_3034, %max3A_3036 : vector<16x512xf32>
      %exp23A_3040 = math.exp2 %sub3A_3039 : vector<16x512xf32>
      %add3A_3041 = arith.addf %exp23A_3038, %exp23A_3040 : vector<16x512xf32>
      %sub3A_3042 = arith.subf %add3A_3033, %max3A_3036 : vector<16x512xf32>
      %exp23A_3043 = math.exp2 %sub3A_3042 : vector<16x512xf32>
      %add3A_3044 = arith.addf %add3A_3041, %exp23A_3043 : vector<16x512xf32>
      %log3A_3045 = math.log %add3A_3044 : vector<16x512xf32>
      %log3A_3046 = arith.constant 2.000000e+00 : f32
      %log3A_3047 = math.log %log3A_3046 : f32
      %div3A_3048 = vector.broadcast %log3A_3047 : f32 to vector<16x512xf32>
      %div3A_3049 = arith.divf %log3A_3045, %div3A_3048 : vector<16x512xf32>
      %add3A_3050 = arith.addf %max3A_3036, %div3A_3049 : vector<16x512xf32>
      %add3A_3051 = arith.addf %add3A_3050, %get3A_3011 : vector<16x512xf32>
      %scan3A_3052 = arith.constant 5 : i32
      %scan3A_3053 = arith.addi %scan3A_2816, %scan3A_3052 : i32
      %get3A_3054 = arith.index_cast %scan3A_3053 : i32 to index
      %get3A_3055 = arith.constant 0 : index
      %get3A_3056 = arith.constant 0 : index
      %get3A_3057 = vector.load %arg5[%get3A_3054, %get3A_3055, %get3A_3056] : memref<512x16x640xf32, #tpu.memory_space<vmem>>, vector<1x16x512xf32>
      %get3A_3058 = vector.shape_cast %get3A_3057 : vector<1x16x512xf32> to vector<16x512xf32>
      %get3A_3059 = arith.index_cast %scan3A_3053 : i32 to index
      %get3A_3060 = arith.constant 0 : index
      %get3A_3061 = arith.constant 512 : index
      %get3A_3062 = vector.load %arg5[%get3A_3059, %get3A_3060, %get3A_3061] : memref<512x16x640xf32, #tpu.memory_space<vmem>>, vector<1x16x1xf32>
      %get3A_3063 = vector.shape_cast %get3A_3062 : vector<1x16x1xf32> to vector<16x1xf32>
      %concatenate3A_3064 = tpu.concatenate %broadcast_in_dim3A_1294, %add3A_3051 in 1 : vector<16x1xf32>, vector<16x512xf32> -> vector<16x513xf32>
      %max3A_3065 = arith.maximumf %add3A_3031, %concatenate3A_3064 : vector<16x513xf32>
      %sub3A_3066 = arith.subf %add3A_3031, %max3A_3065 : vector<16x513xf32>
      %exp23A_3067 = math.exp2 %sub3A_3066 : vector<16x513xf32>
      %sub3A_3068 = arith.subf %concatenate3A_3064, %max3A_3065 : vector<16x513xf32>
      %exp23A_3069 = math.exp2 %sub3A_3068 : vector<16x513xf32>
      %add3A_3070 = arith.addf %exp23A_3067, %exp23A_3069 : vector<16x513xf32>
      %log3A_3071 = math.log %add3A_3070 : vector<16x513xf32>
      %log3A_3072 = arith.constant 2.000000e+00 : f32
      %log3A_3073 = math.log %log3A_3072 : f32
      %div3A_3074 = vector.broadcast %log3A_3073 : f32 to vector<16x513xf32>
      %div3A_3075 = arith.divf %log3A_3071, %div3A_3074 : vector<16x513xf32>
      %add3A_3076 = arith.addf %max3A_3065, %div3A_3075 : vector<16x513xf32>
      %add3A_3077 = vector.broadcast %get3A_3063 : vector<16x1xf32> to vector<16x513xf32>
      %add3A_3078 = arith.addf %add3A_3076, %add3A_3077 : vector<16x513xf32>
      %slice3A_3079 = vector.extract_strided_slice %concatenate3A_3064 {offsets = [0, 0], sizes = [16, 512], strides = [1, 1]} : vector<16x513xf32> to vector<16x512xf32>
      %add3A_3080 = arith.addf %slice3A_3079, %select_n3A_1292 : vector<16x512xf32>
      %slice3A_3081 = vector.extract_strided_slice %add3A_3031 {offsets = [0, 0], sizes = [16, 512], strides = [1, 1]} : vector<16x513xf32> to vector<16x512xf32>
      %max3A_3082 = arith.maximumf %add3A_3051, %slice3A_3081 : vector<16x512xf32>
      %max3A_3083 = arith.maximumf %max3A_3082, %add3A_3080 : vector<16x512xf32>
      %sub3A_3084 = arith.subf %add3A_3051, %max3A_3083 : vector<16x512xf32>
      %exp23A_3085 = math.exp2 %sub3A_3084 : vector<16x512xf32>
      %sub3A_3086 = arith.subf %slice3A_3081, %max3A_3083 : vector<16x512xf32>
      %exp23A_3087 = math.exp2 %sub3A_3086 : vector<16x512xf32>
      %add3A_3088 = arith.addf %exp23A_3085, %exp23A_3087 : vector<16x512xf32>
      %sub3A_3089 = arith.subf %add3A_3080, %max3A_3083 : vector<16x512xf32>
      %exp23A_3090 = math.exp2 %sub3A_3089 : vector<16x512xf32>
      %add3A_3091 = arith.addf %add3A_3088, %exp23A_3090 : vector<16x512xf32>
      %log3A_3092 = math.log %add3A_3091 : vector<16x512xf32>
      %log3A_3093 = arith.constant 2.000000e+00 : f32
      %log3A_3094 = math.log %log3A_3093 : f32
      %div3A_3095 = vector.broadcast %log3A_3094 : f32 to vector<16x512xf32>
      %div3A_3096 = arith.divf %log3A_3092, %div3A_3095 : vector<16x512xf32>
      %add3A_3097 = arith.addf %max3A_3083, %div3A_3096 : vector<16x512xf32>
      %add3A_3098 = arith.addf %add3A_3097, %get3A_3058 : vector<16x512xf32>
      %scan3A_3099 = arith.constant 6 : i32
      %scan3A_3100 = arith.addi %scan3A_2816, %scan3A_3099 : i32
      %get3A_3101 = arith.index_cast %scan3A_3100 : i32 to index
      %get3A_3102 = arith.constant 0 : index
      %get3A_3103 = arith.constant 0 : index
      %get3A_3104 = vector.load %arg5[%get3A_3101, %get3A_3102, %get3A_3103] : memref<512x16x640xf32, #tpu.memory_space<vmem>>, vector<1x16x512xf32>
      %get3A_3105 = vector.shape_cast %get3A_3104 : vector<1x16x512xf32> to vector<16x512xf32>
      %get3A_3106 = arith.index_cast %scan3A_3100 : i32 to index
      %get3A_3107 = arith.constant 0 : index
      %get3A_3108 = arith.constant 512 : index
      %get3A_3109 = vector.load %arg5[%get3A_3106, %get3A_3107, %get3A_3108] : memref<512x16x640xf32, #tpu.memory_space<vmem>>, vector<1x16x1xf32>
      %get3A_3110 = vector.shape_cast %get3A_3109 : vector<1x16x1xf32> to vector<16x1xf32>
      %concatenate3A_3111 = tpu.concatenate %broadcast_in_dim3A_1294, %add3A_3098 in 1 : vector<16x1xf32>, vector<16x512xf32> -> vector<16x513xf32>
      %max3A_3112 = arith.maximumf %add3A_3078, %concatenate3A_3111 : vector<16x513xf32>
      %sub3A_3113 = arith.subf %add3A_3078, %max3A_3112 : vector<16x513xf32>
      %exp23A_3114 = math.exp2 %sub3A_3113 : vector<16x513xf32>
      %sub3A_3115 = arith.subf %concatenate3A_3111, %max3A_3112 : vector<16x513xf32>
      %exp23A_3116 = math.exp2 %sub3A_3115 : vector<16x513xf32>
      %add3A_3117 = arith.addf %exp23A_3114, %exp23A_3116 : vector<16x513xf32>
      %log3A_3118 = math.log %add3A_3117 : vector<16x513xf32>
      %log3A_3119 = arith.constant 2.000000e+00 : f32
      %log3A_3120 = math.log %log3A_3119 : f32
      %div3A_3121 = vector.broadcast %log3A_3120 : f32 to vector<16x513xf32>
      %div3A_3122 = arith.divf %log3A_3118, %div3A_3121 : vector<16x513xf32>
      %add3A_3123 = arith.addf %max3A_3112, %div3A_3122 : vector<16x513xf32>
      %add3A_3124 = vector.broadcast %get3A_3110 : vector<16x1xf32> to vector<16x513xf32>
      %add3A_3125 = arith.addf %add3A_3123, %add3A_3124 : vector<16x513xf32>
      %slice3A_3126 = vector.extract_strided_slice %concatenate3A_3111 {offsets = [0, 0], sizes = [16, 512], strides = [1, 1]} : vector<16x513xf32> to vector<16x512xf32>
      %add3A_3127 = arith.addf %slice3A_3126, %select_n3A_1292 : vector<16x512xf32>
      %slice3A_3128 = vector.extract_strided_slice %add3A_3078 {offsets = [0, 0], sizes = [16, 512], strides = [1, 1]} : vector<16x513xf32> to vector<16x512xf32>
      %max3A_3129 = arith.maximumf %add3A_3098, %slice3A_3128 : vector<16x512xf32>
      %max3A_3130 = arith.maximumf %max3A_3129, %add3A_3127 : vector<16x512xf32>
      %sub3A_3131 = arith.subf %add3A_3098, %max3A_3130 : vector<16x512xf32>
      %exp23A_3132 = math.exp2 %sub3A_3131 : vector<16x512xf32>
      %sub3A_3133 = arith.subf %slice3A_3128, %max3A_3130 : vector<16x512xf32>
      %exp23A_3134 = math.exp2 %sub3A_3133 : vector<16x512xf32>
      %add3A_3135 = arith.addf %exp23A_3132, %exp23A_3134 : vector<16x512xf32>
      %sub3A_3136 = arith.subf %add3A_3127, %max3A_3130 : vector<16x512xf32>
      %exp23A_3137 = math.exp2 %sub3A_3136 : vector<16x512xf32>
      %add3A_3138 = arith.addf %add3A_3135, %exp23A_3137 : vector<16x512xf32>
      %log3A_3139 = math.log %add3A_3138 : vector<16x512xf32>
      %log3A_3140 = arith.constant 2.000000e+00 : f32
      %log3A_3141 = math.log %log3A_3140 : f32
      %div3A_3142 = vector.broadcast %log3A_3141 : f32 to vector<16x512xf32>
      %div3A_3143 = arith.divf %log3A_3139, %div3A_3142 : vector<16x512xf32>
      %add3A_3144 = arith.addf %max3A_3130, %div3A_3143 : vector<16x512xf32>
      %add3A_3145 = arith.addf %add3A_3144, %get3A_3105 : vector<16x512xf32>
      %scan3A_3146 = arith.constant 7 : i32
      %scan3A_3147 = arith.addi %scan3A_2816, %scan3A_3146 : i32
      %get3A_3148 = arith.index_cast %scan3A_3147 : i32 to index
      %get3A_3149 = arith.constant 0 : index
      %get3A_3150 = arith.constant 0 : index
      %get3A_3151 = vector.load %arg5[%get3A_3148, %get3A_3149, %get3A_3150] : memref<512x16x640xf32, #tpu.memory_space<vmem>>, vector<1x16x512xf32>
      %get3A_3152 = vector.shape_cast %get3A_3151 : vector<1x16x512xf32> to vector<16x512xf32>
      %get3A_3153 = arith.index_cast %scan3A_3147 : i32 to index
      %get3A_3154 = arith.constant 0 : index
      %get3A_3155 = arith.constant 512 : index
      %get3A_3156 = vector.load %arg5[%get3A_3153, %get3A_3154, %get3A_3155] : memref<512x16x640xf32, #tpu.memory_space<vmem>>, vector<1x16x1xf32>
      %get3A_3157 = vector.shape_cast %get3A_3156 : vector<1x16x1xf32> to vector<16x1xf32>
      %concatenate3A_3158 = tpu.concatenate %broadcast_in_dim3A_1294, %add3A_3145 in 1 : vector<16x1xf32>, vector<16x512xf32> -> vector<16x513xf32>
      %max3A_3159 = arith.maximumf %add3A_3125, %concatenate3A_3158 : vector<16x513xf32>
      %sub3A_3160 = arith.subf %add3A_3125, %max3A_3159 : vector<16x513xf32>
      %exp23A_3161 = math.exp2 %sub3A_3160 : vector<16x513xf32>
      %sub3A_3162 = arith.subf %concatenate3A_3158, %max3A_3159 : vector<16x513xf32>
      %exp23A_3163 = math.exp2 %sub3A_3162 : vector<16x513xf32>
      %add3A_3164 = arith.addf %exp23A_3161, %exp23A_3163 : vector<16x513xf32>
      %log3A_3165 = math.log %add3A_3164 : vector<16x513xf32>
      %log3A_3166 = arith.constant 2.000000e+00 : f32
      %log3A_3167 = math.log %log3A_3166 : f32
      %div3A_3168 = vector.broadcast %log3A_3167 : f32 to vector<16x513xf32>
      %div3A_3169 = arith.divf %log3A_3165, %div3A_3168 : vector<16x513xf32>
      %add3A_3170 = arith.addf %max3A_3159, %div3A_3169 : vector<16x513xf32>
      %add3A_3171 = vector.broadcast %get3A_3157 : vector<16x1xf32> to vector<16x513xf32>
      %add3A_3172 = arith.addf %add3A_3170, %add3A_3171 : vector<16x513xf32>
      %slice3A_3173 = vector.extract_strided_slice %concatenate3A_3158 {offsets = [0, 0], sizes = [16, 512], strides = [1, 1]} : vector<16x513xf32> to vector<16x512xf32>
      %add3A_3174 = arith.addf %slice3A_3173, %select_n3A_1292 : vector<16x512xf32>
      %slice3A_3175 = vector.extract_strided_slice %add3A_3125 {offsets = [0, 0], sizes = [16, 512], strides = [1, 1]} : vector<16x513xf32> to vector<16x512xf32>
      %max3A_3176 = arith.maximumf %add3A_3145, %slice3A_3175 : vector<16x512xf32>
      %max3A_3177 = arith.maximumf %max3A_3176, %add3A_3174 : vector<16x512xf32>
      %sub3A_3178 = arith.subf %add3A_3145, %max3A_3177 : vector<16x512xf32>
      %exp23A_3179 = math.exp2 %sub3A_3178 : vector<16x512xf32>
      %sub3A_3180 = arith.subf %slice3A_3175, %max3A_3177 : vector<16x512xf32>
      %exp23A_3181 = math.exp2 %sub3A_3180 : vector<16x512xf32>
      %add3A_3182 = arith.addf %exp23A_3179, %exp23A_3181 : vector<16x512xf32>
      %sub3A_3183 = arith.subf %add3A_3174, %max3A_3177 : vector<16x512xf32>
      %exp23A_3184 = math.exp2 %sub3A_3183 : vector<16x512xf32>
      %add3A_3185 = arith.addf %add3A_3182, %exp23A_3184 : vector<16x512xf32>
      %log3A_3186 = math.log %add3A_3185 : vector<16x512xf32>
      %log3A_3187 = arith.constant 2.000000e+00 : f32
      %log3A_3188 = math.log %log3A_3187 : f32
      %div3A_3189 = vector.broadcast %log3A_3188 : f32 to vector<16x512xf32>
      %div3A_3190 = arith.divf %log3A_3186, %div3A_3189 : vector<16x512xf32>
      %add3A_3191 = arith.addf %max3A_3177, %div3A_3190 : vector<16x512xf32>
      %add3A_3192 = arith.addf %add3A_3191, %get3A_3152 : vector<16x512xf32>
      %scan3A_3193 = arith.constant 8 : i32
      %scan3A_3194 = arith.addi %scan3A_2816, %scan3A_3193 : i32
      %get3A_3195 = arith.index_cast %scan3A_3194 : i32 to index
      %get3A_3196 = arith.constant 0 : index
      %get3A_3197 = arith.constant 0 : index
      %get3A_3198 = vector.load %arg5[%get3A_3195, %get3A_3196, %get3A_3197] : memref<512x16x640xf32, #tpu.memory_space<vmem>>, vector<1x16x512xf32>
      %get3A_3199 = vector.shape_cast %get3A_3198 : vector<1x16x512xf32> to vector<16x512xf32>
      %get3A_3200 = arith.index_cast %scan3A_3194 : i32 to index
      %get3A_3201 = arith.constant 0 : index
      %get3A_3202 = arith.constant 512 : index
      %get3A_3203 = vector.load %arg5[%get3A_3200, %get3A_3201, %get3A_3202] : memref<512x16x640xf32, #tpu.memory_space<vmem>>, vector<1x16x1xf32>
      %get3A_3204 = vector.shape_cast %get3A_3203 : vector<1x16x1xf32> to vector<16x1xf32>
      %concatenate3A_3205 = tpu.concatenate %broadcast_in_dim3A_1294, %add3A_3192 in 1 : vector<16x1xf32>, vector<16x512xf32> -> vector<16x513xf32>
      %max3A_3206 = arith.maximumf %add3A_3172, %concatenate3A_3205 : vector<16x513xf32>
      %sub3A_3207 = arith.subf %add3A_3172, %max3A_3206 : vector<16x513xf32>
      %exp23A_3208 = math.exp2 %sub3A_3207 : vector<16x513xf32>
      %sub3A_3209 = arith.subf %concatenate3A_3205, %max3A_3206 : vector<16x513xf32>
      %exp23A_3210 = math.exp2 %sub3A_3209 : vector<16x513xf32>
      %add3A_3211 = arith.addf %exp23A_3208, %exp23A_3210 : vector<16x513xf32>
      %log3A_3212 = math.log %add3A_3211 : vector<16x513xf32>
      %log3A_3213 = arith.constant 2.000000e+00 : f32
      %log3A_3214 = math.log %log3A_3213 : f32
      %div3A_3215 = vector.broadcast %log3A_3214 : f32 to vector<16x513xf32>
      %div3A_3216 = arith.divf %log3A_3212, %div3A_3215 : vector<16x513xf32>
      %add3A_3217 = arith.addf %max3A_3206, %div3A_3216 : vector<16x513xf32>
      %add3A_3218 = vector.broadcast %get3A_3204 : vector<16x1xf32> to vector<16x513xf32>
      %add3A_3219 = arith.addf %add3A_3217, %add3A_3218 : vector<16x513xf32>
      %slice3A_3220 = vector.extract_strided_slice %concatenate3A_3205 {offsets = [0, 0], sizes = [16, 512], strides = [1, 1]} : vector<16x513xf32> to vector<16x512xf32>
      %add3A_3221 = arith.addf %slice3A_3220, %select_n3A_1292 : vector<16x512xf32>
      %slice3A_3222 = vector.extract_strided_slice %add3A_3172 {offsets = [0, 0], sizes = [16, 512], strides = [1, 1]} : vector<16x513xf32> to vector<16x512xf32>
      %max3A_3223 = arith.maximumf %add3A_3192, %slice3A_3222 : vector<16x512xf32>
      %max3A_3224 = arith.maximumf %max3A_3223, %add3A_3221 : vector<16x512xf32>
      %sub3A_3225 = arith.subf %add3A_3192, %max3A_3224 : vector<16x512xf32>
      %exp23A_3226 = math.exp2 %sub3A_3225 : vector<16x512xf32>
      %sub3A_3227 = arith.subf %slice3A_3222, %max3A_3224 : vector<16x512xf32>
      %exp23A_3228 = math.exp2 %sub3A_3227 : vector<16x512xf32>
      %add3A_3229 = arith.addf %exp23A_3226, %exp23A_3228 : vector<16x512xf32>
      %sub3A_3230 = arith.subf %add3A_3221, %max3A_3224 : vector<16x512xf32>
      %exp23A_3231 = math.exp2 %sub3A_3230 : vector<16x512xf32>
      %add3A_3232 = arith.addf %add3A_3229, %exp23A_3231 : vector<16x512xf32>
      %log3A_3233 = math.log %add3A_3232 : vector<16x512xf32>
      %log3A_3234 = arith.constant 2.000000e+00 : f32
      %log3A_3235 = math.log %log3A_3234 : f32
      %div3A_3236 = vector.broadcast %log3A_3235 : f32 to vector<16x512xf32>
      %div3A_3237 = arith.divf %log3A_3233, %div3A_3236 : vector<16x512xf32>
      %add3A_3238 = arith.addf %max3A_3224, %div3A_3237 : vector<16x512xf32>
      %add3A_3239 = arith.addf %add3A_3238, %get3A_3199 : vector<16x512xf32>
      %scan3A_3240 = arith.constant 9 : i32
      %scan3A_3241 = arith.addi %scan3A_2816, %scan3A_3240 : i32
      %get3A_3242 = arith.index_cast %scan3A_3241 : i32 to index
      %get3A_3243 = arith.constant 0 : index
      %get3A_3244 = arith.constant 0 : index
      %get3A_3245 = vector.load %arg5[%get3A_3242, %get3A_3243, %get3A_3244] : memref<512x16x640xf32, #tpu.memory_space<vmem>>, vector<1x16x512xf32>
      %get3A_3246 = vector.shape_cast %get3A_3245 : vector<1x16x512xf32> to vector<16x512xf32>
      %get3A_3247 = arith.index_cast %scan3A_3241 : i32 to index
      %get3A_3248 = arith.constant 0 : index
      %get3A_3249 = arith.constant 512 : index
      %get3A_3250 = vector.load %arg5[%get3A_3247, %get3A_3248, %get3A_3249] : memref<512x16x640xf32, #tpu.memory_space<vmem>>, vector<1x16x1xf32>
      %get3A_3251 = vector.shape_cast %get3A_3250 : vector<1x16x1xf32> to vector<16x1xf32>
      %concatenate3A_3252 = tpu.concatenate %broadcast_in_dim3A_1294, %add3A_3239 in 1 : vector<16x1xf32>, vector<16x512xf32> -> vector<16x513xf32>
      %max3A_3253 = arith.maximumf %add3A_3219, %concatenate3A_3252 : vector<16x513xf32>
      %sub3A_3254 = arith.subf %add3A_3219, %max3A_3253 : vector<16x513xf32>
      %exp23A_3255 = math.exp2 %sub3A_3254 : vector<16x513xf32>
      %sub3A_3256 = arith.subf %concatenate3A_3252, %max3A_3253 : vector<16x513xf32>
      %exp23A_3257 = math.exp2 %sub3A_3256 : vector<16x513xf32>
      %add3A_3258 = arith.addf %exp23A_3255, %exp23A_3257 : vector<16x513xf32>
      %log3A_3259 = math.log %add3A_3258 : vector<16x513xf32>
      %log3A_3260 = arith.constant 2.000000e+00 : f32
      %log3A_3261 = math.log %log3A_3260 : f32
      %div3A_3262 = vector.broadcast %log3A_3261 : f32 to vector<16x513xf32>
      %div3A_3263 = arith.divf %log3A_3259, %div3A_3262 : vector<16x513xf32>
      %add3A_3264 = arith.addf %max3A_3253, %div3A_3263 : vector<16x513xf32>
      %add3A_3265 = vector.broadcast %get3A_3251 : vector<16x1xf32> to vector<16x513xf32>
      %add3A_3266 = arith.addf %add3A_3264, %add3A_3265 : vector<16x513xf32>
      %slice3A_3267 = vector.extract_strided_slice %concatenate3A_3252 {offsets = [0, 0], sizes = [16, 512], strides = [1, 1]} : vector<16x513xf32> to vector<16x512xf32>
      %add3A_3268 = arith.addf %slice3A_3267, %select_n3A_1292 : vector<16x512xf32>
      %slice3A_3269 = vector.extract_strided_slice %add3A_3219 {offsets = [0, 0], sizes = [16, 512], strides = [1, 1]} : vector<16x513xf32> to vector<16x512xf32>
      %max3A_3270 = arith.maximumf %add3A_3239, %slice3A_3269 : vector<16x512xf32>
      %max3A_3271 = arith.maximumf %max3A_3270, %add3A_3268 : vector<16x512xf32>
      %sub3A_3272 = arith.subf %add3A_3239, %max3A_3271 : vector<16x512xf32>
      %exp23A_3273 = math.exp2 %sub3A_3272 : vector<16x512xf32>
      %sub3A_3274 = arith.subf %slice3A_3269, %max3A_3271 : vector<16x512xf32>
      %exp23A_3275 = math.exp2 %sub3A_3274 : vector<16x512xf32>
      %add3A_3276 = arith.addf %exp23A_3273, %exp23A_3275 : vector<16x512xf32>
      %sub3A_3277 = arith.subf %add3A_3268, %max3A_3271 : vector<16x512xf32>
      %exp23A_3278 = math.exp2 %sub3A_3277 : vector<16x512xf32>
      %add3A_3279 = arith.addf %add3A_3276, %exp23A_3278 : vector<16x512xf32>
      %log3A_3280 = math.log %add3A_3279 : vector<16x512xf32>
      %log3A_3281 = arith.constant 2.000000e+00 : f32
      %log3A_3282 = math.log %log3A_3281 : f32
      %div3A_3283 = vector.broadcast %log3A_3282 : f32 to vector<16x512xf32>
      %div3A_3284 = arith.divf %log3A_3280, %div3A_3283 : vector<16x512xf32>
      %add3A_3285 = arith.addf %max3A_3271, %div3A_3284 : vector<16x512xf32>
      %add3A_3286 = arith.addf %add3A_3285, %get3A_3246 : vector<16x512xf32>
      %scan3A_3287 = arith.constant 10 : i32
      %scan3A_3288 = arith.addi %scan3A_2816, %scan3A_3287 : i32
      %get3A_3289 = arith.index_cast %scan3A_3288 : i32 to index
      %get3A_3290 = arith.constant 0 : index
      %get3A_3291 = arith.constant 0 : index
      %get3A_3292 = vector.load %arg5[%get3A_3289, %get3A_3290, %get3A_3291] : memref<512x16x640xf32, #tpu.memory_space<vmem>>, vector<1x16x512xf32>
      %get3A_3293 = vector.shape_cast %get3A_3292 : vector<1x16x512xf32> to vector<16x512xf32>
      %get3A_3294 = arith.index_cast %scan3A_3288 : i32 to index
      %get3A_3295 = arith.constant 0 : index
      %get3A_3296 = arith.constant 512 : index
      %get3A_3297 = vector.load %arg5[%get3A_3294, %get3A_3295, %get3A_3296] : memref<512x16x640xf32, #tpu.memory_space<vmem>>, vector<1x16x1xf32>
      %get3A_3298 = vector.shape_cast %get3A_3297 : vector<1x16x1xf32> to vector<16x1xf32>
      %concatenate3A_3299 = tpu.concatenate %broadcast_in_dim3A_1294, %add3A_3286 in 1 : vector<16x1xf32>, vector<16x512xf32> -> vector<16x513xf32>
      %max3A_3300 = arith.maximumf %add3A_3266, %concatenate3A_3299 : vector<16x513xf32>
      %sub3A_3301 = arith.subf %add3A_3266, %max3A_3300 : vector<16x513xf32>
      %exp23A_3302 = math.exp2 %sub3A_3301 : vector<16x513xf32>
      %sub3A_3303 = arith.subf %concatenate3A_3299, %max3A_3300 : vector<16x513xf32>
      %exp23A_3304 = math.exp2 %sub3A_3303 : vector<16x513xf32>
      %add3A_3305 = arith.addf %exp23A_3302, %exp23A_3304 : vector<16x513xf32>
      %log3A_3306 = math.log %add3A_3305 : vector<16x513xf32>
      %log3A_3307 = arith.constant 2.000000e+00 : f32
      %log3A_3308 = math.log %log3A_3307 : f32
      %div3A_3309 = vector.broadcast %log3A_3308 : f32 to vector<16x513xf32>
      %div3A_3310 = arith.divf %log3A_3306, %div3A_3309 : vector<16x513xf32>
      %add3A_3311 = arith.addf %max3A_3300, %div3A_3310 : vector<16x513xf32>
      %add3A_3312 = vector.broadcast %get3A_3298 : vector<16x1xf32> to vector<16x513xf32>
      %add3A_3313 = arith.addf %add3A_3311, %add3A_3312 : vector<16x513xf32>
      %slice3A_3314 = vector.extract_strided_slice %concatenate3A_3299 {offsets = [0, 0], sizes = [16, 512], strides = [1, 1]} : vector<16x513xf32> to vector<16x512xf32>
      %add3A_3315 = arith.addf %slice3A_3314, %select_n3A_1292 : vector<16x512xf32>
      %slice3A_3316 = vector.extract_strided_slice %add3A_3266 {offsets = [0, 0], sizes = [16, 512], strides = [1, 1]} : vector<16x513xf32> to vector<16x512xf32>
      %max3A_3317 = arith.maximumf %add3A_3286, %slice3A_3316 : vector<16x512xf32>
      %max3A_3318 = arith.maximumf %max3A_3317, %add3A_3315 : vector<16x512xf32>
      %sub3A_3319 = arith.subf %add3A_3286, %max3A_3318 : vector<16x512xf32>
      %exp23A_3320 = math.exp2 %sub3A_3319 : vector<16x512xf32>
      %sub3A_3321 = arith.subf %slice3A_3316, %max3A_3318 : vector<16x512xf32>
      %exp23A_3322 = math.exp2 %sub3A_3321 : vector<16x512xf32>
      %add3A_3323 = arith.addf %exp23A_3320, %exp23A_3322 : vector<16x512xf32>
      %sub3A_3324 = arith.subf %add3A_3315, %max3A_3318 : vector<16x512xf32>
      %exp23A_3325 = math.exp2 %sub3A_3324 : vector<16x512xf32>
      %add3A_3326 = arith.addf %add3A_3323, %exp23A_3325 : vector<16x512xf32>
      %log3A_3327 = math.log %add3A_3326 : vector<16x512xf32>
      %log3A_3328 = arith.constant 2.000000e+00 : f32
      %log3A_3329 = math.log %log3A_3328 : f32
      %div3A_3330 = vector.broadcast %log3A_3329 : f32 to vector<16x512xf32>
      %div3A_3331 = arith.divf %log3A_3327, %div3A_3330 : vector<16x512xf32>
      %add3A_3332 = arith.addf %max3A_3318, %div3A_3331 : vector<16x512xf32>
      %add3A_3333 = arith.addf %add3A_3332, %get3A_3293 : vector<16x512xf32>
      %scan3A_3334 = arith.constant 11 : i32
      %scan3A_3335 = arith.addi %scan3A_2816, %scan3A_3334 : i32
      %get3A_3336 = arith.index_cast %scan3A_3335 : i32 to index
      %get3A_3337 = arith.constant 0 : index
      %get3A_3338 = arith.constant 0 : index
      %get3A_3339 = vector.load %arg5[%get3A_3336, %get3A_3337, %get3A_3338] : memref<512x16x640xf32, #tpu.memory_space<vmem>>, vector<1x16x512xf32>
      %get3A_3340 = vector.shape_cast %get3A_3339 : vector<1x16x512xf32> to vector<16x512xf32>
      %get3A_3341 = arith.index_cast %scan3A_3335 : i32 to index
      %get3A_3342 = arith.constant 0 : index
      %get3A_3343 = arith.constant 512 : index
      %get3A_3344 = vector.load %arg5[%get3A_3341, %get3A_3342, %get3A_3343] : memref<512x16x640xf32, #tpu.memory_space<vmem>>, vector<1x16x1xf32>
      %get3A_3345 = vector.shape_cast %get3A_3344 : vector<1x16x1xf32> to vector<16x1xf32>
      %concatenate3A_3346 = tpu.concatenate %broadcast_in_dim3A_1294, %add3A_3333 in 1 : vector<16x1xf32>, vector<16x512xf32> -> vector<16x513xf32>
      %max3A_3347 = arith.maximumf %add3A_3313, %concatenate3A_3346 : vector<16x513xf32>
      %sub3A_3348 = arith.subf %add3A_3313, %max3A_3347 : vector<16x513xf32>
      %exp23A_3349 = math.exp2 %sub3A_3348 : vector<16x513xf32>
      %sub3A_3350 = arith.subf %concatenate3A_3346, %max3A_3347 : vector<16x513xf32>
      %exp23A_3351 = math.exp2 %sub3A_3350 : vector<16x513xf32>
      %add3A_3352 = arith.addf %exp23A_3349, %exp23A_3351 : vector<16x513xf32>
      %log3A_3353 = math.log %add3A_3352 : vector<16x513xf32>
      %log3A_3354 = arith.constant 2.000000e+00 : f32
      %log3A_3355 = math.log %log3A_3354 : f32
      %div3A_3356 = vector.broadcast %log3A_3355 : f32 to vector<16x513xf32>
      %div3A_3357 = arith.divf %log3A_3353, %div3A_3356 : vector<16x513xf32>
      %add3A_3358 = arith.addf %max3A_3347, %div3A_3357 : vector<16x513xf32>
      %add3A_3359 = vector.broadcast %get3A_3345 : vector<16x1xf32> to vector<16x513xf32>
      %add3A_3360 = arith.addf %add3A_3358, %add3A_3359 : vector<16x513xf32>
      %slice3A_3361 = vector.extract_strided_slice %concatenate3A_3346 {offsets = [0, 0], sizes = [16, 512], strides = [1, 1]} : vector<16x513xf32> to vector<16x512xf32>
      %add3A_3362 = arith.addf %slice3A_3361, %select_n3A_1292 : vector<16x512xf32>
      %slice3A_3363 = vector.extract_strided_slice %add3A_3313 {offsets = [0, 0], sizes = [16, 512], strides = [1, 1]} : vector<16x513xf32> to vector<16x512xf32>
      %max3A_3364 = arith.maximumf %add3A_3333, %slice3A_3363 : vector<16x512xf32>
      %max3A_3365 = arith.maximumf %max3A_3364, %add3A_3362 : vector<16x512xf32>
      %sub3A_3366 = arith.subf %add3A_3333, %max3A_3365 : vector<16x512xf32>
      %exp23A_3367 = math.exp2 %sub3A_3366 : vector<16x512xf32>
      %sub3A_3368 = arith.subf %slice3A_3363, %max3A_3365 : vector<16x512xf32>
      %exp23A_3369 = math.exp2 %sub3A_3368 : vector<16x512xf32>
      %add3A_3370 = arith.addf %exp23A_3367, %exp23A_3369 : vector<16x512xf32>
      %sub3A_3371 = arith.subf %add3A_3362, %max3A_3365 : vector<16x512xf32>
      %exp23A_3372 = math.exp2 %sub3A_3371 : vector<16x512xf32>
      %add3A_3373 = arith.addf %add3A_3370, %exp23A_3372 : vector<16x512xf32>
      %log3A_3374 = math.log %add3A_3373 : vector<16x512xf32>
      %log3A_3375 = arith.constant 2.000000e+00 : f32
      %log3A_3376 = math.log %log3A_3375 : f32
      %div3A_3377 = vector.broadcast %log3A_3376 : f32 to vector<16x512xf32>
      %div3A_3378 = arith.divf %log3A_3374, %div3A_3377 : vector<16x512xf32>
      %add3A_3379 = arith.addf %max3A_3365, %div3A_3378 : vector<16x512xf32>
      %add3A_3380 = arith.addf %add3A_3379, %get3A_3340 : vector<16x512xf32>
      %scan3A_3381 = arith.constant 12 : i32
      %scan3A_3382 = arith.addi %scan3A_2816, %scan3A_3381 : i32
      %get3A_3383 = arith.index_cast %scan3A_3382 : i32 to index
      %get3A_3384 = arith.constant 0 : index
      %get3A_3385 = arith.constant 0 : index
      %get3A_3386 = vector.load %arg5[%get3A_3383, %get3A_3384, %get3A_3385] : memref<512x16x640xf32, #tpu.memory_space<vmem>>, vector<1x16x512xf32>
      %get3A_3387 = vector.shape_cast %get3A_3386 : vector<1x16x512xf32> to vector<16x512xf32>
      %get3A_3388 = arith.index_cast %scan3A_3382 : i32 to index
      %get3A_3389 = arith.constant 0 : index
      %get3A_3390 = arith.constant 512 : index
      %get3A_3391 = vector.load %arg5[%get3A_3388, %get3A_3389, %get3A_3390] : memref<512x16x640xf32, #tpu.memory_space<vmem>>, vector<1x16x1xf32>
      %get3A_3392 = vector.shape_cast %get3A_3391 : vector<1x16x1xf32> to vector<16x1xf32>
      %concatenate3A_3393 = tpu.concatenate %broadcast_in_dim3A_1294, %add3A_3380 in 1 : vector<16x1xf32>, vector<16x512xf32> -> vector<16x513xf32>
      %max3A_3394 = arith.maximumf %add3A_3360, %concatenate3A_3393 : vector<16x513xf32>
      %sub3A_3395 = arith.subf %add3A_3360, %max3A_3394 : vector<16x513xf32>
      %exp23A_3396 = math.exp2 %sub3A_3395 : vector<16x513xf32>
      %sub3A_3397 = arith.subf %concatenate3A_3393, %max3A_3394 : vector<16x513xf32>
      %exp23A_3398 = math.exp2 %sub3A_3397 : vector<16x513xf32>
      %add3A_3399 = arith.addf %exp23A_3396, %exp23A_3398 : vector<16x513xf32>
      %log3A_3400 = math.log %add3A_3399 : vector<16x513xf32>
      %log3A_3401 = arith.constant 2.000000e+00 : f32
      %log3A_3402 = math.log %log3A_3401 : f32
      %div3A_3403 = vector.broadcast %log3A_3402 : f32 to vector<16x513xf32>
      %div3A_3404 = arith.divf %log3A_3400, %div3A_3403 : vector<16x513xf32>
      %add3A_3405 = arith.addf %max3A_3394, %div3A_3404 : vector<16x513xf32>
      %add3A_3406 = vector.broadcast %get3A_3392 : vector<16x1xf32> to vector<16x513xf32>
      %add3A_3407 = arith.addf %add3A_3405, %add3A_3406 : vector<16x513xf32>
      %slice3A_3408 = vector.extract_strided_slice %concatenate3A_3393 {offsets = [0, 0], sizes = [16, 512], strides = [1, 1]} : vector<16x513xf32> to vector<16x512xf32>
      %add3A_3409 = arith.addf %slice3A_3408, %select_n3A_1292 : vector<16x512xf32>
      %slice3A_3410 = vector.extract_strided_slice %add3A_3360 {offsets = [0, 0], sizes = [16, 512], strides = [1, 1]} : vector<16x513xf32> to vector<16x512xf32>
      %max3A_3411 = arith.maximumf %add3A_3380, %slice3A_3410 : vector<16x512xf32>
      %max3A_3412 = arith.maximumf %max3A_3411, %add3A_3409 : vector<16x512xf32>
      %sub3A_3413 = arith.subf %add3A_3380, %max3A_3412 : vector<16x512xf32>
      %exp23A_3414 = math.exp2 %sub3A_3413 : vector<16x512xf32>
      %sub3A_3415 = arith.subf %slice3A_3410, %max3A_3412 : vector<16x512xf32>
      %exp23A_3416 = math.exp2 %sub3A_3415 : vector<16x512xf32>
      %add3A_3417 = arith.addf %exp23A_3414, %exp23A_3416 : vector<16x512xf32>
      %sub3A_3418 = arith.subf %add3A_3409, %max3A_3412 : vector<16x512xf32>
      %exp23A_3419 = math.exp2 %sub3A_3418 : vector<16x512xf32>
      %add3A_3420 = arith.addf %add3A_3417, %exp23A_3419 : vector<16x512xf32>
      %log3A_3421 = math.log %add3A_3420 : vector<16x512xf32>
      %log3A_3422 = arith.constant 2.000000e+00 : f32
      %log3A_3423 = math.log %log3A_3422 : f32
      %div3A_3424 = vector.broadcast %log3A_3423 : f32 to vector<16x512xf32>
      %div3A_3425 = arith.divf %log3A_3421, %div3A_3424 : vector<16x512xf32>
      %add3A_3426 = arith.addf %max3A_3412, %div3A_3425 : vector<16x512xf32>
      %add3A_3427 = arith.addf %add3A_3426, %get3A_3387 : vector<16x512xf32>
      %scan3A_3428 = arith.constant 13 : i32
      %scan3A_3429 = arith.addi %scan3A_2816, %scan3A_3428 : i32
      %get3A_3430 = arith.index_cast %scan3A_3429 : i32 to index
      %get3A_3431 = arith.constant 0 : index
      %get3A_3432 = arith.constant 0 : index
      %get3A_3433 = vector.load %arg5[%get3A_3430, %get3A_3431, %get3A_3432] : memref<512x16x640xf32, #tpu.memory_space<vmem>>, vector<1x16x512xf32>
      %get3A_3434 = vector.shape_cast %get3A_3433 : vector<1x16x512xf32> to vector<16x512xf32>
      %get3A_3435 = arith.index_cast %scan3A_3429 : i32 to index
      %get3A_3436 = arith.constant 0 : index
      %get3A_3437 = arith.constant 512 : index
      %get3A_3438 = vector.load %arg5[%get3A_3435, %get3A_3436, %get3A_3437] : memref<512x16x640xf32, #tpu.memory_space<vmem>>, vector<1x16x1xf32>
      %get3A_3439 = vector.shape_cast %get3A_3438 : vector<1x16x1xf32> to vector<16x1xf32>
      %concatenate3A_3440 = tpu.concatenate %broadcast_in_dim3A_1294, %add3A_3427 in 1 : vector<16x1xf32>, vector<16x512xf32> -> vector<16x513xf32>
      %max3A_3441 = arith.maximumf %add3A_3407, %concatenate3A_3440 : vector<16x513xf32>
      %sub3A_3442 = arith.subf %add3A_3407, %max3A_3441 : vector<16x513xf32>
      %exp23A_3443 = math.exp2 %sub3A_3442 : vector<16x513xf32>
      %sub3A_3444 = arith.subf %concatenate3A_3440, %max3A_3441 : vector<16x513xf32>
      %exp23A_3445 = math.exp2 %sub3A_3444 : vector<16x513xf32>
      %add3A_3446 = arith.addf %exp23A_3443, %exp23A_3445 : vector<16x513xf32>
      %log3A_3447 = math.log %add3A_3446 : vector<16x513xf32>
      %log3A_3448 = arith.constant 2.000000e+00 : f32
      %log3A_3449 = math.log %log3A_3448 : f32
      %div3A_3450 = vector.broadcast %log3A_3449 : f32 to vector<16x513xf32>
      %div3A_3451 = arith.divf %log3A_3447, %div3A_3450 : vector<16x513xf32>
      %add3A_3452 = arith.addf %max3A_3441, %div3A_3451 : vector<16x513xf32>
      %add3A_3453 = vector.broadcast %get3A_3439 : vector<16x1xf32> to vector<16x513xf32>
      %add3A_3454 = arith.addf %add3A_3452, %add3A_3453 : vector<16x513xf32>
      %slice3A_3455 = vector.extract_strided_slice %concatenate3A_3440 {offsets = [0, 0], sizes = [16, 512], strides = [1, 1]} : vector<16x513xf32> to vector<16x512xf32>
      %add3A_3456 = arith.addf %slice3A_3455, %select_n3A_1292 : vector<16x512xf32>
      %slice3A_3457 = vector.extract_strided_slice %add3A_3407 {offsets = [0, 0], sizes = [16, 512], strides = [1, 1]} : vector<16x513xf32> to vector<16x512xf32>
      %max3A_3458 = arith.maximumf %add3A_3427, %slice3A_3457 : vector<16x512xf32>
      %max3A_3459 = arith.maximumf %max3A_3458, %add3A_3456 : vector<16x512xf32>
      %sub3A_3460 = arith.subf %add3A_3427, %max3A_3459 : vector<16x512xf32>
      %exp23A_3461 = math.exp2 %sub3A_3460 : vector<16x512xf32>
      %sub3A_3462 = arith.subf %slice3A_3457, %max3A_3459 : vector<16x512xf32>
      %exp23A_3463 = math.exp2 %sub3A_3462 : vector<16x512xf32>
      %add3A_3464 = arith.addf %exp23A_3461, %exp23A_3463 : vector<16x512xf32>
      %sub3A_3465 = arith.subf %add3A_3456, %max3A_3459 : vector<16x512xf32>
      %exp23A_3466 = math.exp2 %sub3A_3465 : vector<16x512xf32>
      %add3A_3467 = arith.addf %add3A_3464, %exp23A_3466 : vector<16x512xf32>
      %log3A_3468 = math.log %add3A_3467 : vector<16x512xf32>
      %log3A_3469 = arith.constant 2.000000e+00 : f32
      %log3A_3470 = math.log %log3A_3469 : f32
      %div3A_3471 = vector.broadcast %log3A_3470 : f32 to vector<16x512xf32>
      %div3A_3472 = arith.divf %log3A_3468, %div3A_3471 : vector<16x512xf32>
      %add3A_3473 = arith.addf %max3A_3459, %div3A_3472 : vector<16x512xf32>
      %add3A_3474 = arith.addf %add3A_3473, %get3A_3434 : vector<16x512xf32>
      %scan3A_3475 = arith.constant 14 : i32
      %scan3A_3476 = arith.addi %scan3A_2816, %scan3A_3475 : i32
      %get3A_3477 = arith.index_cast %scan3A_3476 : i32 to index
      %get3A_3478 = arith.constant 0 : index
      %get3A_3479 = arith.constant 0 : index
      %get3A_3480 = vector.load %arg5[%get3A_3477, %get3A_3478, %get3A_3479] : memref<512x16x640xf32, #tpu.memory_space<vmem>>, vector<1x16x512xf32>
      %get3A_3481 = vector.shape_cast %get3A_3480 : vector<1x16x512xf32> to vector<16x512xf32>
      %get3A_3482 = arith.index_cast %scan3A_3476 : i32 to index
      %get3A_3483 = arith.constant 0 : index
      %get3A_3484 = arith.constant 512 : index
      %get3A_3485 = vector.load %arg5[%get3A_3482, %get3A_3483, %get3A_3484] : memref<512x16x640xf32, #tpu.memory_space<vmem>>, vector<1x16x1xf32>
      %get3A_3486 = vector.shape_cast %get3A_3485 : vector<1x16x1xf32> to vector<16x1xf32>
      %concatenate3A_3487 = tpu.concatenate %broadcast_in_dim3A_1294, %add3A_3474 in 1 : vector<16x1xf32>, vector<16x512xf32> -> vector<16x513xf32>
      %max3A_3488 = arith.maximumf %add3A_3454, %concatenate3A_3487 : vector<16x513xf32>
      %sub3A_3489 = arith.subf %add3A_3454, %max3A_3488 : vector<16x513xf32>
      %exp23A_3490 = math.exp2 %sub3A_3489 : vector<16x513xf32>
      %sub3A_3491 = arith.subf %concatenate3A_3487, %max3A_3488 : vector<16x513xf32>
      %exp23A_3492 = math.exp2 %sub3A_3491 : vector<16x513xf32>
      %add3A_3493 = arith.addf %exp23A_3490, %exp23A_3492 : vector<16x513xf32>
      %log3A_3494 = math.log %add3A_3493 : vector<16x513xf32>
      %log3A_3495 = arith.constant 2.000000e+00 : f32
      %log3A_3496 = math.log %log3A_3495 : f32
      %div3A_3497 = vector.broadcast %log3A_3496 : f32 to vector<16x513xf32>
      %div3A_3498 = arith.divf %log3A_3494, %div3A_3497 : vector<16x513xf32>
      %add3A_3499 = arith.addf %max3A_3488, %div3A_3498 : vector<16x513xf32>
      %add3A_3500 = vector.broadcast %get3A_3486 : vector<16x1xf32> to vector<16x513xf32>
      %add3A_3501 = arith.addf %add3A_3499, %add3A_3500 : vector<16x513xf32>
      %slice3A_3502 = vector.extract_strided_slice %concatenate3A_3487 {offsets = [0, 0], sizes = [16, 512], strides = [1, 1]} : vector<16x513xf32> to vector<16x512xf32>
      %add3A_3503 = arith.addf %slice3A_3502, %select_n3A_1292 : vector<16x512xf32>
      %slice3A_3504 = vector.extract_strided_slice %add3A_3454 {offsets = [0, 0], sizes = [16, 512], strides = [1, 1]} : vector<16x513xf32> to vector<16x512xf32>
      %max3A_3505 = arith.maximumf %add3A_3474, %slice3A_3504 : vector<16x512xf32>
      %max3A_3506 = arith.maximumf %max3A_3505, %add3A_3503 : vector<16x512xf32>
      %sub3A_3507 = arith.subf %add3A_3474, %max3A_3506 : vector<16x512xf32>
      %exp23A_3508 = math.exp2 %sub3A_3507 : vector<16x512xf32>
      %sub3A_3509 = arith.subf %slice3A_3504, %max3A_3506 : vector<16x512xf32>
      %exp23A_3510 = math.exp2 %sub3A_3509 : vector<16x512xf32>
      %add3A_3511 = arith.addf %exp23A_3508, %exp23A_3510 : vector<16x512xf32>
      %sub3A_3512 = arith.subf %add3A_3503, %max3A_3506 : vector<16x512xf32>
      %exp23A_3513 = math.exp2 %sub3A_3512 : vector<16x512xf32>
      %add3A_3514 = arith.addf %add3A_3511, %exp23A_3513 : vector<16x512xf32>
      %log3A_3515 = math.log %add3A_3514 : vector<16x512xf32>
      %log3A_3516 = arith.constant 2.000000e+00 : f32
      %log3A_3517 = math.log %log3A_3516 : f32
      %div3A_3518 = vector.broadcast %log3A_3517 : f32 to vector<16x512xf32>
      %div3A_3519 = arith.divf %log3A_3515, %div3A_3518 : vector<16x512xf32>
      %add3A_3520 = arith.addf %max3A_3506, %div3A_3519 : vector<16x512xf32>
      %add3A_3521 = arith.addf %add3A_3520, %get3A_3481 : vector<16x512xf32>
      %scan3A_3522 = arith.constant 15 : i32
      %scan3A_3523 = arith.addi %scan3A_2816, %scan3A_3522 : i32
      %get3A_3524 = arith.index_cast %scan3A_3523 : i32 to index
      %get3A_3525 = arith.constant 0 : index
      %get3A_3526 = arith.constant 0 : index
      %get3A_3527 = vector.load %arg5[%get3A_3524, %get3A_3525, %get3A_3526] : memref<512x16x640xf32, #tpu.memory_space<vmem>>, vector<1x16x512xf32>
      %get3A_3528 = vector.shape_cast %get3A_3527 : vector<1x16x512xf32> to vector<16x512xf32>
      %get3A_3529 = arith.index_cast %scan3A_3523 : i32 to index
      %get3A_3530 = arith.constant 0 : index
      %get3A_3531 = arith.constant 512 : index
      %get3A_3532 = vector.load %arg5[%get3A_3529, %get3A_3530, %get3A_3531] : memref<512x16x640xf32, #tpu.memory_space<vmem>>, vector<1x16x1xf32>
      %get3A_3533 = vector.shape_cast %get3A_3532 : vector<1x16x1xf32> to vector<16x1xf32>
      %concatenate3A_3534 = tpu.concatenate %broadcast_in_dim3A_1294, %add3A_3521 in 1 : vector<16x1xf32>, vector<16x512xf32> -> vector<16x513xf32>
      %max3A_3535 = arith.maximumf %add3A_3501, %concatenate3A_3534 : vector<16x513xf32>
      %sub3A_3536 = arith.subf %add3A_3501, %max3A_3535 : vector<16x513xf32>
      %exp23A_3537 = math.exp2 %sub3A_3536 : vector<16x513xf32>
      %sub3A_3538 = arith.subf %concatenate3A_3534, %max3A_3535 : vector<16x513xf32>
      %exp23A_3539 = math.exp2 %sub3A_3538 : vector<16x513xf32>
      %add3A_3540 = arith.addf %exp23A_3537, %exp23A_3539 : vector<16x513xf32>
      %log3A_3541 = math.log %add3A_3540 : vector<16x513xf32>
      %log3A_3542 = arith.constant 2.000000e+00 : f32
      %log3A_3543 = math.log %log3A_3542 : f32
      %div3A_3544 = vector.broadcast %log3A_3543 : f32 to vector<16x513xf32>
      %div3A_3545 = arith.divf %log3A_3541, %div3A_3544 : vector<16x513xf32>
      %add3A_3546 = arith.addf %max3A_3535, %div3A_3545 : vector<16x513xf32>
      %add3A_3547 = vector.broadcast %get3A_3533 : vector<16x1xf32> to vector<16x513xf32>
      %add3A_3548 = arith.addf %add3A_3546, %add3A_3547 : vector<16x513xf32>
      %slice3A_3549 = vector.extract_strided_slice %concatenate3A_3534 {offsets = [0, 0], sizes = [16, 512], strides = [1, 1]} : vector<16x513xf32> to vector<16x512xf32>
      %add3A_3550 = arith.addf %slice3A_3549, %select_n3A_1292 : vector<16x512xf32>
      %slice3A_3551 = vector.extract_strided_slice %add3A_3501 {offsets = [0, 0], sizes = [16, 512], strides = [1, 1]} : vector<16x513xf32> to vector<16x512xf32>
      %max3A_3552 = arith.maximumf %add3A_3521, %slice3A_3551 : vector<16x512xf32>
      %max3A_3553 = arith.maximumf %max3A_3552, %add3A_3550 : vector<16x512xf32>
      %sub3A_3554 = arith.subf %add3A_3521, %max3A_3553 : vector<16x512xf32>
      %exp23A_3555 = math.exp2 %sub3A_3554 : vector<16x512xf32>
      %sub3A_3556 = arith.subf %slice3A_3551, %max3A_3553 : vector<16x512xf32>
      %exp23A_3557 = math.exp2 %sub3A_3556 : vector<16x512xf32>
      %add3A_3558 = arith.addf %exp23A_3555, %exp23A_3557 : vector<16x512xf32>
      %sub3A_3559 = arith.subf %add3A_3550, %max3A_3553 : vector<16x512xf32>
      %exp23A_3560 = math.exp2 %sub3A_3559 : vector<16x512xf32>
      %add3A_3561 = arith.addf %add3A_3558, %exp23A_3560 : vector<16x512xf32>
      %log3A_3562 = math.log %add3A_3561 : vector<16x512xf32>
      %log3A_3563 = arith.constant 2.000000e+00 : f32
      %log3A_3564 = math.log %log3A_3563 : f32
      %div3A_3565 = vector.broadcast %log3A_3564 : f32 to vector<16x512xf32>
      %div3A_3566 = arith.divf %log3A_3562, %div3A_3565 : vector<16x512xf32>
      %add3A_3567 = arith.addf %max3A_3553, %div3A_3566 : vector<16x512xf32>
      %add3A_3568 = arith.addf %add3A_3567, %get3A_3528 : vector<16x512xf32>
      %scan3A_3569 = arith.constant 16 : i32
      %scan3A_3570 = arith.addi %scan3A_2816, %scan3A_3569 : i32
      %get3A_3571 = arith.index_cast %scan3A_3570 : i32 to index
      %get3A_3572 = arith.constant 0 : index
      %get3A_3573 = arith.constant 0 : index
      %get3A_3574 = vector.load %arg5[%get3A_3571, %get3A_3572, %get3A_3573] : memref<512x16x640xf32, #tpu.memory_space<vmem>>, vector<1x16x512xf32>
      %get3A_3575 = vector.shape_cast %get3A_3574 : vector<1x16x512xf32> to vector<16x512xf32>
      %get3A_3576 = arith.index_cast %scan3A_3570 : i32 to index
      %get3A_3577 = arith.constant 0 : index
      %get3A_3578 = arith.constant 512 : index
      %get3A_3579 = vector.load %arg5[%get3A_3576, %get3A_3577, %get3A_3578] : memref<512x16x640xf32, #tpu.memory_space<vmem>>, vector<1x16x1xf32>
      %get3A_3580 = vector.shape_cast %get3A_3579 : vector<1x16x1xf32> to vector<16x1xf32>
      %concatenate3A_3581 = tpu.concatenate %broadcast_in_dim3A_1294, %add3A_3568 in 1 : vector<16x1xf32>, vector<16x512xf32> -> vector<16x513xf32>
      %max3A_3582 = arith.maximumf %add3A_3548, %concatenate3A_3581 : vector<16x513xf32>
      %sub3A_3583 = arith.subf %add3A_3548, %max3A_3582 : vector<16x513xf32>
      %exp23A_3584 = math.exp2 %sub3A_3583 : vector<16x513xf32>
      %sub3A_3585 = arith.subf %concatenate3A_3581, %max3A_3582 : vector<16x513xf32>
      %exp23A_3586 = math.exp2 %sub3A_3585 : vector<16x513xf32>
      %add3A_3587 = arith.addf %exp23A_3584, %exp23A_3586 : vector<16x513xf32>
      %log3A_3588 = math.log %add3A_3587 : vector<16x513xf32>
      %log3A_3589 = arith.constant 2.000000e+00 : f32
      %log3A_3590 = math.log %log3A_3589 : f32
      %div3A_3591 = vector.broadcast %log3A_3590 : f32 to vector<16x513xf32>
      %div3A_3592 = arith.divf %log3A_3588, %div3A_3591 : vector<16x513xf32>
      %add3A_3593 = arith.addf %max3A_3582, %div3A_3592 : vector<16x513xf32>
      %add3A_3594 = vector.broadcast %get3A_3580 : vector<16x1xf32> to vector<16x513xf32>
      %add3A_3595 = arith.addf %add3A_3593, %add3A_3594 : vector<16x513xf32>
      %slice3A_3596 = vector.extract_strided_slice %concatenate3A_3581 {offsets = [0, 0], sizes = [16, 512], strides = [1, 1]} : vector<16x513xf32> to vector<16x512xf32>
      %add3A_3597 = arith.addf %slice3A_3596, %select_n3A_1292 : vector<16x512xf32>
      %slice3A_3598 = vector.extract_strided_slice %add3A_3548 {offsets = [0, 0], sizes = [16, 512], strides = [1, 1]} : vector<16x513xf32> to vector<16x512xf32>
      %max3A_3599 = arith.maximumf %add3A_3568, %slice3A_3598 : vector<16x512xf32>
      %max3A_3600 = arith.maximumf %max3A_3599, %add3A_3597 : vector<16x512xf32>
      %sub3A_3601 = arith.subf %add3A_3568, %max3A_3600 : vector<16x512xf32>
      %exp23A_3602 = math.exp2 %sub3A_3601 : vector<16x512xf32>
      %sub3A_3603 = arith.subf %slice3A_3598, %max3A_3600 : vector<16x512xf32>
      %exp23A_3604 = math.exp2 %sub3A_3603 : vector<16x512xf32>
      %add3A_3605 = arith.addf %exp23A_3602, %exp23A_3604 : vector<16x512xf32>
      %sub3A_3606 = arith.subf %add3A_3597, %max3A_3600 : vector<16x512xf32>
      %exp23A_3607 = math.exp2 %sub3A_3606 : vector<16x512xf32>
      %add3A_3608 = arith.addf %add3A_3605, %exp23A_3607 : vector<16x512xf32>
      %log3A_3609 = math.log %add3A_3608 : vector<16x512xf32>
      %log3A_3610 = arith.constant 2.000000e+00 : f32
      %log3A_3611 = math.log %log3A_3610 : f32
      %div3A_3612 = vector.broadcast %log3A_3611 : f32 to vector<16x512xf32>
      %div3A_3613 = arith.divf %log3A_3609, %div3A_3612 : vector<16x512xf32>
      %add3A_3614 = arith.addf %max3A_3600, %div3A_3613 : vector<16x512xf32>
      %add3A_3615 = arith.addf %add3A_3614, %get3A_3575 : vector<16x512xf32>
      %scan3A_3616 = arith.constant 17 : i32
      %scan3A_3617 = arith.addi %scan3A_2816, %scan3A_3616 : i32
      %get3A_3618 = arith.index_cast %scan3A_3617 : i32 to index
      %get3A_3619 = arith.constant 0 : index
      %get3A_3620 = arith.constant 0 : index
      %get3A_3621 = vector.load %arg5[%get3A_3618, %get3A_3619, %get3A_3620] : memref<512x16x640xf32, #tpu.memory_space<vmem>>, vector<1x16x512xf32>
      %get3A_3622 = vector.shape_cast %get3A_3621 : vector<1x16x512xf32> to vector<16x512xf32>
      %get3A_3623 = arith.index_cast %scan3A_3617 : i32 to index
      %get3A_3624 = arith.constant 0 : index
      %get3A_3625 = arith.constant 512 : index
      %get3A_3626 = vector.load %arg5[%get3A_3623, %get3A_3624, %get3A_3625] : memref<512x16x640xf32, #tpu.memory_space<vmem>>, vector<1x16x1xf32>
      %get3A_3627 = vector.shape_cast %get3A_3626 : vector<1x16x1xf32> to vector<16x1xf32>
      %concatenate3A_3628 = tpu.concatenate %broadcast_in_dim3A_1294, %add3A_3615 in 1 : vector<16x1xf32>, vector<16x512xf32> -> vector<16x513xf32>
      %max3A_3629 = arith.maximumf %add3A_3595, %concatenate3A_3628 : vector<16x513xf32>
      %sub3A_3630 = arith.subf %add3A_3595, %max3A_3629 : vector<16x513xf32>
      %exp23A_3631 = math.exp2 %sub3A_3630 : vector<16x513xf32>
      %sub3A_3632 = arith.subf %concatenate3A_3628, %max3A_3629 : vector<16x513xf32>
      %exp23A_3633 = math.exp2 %sub3A_3632 : vector<16x513xf32>
      %add3A_3634 = arith.addf %exp23A_3631, %exp23A_3633 : vector<16x513xf32>
      %log3A_3635 = math.log %add3A_3634 : vector<16x513xf32>
      %log3A_3636 = arith.constant 2.000000e+00 : f32
      %log3A_3637 = math.log %log3A_3636 : f32
      %div3A_3638 = vector.broadcast %log3A_3637 : f32 to vector<16x513xf32>
      %div3A_3639 = arith.divf %log3A_3635, %div3A_3638 : vector<16x513xf32>
      %add3A_3640 = arith.addf %max3A_3629, %div3A_3639 : vector<16x513xf32>
      %add3A_3641 = vector.broadcast %get3A_3627 : vector<16x1xf32> to vector<16x513xf32>
      %add3A_3642 = arith.addf %add3A_3640, %add3A_3641 : vector<16x513xf32>
      %slice3A_3643 = vector.extract_strided_slice %concatenate3A_3628 {offsets = [0, 0], sizes = [16, 512], strides = [1, 1]} : vector<16x513xf32> to vector<16x512xf32>
      %add3A_3644 = arith.addf %slice3A_3643, %select_n3A_1292 : vector<16x512xf32>
      %slice3A_3645 = vector.extract_strided_slice %add3A_3595 {offsets = [0, 0], sizes = [16, 512], strides = [1, 1]} : vector<16x513xf32> to vector<16x512xf32>
      %max3A_3646 = arith.maximumf %add3A_3615, %slice3A_3645 : vector<16x512xf32>
      %max3A_3647 = arith.maximumf %max3A_3646, %add3A_3644 : vector<16x512xf32>
      %sub3A_3648 = arith.subf %add3A_3615, %max3A_3647 : vector<16x512xf32>
      %exp23A_3649 = math.exp2 %sub3A_3648 : vector<16x512xf32>
      %sub3A_3650 = arith.subf %slice3A_3645, %max3A_3647 : vector<16x512xf32>
      %exp23A_3651 = math.exp2 %sub3A_3650 : vector<16x512xf32>
      %add3A_3652 = arith.addf %exp23A_3649, %exp23A_3651 : vector<16x512xf32>
      %sub3A_3653 = arith.subf %add3A_3644, %max3A_3647 : vector<16x512xf32>
      %exp23A_3654 = math.exp2 %sub3A_3653 : vector<16x512xf32>
      %add3A_3655 = arith.addf %add3A_3652, %exp23A_3654 : vector<16x512xf32>
      %log3A_3656 = math.log %add3A_3655 : vector<16x512xf32>
      %log3A_3657 = arith.constant 2.000000e+00 : f32
      %log3A_3658 = math.log %log3A_3657 : f32
      %div3A_3659 = vector.broadcast %log3A_3658 : f32 to vector<16x512xf32>
      %div3A_3660 = arith.divf %log3A_3656, %div3A_3659 : vector<16x512xf32>
      %add3A_3661 = arith.addf %max3A_3647, %div3A_3660 : vector<16x512xf32>
      %add3A_3662 = arith.addf %add3A_3661, %get3A_3622 : vector<16x512xf32>
      %scan3A_3663 = arith.constant 18 : i32
      %scan3A_3664 = arith.addi %scan3A_2816, %scan3A_3663 : i32
      %get3A_3665 = arith.index_cast %scan3A_3664 : i32 to index
      %get3A_3666 = arith.constant 0 : index
      %get3A_3667 = arith.constant 0 : index
      %get3A_3668 = vector.load %arg5[%get3A_3665, %get3A_3666, %get3A_3667] : memref<512x16x640xf32, #tpu.memory_space<vmem>>, vector<1x16x512xf32>
      %get3A_3669 = vector.shape_cast %get3A_3668 : vector<1x16x512xf32> to vector<16x512xf32>
      %get3A_3670 = arith.index_cast %scan3A_3664 : i32 to index
      %get3A_3671 = arith.constant 0 : index
      %get3A_3672 = arith.constant 512 : index
      %get3A_3673 = vector.load %arg5[%get3A_3670, %get3A_3671, %get3A_3672] : memref<512x16x640xf32, #tpu.memory_space<vmem>>, vector<1x16x1xf32>
      %get3A_3674 = vector.shape_cast %get3A_3673 : vector<1x16x1xf32> to vector<16x1xf32>
      %concatenate3A_3675 = tpu.concatenate %broadcast_in_dim3A_1294, %add3A_3662 in 1 : vector<16x1xf32>, vector<16x512xf32> -> vector<16x513xf32>
      %max3A_3676 = arith.maximumf %add3A_3642, %concatenate3A_3675 : vector<16x513xf32>
      %sub3A_3677 = arith.subf %add3A_3642, %max3A_3676 : vector<16x513xf32>
      %exp23A_3678 = math.exp2 %sub3A_3677 : vector<16x513xf32>
      %sub3A_3679 = arith.subf %concatenate3A_3675, %max3A_3676 : vector<16x513xf32>
      %exp23A_3680 = math.exp2 %sub3A_3679 : vector<16x513xf32>
      %add3A_3681 = arith.addf %exp23A_3678, %exp23A_3680 : vector<16x513xf32>
      %log3A_3682 = math.log %add3A_3681 : vector<16x513xf32>
      %log3A_3683 = arith.constant 2.000000e+00 : f32
      %log3A_3684 = math.log %log3A_3683 : f32
      %div3A_3685 = vector.broadcast %log3A_3684 : f32 to vector<16x513xf32>
      %div3A_3686 = arith.divf %log3A_3682, %div3A_3685 : vector<16x513xf32>
      %add3A_3687 = arith.addf %max3A_3676, %div3A_3686 : vector<16x513xf32>
      %add3A_3688 = vector.broadcast %get3A_3674 : vector<16x1xf32> to vector<16x513xf32>
      %add3A_3689 = arith.addf %add3A_3687, %add3A_3688 : vector<16x513xf32>
      %slice3A_3690 = vector.extract_strided_slice %concatenate3A_3675 {offsets = [0, 0], sizes = [16, 512], strides = [1, 1]} : vector<16x513xf32> to vector<16x512xf32>
      %add3A_3691 = arith.addf %slice3A_3690, %select_n3A_1292 : vector<16x512xf32>
      %slice3A_3692 = vector.extract_strided_slice %add3A_3642 {offsets = [0, 0], sizes = [16, 512], strides = [1, 1]} : vector<16x513xf32> to vector<16x512xf32>
      %max3A_3693 = arith.maximumf %add3A_3662, %slice3A_3692 : vector<16x512xf32>
      %max3A_3694 = arith.maximumf %max3A_3693, %add3A_3691 : vector<16x512xf32>
      %sub3A_3695 = arith.subf %add3A_3662, %max3A_3694 : vector<16x512xf32>
      %exp23A_3696 = math.exp2 %sub3A_3695 : vector<16x512xf32>
      %sub3A_3697 = arith.subf %slice3A_3692, %max3A_3694 : vector<16x512xf32>
      %exp23A_3698 = math.exp2 %sub3A_3697 : vector<16x512xf32>
      %add3A_3699 = arith.addf %exp23A_3696, %exp23A_3698 : vector<16x512xf32>
      %sub3A_3700 = arith.subf %add3A_3691, %max3A_3694 : vector<16x512xf32>
      %exp23A_3701 = math.exp2 %sub3A_3700 : vector<16x512xf32>
      %add3A_3702 = arith.addf %add3A_3699, %exp23A_3701 : vector<16x512xf32>
      %log3A_3703 = math.log %add3A_3702 : vector<16x512xf32>
      %log3A_3704 = arith.constant 2.000000e+00 : f32
      %log3A_3705 = math.log %log3A_3704 : f32
      %div3A_3706 = vector.broadcast %log3A_3705 : f32 to vector<16x512xf32>
      %div3A_3707 = arith.divf %log3A_3703, %div3A_3706 : vector<16x512xf32>
      %add3A_3708 = arith.addf %max3A_3694, %div3A_3707 : vector<16x512xf32>
      %add3A_3709 = arith.addf %add3A_3708, %get3A_3669 : vector<16x512xf32>
      %scan3A_3710 = arith.constant 19 : i32
      %scan3A_3711 = arith.addi %scan3A_2816, %scan3A_3710 : i32
      %get3A_3712 = arith.index_cast %scan3A_3711 : i32 to index
      %get3A_3713 = arith.constant 0 : index
      %get3A_3714 = arith.constant 0 : index
      %get3A_3715 = vector.load %arg5[%get3A_3712, %get3A_3713, %get3A_3714] : memref<512x16x640xf32, #tpu.memory_space<vmem>>, vector<1x16x512xf32>
      %get3A_3716 = vector.shape_cast %get3A_3715 : vector<1x16x512xf32> to vector<16x512xf32>
      %get3A_3717 = arith.index_cast %scan3A_3711 : i32 to index
      %get3A_3718 = arith.constant 0 : index
      %get3A_3719 = arith.constant 512 : index
      %get3A_3720 = vector.load %arg5[%get3A_3717, %get3A_3718, %get3A_3719] : memref<512x16x640xf32, #tpu.memory_space<vmem>>, vector<1x16x1xf32>
      %get3A_3721 = vector.shape_cast %get3A_3720 : vector<1x16x1xf32> to vector<16x1xf32>
      %concatenate3A_3722 = tpu.concatenate %broadcast_in_dim3A_1294, %add3A_3709 in 1 : vector<16x1xf32>, vector<16x512xf32> -> vector<16x513xf32>
      %max3A_3723 = arith.maximumf %add3A_3689, %concatenate3A_3722 : vector<16x513xf32>
      %sub3A_3724 = arith.subf %add3A_3689, %max3A_3723 : vector<16x513xf32>
      %exp23A_3725 = math.exp2 %sub3A_3724 : vector<16x513xf32>
      %sub3A_3726 = arith.subf %concatenate3A_3722, %max3A_3723 : vector<16x513xf32>
      %exp23A_3727 = math.exp2 %sub3A_3726 : vector<16x513xf32>
      %add3A_3728 = arith.addf %exp23A_3725, %exp23A_3727 : vector<16x513xf32>
      %log3A_3729 = math.log %add3A_3728 : vector<16x513xf32>
      %log3A_3730 = arith.constant 2.000000e+00 : f32
      %log3A_3731 = math.log %log3A_3730 : f32
      %div3A_3732 = vector.broadcast %log3A_3731 : f32 to vector<16x513xf32>
      %div3A_3733 = arith.divf %log3A_3729, %div3A_3732 : vector<16x513xf32>
      %add3A_3734 = arith.addf %max3A_3723, %div3A_3733 : vector<16x513xf32>
      %add3A_3735 = vector.broadcast %get3A_3721 : vector<16x1xf32> to vector<16x513xf32>
      %add3A_3736 = arith.addf %add3A_3734, %add3A_3735 : vector<16x513xf32>
      %slice3A_3737 = vector.extract_strided_slice %concatenate3A_3722 {offsets = [0, 0], sizes = [16, 512], strides = [1, 1]} : vector<16x513xf32> to vector<16x512xf32>
      %add3A_3738 = arith.addf %slice3A_3737, %select_n3A_1292 : vector<16x512xf32>
      %slice3A_3739 = vector.extract_strided_slice %add3A_3689 {offsets = [0, 0], sizes = [16, 512], strides = [1, 1]} : vector<16x513xf32> to vector<16x512xf32>
      %max3A_3740 = arith.maximumf %add3A_3709, %slice3A_3739 : vector<16x512xf32>
      %max3A_3741 = arith.maximumf %max3A_3740, %add3A_3738 : vector<16x512xf32>
      %sub3A_3742 = arith.subf %add3A_3709, %max3A_3741 : vector<16x512xf32>
      %exp23A_3743 = math.exp2 %sub3A_3742 : vector<16x512xf32>
      %sub3A_3744 = arith.subf %slice3A_3739, %max3A_3741 : vector<16x512xf32>
      %exp23A_3745 = math.exp2 %sub3A_3744 : vector<16x512xf32>
      %add3A_3746 = arith.addf %exp23A_3743, %exp23A_3745 : vector<16x512xf32>
      %sub3A_3747 = arith.subf %add3A_3738, %max3A_3741 : vector<16x512xf32>
      %exp23A_3748 = math.exp2 %sub3A_3747 : vector<16x512xf32>
      %add3A_3749 = arith.addf %add3A_3746, %exp23A_3748 : vector<16x512xf32>
      %log3A_3750 = math.log %add3A_3749 : vector<16x512xf32>
      %log3A_3751 = arith.constant 2.000000e+00 : f32
      %log3A_3752 = math.log %log3A_3751 : f32
      %div3A_3753 = vector.broadcast %log3A_3752 : f32 to vector<16x512xf32>
      %div3A_3754 = arith.divf %log3A_3750, %div3A_3753 : vector<16x512xf32>
      %add3A_3755 = arith.addf %max3A_3741, %div3A_3754 : vector<16x512xf32>
      %add3A_3756 = arith.addf %add3A_3755, %get3A_3716 : vector<16x512xf32>
      %scan3A_3757 = arith.constant 20 : i32
      %scan3A_3758 = arith.addi %scan3A_2816, %scan3A_3757 : i32
      %get3A_3759 = arith.index_cast %scan3A_3758 : i32 to index
      %get3A_3760 = arith.constant 0 : index
      %get3A_3761 = arith.constant 0 : index
      %get3A_3762 = vector.load %arg5[%get3A_3759, %get3A_3760, %get3A_3761] : memref<512x16x640xf32, #tpu.memory_space<vmem>>, vector<1x16x512xf32>
      %get3A_3763 = vector.shape_cast %get3A_3762 : vector<1x16x512xf32> to vector<16x512xf32>
      %get3A_3764 = arith.index_cast %scan3A_3758 : i32 to index
      %get3A_3765 = arith.constant 0 : index
      %get3A_3766 = arith.constant 512 : index
      %get3A_3767 = vector.load %arg5[%get3A_3764, %get3A_3765, %get3A_3766] : memref<512x16x640xf32, #tpu.memory_space<vmem>>, vector<1x16x1xf32>
      %get3A_3768 = vector.shape_cast %get3A_3767 : vector<1x16x1xf32> to vector<16x1xf32>
      %concatenate3A_3769 = tpu.concatenate %broadcast_in_dim3A_1294, %add3A_3756 in 1 : vector<16x1xf32>, vector<16x512xf32> -> vector<16x513xf32>
      %max3A_3770 = arith.maximumf %add3A_3736, %concatenate3A_3769 : vector<16x513xf32>
      %sub3A_3771 = arith.subf %add3A_3736, %max3A_3770 : vector<16x513xf32>
      %exp23A_3772 = math.exp2 %sub3A_3771 : vector<16x513xf32>
      %sub3A_3773 = arith.subf %concatenate3A_3769, %max3A_3770 : vector<16x513xf32>
      %exp23A_3774 = math.exp2 %sub3A_3773 : vector<16x513xf32>
      %add3A_3775 = arith.addf %exp23A_3772, %exp23A_3774 : vector<16x513xf32>
      %log3A_3776 = math.log %add3A_3775 : vector<16x513xf32>
      %log3A_3777 = arith.constant 2.000000e+00 : f32
      %log3A_3778 = math.log %log3A_3777 : f32
      %div3A_3779 = vector.broadcast %log3A_3778 : f32 to vector<16x513xf32>
      %div3A_3780 = arith.divf %log3A_3776, %div3A_3779 : vector<16x513xf32>
      %add3A_3781 = arith.addf %max3A_3770, %div3A_3780 : vector<16x513xf32>
      %add3A_3782 = vector.broadcast %get3A_3768 : vector<16x1xf32> to vector<16x513xf32>
      %add3A_3783 = arith.addf %add3A_3781, %add3A_3782 : vector<16x513xf32>
      %slice3A_3784 = vector.extract_strided_slice %concatenate3A_3769 {offsets = [0, 0], sizes = [16, 512], strides = [1, 1]} : vector<16x513xf32> to vector<16x512xf32>
      %add3A_3785 = arith.addf %slice3A_3784, %select_n3A_1292 : vector<16x512xf32>
      %slice3A_3786 = vector.extract_strided_slice %add3A_3736 {offsets = [0, 0], sizes = [16, 512], strides = [1, 1]} : vector<16x513xf32> to vector<16x512xf32>
      %max3A_3787 = arith.maximumf %add3A_3756, %slice3A_3786 : vector<16x512xf32>
      %max3A_3788 = arith.maximumf %max3A_3787, %add3A_3785 : vector<16x512xf32>
      %sub3A_3789 = arith.subf %add3A_3756, %max3A_3788 : vector<16x512xf32>
      %exp23A_3790 = math.exp2 %sub3A_3789 : vector<16x512xf32>
      %sub3A_3791 = arith.subf %slice3A_3786, %max3A_3788 : vector<16x512xf32>
      %exp23A_3792 = math.exp2 %sub3A_3791 : vector<16x512xf32>
      %add3A_3793 = arith.addf %exp23A_3790, %exp23A_3792 : vector<16x512xf32>
      %sub3A_3794 = arith.subf %add3A_3785, %max3A_3788 : vector<16x512xf32>
      %exp23A_3795 = math.exp2 %sub3A_3794 : vector<16x512xf32>
      %add3A_3796 = arith.addf %add3A_3793, %exp23A_3795 : vector<16x512xf32>
      %log3A_3797 = math.log %add3A_3796 : vector<16x512xf32>
      %log3A_3798 = arith.constant 2.000000e+00 : f32
      %log3A_3799 = math.log %log3A_3798 : f32
      %div3A_3800 = vector.broadcast %log3A_3799 : f32 to vector<16x512xf32>
      %div3A_3801 = arith.divf %log3A_3797, %div3A_3800 : vector<16x512xf32>
      %add3A_3802 = arith.addf %max3A_3788, %div3A_3801 : vector<16x512xf32>
      %add3A_3803 = arith.addf %add3A_3802, %get3A_3763 : vector<16x512xf32>
      %scan3A_3804 = arith.constant 21 : i32
      %scan3A_3805 = arith.addi %scan3A_2816, %scan3A_3804 : i32
      %get3A_3806 = arith.index_cast %scan3A_3805 : i32 to index
      %get3A_3807 = arith.constant 0 : index
      %get3A_3808 = arith.constant 0 : index
      %get3A_3809 = vector.load %arg5[%get3A_3806, %get3A_3807, %get3A_3808] : memref<512x16x640xf32, #tpu.memory_space<vmem>>, vector<1x16x512xf32>
      %get3A_3810 = vector.shape_cast %get3A_3809 : vector<1x16x512xf32> to vector<16x512xf32>
      %get3A_3811 = arith.index_cast %scan3A_3805 : i32 to index
      %get3A_3812 = arith.constant 0 : index
      %get3A_3813 = arith.constant 512 : index
      %get3A_3814 = vector.load %arg5[%get3A_3811, %get3A_3812, %get3A_3813] : memref<512x16x640xf32, #tpu.memory_space<vmem>>, vector<1x16x1xf32>
      %get3A_3815 = vector.shape_cast %get3A_3814 : vector<1x16x1xf32> to vector<16x1xf32>
      %concatenate3A_3816 = tpu.concatenate %broadcast_in_dim3A_1294, %add3A_3803 in 1 : vector<16x1xf32>, vector<16x512xf32> -> vector<16x513xf32>
      %max3A_3817 = arith.maximumf %add3A_3783, %concatenate3A_3816 : vector<16x513xf32>
      %sub3A_3818 = arith.subf %add3A_3783, %max3A_3817 : vector<16x513xf32>
      %exp23A_3819 = math.exp2 %sub3A_3818 : vector<16x513xf32>
      %sub3A_3820 = arith.subf %concatenate3A_3816, %max3A_3817 : vector<16x513xf32>
      %exp23A_3821 = math.exp2 %sub3A_3820 : vector<16x513xf32>
      %add3A_3822 = arith.addf %exp23A_3819, %exp23A_3821 : vector<16x513xf32>
      %log3A_3823 = math.log %add3A_3822 : vector<16x513xf32>
      %log3A_3824 = arith.constant 2.000000e+00 : f32
      %log3A_3825 = math.log %log3A_3824 : f32
      %div3A_3826 = vector.broadcast %log3A_3825 : f32 to vector<16x513xf32>
      %div3A_3827 = arith.divf %log3A_3823, %div3A_3826 : vector<16x513xf32>
      %add3A_3828 = arith.addf %max3A_3817, %div3A_3827 : vector<16x513xf32>
      %add3A_3829 = vector.broadcast %get3A_3815 : vector<16x1xf32> to vector<16x513xf32>
      %add3A_3830 = arith.addf %add3A_3828, %add3A_3829 : vector<16x513xf32>
      %slice3A_3831 = vector.extract_strided_slice %concatenate3A_3816 {offsets = [0, 0], sizes = [16, 512], strides = [1, 1]} : vector<16x513xf32> to vector<16x512xf32>
      %add3A_3832 = arith.addf %slice3A_3831, %select_n3A_1292 : vector<16x512xf32>
      %slice3A_3833 = vector.extract_strided_slice %add3A_3783 {offsets = [0, 0], sizes = [16, 512], strides = [1, 1]} : vector<16x513xf32> to vector<16x512xf32>
      %max3A_3834 = arith.maximumf %add3A_3803, %slice3A_3833 : vector<16x512xf32>
      %max3A_3835 = arith.maximumf %max3A_3834, %add3A_3832 : vector<16x512xf32>
      %sub3A_3836 = arith.subf %add3A_3803, %max3A_3835 : vector<16x512xf32>
      %exp23A_3837 = math.exp2 %sub3A_3836 : vector<16x512xf32>
      %sub3A_3838 = arith.subf %slice3A_3833, %max3A_3835 : vector<16x512xf32>
      %exp23A_3839 = math.exp2 %sub3A_3838 : vector<16x512xf32>
      %add3A_3840 = arith.addf %exp23A_3837, %exp23A_3839 : vector<16x512xf32>
      %sub3A_3841 = arith.subf %add3A_3832, %max3A_3835 : vector<16x512xf32>
      %exp23A_3842 = math.exp2 %sub3A_3841 : vector<16x512xf32>
      %add3A_3843 = arith.addf %add3A_3840, %exp23A_3842 : vector<16x512xf32>
      %log3A_3844 = math.log %add3A_3843 : vector<16x512xf32>
      %log3A_3845 = arith.constant 2.000000e+00 : f32
      %log3A_3846 = math.log %log3A_3845 : f32
      %div3A_3847 = vector.broadcast %log3A_3846 : f32 to vector<16x512xf32>
      %div3A_3848 = arith.divf %log3A_3844, %div3A_3847 : vector<16x512xf32>
      %add3A_3849 = arith.addf %max3A_3835, %div3A_3848 : vector<16x512xf32>
      %add3A_3850 = arith.addf %add3A_3849, %get3A_3810 : vector<16x512xf32>
      %scan3A_3851 = arith.constant 22 : i32
      %scan3A_3852 = arith.addi %scan3A_2816, %scan3A_3851 : i32
      %get3A_3853 = arith.index_cast %scan3A_3852 : i32 to index
      %get3A_3854 = arith.constant 0 : index
      %get3A_3855 = arith.constant 0 : index
      %get3A_3856 = vector.load %arg5[%get3A_3853, %get3A_3854, %get3A_3855] : memref<512x16x640xf32, #tpu.memory_space<vmem>>, vector<1x16x512xf32>
      %get3A_3857 = vector.shape_cast %get3A_3856 : vector<1x16x512xf32> to vector<16x512xf32>
      %get3A_3858 = arith.index_cast %scan3A_3852 : i32 to index
      %get3A_3859 = arith.constant 0 : index
      %get3A_3860 = arith.constant 512 : index
      %get3A_3861 = vector.load %arg5[%get3A_3858, %get3A_3859, %get3A_3860] : memref<512x16x640xf32, #tpu.memory_space<vmem>>, vector<1x16x1xf32>
      %get3A_3862 = vector.shape_cast %get3A_3861 : vector<1x16x1xf32> to vector<16x1xf32>
      %concatenate3A_3863 = tpu.concatenate %broadcast_in_dim3A_1294, %add3A_3850 in 1 : vector<16x1xf32>, vector<16x512xf32> -> vector<16x513xf32>
      %max3A_3864 = arith.maximumf %add3A_3830, %concatenate3A_3863 : vector<16x513xf32>
      %sub3A_3865 = arith.subf %add3A_3830, %max3A_3864 : vector<16x513xf32>
      %exp23A_3866 = math.exp2 %sub3A_3865 : vector<16x513xf32>
      %sub3A_3867 = arith.subf %concatenate3A_3863, %max3A_3864 : vector<16x513xf32>
      %exp23A_3868 = math.exp2 %sub3A_3867 : vector<16x513xf32>
      %add3A_3869 = arith.addf %exp23A_3866, %exp23A_3868 : vector<16x513xf32>
      %log3A_3870 = math.log %add3A_3869 : vector<16x513xf32>
      %log3A_3871 = arith.constant 2.000000e+00 : f32
      %log3A_3872 = math.log %log3A_3871 : f32
      %div3A_3873 = vector.broadcast %log3A_3872 : f32 to vector<16x513xf32>
      %div3A_3874 = arith.divf %log3A_3870, %div3A_3873 : vector<16x513xf32>
      %add3A_3875 = arith.addf %max3A_3864, %div3A_3874 : vector<16x513xf32>
      %add3A_3876 = vector.broadcast %get3A_3862 : vector<16x1xf32> to vector<16x513xf32>
      %add3A_3877 = arith.addf %add3A_3875, %add3A_3876 : vector<16x513xf32>
      %slice3A_3878 = vector.extract_strided_slice %concatenate3A_3863 {offsets = [0, 0], sizes = [16, 512], strides = [1, 1]} : vector<16x513xf32> to vector<16x512xf32>
      %add3A_3879 = arith.addf %slice3A_3878, %select_n3A_1292 : vector<16x512xf32>
      %slice3A_3880 = vector.extract_strided_slice %add3A_3830 {offsets = [0, 0], sizes = [16, 512], strides = [1, 1]} : vector<16x513xf32> to vector<16x512xf32>
      %max3A_3881 = arith.maximumf %add3A_3850, %slice3A_3880 : vector<16x512xf32>
      %max3A_3882 = arith.maximumf %max3A_3881, %add3A_3879 : vector<16x512xf32>
      %sub3A_3883 = arith.subf %add3A_3850, %max3A_3882 : vector<16x512xf32>
      %exp23A_3884 = math.exp2 %sub3A_3883 : vector<16x512xf32>
      %sub3A_3885 = arith.subf %slice3A_3880, %max3A_3882 : vector<16x512xf32>
      %exp23A_3886 = math.exp2 %sub3A_3885 : vector<16x512xf32>
      %add3A_3887 = arith.addf %exp23A_3884, %exp23A_3886 : vector<16x512xf32>
      %sub3A_3888 = arith.subf %add3A_3879, %max3A_3882 : vector<16x512xf32>
      %exp23A_3889 = math.exp2 %sub3A_3888 : vector<16x512xf32>
      %add3A_3890 = arith.addf %add3A_3887, %exp23A_3889 : vector<16x512xf32>
      %log3A_3891 = math.log %add3A_3890 : vector<16x512xf32>
      %log3A_3892 = arith.constant 2.000000e+00 : f32
      %log3A_3893 = math.log %log3A_3892 : f32
      %div3A_3894 = vector.broadcast %log3A_3893 : f32 to vector<16x512xf32>
      %div3A_3895 = arith.divf %log3A_3891, %div3A_3894 : vector<16x512xf32>
      %add3A_3896 = arith.addf %max3A_3882, %div3A_3895 : vector<16x512xf32>
      %add3A_3897 = arith.addf %add3A_3896, %get3A_3857 : vector<16x512xf32>
      %scan3A_3898 = arith.constant 23 : i32
      %scan3A_3899 = arith.addi %scan3A_2816, %scan3A_3898 : i32
      %get3A_3900 = arith.index_cast %scan3A_3899 : i32 to index
      %get3A_3901 = arith.constant 0 : index
      %get3A_3902 = arith.constant 0 : index
      %get3A_3903 = vector.load %arg5[%get3A_3900, %get3A_3901, %get3A_3902] : memref<512x16x640xf32, #tpu.memory_space<vmem>>, vector<1x16x512xf32>
      %get3A_3904 = vector.shape_cast %get3A_3903 : vector<1x16x512xf32> to vector<16x512xf32>
      %get3A_3905 = arith.index_cast %scan3A_3899 : i32 to index
      %get3A_3906 = arith.constant 0 : index
      %get3A_3907 = arith.constant 512 : index
      %get3A_3908 = vector.load %arg5[%get3A_3905, %get3A_3906, %get3A_3907] : memref<512x16x640xf32, #tpu.memory_space<vmem>>, vector<1x16x1xf32>
      %get3A_3909 = vector.shape_cast %get3A_3908 : vector<1x16x1xf32> to vector<16x1xf32>
      %concatenate3A_3910 = tpu.concatenate %broadcast_in_dim3A_1294, %add3A_3897 in 1 : vector<16x1xf32>, vector<16x512xf32> -> vector<16x513xf32>
      %max3A_3911 = arith.maximumf %add3A_3877, %concatenate3A_3910 : vector<16x513xf32>
      %sub3A_3912 = arith.subf %add3A_3877, %max3A_3911 : vector<16x513xf32>
      %exp23A_3913 = math.exp2 %sub3A_3912 : vector<16x513xf32>
      %sub3A_3914 = arith.subf %concatenate3A_3910, %max3A_3911 : vector<16x513xf32>
      %exp23A_3915 = math.exp2 %sub3A_3914 : vector<16x513xf32>
      %add3A_3916 = arith.addf %exp23A_3913, %exp23A_3915 : vector<16x513xf32>
      %log3A_3917 = math.log %add3A_3916 : vector<16x513xf32>
      %log3A_3918 = arith.constant 2.000000e+00 : f32
      %log3A_3919 = math.log %log3A_3918 : f32
      %div3A_3920 = vector.broadcast %log3A_3919 : f32 to vector<16x513xf32>
      %div3A_3921 = arith.divf %log3A_3917, %div3A_3920 : vector<16x513xf32>
      %add3A_3922 = arith.addf %max3A_3911, %div3A_3921 : vector<16x513xf32>
      %add3A_3923 = vector.broadcast %get3A_3909 : vector<16x1xf32> to vector<16x513xf32>
      %add3A_3924 = arith.addf %add3A_3922, %add3A_3923 : vector<16x513xf32>
      %slice3A_3925 = vector.extract_strided_slice %concatenate3A_3910 {offsets = [0, 0], sizes = [16, 512], strides = [1, 1]} : vector<16x513xf32> to vector<16x512xf32>
      %add3A_3926 = arith.addf %slice3A_3925, %select_n3A_1292 : vector<16x512xf32>
      %slice3A_3927 = vector.extract_strided_slice %add3A_3877 {offsets = [0, 0], sizes = [16, 512], strides = [1, 1]} : vector<16x513xf32> to vector<16x512xf32>
      %max3A_3928 = arith.maximumf %add3A_3897, %slice3A_3927 : vector<16x512xf32>
      %max3A_3929 = arith.maximumf %max3A_3928, %add3A_3926 : vector<16x512xf32>
      %sub3A_3930 = arith.subf %add3A_3897, %max3A_3929 : vector<16x512xf32>
      %exp23A_3931 = math.exp2 %sub3A_3930 : vector<16x512xf32>
      %sub3A_3932 = arith.subf %slice3A_3927, %max3A_3929 : vector<16x512xf32>
      %exp23A_3933 = math.exp2 %sub3A_3932 : vector<16x512xf32>
      %add3A_3934 = arith.addf %exp23A_3931, %exp23A_3933 : vector<16x512xf32>
      %sub3A_3935 = arith.subf %add3A_3926, %max3A_3929 : vector<16x512xf32>
      %exp23A_3936 = math.exp2 %sub3A_3935 : vector<16x512xf32>
      %add3A_3937 = arith.addf %add3A_3934, %exp23A_3936 : vector<16x512xf32>
      %log3A_3938 = math.log %add3A_3937 : vector<16x512xf32>
      %log3A_3939 = arith.constant 2.000000e+00 : f32
      %log3A_3940 = math.log %log3A_3939 : f32
      %div3A_3941 = vector.broadcast %log3A_3940 : f32 to vector<16x512xf32>
      %div3A_3942 = arith.divf %log3A_3938, %div3A_3941 : vector<16x512xf32>
      %add3A_3943 = arith.addf %max3A_3929, %div3A_3942 : vector<16x512xf32>
      %add3A_3944 = arith.addf %add3A_3943, %get3A_3904 : vector<16x512xf32>
      %scan3A_3945 = arith.constant 24 : i32
      %scan3A_3946 = arith.addi %scan3A_2816, %scan3A_3945 : i32
      %get3A_3947 = arith.index_cast %scan3A_3946 : i32 to index
      %get3A_3948 = arith.constant 0 : index
      %get3A_3949 = arith.constant 0 : index
      %get3A_3950 = vector.load %arg5[%get3A_3947, %get3A_3948, %get3A_3949] : memref<512x16x640xf32, #tpu.memory_space<vmem>>, vector<1x16x512xf32>
      %get3A_3951 = vector.shape_cast %get3A_3950 : vector<1x16x512xf32> to vector<16x512xf32>
      %get3A_3952 = arith.index_cast %scan3A_3946 : i32 to index
      %get3A_3953 = arith.constant 0 : index
      %get3A_3954 = arith.constant 512 : index
      %get3A_3955 = vector.load %arg5[%get3A_3952, %get3A_3953, %get3A_3954] : memref<512x16x640xf32, #tpu.memory_space<vmem>>, vector<1x16x1xf32>
      %get3A_3956 = vector.shape_cast %get3A_3955 : vector<1x16x1xf32> to vector<16x1xf32>
      %concatenate3A_3957 = tpu.concatenate %broadcast_in_dim3A_1294, %add3A_3944 in 1 : vector<16x1xf32>, vector<16x512xf32> -> vector<16x513xf32>
      %max3A_3958 = arith.maximumf %add3A_3924, %concatenate3A_3957 : vector<16x513xf32>
      %sub3A_3959 = arith.subf %add3A_3924, %max3A_3958 : vector<16x513xf32>
      %exp23A_3960 = math.exp2 %sub3A_3959 : vector<16x513xf32>
      %sub3A_3961 = arith.subf %concatenate3A_3957, %max3A_3958 : vector<16x513xf32>
      %exp23A_3962 = math.exp2 %sub3A_3961 : vector<16x513xf32>
      %add3A_3963 = arith.addf %exp23A_3960, %exp23A_3962 : vector<16x513xf32>
      %log3A_3964 = math.log %add3A_3963 : vector<16x513xf32>
      %log3A_3965 = arith.constant 2.000000e+00 : f32
      %log3A_3966 = math.log %log3A_3965 : f32
      %div3A_3967 = vector.broadcast %log3A_3966 : f32 to vector<16x513xf32>
      %div3A_3968 = arith.divf %log3A_3964, %div3A_3967 : vector<16x513xf32>
      %add3A_3969 = arith.addf %max3A_3958, %div3A_3968 : vector<16x513xf32>
      %add3A_3970 = vector.broadcast %get3A_3956 : vector<16x1xf32> to vector<16x513xf32>
      %add3A_3971 = arith.addf %add3A_3969, %add3A_3970 : vector<16x513xf32>
      %slice3A_3972 = vector.extract_strided_slice %concatenate3A_3957 {offsets = [0, 0], sizes = [16, 512], strides = [1, 1]} : vector<16x513xf32> to vector<16x512xf32>
      %add3A_3973 = arith.addf %slice3A_3972, %select_n3A_1292 : vector<16x512xf32>
      %slice3A_3974 = vector.extract_strided_slice %add3A_3924 {offsets = [0, 0], sizes = [16, 512], strides = [1, 1]} : vector<16x513xf32> to vector<16x512xf32>
      %max3A_3975 = arith.maximumf %add3A_3944, %slice3A_3974 : vector<16x512xf32>
      %max3A_3976 = arith.maximumf %max3A_3975, %add3A_3973 : vector<16x512xf32>
      %sub3A_3977 = arith.subf %add3A_3944, %max3A_3976 : vector<16x512xf32>
      %exp23A_3978 = math.exp2 %sub3A_3977 : vector<16x512xf32>
      %sub3A_3979 = arith.subf %slice3A_3974, %max3A_3976 : vector<16x512xf32>
      %exp23A_3980 = math.exp2 %sub3A_3979 : vector<16x512xf32>
      %add3A_3981 = arith.addf %exp23A_3978, %exp23A_3980 : vector<16x512xf32>
      %sub3A_3982 = arith.subf %add3A_3973, %max3A_3976 : vector<16x512xf32>
      %exp23A_3983 = math.exp2 %sub3A_3982 : vector<16x512xf32>
      %add3A_3984 = arith.addf %add3A_3981, %exp23A_3983 : vector<16x512xf32>
      %log3A_3985 = math.log %add3A_3984 : vector<16x512xf32>
      %log3A_3986 = arith.constant 2.000000e+00 : f32
      %log3A_3987 = math.log %log3A_3986 : f32
      %div3A_3988 = vector.broadcast %log3A_3987 : f32 to vector<16x512xf32>
      %div3A_3989 = arith.divf %log3A_3985, %div3A_3988 : vector<16x512xf32>
      %add3A_3990 = arith.addf %max3A_3976, %div3A_3989 : vector<16x512xf32>
      %add3A_3991 = arith.addf %add3A_3990, %get3A_3951 : vector<16x512xf32>
      %scan3A_3992 = arith.constant 25 : i32
      %scan3A_3993 = arith.addi %scan3A_2816, %scan3A_3992 : i32
      %get3A_3994 = arith.index_cast %scan3A_3993 : i32 to index
      %get3A_3995 = arith.constant 0 : index
      %get3A_3996 = arith.constant 0 : index
      %get3A_3997 = vector.load %arg5[%get3A_3994, %get3A_3995, %get3A_3996] : memref<512x16x640xf32, #tpu.memory_space<vmem>>, vector<1x16x512xf32>
      %get3A_3998 = vector.shape_cast %get3A_3997 : vector<1x16x512xf32> to vector<16x512xf32>
      %get3A_3999 = arith.index_cast %scan3A_3993 : i32 to index
      %get3A_4000 = arith.constant 0 : index
      %get3A_4001 = arith.constant 512 : index
      %get3A_4002 = vector.load %arg5[%get3A_3999, %get3A_4000, %get3A_4001] : memref<512x16x640xf32, #tpu.memory_space<vmem>>, vector<1x16x1xf32>
      %get3A_4003 = vector.shape_cast %get3A_4002 : vector<1x16x1xf32> to vector<16x1xf32>
      %concatenate3A_4004 = tpu.concatenate %broadcast_in_dim3A_1294, %add3A_3991 in 1 : vector<16x1xf32>, vector<16x512xf32> -> vector<16x513xf32>
      %max3A_4005 = arith.maximumf %add3A_3971, %concatenate3A_4004 : vector<16x513xf32>
      %sub3A_4006 = arith.subf %add3A_3971, %max3A_4005 : vector<16x513xf32>
      %exp23A_4007 = math.exp2 %sub3A_4006 : vector<16x513xf32>
      %sub3A_4008 = arith.subf %concatenate3A_4004, %max3A_4005 : vector<16x513xf32>
      %exp23A_4009 = math.exp2 %sub3A_4008 : vector<16x513xf32>
      %add3A_4010 = arith.addf %exp23A_4007, %exp23A_4009 : vector<16x513xf32>
      %log3A_4011 = math.log %add3A_4010 : vector<16x513xf32>
      %log3A_4012 = arith.constant 2.000000e+00 : f32
      %log3A_4013 = math.log %log3A_4012 : f32
      %div3A_4014 = vector.broadcast %log3A_4013 : f32 to vector<16x513xf32>
      %div3A_4015 = arith.divf %log3A_4011, %div3A_4014 : vector<16x513xf32>
      %add3A_4016 = arith.addf %max3A_4005, %div3A_4015 : vector<16x513xf32>
      %add3A_4017 = vector.broadcast %get3A_4003 : vector<16x1xf32> to vector<16x513xf32>
      %add3A_4018 = arith.addf %add3A_4016, %add3A_4017 : vector<16x513xf32>
      %slice3A_4019 = vector.extract_strided_slice %concatenate3A_4004 {offsets = [0, 0], sizes = [16, 512], strides = [1, 1]} : vector<16x513xf32> to vector<16x512xf32>
      %add3A_4020 = arith.addf %slice3A_4019, %select_n3A_1292 : vector<16x512xf32>
      %slice3A_4021 = vector.extract_strided_slice %add3A_3971 {offsets = [0, 0], sizes = [16, 512], strides = [1, 1]} : vector<16x513xf32> to vector<16x512xf32>
      %max3A_4022 = arith.maximumf %add3A_3991, %slice3A_4021 : vector<16x512xf32>
      %max3A_4023 = arith.maximumf %max3A_4022, %add3A_4020 : vector<16x512xf32>
      %sub3A_4024 = arith.subf %add3A_3991, %max3A_4023 : vector<16x512xf32>
      %exp23A_4025 = math.exp2 %sub3A_4024 : vector<16x512xf32>
      %sub3A_4026 = arith.subf %slice3A_4021, %max3A_4023 : vector<16x512xf32>
      %exp23A_4027 = math.exp2 %sub3A_4026 : vector<16x512xf32>
      %add3A_4028 = arith.addf %exp23A_4025, %exp23A_4027 : vector<16x512xf32>
      %sub3A_4029 = arith.subf %add3A_4020, %max3A_4023 : vector<16x512xf32>
      %exp23A_4030 = math.exp2 %sub3A_4029 : vector<16x512xf32>
      %add3A_4031 = arith.addf %add3A_4028, %exp23A_4030 : vector<16x512xf32>
      %log3A_4032 = math.log %add3A_4031 : vector<16x512xf32>
      %log3A_4033 = arith.constant 2.000000e+00 : f32
      %log3A_4034 = math.log %log3A_4033 : f32
      %div3A_4035 = vector.broadcast %log3A_4034 : f32 to vector<16x512xf32>
      %div3A_4036 = arith.divf %log3A_4032, %div3A_4035 : vector<16x512xf32>
      %add3A_4037 = arith.addf %max3A_4023, %div3A_4036 : vector<16x512xf32>
      %add3A_4038 = arith.addf %add3A_4037, %get3A_3998 : vector<16x512xf32>
      %scan3A_4039 = arith.constant 26 : i32
      %scan3A_4040 = arith.addi %scan3A_2816, %scan3A_4039 : i32
      %get3A_4041 = arith.index_cast %scan3A_4040 : i32 to index
      %get3A_4042 = arith.constant 0 : index
      %get3A_4043 = arith.constant 0 : index
      %get3A_4044 = vector.load %arg5[%get3A_4041, %get3A_4042, %get3A_4043] : memref<512x16x640xf32, #tpu.memory_space<vmem>>, vector<1x16x512xf32>
      %get3A_4045 = vector.shape_cast %get3A_4044 : vector<1x16x512xf32> to vector<16x512xf32>
      %get3A_4046 = arith.index_cast %scan3A_4040 : i32 to index
      %get3A_4047 = arith.constant 0 : index
      %get3A_4048 = arith.constant 512 : index
      %get3A_4049 = vector.load %arg5[%get3A_4046, %get3A_4047, %get3A_4048] : memref<512x16x640xf32, #tpu.memory_space<vmem>>, vector<1x16x1xf32>
      %get3A_4050 = vector.shape_cast %get3A_4049 : vector<1x16x1xf32> to vector<16x1xf32>
      %concatenate3A_4051 = tpu.concatenate %broadcast_in_dim3A_1294, %add3A_4038 in 1 : vector<16x1xf32>, vector<16x512xf32> -> vector<16x513xf32>
      %max3A_4052 = arith.maximumf %add3A_4018, %concatenate3A_4051 : vector<16x513xf32>
      %sub3A_4053 = arith.subf %add3A_4018, %max3A_4052 : vector<16x513xf32>
      %exp23A_4054 = math.exp2 %sub3A_4053 : vector<16x513xf32>
      %sub3A_4055 = arith.subf %concatenate3A_4051, %max3A_4052 : vector<16x513xf32>
      %exp23A_4056 = math.exp2 %sub3A_4055 : vector<16x513xf32>
      %add3A_4057 = arith.addf %exp23A_4054, %exp23A_4056 : vector<16x513xf32>
      %log3A_4058 = math.log %add3A_4057 : vector<16x513xf32>
      %log3A_4059 = arith.constant 2.000000e+00 : f32
      %log3A_4060 = math.log %log3A_4059 : f32
      %div3A_4061 = vector.broadcast %log3A_4060 : f32 to vector<16x513xf32>
      %div3A_4062 = arith.divf %log3A_4058, %div3A_4061 : vector<16x513xf32>
      %add3A_4063 = arith.addf %max3A_4052, %div3A_4062 : vector<16x513xf32>
      %add3A_4064 = vector.broadcast %get3A_4050 : vector<16x1xf32> to vector<16x513xf32>
      %add3A_4065 = arith.addf %add3A_4063, %add3A_4064 : vector<16x513xf32>
      %slice3A_4066 = vector.extract_strided_slice %concatenate3A_4051 {offsets = [0, 0], sizes = [16, 512], strides = [1, 1]} : vector<16x513xf32> to vector<16x512xf32>
      %add3A_4067 = arith.addf %slice3A_4066, %select_n3A_1292 : vector<16x512xf32>
      %slice3A_4068 = vector.extract_strided_slice %add3A_4018 {offsets = [0, 0], sizes = [16, 512], strides = [1, 1]} : vector<16x513xf32> to vector<16x512xf32>
      %max3A_4069 = arith.maximumf %add3A_4038, %slice3A_4068 : vector<16x512xf32>
      %max3A_4070 = arith.maximumf %max3A_4069, %add3A_4067 : vector<16x512xf32>
      %sub3A_4071 = arith.subf %add3A_4038, %max3A_4070 : vector<16x512xf32>
      %exp23A_4072 = math.exp2 %sub3A_4071 : vector<16x512xf32>
      %sub3A_4073 = arith.subf %slice3A_4068, %max3A_4070 : vector<16x512xf32>
      %exp23A_4074 = math.exp2 %sub3A_4073 : vector<16x512xf32>
      %add3A_4075 = arith.addf %exp23A_4072, %exp23A_4074 : vector<16x512xf32>
      %sub3A_4076 = arith.subf %add3A_4067, %max3A_4070 : vector<16x512xf32>
      %exp23A_4077 = math.exp2 %sub3A_4076 : vector<16x512xf32>
      %add3A_4078 = arith.addf %add3A_4075, %exp23A_4077 : vector<16x512xf32>
      %log3A_4079 = math.log %add3A_4078 : vector<16x512xf32>
      %log3A_4080 = arith.constant 2.000000e+00 : f32
      %log3A_4081 = math.log %log3A_4080 : f32
      %div3A_4082 = vector.broadcast %log3A_4081 : f32 to vector<16x512xf32>
      %div3A_4083 = arith.divf %log3A_4079, %div3A_4082 : vector<16x512xf32>
      %add3A_4084 = arith.addf %max3A_4070, %div3A_4083 : vector<16x512xf32>
      %add3A_4085 = arith.addf %add3A_4084, %get3A_4045 : vector<16x512xf32>
      %scan3A_4086 = arith.constant 27 : i32
      %scan3A_4087 = arith.addi %scan3A_2816, %scan3A_4086 : i32
      %get3A_4088 = arith.index_cast %scan3A_4087 : i32 to index
      %get3A_4089 = arith.constant 0 : index
      %get3A_4090 = arith.constant 0 : index
      %get3A_4091 = vector.load %arg5[%get3A_4088, %get3A_4089, %get3A_4090] : memref<512x16x640xf32, #tpu.memory_space<vmem>>, vector<1x16x512xf32>
      %get3A_4092 = vector.shape_cast %get3A_4091 : vector<1x16x512xf32> to vector<16x512xf32>
      %get3A_4093 = arith.index_cast %scan3A_4087 : i32 to index
      %get3A_4094 = arith.constant 0 : index
      %get3A_4095 = arith.constant 512 : index
      %get3A_4096 = vector.load %arg5[%get3A_4093, %get3A_4094, %get3A_4095] : memref<512x16x640xf32, #tpu.memory_space<vmem>>, vector<1x16x1xf32>
      %get3A_4097 = vector.shape_cast %get3A_4096 : vector<1x16x1xf32> to vector<16x1xf32>
      %concatenate3A_4098 = tpu.concatenate %broadcast_in_dim3A_1294, %add3A_4085 in 1 : vector<16x1xf32>, vector<16x512xf32> -> vector<16x513xf32>
      %max3A_4099 = arith.maximumf %add3A_4065, %concatenate3A_4098 : vector<16x513xf32>
      %sub3A_4100 = arith.subf %add3A_4065, %max3A_4099 : vector<16x513xf32>
      %exp23A_4101 = math.exp2 %sub3A_4100 : vector<16x513xf32>
      %sub3A_4102 = arith.subf %concatenate3A_4098, %max3A_4099 : vector<16x513xf32>
      %exp23A_4103 = math.exp2 %sub3A_4102 : vector<16x513xf32>
      %add3A_4104 = arith.addf %exp23A_4101, %exp23A_4103 : vector<16x513xf32>
      %log3A_4105 = math.log %add3A_4104 : vector<16x513xf32>
      %log3A_4106 = arith.constant 2.000000e+00 : f32
      %log3A_4107 = math.log %log3A_4106 : f32
      %div3A_4108 = vector.broadcast %log3A_4107 : f32 to vector<16x513xf32>
      %div3A_4109 = arith.divf %log3A_4105, %div3A_4108 : vector<16x513xf32>
      %add3A_4110 = arith.addf %max3A_4099, %div3A_4109 : vector<16x513xf32>
      %add3A_4111 = vector.broadcast %get3A_4097 : vector<16x1xf32> to vector<16x513xf32>
      %add3A_4112 = arith.addf %add3A_4110, %add3A_4111 : vector<16x513xf32>
      %slice3A_4113 = vector.extract_strided_slice %concatenate3A_4098 {offsets = [0, 0], sizes = [16, 512], strides = [1, 1]} : vector<16x513xf32> to vector<16x512xf32>
      %add3A_4114 = arith.addf %slice3A_4113, %select_n3A_1292 : vector<16x512xf32>
      %slice3A_4115 = vector.extract_strided_slice %add3A_4065 {offsets = [0, 0], sizes = [16, 512], strides = [1, 1]} : vector<16x513xf32> to vector<16x512xf32>
      %max3A_4116 = arith.maximumf %add3A_4085, %slice3A_4115 : vector<16x512xf32>
      %max3A_4117 = arith.maximumf %max3A_4116, %add3A_4114 : vector<16x512xf32>
      %sub3A_4118 = arith.subf %add3A_4085, %max3A_4117 : vector<16x512xf32>
      %exp23A_4119 = math.exp2 %sub3A_4118 : vector<16x512xf32>
      %sub3A_4120 = arith.subf %slice3A_4115, %max3A_4117 : vector<16x512xf32>
      %exp23A_4121 = math.exp2 %sub3A_4120 : vector<16x512xf32>
      %add3A_4122 = arith.addf %exp23A_4119, %exp23A_4121 : vector<16x512xf32>
      %sub3A_4123 = arith.subf %add3A_4114, %max3A_4117 : vector<16x512xf32>
      %exp23A_4124 = math.exp2 %sub3A_4123 : vector<16x512xf32>
      %add3A_4125 = arith.addf %add3A_4122, %exp23A_4124 : vector<16x512xf32>
      %log3A_4126 = math.log %add3A_4125 : vector<16x512xf32>
      %log3A_4127 = arith.constant 2.000000e+00 : f32
      %log3A_4128 = math.log %log3A_4127 : f32
      %div3A_4129 = vector.broadcast %log3A_4128 : f32 to vector<16x512xf32>
      %div3A_4130 = arith.divf %log3A_4126, %div3A_4129 : vector<16x512xf32>
      %add3A_4131 = arith.addf %max3A_4117, %div3A_4130 : vector<16x512xf32>
      %add3A_4132 = arith.addf %add3A_4131, %get3A_4092 : vector<16x512xf32>
      %scan3A_4133 = arith.constant 28 : i32
      %scan3A_4134 = arith.addi %scan3A_2816, %scan3A_4133 : i32
      %get3A_4135 = arith.index_cast %scan3A_4134 : i32 to index
      %get3A_4136 = arith.constant 0 : index
      %get3A_4137 = arith.constant 0 : index
      %get3A_4138 = vector.load %arg5[%get3A_4135, %get3A_4136, %get3A_4137] : memref<512x16x640xf32, #tpu.memory_space<vmem>>, vector<1x16x512xf32>
      %get3A_4139 = vector.shape_cast %get3A_4138 : vector<1x16x512xf32> to vector<16x512xf32>
      %get3A_4140 = arith.index_cast %scan3A_4134 : i32 to index
      %get3A_4141 = arith.constant 0 : index
      %get3A_4142 = arith.constant 512 : index
      %get3A_4143 = vector.load %arg5[%get3A_4140, %get3A_4141, %get3A_4142] : memref<512x16x640xf32, #tpu.memory_space<vmem>>, vector<1x16x1xf32>
      %get3A_4144 = vector.shape_cast %get3A_4143 : vector<1x16x1xf32> to vector<16x1xf32>
      %concatenate3A_4145 = tpu.concatenate %broadcast_in_dim3A_1294, %add3A_4132 in 1 : vector<16x1xf32>, vector<16x512xf32> -> vector<16x513xf32>
      %max3A_4146 = arith.maximumf %add3A_4112, %concatenate3A_4145 : vector<16x513xf32>
      %sub3A_4147 = arith.subf %add3A_4112, %max3A_4146 : vector<16x513xf32>
      %exp23A_4148 = math.exp2 %sub3A_4147 : vector<16x513xf32>
      %sub3A_4149 = arith.subf %concatenate3A_4145, %max3A_4146 : vector<16x513xf32>
      %exp23A_4150 = math.exp2 %sub3A_4149 : vector<16x513xf32>
      %add3A_4151 = arith.addf %exp23A_4148, %exp23A_4150 : vector<16x513xf32>
      %log3A_4152 = math.log %add3A_4151 : vector<16x513xf32>
      %log3A_4153 = arith.constant 2.000000e+00 : f32
      %log3A_4154 = math.log %log3A_4153 : f32
      %div3A_4155 = vector.broadcast %log3A_4154 : f32 to vector<16x513xf32>
      %div3A_4156 = arith.divf %log3A_4152, %div3A_4155 : vector<16x513xf32>
      %add3A_4157 = arith.addf %max3A_4146, %div3A_4156 : vector<16x513xf32>
      %add3A_4158 = vector.broadcast %get3A_4144 : vector<16x1xf32> to vector<16x513xf32>
      %add3A_4159 = arith.addf %add3A_4157, %add3A_4158 : vector<16x513xf32>
      %slice3A_4160 = vector.extract_strided_slice %concatenate3A_4145 {offsets = [0, 0], sizes = [16, 512], strides = [1, 1]} : vector<16x513xf32> to vector<16x512xf32>
      %add3A_4161 = arith.addf %slice3A_4160, %select_n3A_1292 : vector<16x512xf32>
      %slice3A_4162 = vector.extract_strided_slice %add3A_4112 {offsets = [0, 0], sizes = [16, 512], strides = [1, 1]} : vector<16x513xf32> to vector<16x512xf32>
      %max3A_4163 = arith.maximumf %add3A_4132, %slice3A_4162 : vector<16x512xf32>
      %max3A_4164 = arith.maximumf %max3A_4163, %add3A_4161 : vector<16x512xf32>
      %sub3A_4165 = arith.subf %add3A_4132, %max3A_4164 : vector<16x512xf32>
      %exp23A_4166 = math.exp2 %sub3A_4165 : vector<16x512xf32>
      %sub3A_4167 = arith.subf %slice3A_4162, %max3A_4164 : vector<16x512xf32>
      %exp23A_4168 = math.exp2 %sub3A_4167 : vector<16x512xf32>
      %add3A_4169 = arith.addf %exp23A_4166, %exp23A_4168 : vector<16x512xf32>
      %sub3A_4170 = arith.subf %add3A_4161, %max3A_4164 : vector<16x512xf32>
      %exp23A_4171 = math.exp2 %sub3A_4170 : vector<16x512xf32>
      %add3A_4172 = arith.addf %add3A_4169, %exp23A_4171 : vector<16x512xf32>
      %log3A_4173 = math.log %add3A_4172 : vector<16x512xf32>
      %log3A_4174 = arith.constant 2.000000e+00 : f32
      %log3A_4175 = math.log %log3A_4174 : f32
      %div3A_4176 = vector.broadcast %log3A_4175 : f32 to vector<16x512xf32>
      %div3A_4177 = arith.divf %log3A_4173, %div3A_4176 : vector<16x512xf32>
      %add3A_4178 = arith.addf %max3A_4164, %div3A_4177 : vector<16x512xf32>
      %add3A_4179 = arith.addf %add3A_4178, %get3A_4139 : vector<16x512xf32>
      %scan3A_4180 = arith.constant 29 : i32
      %scan3A_4181 = arith.addi %scan3A_2816, %scan3A_4180 : i32
      %get3A_4182 = arith.index_cast %scan3A_4181 : i32 to index
      %get3A_4183 = arith.constant 0 : index
      %get3A_4184 = arith.constant 0 : index
      %get3A_4185 = vector.load %arg5[%get3A_4182, %get3A_4183, %get3A_4184] : memref<512x16x640xf32, #tpu.memory_space<vmem>>, vector<1x16x512xf32>
      %get3A_4186 = vector.shape_cast %get3A_4185 : vector<1x16x512xf32> to vector<16x512xf32>
      %get3A_4187 = arith.index_cast %scan3A_4181 : i32 to index
      %get3A_4188 = arith.constant 0 : index
      %get3A_4189 = arith.constant 512 : index
      %get3A_4190 = vector.load %arg5[%get3A_4187, %get3A_4188, %get3A_4189] : memref<512x16x640xf32, #tpu.memory_space<vmem>>, vector<1x16x1xf32>
      %get3A_4191 = vector.shape_cast %get3A_4190 : vector<1x16x1xf32> to vector<16x1xf32>
      %concatenate3A_4192 = tpu.concatenate %broadcast_in_dim3A_1294, %add3A_4179 in 1 : vector<16x1xf32>, vector<16x512xf32> -> vector<16x513xf32>
      %max3A_4193 = arith.maximumf %add3A_4159, %concatenate3A_4192 : vector<16x513xf32>
      %sub3A_4194 = arith.subf %add3A_4159, %max3A_4193 : vector<16x513xf32>
      %exp23A_4195 = math.exp2 %sub3A_4194 : vector<16x513xf32>
      %sub3A_4196 = arith.subf %concatenate3A_4192, %max3A_4193 : vector<16x513xf32>
      %exp23A_4197 = math.exp2 %sub3A_4196 : vector<16x513xf32>
      %add3A_4198 = arith.addf %exp23A_4195, %exp23A_4197 : vector<16x513xf32>
      %log3A_4199 = math.log %add3A_4198 : vector<16x513xf32>
      %log3A_4200 = arith.constant 2.000000e+00 : f32
      %log3A_4201 = math.log %log3A_4200 : f32
      %div3A_4202 = vector.broadcast %log3A_4201 : f32 to vector<16x513xf32>
      %div3A_4203 = arith.divf %log3A_4199, %div3A_4202 : vector<16x513xf32>
      %add3A_4204 = arith.addf %max3A_4193, %div3A_4203 : vector<16x513xf32>
      %add3A_4205 = vector.broadcast %get3A_4191 : vector<16x1xf32> to vector<16x513xf32>
      %add3A_4206 = arith.addf %add3A_4204, %add3A_4205 : vector<16x513xf32>
      %slice3A_4207 = vector.extract_strided_slice %concatenate3A_4192 {offsets = [0, 0], sizes = [16, 512], strides = [1, 1]} : vector<16x513xf32> to vector<16x512xf32>
      %add3A_4208 = arith.addf %slice3A_4207, %select_n3A_1292 : vector<16x512xf32>
      %slice3A_4209 = vector.extract_strided_slice %add3A_4159 {offsets = [0, 0], sizes = [16, 512], strides = [1, 1]} : vector<16x513xf32> to vector<16x512xf32>
      %max3A_4210 = arith.maximumf %add3A_4179, %slice3A_4209 : vector<16x512xf32>
      %max3A_4211 = arith.maximumf %max3A_4210, %add3A_4208 : vector<16x512xf32>
      %sub3A_4212 = arith.subf %add3A_4179, %max3A_4211 : vector<16x512xf32>
      %exp23A_4213 = math.exp2 %sub3A_4212 : vector<16x512xf32>
      %sub3A_4214 = arith.subf %slice3A_4209, %max3A_4211 : vector<16x512xf32>
      %exp23A_4215 = math.exp2 %sub3A_4214 : vector<16x512xf32>
      %add3A_4216 = arith.addf %exp23A_4213, %exp23A_4215 : vector<16x512xf32>
      %sub3A_4217 = arith.subf %add3A_4208, %max3A_4211 : vector<16x512xf32>
      %exp23A_4218 = math.exp2 %sub3A_4217 : vector<16x512xf32>
      %add3A_4219 = arith.addf %add3A_4216, %exp23A_4218 : vector<16x512xf32>
      %log3A_4220 = math.log %add3A_4219 : vector<16x512xf32>
      %log3A_4221 = arith.constant 2.000000e+00 : f32
      %log3A_4222 = math.log %log3A_4221 : f32
      %div3A_4223 = vector.broadcast %log3A_4222 : f32 to vector<16x512xf32>
      %div3A_4224 = arith.divf %log3A_4220, %div3A_4223 : vector<16x512xf32>
      %add3A_4225 = arith.addf %max3A_4211, %div3A_4224 : vector<16x512xf32>
      %add3A_4226 = arith.addf %add3A_4225, %get3A_4186 : vector<16x512xf32>
      %scan3A_4227 = arith.constant 30 : i32
      %scan3A_4228 = arith.addi %scan3A_2816, %scan3A_4227 : i32
      %get3A_4229 = arith.index_cast %scan3A_4228 : i32 to index
      %get3A_4230 = arith.constant 0 : index
      %get3A_4231 = arith.constant 0 : index
      %get3A_4232 = vector.load %arg5[%get3A_4229, %get3A_4230, %get3A_4231] : memref<512x16x640xf32, #tpu.memory_space<vmem>>, vector<1x16x512xf32>
      %get3A_4233 = vector.shape_cast %get3A_4232 : vector<1x16x512xf32> to vector<16x512xf32>
      %get3A_4234 = arith.index_cast %scan3A_4228 : i32 to index
      %get3A_4235 = arith.constant 0 : index
      %get3A_4236 = arith.constant 512 : index
      %get3A_4237 = vector.load %arg5[%get3A_4234, %get3A_4235, %get3A_4236] : memref<512x16x640xf32, #tpu.memory_space<vmem>>, vector<1x16x1xf32>
      %get3A_4238 = vector.shape_cast %get3A_4237 : vector<1x16x1xf32> to vector<16x1xf32>
      %concatenate3A_4239 = tpu.concatenate %broadcast_in_dim3A_1294, %add3A_4226 in 1 : vector<16x1xf32>, vector<16x512xf32> -> vector<16x513xf32>
      %max3A_4240 = arith.maximumf %add3A_4206, %concatenate3A_4239 : vector<16x513xf32>
      %sub3A_4241 = arith.subf %add3A_4206, %max3A_4240 : vector<16x513xf32>
      %exp23A_4242 = math.exp2 %sub3A_4241 : vector<16x513xf32>
      %sub3A_4243 = arith.subf %concatenate3A_4239, %max3A_4240 : vector<16x513xf32>
      %exp23A_4244 = math.exp2 %sub3A_4243 : vector<16x513xf32>
      %add3A_4245 = arith.addf %exp23A_4242, %exp23A_4244 : vector<16x513xf32>
      %log3A_4246 = math.log %add3A_4245 : vector<16x513xf32>
      %log3A_4247 = arith.constant 2.000000e+00 : f32
      %log3A_4248 = math.log %log3A_4247 : f32
      %div3A_4249 = vector.broadcast %log3A_4248 : f32 to vector<16x513xf32>
      %div3A_4250 = arith.divf %log3A_4246, %div3A_4249 : vector<16x513xf32>
      %add3A_4251 = arith.addf %max3A_4240, %div3A_4250 : vector<16x513xf32>
      %add3A_4252 = vector.broadcast %get3A_4238 : vector<16x1xf32> to vector<16x513xf32>
      %add3A_4253 = arith.addf %add3A_4251, %add3A_4252 : vector<16x513xf32>
      %slice3A_4254 = vector.extract_strided_slice %concatenate3A_4239 {offsets = [0, 0], sizes = [16, 512], strides = [1, 1]} : vector<16x513xf32> to vector<16x512xf32>
      %add3A_4255 = arith.addf %slice3A_4254, %select_n3A_1292 : vector<16x512xf32>
      %slice3A_4256 = vector.extract_strided_slice %add3A_4206 {offsets = [0, 0], sizes = [16, 512], strides = [1, 1]} : vector<16x513xf32> to vector<16x512xf32>
      %max3A_4257 = arith.maximumf %add3A_4226, %slice3A_4256 : vector<16x512xf32>
      %max3A_4258 = arith.maximumf %max3A_4257, %add3A_4255 : vector<16x512xf32>
      %sub3A_4259 = arith.subf %add3A_4226, %max3A_4258 : vector<16x512xf32>
      %exp23A_4260 = math.exp2 %sub3A_4259 : vector<16x512xf32>
      %sub3A_4261 = arith.subf %slice3A_4256, %max3A_4258 : vector<16x512xf32>
      %exp23A_4262 = math.exp2 %sub3A_4261 : vector<16x512xf32>
      %add3A_4263 = arith.addf %exp23A_4260, %exp23A_4262 : vector<16x512xf32>
      %sub3A_4264 = arith.subf %add3A_4255, %max3A_4258 : vector<16x512xf32>
      %exp23A_4265 = math.exp2 %sub3A_4264 : vector<16x512xf32>
      %add3A_4266 = arith.addf %add3A_4263, %exp23A_4265 : vector<16x512xf32>
      %log3A_4267 = math.log %add3A_4266 : vector<16x512xf32>
      %log3A_4268 = arith.constant 2.000000e+00 : f32
      %log3A_4269 = math.log %log3A_4268 : f32
      %div3A_4270 = vector.broadcast %log3A_4269 : f32 to vector<16x512xf32>
      %div3A_4271 = arith.divf %log3A_4267, %div3A_4270 : vector<16x512xf32>
      %add3A_4272 = arith.addf %max3A_4258, %div3A_4271 : vector<16x512xf32>
      %add3A_4273 = arith.addf %add3A_4272, %get3A_4233 : vector<16x512xf32>
      %scan3A_4274 = arith.constant 31 : i32
      %scan3A_4275 = arith.addi %scan3A_2816, %scan3A_4274 : i32
      %get3A_4276 = arith.index_cast %scan3A_4275 : i32 to index
      %get3A_4277 = arith.constant 0 : index
      %get3A_4278 = arith.constant 0 : index
      %get3A_4279 = vector.load %arg5[%get3A_4276, %get3A_4277, %get3A_4278] : memref<512x16x640xf32, #tpu.memory_space<vmem>>, vector<1x16x512xf32>
      %get3A_4280 = vector.shape_cast %get3A_4279 : vector<1x16x512xf32> to vector<16x512xf32>
      %get3A_4281 = arith.index_cast %scan3A_4275 : i32 to index
      %get3A_4282 = arith.constant 0 : index
      %get3A_4283 = arith.constant 512 : index
      %get3A_4284 = vector.load %arg5[%get3A_4281, %get3A_4282, %get3A_4283] : memref<512x16x640xf32, #tpu.memory_space<vmem>>, vector<1x16x1xf32>
      %get3A_4285 = vector.shape_cast %get3A_4284 : vector<1x16x1xf32> to vector<16x1xf32>
      %concatenate3A_4286 = tpu.concatenate %broadcast_in_dim3A_1294, %add3A_4273 in 1 : vector<16x1xf32>, vector<16x512xf32> -> vector<16x513xf32>
      %max3A_4287 = arith.maximumf %add3A_4253, %concatenate3A_4286 : vector<16x513xf32>
      %sub3A_4288 = arith.subf %add3A_4253, %max3A_4287 : vector<16x513xf32>
      %exp23A_4289 = math.exp2 %sub3A_4288 : vector<16x513xf32>
      %sub3A_4290 = arith.subf %concatenate3A_4286, %max3A_4287 : vector<16x513xf32>
      %exp23A_4291 = math.exp2 %sub3A_4290 : vector<16x513xf32>
      %add3A_4292 = arith.addf %exp23A_4289, %exp23A_4291 : vector<16x513xf32>
      %log3A_4293 = math.log %add3A_4292 : vector<16x513xf32>
      %log3A_4294 = arith.constant 2.000000e+00 : f32
      %log3A_4295 = math.log %log3A_4294 : f32
      %div3A_4296 = vector.broadcast %log3A_4295 : f32 to vector<16x513xf32>
      %div3A_4297 = arith.divf %log3A_4293, %div3A_4296 : vector<16x513xf32>
      %add3A_4298 = arith.addf %max3A_4287, %div3A_4297 : vector<16x513xf32>
      %add3A_4299 = vector.broadcast %get3A_4285 : vector<16x1xf32> to vector<16x513xf32>
      %add3A_4300 = arith.addf %add3A_4298, %add3A_4299 : vector<16x513xf32>
      %slice3A_4301 = vector.extract_strided_slice %concatenate3A_4286 {offsets = [0, 0], sizes = [16, 512], strides = [1, 1]} : vector<16x513xf32> to vector<16x512xf32>
      %add3A_4302 = arith.addf %slice3A_4301, %select_n3A_1292 : vector<16x512xf32>
      %slice3A_4303 = vector.extract_strided_slice %add3A_4253 {offsets = [0, 0], sizes = [16, 512], strides = [1, 1]} : vector<16x513xf32> to vector<16x512xf32>
      %max3A_4304 = arith.maximumf %add3A_4273, %slice3A_4303 : vector<16x512xf32>
      %max3A_4305 = arith.maximumf %max3A_4304, %add3A_4302 : vector<16x512xf32>
      %sub3A_4306 = arith.subf %add3A_4273, %max3A_4305 : vector<16x512xf32>
      %exp23A_4307 = math.exp2 %sub3A_4306 : vector<16x512xf32>
      %sub3A_4308 = arith.subf %slice3A_4303, %max3A_4305 : vector<16x512xf32>
      %exp23A_4309 = math.exp2 %sub3A_4308 : vector<16x512xf32>
      %add3A_4310 = arith.addf %exp23A_4307, %exp23A_4309 : vector<16x512xf32>
      %sub3A_4311 = arith.subf %add3A_4302, %max3A_4305 : vector<16x512xf32>
      %exp23A_4312 = math.exp2 %sub3A_4311 : vector<16x512xf32>
      %add3A_4313 = arith.addf %add3A_4310, %exp23A_4312 : vector<16x512xf32>
      %log3A_4314 = math.log %add3A_4313 : vector<16x512xf32>
      %log3A_4315 = arith.constant 2.000000e+00 : f32
      %log3A_4316 = math.log %log3A_4315 : f32
      %div3A_4317 = vector.broadcast %log3A_4316 : f32 to vector<16x512xf32>
      %div3A_4318 = arith.divf %log3A_4314, %div3A_4317 : vector<16x512xf32>
      %add3A_4319 = arith.addf %max3A_4305, %div3A_4318 : vector<16x512xf32>
      %add3A_4320 = arith.addf %add3A_4319, %get3A_4280 : vector<16x512xf32>
      scf.yield %add3A_4300, %add3A_4320 : vector<16x513xf32>, vector<16x512xf32>
    }
    %scan3A_1323 = arith.constant 480 : i32
    %scan3A_1324 = arith.addi %scan3A, %scan3A_1323 : i32
    %get3A_1325 = arith.index_cast %scan3A_1324 : i32 to index
    %get3A_1326 = arith.constant 0 : index
    %get3A_1327 = arith.constant 0 : index
    %get3A_1328 = vector.load %arg5[%get3A_1325, %get3A_1326, %get3A_1327] : memref<512x16x640xf32, #tpu.memory_space<vmem>>, vector<1x16x512xf32>
    %get3A_1329 = vector.shape_cast %get3A_1328 : vector<1x16x512xf32> to vector<16x512xf32>
    %get3A_1330 = arith.index_cast %scan3A_1324 : i32 to index
    %get3A_1331 = arith.constant 0 : index
    %get3A_1332 = arith.constant 512 : index
    %get3A_1333 = vector.load %arg5[%get3A_1330, %get3A_1331, %get3A_1332] : memref<512x16x640xf32, #tpu.memory_space<vmem>>, vector<1x16x1xf32>
    %get3A_1334 = vector.shape_cast %get3A_1333 : vector<1x16x1xf32> to vector<16x1xf32>
    %concatenate3A_1335 = tpu.concatenate %broadcast_in_dim3A_1294, %scan3A_1322#1 in 1 : vector<16x1xf32>, vector<16x512xf32> -> vector<16x513xf32>
    %max3A = arith.maximumf %scan3A_1322#0, %concatenate3A_1335 : vector<16x513xf32>
    %sub3A_1336 = arith.subf %scan3A_1322#0, %max3A : vector<16x513xf32>
    %exp23A = math.exp2 %sub3A_1336 : vector<16x513xf32>
    %sub3A_1337 = arith.subf %concatenate3A_1335, %max3A : vector<16x513xf32>
    %exp23A_1338 = math.exp2 %sub3A_1337 : vector<16x513xf32>
    %add3A_1339 = arith.addf %exp23A, %exp23A_1338 : vector<16x513xf32>
    %log3A_1340 = math.log %add3A_1339 : vector<16x513xf32>
    %log3A_1341 = arith.constant 2.000000e+00 : f32
    %log3A_1342 = math.log %log3A_1341 : f32
    %div3A = vector.broadcast %log3A_1342 : f32 to vector<16x513xf32>
    %div3A_1343 = arith.divf %log3A_1340, %div3A : vector<16x513xf32>
    %add3A_1344 = arith.addf %max3A, %div3A_1343 : vector<16x513xf32>
    %add3A_1345 = vector.broadcast %get3A_1334 : vector<16x1xf32> to vector<16x513xf32>
    %add3A_1346 = arith.addf %add3A_1344, %add3A_1345 : vector<16x513xf32>
    %slice3A_1347 = vector.extract_strided_slice %concatenate3A_1335 {offsets = [0, 0], sizes = [16, 512], strides = [1, 1]} : vector<16x513xf32> to vector<16x512xf32>
    %add3A_1348 = arith.addf %slice3A_1347, %select_n3A_1292 : vector<16x512xf32>
    %slice3A_1349 = vector.extract_strided_slice %scan3A_1322#0 {offsets = [0, 0], sizes = [16, 512], strides = [1, 1]} : vector<16x513xf32> to vector<16x512xf32>
    %max3A_1350 = arith.maximumf %scan3A_1322#1, %slice3A_1349 : vector<16x512xf32>
    %max3A_1351 = arith.maximumf %max3A_1350, %add3A_1348 : vector<16x512xf32>
    %sub3A_1352 = arith.subf %scan3A_1322#1, %max3A_1351 : vector<16x512xf32>
    %exp23A_1353 = math.exp2 %sub3A_1352 : vector<16x512xf32>
    %sub3A_1354 = arith.subf %slice3A_1349, %max3A_1351 : vector<16x512xf32>
    %exp23A_1355 = math.exp2 %sub3A_1354 : vector<16x512xf32>
    %add3A_1356 = arith.addf %exp23A_1353, %exp23A_1355 : vector<16x512xf32>
    %sub3A_1357 = arith.subf %add3A_1348, %max3A_1351 : vector<16x512xf32>
    %exp23A_1358 = math.exp2 %sub3A_1357 : vector<16x512xf32>
    %add3A_1359 = arith.addf %add3A_1356, %exp23A_1358 : vector<16x512xf32>
    %log3A_1360 = math.log %add3A_1359 : vector<16x512xf32>
    %log3A_1361 = arith.constant 2.000000e+00 : f32
    %log3A_1362 = math.log %log3A_1361 : f32
    %div3A_1363 = vector.broadcast %log3A_1362 : f32 to vector<16x512xf32>
    %div3A_1364 = arith.divf %log3A_1360, %div3A_1363 : vector<16x512xf32>
    %add3A_1365 = arith.addf %max3A_1351, %div3A_1364 : vector<16x512xf32>
    %add3A_1366 = arith.addf %add3A_1365, %get3A_1329 : vector<16x512xf32>
    %scan3A_1367 = arith.constant 481 : i32
    %scan3A_1368 = arith.addi %scan3A, %scan3A_1367 : i32
    %get3A_1369 = arith.index_cast %scan3A_1368 : i32 to index
    %get3A_1370 = arith.constant 0 : index
    %get3A_1371 = arith.constant 0 : index
    %get3A_1372 = vector.load %arg5[%get3A_1369, %get3A_1370, %get3A_1371] : memref<512x16x640xf32, #tpu.memory_space<vmem>>, vector<1x16x512xf32>
    %get3A_1373 = vector.shape_cast %get3A_1372 : vector<1x16x512xf32> to vector<16x512xf32>
    %get3A_1374 = arith.index_cast %scan3A_1368 : i32 to index
    %get3A_1375 = arith.constant 0 : index
    %get3A_1376 = arith.constant 512 : index
    %get3A_1377 = vector.load %arg5[%get3A_1374, %get3A_1375, %get3A_1376] : memref<512x16x640xf32, #tpu.memory_space<vmem>>, vector<1x16x1xf32>
    %get3A_1378 = vector.shape_cast %get3A_1377 : vector<1x16x1xf32> to vector<16x1xf32>
    %concatenate3A_1379 = tpu.concatenate %broadcast_in_dim3A_1294, %add3A_1366 in 1 : vector<16x1xf32>, vector<16x512xf32> -> vector<16x513xf32>
    %max3A_1380 = arith.maximumf %add3A_1346, %concatenate3A_1379 : vector<16x513xf32>
    %sub3A_1381 = arith.subf %add3A_1346, %max3A_1380 : vector<16x513xf32>
    %exp23A_1382 = math.exp2 %sub3A_1381 : vector<16x513xf32>
    %sub3A_1383 = arith.subf %concatenate3A_1379, %max3A_1380 : vector<16x513xf32>
    %exp23A_1384 = math.exp2 %sub3A_1383 : vector<16x513xf32>
    %add3A_1385 = arith.addf %exp23A_1382, %exp23A_1384 : vector<16x513xf32>
    %log3A_1386 = math.log %add3A_1385 : vector<16x513xf32>
    %log3A_1387 = arith.constant 2.000000e+00 : f32
    %log3A_1388 = math.log %log3A_1387 : f32
    %div3A_1389 = vector.broadcast %log3A_1388 : f32 to vector<16x513xf32>
    %div3A_1390 = arith.divf %log3A_1386, %div3A_1389 : vector<16x513xf32>
    %add3A_1391 = arith.addf %max3A_1380, %div3A_1390 : vector<16x513xf32>
    %add3A_1392 = vector.broadcast %get3A_1378 : vector<16x1xf32> to vector<16x513xf32>
    %add3A_1393 = arith.addf %add3A_1391, %add3A_1392 : vector<16x513xf32>
    %slice3A_1394 = vector.extract_strided_slice %concatenate3A_1379 {offsets = [0, 0], sizes = [16, 512], strides = [1, 1]} : vector<16x513xf32> to vector<16x512xf32>
    %add3A_1395 = arith.addf %slice3A_1394, %select_n3A_1292 : vector<16x512xf32>
    %slice3A_1396 = vector.extract_strided_slice %add3A_1346 {offsets = [0, 0], sizes = [16, 512], strides = [1, 1]} : vector<16x513xf32> to vector<16x512xf32>
    %max3A_1397 = arith.maximumf %add3A_1366, %slice3A_1396 : vector<16x512xf32>
    %max3A_1398 = arith.maximumf %max3A_1397, %add3A_1395 : vector<16x512xf32>
    %sub3A_1399 = arith.subf %add3A_1366, %max3A_1398 : vector<16x512xf32>
    %exp23A_1400 = math.exp2 %sub3A_1399 : vector<16x512xf32>
    %sub3A_1401 = arith.subf %slice3A_1396, %max3A_1398 : vector<16x512xf32>
    %exp23A_1402 = math.exp2 %sub3A_1401 : vector<16x512xf32>
    %add3A_1403 = arith.addf %exp23A_1400, %exp23A_1402 : vector<16x512xf32>
    %sub3A_1404 = arith.subf %add3A_1395, %max3A_1398 : vector<16x512xf32>
    %exp23A_1405 = math.exp2 %sub3A_1404 : vector<16x512xf32>
    %add3A_1406 = arith.addf %add3A_1403, %exp23A_1405 : vector<16x512xf32>
    %log3A_1407 = math.log %add3A_1406 : vector<16x512xf32>
    %log3A_1408 = arith.constant 2.000000e+00 : f32
    %log3A_1409 = math.log %log3A_1408 : f32
    %div3A_1410 = vector.broadcast %log3A_1409 : f32 to vector<16x512xf32>
    %div3A_1411 = arith.divf %log3A_1407, %div3A_1410 : vector<16x512xf32>
    %add3A_1412 = arith.addf %max3A_1398, %div3A_1411 : vector<16x512xf32>
    %add3A_1413 = arith.addf %add3A_1412, %get3A_1373 : vector<16x512xf32>
    %scan3A_1414 = arith.constant 482 : i32
    %scan3A_1415 = arith.addi %scan3A, %scan3A_1414 : i32
    %get3A_1416 = arith.index_cast %scan3A_1415 : i32 to index
    %get3A_1417 = arith.constant 0 : index
    %get3A_1418 = arith.constant 0 : index
    %get3A_1419 = vector.load %arg5[%get3A_1416, %get3A_1417, %get3A_1418] : memref<512x16x640xf32, #tpu.memory_space<vmem>>, vector<1x16x512xf32>
    %get3A_1420 = vector.shape_cast %get3A_1419 : vector<1x16x512xf32> to vector<16x512xf32>
    %get3A_1421 = arith.index_cast %scan3A_1415 : i32 to index
    %get3A_1422 = arith.constant 0 : index
    %get3A_1423 = arith.constant 512 : index
    %get3A_1424 = vector.load %arg5[%get3A_1421, %get3A_1422, %get3A_1423] : memref<512x16x640xf32, #tpu.memory_space<vmem>>, vector<1x16x1xf32>
    %get3A_1425 = vector.shape_cast %get3A_1424 : vector<1x16x1xf32> to vector<16x1xf32>
    %concatenate3A_1426 = tpu.concatenate %broadcast_in_dim3A_1294, %add3A_1413 in 1 : vector<16x1xf32>, vector<16x512xf32> -> vector<16x513xf32>
    %max3A_1427 = arith.maximumf %add3A_1393, %concatenate3A_1426 : vector<16x513xf32>
    %sub3A_1428 = arith.subf %add3A_1393, %max3A_1427 : vector<16x513xf32>
    %exp23A_1429 = math.exp2 %sub3A_1428 : vector<16x513xf32>
    %sub3A_1430 = arith.subf %concatenate3A_1426, %max3A_1427 : vector<16x513xf32>
    %exp23A_1431 = math.exp2 %sub3A_1430 : vector<16x513xf32>
    %add3A_1432 = arith.addf %exp23A_1429, %exp23A_1431 : vector<16x513xf32>
    %log3A_1433 = math.log %add3A_1432 : vector<16x513xf32>
    %log3A_1434 = arith.constant 2.000000e+00 : f32
    %log3A_1435 = math.log %log3A_1434 : f32
    %div3A_1436 = vector.broadcast %log3A_1435 : f32 to vector<16x513xf32>
    %div3A_1437 = arith.divf %log3A_1433, %div3A_1436 : vector<16x513xf32>
    %add3A_1438 = arith.addf %max3A_1427, %div3A_1437 : vector<16x513xf32>
    %add3A_1439 = vector.broadcast %get3A_1425 : vector<16x1xf32> to vector<16x513xf32>
    %add3A_1440 = arith.addf %add3A_1438, %add3A_1439 : vector<16x513xf32>
    %slice3A_1441 = vector.extract_strided_slice %concatenate3A_1426 {offsets = [0, 0], sizes = [16, 512], strides = [1, 1]} : vector<16x513xf32> to vector<16x512xf32>
    %add3A_1442 = arith.addf %slice3A_1441, %select_n3A_1292 : vector<16x512xf32>
    %slice3A_1443 = vector.extract_strided_slice %add3A_1393 {offsets = [0, 0], sizes = [16, 512], strides = [1, 1]} : vector<16x513xf32> to vector<16x512xf32>
    %max3A_1444 = arith.maximumf %add3A_1413, %slice3A_1443 : vector<16x512xf32>
    %max3A_1445 = arith.maximumf %max3A_1444, %add3A_1442 : vector<16x512xf32>
    %sub3A_1446 = arith.subf %add3A_1413, %max3A_1445 : vector<16x512xf32>
    %exp23A_1447 = math.exp2 %sub3A_1446 : vector<16x512xf32>
    %sub3A_1448 = arith.subf %slice3A_1443, %max3A_1445 : vector<16x512xf32>
    %exp23A_1449 = math.exp2 %sub3A_1448 : vector<16x512xf32>
    %add3A_1450 = arith.addf %exp23A_1447, %exp23A_1449 : vector<16x512xf32>
    %sub3A_1451 = arith.subf %add3A_1442, %max3A_1445 : vector<16x512xf32>
    %exp23A_1452 = math.exp2 %sub3A_1451 : vector<16x512xf32>
    %add3A_1453 = arith.addf %add3A_1450, %exp23A_1452 : vector<16x512xf32>
    %log3A_1454 = math.log %add3A_1453 : vector<16x512xf32>
    %log3A_1455 = arith.constant 2.000000e+00 : f32
    %log3A_1456 = math.log %log3A_1455 : f32
    %div3A_1457 = vector.broadcast %log3A_1456 : f32 to vector<16x512xf32>
    %div3A_1458 = arith.divf %log3A_1454, %div3A_1457 : vector<16x512xf32>
    %add3A_1459 = arith.addf %max3A_1445, %div3A_1458 : vector<16x512xf32>
    %add3A_1460 = arith.addf %add3A_1459, %get3A_1420 : vector<16x512xf32>
    %scan3A_1461 = arith.constant 483 : i32
    %scan3A_1462 = arith.addi %scan3A, %scan3A_1461 : i32
    %get3A_1463 = arith.index_cast %scan3A_1462 : i32 to index
    %get3A_1464 = arith.constant 0 : index
    %get3A_1465 = arith.constant 0 : index
    %get3A_1466 = vector.load %arg5[%get3A_1463, %get3A_1464, %get3A_1465] : memref<512x16x640xf32, #tpu.memory_space<vmem>>, vector<1x16x512xf32>
    %get3A_1467 = vector.shape_cast %get3A_1466 : vector<1x16x512xf32> to vector<16x512xf32>
    %get3A_1468 = arith.index_cast %scan3A_1462 : i32 to index
    %get3A_1469 = arith.constant 0 : index
    %get3A_1470 = arith.constant 512 : index
    %get3A_1471 = vector.load %arg5[%get3A_1468, %get3A_1469, %get3A_1470] : memref<512x16x640xf32, #tpu.memory_space<vmem>>, vector<1x16x1xf32>
    %get3A_1472 = vector.shape_cast %get3A_1471 : vector<1x16x1xf32> to vector<16x1xf32>
    %concatenate3A_1473 = tpu.concatenate %broadcast_in_dim3A_1294, %add3A_1460 in 1 : vector<16x1xf32>, vector<16x512xf32> -> vector<16x513xf32>
    %max3A_1474 = arith.maximumf %add3A_1440, %concatenate3A_1473 : vector<16x513xf32>
    %sub3A_1475 = arith.subf %add3A_1440, %max3A_1474 : vector<16x513xf32>
    %exp23A_1476 = math.exp2 %sub3A_1475 : vector<16x513xf32>
    %sub3A_1477 = arith.subf %concatenate3A_1473, %max3A_1474 : vector<16x513xf32>
    %exp23A_1478 = math.exp2 %sub3A_1477 : vector<16x513xf32>
    %add3A_1479 = arith.addf %exp23A_1476, %exp23A_1478 : vector<16x513xf32>
    %log3A_1480 = math.log %add3A_1479 : vector<16x513xf32>
    %log3A_1481 = arith.constant 2.000000e+00 : f32
    %log3A_1482 = math.log %log3A_1481 : f32
    %div3A_1483 = vector.broadcast %log3A_1482 : f32 to vector<16x513xf32>
    %div3A_1484 = arith.divf %log3A_1480, %div3A_1483 : vector<16x513xf32>
    %add3A_1485 = arith.addf %max3A_1474, %div3A_1484 : vector<16x513xf32>
    %add3A_1486 = vector.broadcast %get3A_1472 : vector<16x1xf32> to vector<16x513xf32>
    %add3A_1487 = arith.addf %add3A_1485, %add3A_1486 : vector<16x513xf32>
    %slice3A_1488 = vector.extract_strided_slice %concatenate3A_1473 {offsets = [0, 0], sizes = [16, 512], strides = [1, 1]} : vector<16x513xf32> to vector<16x512xf32>
    %add3A_1489 = arith.addf %slice3A_1488, %select_n3A_1292 : vector<16x512xf32>
    %slice3A_1490 = vector.extract_strided_slice %add3A_1440 {offsets = [0, 0], sizes = [16, 512], strides = [1, 1]} : vector<16x513xf32> to vector<16x512xf32>
    %max3A_1491 = arith.maximumf %add3A_1460, %slice3A_1490 : vector<16x512xf32>
    %max3A_1492 = arith.maximumf %max3A_1491, %add3A_1489 : vector<16x512xf32>
    %sub3A_1493 = arith.subf %add3A_1460, %max3A_1492 : vector<16x512xf32>
    %exp23A_1494 = math.exp2 %sub3A_1493 : vector<16x512xf32>
    %sub3A_1495 = arith.subf %slice3A_1490, %max3A_1492 : vector<16x512xf32>
    %exp23A_1496 = math.exp2 %sub3A_1495 : vector<16x512xf32>
    %add3A_1497 = arith.addf %exp23A_1494, %exp23A_1496 : vector<16x512xf32>
    %sub3A_1498 = arith.subf %add3A_1489, %max3A_1492 : vector<16x512xf32>
    %exp23A_1499 = math.exp2 %sub3A_1498 : vector<16x512xf32>
    %add3A_1500 = arith.addf %add3A_1497, %exp23A_1499 : vector<16x512xf32>
    %log3A_1501 = math.log %add3A_1500 : vector<16x512xf32>
    %log3A_1502 = arith.constant 2.000000e+00 : f32
    %log3A_1503 = math.log %log3A_1502 : f32
    %div3A_1504 = vector.broadcast %log3A_1503 : f32 to vector<16x512xf32>
    %div3A_1505 = arith.divf %log3A_1501, %div3A_1504 : vector<16x512xf32>
    %add3A_1506 = arith.addf %max3A_1492, %div3A_1505 : vector<16x512xf32>
    %add3A_1507 = arith.addf %add3A_1506, %get3A_1467 : vector<16x512xf32>
    %scan3A_1508 = arith.constant 484 : i32
    %scan3A_1509 = arith.addi %scan3A, %scan3A_1508 : i32
    %get3A_1510 = arith.index_cast %scan3A_1509 : i32 to index
    %get3A_1511 = arith.constant 0 : index
    %get3A_1512 = arith.constant 0 : index
    %get3A_1513 = vector.load %arg5[%get3A_1510, %get3A_1511, %get3A_1512] : memref<512x16x640xf32, #tpu.memory_space<vmem>>, vector<1x16x512xf32>
    %get3A_1514 = vector.shape_cast %get3A_1513 : vector<1x16x512xf32> to vector<16x512xf32>
    %get3A_1515 = arith.index_cast %scan3A_1509 : i32 to index
    %get3A_1516 = arith.constant 0 : index
    %get3A_1517 = arith.constant 512 : index
    %get3A_1518 = vector.load %arg5[%get3A_1515, %get3A_1516, %get3A_1517] : memref<512x16x640xf32, #tpu.memory_space<vmem>>, vector<1x16x1xf32>
    %get3A_1519 = vector.shape_cast %get3A_1518 : vector<1x16x1xf32> to vector<16x1xf32>
    %concatenate3A_1520 = tpu.concatenate %broadcast_in_dim3A_1294, %add3A_1507 in 1 : vector<16x1xf32>, vector<16x512xf32> -> vector<16x513xf32>
    %max3A_1521 = arith.maximumf %add3A_1487, %concatenate3A_1520 : vector<16x513xf32>
    %sub3A_1522 = arith.subf %add3A_1487, %max3A_1521 : vector<16x513xf32>
    %exp23A_1523 = math.exp2 %sub3A_1522 : vector<16x513xf32>
    %sub3A_1524 = arith.subf %concatenate3A_1520, %max3A_1521 : vector<16x513xf32>
    %exp23A_1525 = math.exp2 %sub3A_1524 : vector<16x513xf32>
    %add3A_1526 = arith.addf %exp23A_1523, %exp23A_1525 : vector<16x513xf32>
    %log3A_1527 = math.log %add3A_1526 : vector<16x513xf32>
    %log3A_1528 = arith.constant 2.000000e+00 : f32
    %log3A_1529 = math.log %log3A_1528 : f32
    %div3A_1530 = vector.broadcast %log3A_1529 : f32 to vector<16x513xf32>
    %div3A_1531 = arith.divf %log3A_1527, %div3A_1530 : vector<16x513xf32>
    %add3A_1532 = arith.addf %max3A_1521, %div3A_1531 : vector<16x513xf32>
    %add3A_1533 = vector.broadcast %get3A_1519 : vector<16x1xf32> to vector<16x513xf32>
    %add3A_1534 = arith.addf %add3A_1532, %add3A_1533 : vector<16x513xf32>
    %slice3A_1535 = vector.extract_strided_slice %concatenate3A_1520 {offsets = [0, 0], sizes = [16, 512], strides = [1, 1]} : vector<16x513xf32> to vector<16x512xf32>
    %add3A_1536 = arith.addf %slice3A_1535, %select_n3A_1292 : vector<16x512xf32>
    %slice3A_1537 = vector.extract_strided_slice %add3A_1487 {offsets = [0, 0], sizes = [16, 512], strides = [1, 1]} : vector<16x513xf32> to vector<16x512xf32>
    %max3A_1538 = arith.maximumf %add3A_1507, %slice3A_1537 : vector<16x512xf32>
    %max3A_1539 = arith.maximumf %max3A_1538, %add3A_1536 : vector<16x512xf32>
    %sub3A_1540 = arith.subf %add3A_1507, %max3A_1539 : vector<16x512xf32>
    %exp23A_1541 = math.exp2 %sub3A_1540 : vector<16x512xf32>
    %sub3A_1542 = arith.subf %slice3A_1537, %max3A_1539 : vector<16x512xf32>
    %exp23A_1543 = math.exp2 %sub3A_1542 : vector<16x512xf32>
    %add3A_1544 = arith.addf %exp23A_1541, %exp23A_1543 : vector<16x512xf32>
    %sub3A_1545 = arith.subf %add3A_1536, %max3A_1539 : vector<16x512xf32>
    %exp23A_1546 = math.exp2 %sub3A_1545 : vector<16x512xf32>
    %add3A_1547 = arith.addf %add3A_1544, %exp23A_1546 : vector<16x512xf32>
    %log3A_1548 = math.log %add3A_1547 : vector<16x512xf32>
    %log3A_1549 = arith.constant 2.000000e+00 : f32
    %log3A_1550 = math.log %log3A_1549 : f32
    %div3A_1551 = vector.broadcast %log3A_1550 : f32 to vector<16x512xf32>
    %div3A_1552 = arith.divf %log3A_1548, %div3A_1551 : vector<16x512xf32>
    %add3A_1553 = arith.addf %max3A_1539, %div3A_1552 : vector<16x512xf32>
    %add3A_1554 = arith.addf %add3A_1553, %get3A_1514 : vector<16x512xf32>
    %scan3A_1555 = arith.constant 485 : i32
    %scan3A_1556 = arith.addi %scan3A, %scan3A_1555 : i32
    %get3A_1557 = arith.index_cast %scan3A_1556 : i32 to index
    %get3A_1558 = arith.constant 0 : index
    %get3A_1559 = arith.constant 0 : index
    %get3A_1560 = vector.load %arg5[%get3A_1557, %get3A_1558, %get3A_1559] : memref<512x16x640xf32, #tpu.memory_space<vmem>>, vector<1x16x512xf32>
    %get3A_1561 = vector.shape_cast %get3A_1560 : vector<1x16x512xf32> to vector<16x512xf32>
    %get3A_1562 = arith.index_cast %scan3A_1556 : i32 to index
    %get3A_1563 = arith.constant 0 : index
    %get3A_1564 = arith.constant 512 : index
    %get3A_1565 = vector.load %arg5[%get3A_1562, %get3A_1563, %get3A_1564] : memref<512x16x640xf32, #tpu.memory_space<vmem>>, vector<1x16x1xf32>
    %get3A_1566 = vector.shape_cast %get3A_1565 : vector<1x16x1xf32> to vector<16x1xf32>
    %concatenate3A_1567 = tpu.concatenate %broadcast_in_dim3A_1294, %add3A_1554 in 1 : vector<16x1xf32>, vector<16x512xf32> -> vector<16x513xf32>
    %max3A_1568 = arith.maximumf %add3A_1534, %concatenate3A_1567 : vector<16x513xf32>
    %sub3A_1569 = arith.subf %add3A_1534, %max3A_1568 : vector<16x513xf32>
    %exp23A_1570 = math.exp2 %sub3A_1569 : vector<16x513xf32>
    %sub3A_1571 = arith.subf %concatenate3A_1567, %max3A_1568 : vector<16x513xf32>
    %exp23A_1572 = math.exp2 %sub3A_1571 : vector<16x513xf32>
    %add3A_1573 = arith.addf %exp23A_1570, %exp23A_1572 : vector<16x513xf32>
    %log3A_1574 = math.log %add3A_1573 : vector<16x513xf32>
    %log3A_1575 = arith.constant 2.000000e+00 : f32
    %log3A_1576 = math.log %log3A_1575 : f32
    %div3A_1577 = vector.broadcast %log3A_1576 : f32 to vector<16x513xf32>
    %div3A_1578 = arith.divf %log3A_1574, %div3A_1577 : vector<16x513xf32>
    %add3A_1579 = arith.addf %max3A_1568, %div3A_1578 : vector<16x513xf32>
    %add3A_1580 = vector.broadcast %get3A_1566 : vector<16x1xf32> to vector<16x513xf32>
    %add3A_1581 = arith.addf %add3A_1579, %add3A_1580 : vector<16x513xf32>
    %slice3A_1582 = vector.extract_strided_slice %concatenate3A_1567 {offsets = [0, 0], sizes = [16, 512], strides = [1, 1]} : vector<16x513xf32> to vector<16x512xf32>
    %add3A_1583 = arith.addf %slice3A_1582, %select_n3A_1292 : vector<16x512xf32>
    %slice3A_1584 = vector.extract_strided_slice %add3A_1534 {offsets = [0, 0], sizes = [16, 512], strides = [1, 1]} : vector<16x513xf32> to vector<16x512xf32>
    %max3A_1585 = arith.maximumf %add3A_1554, %slice3A_1584 : vector<16x512xf32>
    %max3A_1586 = arith.maximumf %max3A_1585, %add3A_1583 : vector<16x512xf32>
    %sub3A_1587 = arith.subf %add3A_1554, %max3A_1586 : vector<16x512xf32>
    %exp23A_1588 = math.exp2 %sub3A_1587 : vector<16x512xf32>
    %sub3A_1589 = arith.subf %slice3A_1584, %max3A_1586 : vector<16x512xf32>
    %exp23A_1590 = math.exp2 %sub3A_1589 : vector<16x512xf32>
    %add3A_1591 = arith.addf %exp23A_1588, %exp23A_1590 : vector<16x512xf32>
    %sub3A_1592 = arith.subf %add3A_1583, %max3A_1586 : vector<16x512xf32>
    %exp23A_1593 = math.exp2 %sub3A_1592 : vector<16x512xf32>
    %add3A_1594 = arith.addf %add3A_1591, %exp23A_1593 : vector<16x512xf32>
    %log3A_1595 = math.log %add3A_1594 : vector<16x512xf32>
    %log3A_1596 = arith.constant 2.000000e+00 : f32
    %log3A_1597 = math.log %log3A_1596 : f32
    %div3A_1598 = vector.broadcast %log3A_1597 : f32 to vector<16x512xf32>
    %div3A_1599 = arith.divf %log3A_1595, %div3A_1598 : vector<16x512xf32>
    %add3A_1600 = arith.addf %max3A_1586, %div3A_1599 : vector<16x512xf32>
    %add3A_1601 = arith.addf %add3A_1600, %get3A_1561 : vector<16x512xf32>
    %scan3A_1602 = arith.constant 486 : i32
    %scan3A_1603 = arith.addi %scan3A, %scan3A_1602 : i32
    %get3A_1604 = arith.index_cast %scan3A_1603 : i32 to index
    %get3A_1605 = arith.constant 0 : index
    %get3A_1606 = arith.constant 0 : index
    %get3A_1607 = vector.load %arg5[%get3A_1604, %get3A_1605, %get3A_1606] : memref<512x16x640xf32, #tpu.memory_space<vmem>>, vector<1x16x512xf32>
    %get3A_1608 = vector.shape_cast %get3A_1607 : vector<1x16x512xf32> to vector<16x512xf32>
    %get3A_1609 = arith.index_cast %scan3A_1603 : i32 to index
    %get3A_1610 = arith.constant 0 : index
    %get3A_1611 = arith.constant 512 : index
    %get3A_1612 = vector.load %arg5[%get3A_1609, %get3A_1610, %get3A_1611] : memref<512x16x640xf32, #tpu.memory_space<vmem>>, vector<1x16x1xf32>
    %get3A_1613 = vector.shape_cast %get3A_1612 : vector<1x16x1xf32> to vector<16x1xf32>
    %concatenate3A_1614 = tpu.concatenate %broadcast_in_dim3A_1294, %add3A_1601 in 1 : vector<16x1xf32>, vector<16x512xf32> -> vector<16x513xf32>
    %max3A_1615 = arith.maximumf %add3A_1581, %concatenate3A_1614 : vector<16x513xf32>
    %sub3A_1616 = arith.subf %add3A_1581, %max3A_1615 : vector<16x513xf32>
    %exp23A_1617 = math.exp2 %sub3A_1616 : vector<16x513xf32>
    %sub3A_1618 = arith.subf %concatenate3A_1614, %max3A_1615 : vector<16x513xf32>
    %exp23A_1619 = math.exp2 %sub3A_1618 : vector<16x513xf32>
    %add3A_1620 = arith.addf %exp23A_1617, %exp23A_1619 : vector<16x513xf32>
    %log3A_1621 = math.log %add3A_1620 : vector<16x513xf32>
    %log3A_1622 = arith.constant 2.000000e+00 : f32
    %log3A_1623 = math.log %log3A_1622 : f32
    %div3A_1624 = vector.broadcast %log3A_1623 : f32 to vector<16x513xf32>
    %div3A_1625 = arith.divf %log3A_1621, %div3A_1624 : vector<16x513xf32>
    %add3A_1626 = arith.addf %max3A_1615, %div3A_1625 : vector<16x513xf32>
    %add3A_1627 = vector.broadcast %get3A_1613 : vector<16x1xf32> to vector<16x513xf32>
    %add3A_1628 = arith.addf %add3A_1626, %add3A_1627 : vector<16x513xf32>
    %slice3A_1629 = vector.extract_strided_slice %concatenate3A_1614 {offsets = [0, 0], sizes = [16, 512], strides = [1, 1]} : vector<16x513xf32> to vector<16x512xf32>
    %add3A_1630 = arith.addf %slice3A_1629, %select_n3A_1292 : vector<16x512xf32>
    %slice3A_1631 = vector.extract_strided_slice %add3A_1581 {offsets = [0, 0], sizes = [16, 512], strides = [1, 1]} : vector<16x513xf32> to vector<16x512xf32>
    %max3A_1632 = arith.maximumf %add3A_1601, %slice3A_1631 : vector<16x512xf32>
    %max3A_1633 = arith.maximumf %max3A_1632, %add3A_1630 : vector<16x512xf32>
    %sub3A_1634 = arith.subf %add3A_1601, %max3A_1633 : vector<16x512xf32>
    %exp23A_1635 = math.exp2 %sub3A_1634 : vector<16x512xf32>
    %sub3A_1636 = arith.subf %slice3A_1631, %max3A_1633 : vector<16x512xf32>
    %exp23A_1637 = math.exp2 %sub3A_1636 : vector<16x512xf32>
    %add3A_1638 = arith.addf %exp23A_1635, %exp23A_1637 : vector<16x512xf32>
    %sub3A_1639 = arith.subf %add3A_1630, %max3A_1633 : vector<16x512xf32>
    %exp23A_1640 = math.exp2 %sub3A_1639 : vector<16x512xf32>
    %add3A_1641 = arith.addf %add3A_1638, %exp23A_1640 : vector<16x512xf32>
    %log3A_1642 = math.log %add3A_1641 : vector<16x512xf32>
    %log3A_1643 = arith.constant 2.000000e+00 : f32
    %log3A_1644 = math.log %log3A_1643 : f32
    %div3A_1645 = vector.broadcast %log3A_1644 : f32 to vector<16x512xf32>
    %div3A_1646 = arith.divf %log3A_1642, %div3A_1645 : vector<16x512xf32>
    %add3A_1647 = arith.addf %max3A_1633, %div3A_1646 : vector<16x512xf32>
    %add3A_1648 = arith.addf %add3A_1647, %get3A_1608 : vector<16x512xf32>
    %scan3A_1649 = arith.constant 487 : i32
    %scan3A_1650 = arith.addi %scan3A, %scan3A_1649 : i32
    %get3A_1651 = arith.index_cast %scan3A_1650 : i32 to index
    %get3A_1652 = arith.constant 0 : index
    %get3A_1653 = arith.constant 0 : index
    %get3A_1654 = vector.load %arg5[%get3A_1651, %get3A_1652, %get3A_1653] : memref<512x16x640xf32, #tpu.memory_space<vmem>>, vector<1x16x512xf32>
    %get3A_1655 = vector.shape_cast %get3A_1654 : vector<1x16x512xf32> to vector<16x512xf32>
    %get3A_1656 = arith.index_cast %scan3A_1650 : i32 to index
    %get3A_1657 = arith.constant 0 : index
    %get3A_1658 = arith.constant 512 : index
    %get3A_1659 = vector.load %arg5[%get3A_1656, %get3A_1657, %get3A_1658] : memref<512x16x640xf32, #tpu.memory_space<vmem>>, vector<1x16x1xf32>
    %get3A_1660 = vector.shape_cast %get3A_1659 : vector<1x16x1xf32> to vector<16x1xf32>
    %concatenate3A_1661 = tpu.concatenate %broadcast_in_dim3A_1294, %add3A_1648 in 1 : vector<16x1xf32>, vector<16x512xf32> -> vector<16x513xf32>
    %max3A_1662 = arith.maximumf %add3A_1628, %concatenate3A_1661 : vector<16x513xf32>
    %sub3A_1663 = arith.subf %add3A_1628, %max3A_1662 : vector<16x513xf32>
    %exp23A_1664 = math.exp2 %sub3A_1663 : vector<16x513xf32>
    %sub3A_1665 = arith.subf %concatenate3A_1661, %max3A_1662 : vector<16x513xf32>
    %exp23A_1666 = math.exp2 %sub3A_1665 : vector<16x513xf32>
    %add3A_1667 = arith.addf %exp23A_1664, %exp23A_1666 : vector<16x513xf32>
    %log3A_1668 = math.log %add3A_1667 : vector<16x513xf32>
    %log3A_1669 = arith.constant 2.000000e+00 : f32
    %log3A_1670 = math.log %log3A_1669 : f32
    %div3A_1671 = vector.broadcast %log3A_1670 : f32 to vector<16x513xf32>
    %div3A_1672 = arith.divf %log3A_1668, %div3A_1671 : vector<16x513xf32>
    %add3A_1673 = arith.addf %max3A_1662, %div3A_1672 : vector<16x513xf32>
    %add3A_1674 = vector.broadcast %get3A_1660 : vector<16x1xf32> to vector<16x513xf32>
    %add3A_1675 = arith.addf %add3A_1673, %add3A_1674 : vector<16x513xf32>
    %slice3A_1676 = vector.extract_strided_slice %concatenate3A_1661 {offsets = [0, 0], sizes = [16, 512], strides = [1, 1]} : vector<16x513xf32> to vector<16x512xf32>
    %add3A_1677 = arith.addf %slice3A_1676, %select_n3A_1292 : vector<16x512xf32>
    %slice3A_1678 = vector.extract_strided_slice %add3A_1628 {offsets = [0, 0], sizes = [16, 512], strides = [1, 1]} : vector<16x513xf32> to vector<16x512xf32>
    %max3A_1679 = arith.maximumf %add3A_1648, %slice3A_1678 : vector<16x512xf32>
    %max3A_1680 = arith.maximumf %max3A_1679, %add3A_1677 : vector<16x512xf32>
    %sub3A_1681 = arith.subf %add3A_1648, %max3A_1680 : vector<16x512xf32>
    %exp23A_1682 = math.exp2 %sub3A_1681 : vector<16x512xf32>
    %sub3A_1683 = arith.subf %slice3A_1678, %max3A_1680 : vector<16x512xf32>
    %exp23A_1684 = math.exp2 %sub3A_1683 : vector<16x512xf32>
    %add3A_1685 = arith.addf %exp23A_1682, %exp23A_1684 : vector<16x512xf32>
    %sub3A_1686 = arith.subf %add3A_1677, %max3A_1680 : vector<16x512xf32>
    %exp23A_1687 = math.exp2 %sub3A_1686 : vector<16x512xf32>
    %add3A_1688 = arith.addf %add3A_1685, %exp23A_1687 : vector<16x512xf32>
    %log3A_1689 = math.log %add3A_1688 : vector<16x512xf32>
    %log3A_1690 = arith.constant 2.000000e+00 : f32
    %log3A_1691 = math.log %log3A_1690 : f32
    %div3A_1692 = vector.broadcast %log3A_1691 : f32 to vector<16x512xf32>
    %div3A_1693 = arith.divf %log3A_1689, %div3A_1692 : vector<16x512xf32>
    %add3A_1694 = arith.addf %max3A_1680, %div3A_1693 : vector<16x512xf32>
    %add3A_1695 = arith.addf %add3A_1694, %get3A_1655 : vector<16x512xf32>
    %scan3A_1696 = arith.constant 488 : i32
    %scan3A_1697 = arith.addi %scan3A, %scan3A_1696 : i32
    %get3A_1698 = arith.index_cast %scan3A_1697 : i32 to index
    %get3A_1699 = arith.constant 0 : index
    %get3A_1700 = arith.constant 0 : index
    %get3A_1701 = vector.load %arg5[%get3A_1698, %get3A_1699, %get3A_1700] : memref<512x16x640xf32, #tpu.memory_space<vmem>>, vector<1x16x512xf32>
    %get3A_1702 = vector.shape_cast %get3A_1701 : vector<1x16x512xf32> to vector<16x512xf32>
    %get3A_1703 = arith.index_cast %scan3A_1697 : i32 to index
    %get3A_1704 = arith.constant 0 : index
    %get3A_1705 = arith.constant 512 : index
    %get3A_1706 = vector.load %arg5[%get3A_1703, %get3A_1704, %get3A_1705] : memref<512x16x640xf32, #tpu.memory_space<vmem>>, vector<1x16x1xf32>
    %get3A_1707 = vector.shape_cast %get3A_1706 : vector<1x16x1xf32> to vector<16x1xf32>
    %concatenate3A_1708 = tpu.concatenate %broadcast_in_dim3A_1294, %add3A_1695 in 1 : vector<16x1xf32>, vector<16x512xf32> -> vector<16x513xf32>
    %max3A_1709 = arith.maximumf %add3A_1675, %concatenate3A_1708 : vector<16x513xf32>
    %sub3A_1710 = arith.subf %add3A_1675, %max3A_1709 : vector<16x513xf32>
    %exp23A_1711 = math.exp2 %sub3A_1710 : vector<16x513xf32>
    %sub3A_1712 = arith.subf %concatenate3A_1708, %max3A_1709 : vector<16x513xf32>
    %exp23A_1713 = math.exp2 %sub3A_1712 : vector<16x513xf32>
    %add3A_1714 = arith.addf %exp23A_1711, %exp23A_1713 : vector<16x513xf32>
    %log3A_1715 = math.log %add3A_1714 : vector<16x513xf32>
    %log3A_1716 = arith.constant 2.000000e+00 : f32
    %log3A_1717 = math.log %log3A_1716 : f32
    %div3A_1718 = vector.broadcast %log3A_1717 : f32 to vector<16x513xf32>
    %div3A_1719 = arith.divf %log3A_1715, %div3A_1718 : vector<16x513xf32>
    %add3A_1720 = arith.addf %max3A_1709, %div3A_1719 : vector<16x513xf32>
    %add3A_1721 = vector.broadcast %get3A_1707 : vector<16x1xf32> to vector<16x513xf32>
    %add3A_1722 = arith.addf %add3A_1720, %add3A_1721 : vector<16x513xf32>
    %slice3A_1723 = vector.extract_strided_slice %concatenate3A_1708 {offsets = [0, 0], sizes = [16, 512], strides = [1, 1]} : vector<16x513xf32> to vector<16x512xf32>
    %add3A_1724 = arith.addf %slice3A_1723, %select_n3A_1292 : vector<16x512xf32>
    %slice3A_1725 = vector.extract_strided_slice %add3A_1675 {offsets = [0, 0], sizes = [16, 512], strides = [1, 1]} : vector<16x513xf32> to vector<16x512xf32>
    %max3A_1726 = arith.maximumf %add3A_1695, %slice3A_1725 : vector<16x512xf32>
    %max3A_1727 = arith.maximumf %max3A_1726, %add3A_1724 : vector<16x512xf32>
    %sub3A_1728 = arith.subf %add3A_1695, %max3A_1727 : vector<16x512xf32>
    %exp23A_1729 = math.exp2 %sub3A_1728 : vector<16x512xf32>
    %sub3A_1730 = arith.subf %slice3A_1725, %max3A_1727 : vector<16x512xf32>
    %exp23A_1731 = math.exp2 %sub3A_1730 : vector<16x512xf32>
    %add3A_1732 = arith.addf %exp23A_1729, %exp23A_1731 : vector<16x512xf32>
    %sub3A_1733 = arith.subf %add3A_1724, %max3A_1727 : vector<16x512xf32>
    %exp23A_1734 = math.exp2 %sub3A_1733 : vector<16x512xf32>
    %add3A_1735 = arith.addf %add3A_1732, %exp23A_1734 : vector<16x512xf32>
    %log3A_1736 = math.log %add3A_1735 : vector<16x512xf32>
    %log3A_1737 = arith.constant 2.000000e+00 : f32
    %log3A_1738 = math.log %log3A_1737 : f32
    %div3A_1739 = vector.broadcast %log3A_1738 : f32 to vector<16x512xf32>
    %div3A_1740 = arith.divf %log3A_1736, %div3A_1739 : vector<16x512xf32>
    %add3A_1741 = arith.addf %max3A_1727, %div3A_1740 : vector<16x512xf32>
    %add3A_1742 = arith.addf %add3A_1741, %get3A_1702 : vector<16x512xf32>
    %scan3A_1743 = arith.constant 489 : i32
    %scan3A_1744 = arith.addi %scan3A, %scan3A_1743 : i32
    %get3A_1745 = arith.index_cast %scan3A_1744 : i32 to index
    %get3A_1746 = arith.constant 0 : index
    %get3A_1747 = arith.constant 0 : index
    %get3A_1748 = vector.load %arg5[%get3A_1745, %get3A_1746, %get3A_1747] : memref<512x16x640xf32, #tpu.memory_space<vmem>>, vector<1x16x512xf32>
    %get3A_1749 = vector.shape_cast %get3A_1748 : vector<1x16x512xf32> to vector<16x512xf32>
    %get3A_1750 = arith.index_cast %scan3A_1744 : i32 to index
    %get3A_1751 = arith.constant 0 : index
    %get3A_1752 = arith.constant 512 : index
    %get3A_1753 = vector.load %arg5[%get3A_1750, %get3A_1751, %get3A_1752] : memref<512x16x640xf32, #tpu.memory_space<vmem>>, vector<1x16x1xf32>
    %get3A_1754 = vector.shape_cast %get3A_1753 : vector<1x16x1xf32> to vector<16x1xf32>
    %concatenate3A_1755 = tpu.concatenate %broadcast_in_dim3A_1294, %add3A_1742 in 1 : vector<16x1xf32>, vector<16x512xf32> -> vector<16x513xf32>
    %max3A_1756 = arith.maximumf %add3A_1722, %concatenate3A_1755 : vector<16x513xf32>
    %sub3A_1757 = arith.subf %add3A_1722, %max3A_1756 : vector<16x513xf32>
    %exp23A_1758 = math.exp2 %sub3A_1757 : vector<16x513xf32>
    %sub3A_1759 = arith.subf %concatenate3A_1755, %max3A_1756 : vector<16x513xf32>
    %exp23A_1760 = math.exp2 %sub3A_1759 : vector<16x513xf32>
    %add3A_1761 = arith.addf %exp23A_1758, %exp23A_1760 : vector<16x513xf32>
    %log3A_1762 = math.log %add3A_1761 : vector<16x513xf32>
    %log3A_1763 = arith.constant 2.000000e+00 : f32
    %log3A_1764 = math.log %log3A_1763 : f32
    %div3A_1765 = vector.broadcast %log3A_1764 : f32 to vector<16x513xf32>
    %div3A_1766 = arith.divf %log3A_1762, %div3A_1765 : vector<16x513xf32>
    %add3A_1767 = arith.addf %max3A_1756, %div3A_1766 : vector<16x513xf32>
    %add3A_1768 = vector.broadcast %get3A_1754 : vector<16x1xf32> to vector<16x513xf32>
    %add3A_1769 = arith.addf %add3A_1767, %add3A_1768 : vector<16x513xf32>
    %slice3A_1770 = vector.extract_strided_slice %concatenate3A_1755 {offsets = [0, 0], sizes = [16, 512], strides = [1, 1]} : vector<16x513xf32> to vector<16x512xf32>
    %add3A_1771 = arith.addf %slice3A_1770, %select_n3A_1292 : vector<16x512xf32>
    %slice3A_1772 = vector.extract_strided_slice %add3A_1722 {offsets = [0, 0], sizes = [16, 512], strides = [1, 1]} : vector<16x513xf32> to vector<16x512xf32>
    %max3A_1773 = arith.maximumf %add3A_1742, %slice3A_1772 : vector<16x512xf32>
    %max3A_1774 = arith.maximumf %max3A_1773, %add3A_1771 : vector<16x512xf32>
    %sub3A_1775 = arith.subf %add3A_1742, %max3A_1774 : vector<16x512xf32>
    %exp23A_1776 = math.exp2 %sub3A_1775 : vector<16x512xf32>
    %sub3A_1777 = arith.subf %slice3A_1772, %max3A_1774 : vector<16x512xf32>
    %exp23A_1778 = math.exp2 %sub3A_1777 : vector<16x512xf32>
    %add3A_1779 = arith.addf %exp23A_1776, %exp23A_1778 : vector<16x512xf32>
    %sub3A_1780 = arith.subf %add3A_1771, %max3A_1774 : vector<16x512xf32>
    %exp23A_1781 = math.exp2 %sub3A_1780 : vector<16x512xf32>
    %add3A_1782 = arith.addf %add3A_1779, %exp23A_1781 : vector<16x512xf32>
    %log3A_1783 = math.log %add3A_1782 : vector<16x512xf32>
    %log3A_1784 = arith.constant 2.000000e+00 : f32
    %log3A_1785 = math.log %log3A_1784 : f32
    %div3A_1786 = vector.broadcast %log3A_1785 : f32 to vector<16x512xf32>
    %div3A_1787 = arith.divf %log3A_1783, %div3A_1786 : vector<16x512xf32>
    %add3A_1788 = arith.addf %max3A_1774, %div3A_1787 : vector<16x512xf32>
    %add3A_1789 = arith.addf %add3A_1788, %get3A_1749 : vector<16x512xf32>
    %scan3A_1790 = arith.constant 490 : i32
    %scan3A_1791 = arith.addi %scan3A, %scan3A_1790 : i32
    %get3A_1792 = arith.index_cast %scan3A_1791 : i32 to index
    %get3A_1793 = arith.constant 0 : index
    %get3A_1794 = arith.constant 0 : index
    %get3A_1795 = vector.load %arg5[%get3A_1792, %get3A_1793, %get3A_1794] : memref<512x16x640xf32, #tpu.memory_space<vmem>>, vector<1x16x512xf32>
    %get3A_1796 = vector.shape_cast %get3A_1795 : vector<1x16x512xf32> to vector<16x512xf32>
    %get3A_1797 = arith.index_cast %scan3A_1791 : i32 to index
    %get3A_1798 = arith.constant 0 : index
    %get3A_1799 = arith.constant 512 : index
    %get3A_1800 = vector.load %arg5[%get3A_1797, %get3A_1798, %get3A_1799] : memref<512x16x640xf32, #tpu.memory_space<vmem>>, vector<1x16x1xf32>
    %get3A_1801 = vector.shape_cast %get3A_1800 : vector<1x16x1xf32> to vector<16x1xf32>
    %concatenate3A_1802 = tpu.concatenate %broadcast_in_dim3A_1294, %add3A_1789 in 1 : vector<16x1xf32>, vector<16x512xf32> -> vector<16x513xf32>
    %max3A_1803 = arith.maximumf %add3A_1769, %concatenate3A_1802 : vector<16x513xf32>
    %sub3A_1804 = arith.subf %add3A_1769, %max3A_1803 : vector<16x513xf32>
    %exp23A_1805 = math.exp2 %sub3A_1804 : vector<16x513xf32>
    %sub3A_1806 = arith.subf %concatenate3A_1802, %max3A_1803 : vector<16x513xf32>
    %exp23A_1807 = math.exp2 %sub3A_1806 : vector<16x513xf32>
    %add3A_1808 = arith.addf %exp23A_1805, %exp23A_1807 : vector<16x513xf32>
    %log3A_1809 = math.log %add3A_1808 : vector<16x513xf32>
    %log3A_1810 = arith.constant 2.000000e+00 : f32
    %log3A_1811 = math.log %log3A_1810 : f32
    %div3A_1812 = vector.broadcast %log3A_1811 : f32 to vector<16x513xf32>
    %div3A_1813 = arith.divf %log3A_1809, %div3A_1812 : vector<16x513xf32>
    %add3A_1814 = arith.addf %max3A_1803, %div3A_1813 : vector<16x513xf32>
    %add3A_1815 = vector.broadcast %get3A_1801 : vector<16x1xf32> to vector<16x513xf32>
    %add3A_1816 = arith.addf %add3A_1814, %add3A_1815 : vector<16x513xf32>
    %slice3A_1817 = vector.extract_strided_slice %concatenate3A_1802 {offsets = [0, 0], sizes = [16, 512], strides = [1, 1]} : vector<16x513xf32> to vector<16x512xf32>
    %add3A_1818 = arith.addf %slice3A_1817, %select_n3A_1292 : vector<16x512xf32>
    %slice3A_1819 = vector.extract_strided_slice %add3A_1769 {offsets = [0, 0], sizes = [16, 512], strides = [1, 1]} : vector<16x513xf32> to vector<16x512xf32>
    %max3A_1820 = arith.maximumf %add3A_1789, %slice3A_1819 : vector<16x512xf32>
    %max3A_1821 = arith.maximumf %max3A_1820, %add3A_1818 : vector<16x512xf32>
    %sub3A_1822 = arith.subf %add3A_1789, %max3A_1821 : vector<16x512xf32>
    %exp23A_1823 = math.exp2 %sub3A_1822 : vector<16x512xf32>
    %sub3A_1824 = arith.subf %slice3A_1819, %max3A_1821 : vector<16x512xf32>
    %exp23A_1825 = math.exp2 %sub3A_1824 : vector<16x512xf32>
    %add3A_1826 = arith.addf %exp23A_1823, %exp23A_1825 : vector<16x512xf32>
    %sub3A_1827 = arith.subf %add3A_1818, %max3A_1821 : vector<16x512xf32>
    %exp23A_1828 = math.exp2 %sub3A_1827 : vector<16x512xf32>
    %add3A_1829 = arith.addf %add3A_1826, %exp23A_1828 : vector<16x512xf32>
    %log3A_1830 = math.log %add3A_1829 : vector<16x512xf32>
    %log3A_1831 = arith.constant 2.000000e+00 : f32
    %log3A_1832 = math.log %log3A_1831 : f32
    %div3A_1833 = vector.broadcast %log3A_1832 : f32 to vector<16x512xf32>
    %div3A_1834 = arith.divf %log3A_1830, %div3A_1833 : vector<16x512xf32>
    %add3A_1835 = arith.addf %max3A_1821, %div3A_1834 : vector<16x512xf32>
    %add3A_1836 = arith.addf %add3A_1835, %get3A_1796 : vector<16x512xf32>
    %scan3A_1837 = arith.constant 491 : i32
    %scan3A_1838 = arith.addi %scan3A, %scan3A_1837 : i32
    %get3A_1839 = arith.index_cast %scan3A_1838 : i32 to index
    %get3A_1840 = arith.constant 0 : index
    %get3A_1841 = arith.constant 0 : index
    %get3A_1842 = vector.load %arg5[%get3A_1839, %get3A_1840, %get3A_1841] : memref<512x16x640xf32, #tpu.memory_space<vmem>>, vector<1x16x512xf32>
    %get3A_1843 = vector.shape_cast %get3A_1842 : vector<1x16x512xf32> to vector<16x512xf32>
    %get3A_1844 = arith.index_cast %scan3A_1838 : i32 to index
    %get3A_1845 = arith.constant 0 : index
    %get3A_1846 = arith.constant 512 : index
    %get3A_1847 = vector.load %arg5[%get3A_1844, %get3A_1845, %get3A_1846] : memref<512x16x640xf32, #tpu.memory_space<vmem>>, vector<1x16x1xf32>
    %get3A_1848 = vector.shape_cast %get3A_1847 : vector<1x16x1xf32> to vector<16x1xf32>
    %concatenate3A_1849 = tpu.concatenate %broadcast_in_dim3A_1294, %add3A_1836 in 1 : vector<16x1xf32>, vector<16x512xf32> -> vector<16x513xf32>
    %max3A_1850 = arith.maximumf %add3A_1816, %concatenate3A_1849 : vector<16x513xf32>
    %sub3A_1851 = arith.subf %add3A_1816, %max3A_1850 : vector<16x513xf32>
    %exp23A_1852 = math.exp2 %sub3A_1851 : vector<16x513xf32>
    %sub3A_1853 = arith.subf %concatenate3A_1849, %max3A_1850 : vector<16x513xf32>
    %exp23A_1854 = math.exp2 %sub3A_1853 : vector<16x513xf32>
    %add3A_1855 = arith.addf %exp23A_1852, %exp23A_1854 : vector<16x513xf32>
    %log3A_1856 = math.log %add3A_1855 : vector<16x513xf32>
    %log3A_1857 = arith.constant 2.000000e+00 : f32
    %log3A_1858 = math.log %log3A_1857 : f32
    %div3A_1859 = vector.broadcast %log3A_1858 : f32 to vector<16x513xf32>
    %div3A_1860 = arith.divf %log3A_1856, %div3A_1859 : vector<16x513xf32>
    %add3A_1861 = arith.addf %max3A_1850, %div3A_1860 : vector<16x513xf32>
    %add3A_1862 = vector.broadcast %get3A_1848 : vector<16x1xf32> to vector<16x513xf32>
    %add3A_1863 = arith.addf %add3A_1861, %add3A_1862 : vector<16x513xf32>
    %slice3A_1864 = vector.extract_strided_slice %concatenate3A_1849 {offsets = [0, 0], sizes = [16, 512], strides = [1, 1]} : vector<16x513xf32> to vector<16x512xf32>
    %add3A_1865 = arith.addf %slice3A_1864, %select_n3A_1292 : vector<16x512xf32>
    %slice3A_1866 = vector.extract_strided_slice %add3A_1816 {offsets = [0, 0], sizes = [16, 512], strides = [1, 1]} : vector<16x513xf32> to vector<16x512xf32>
    %max3A_1867 = arith.maximumf %add3A_1836, %slice3A_1866 : vector<16x512xf32>
    %max3A_1868 = arith.maximumf %max3A_1867, %add3A_1865 : vector<16x512xf32>
    %sub3A_1869 = arith.subf %add3A_1836, %max3A_1868 : vector<16x512xf32>
    %exp23A_1870 = math.exp2 %sub3A_1869 : vector<16x512xf32>
    %sub3A_1871 = arith.subf %slice3A_1866, %max3A_1868 : vector<16x512xf32>
    %exp23A_1872 = math.exp2 %sub3A_1871 : vector<16x512xf32>
    %add3A_1873 = arith.addf %exp23A_1870, %exp23A_1872 : vector<16x512xf32>
    %sub3A_1874 = arith.subf %add3A_1865, %max3A_1868 : vector<16x512xf32>
    %exp23A_1875 = math.exp2 %sub3A_1874 : vector<16x512xf32>
    %add3A_1876 = arith.addf %add3A_1873, %exp23A_1875 : vector<16x512xf32>
    %log3A_1877 = math.log %add3A_1876 : vector<16x512xf32>
    %log3A_1878 = arith.constant 2.000000e+00 : f32
    %log3A_1879 = math.log %log3A_1878 : f32
    %div3A_1880 = vector.broadcast %log3A_1879 : f32 to vector<16x512xf32>
    %div3A_1881 = arith.divf %log3A_1877, %div3A_1880 : vector<16x512xf32>
    %add3A_1882 = arith.addf %max3A_1868, %div3A_1881 : vector<16x512xf32>
    %add3A_1883 = arith.addf %add3A_1882, %get3A_1843 : vector<16x512xf32>
    %scan3A_1884 = arith.constant 492 : i32
    %scan3A_1885 = arith.addi %scan3A, %scan3A_1884 : i32
    %get3A_1886 = arith.index_cast %scan3A_1885 : i32 to index
    %get3A_1887 = arith.constant 0 : index
    %get3A_1888 = arith.constant 0 : index
    %get3A_1889 = vector.load %arg5[%get3A_1886, %get3A_1887, %get3A_1888] : memref<512x16x640xf32, #tpu.memory_space<vmem>>, vector<1x16x512xf32>
    %get3A_1890 = vector.shape_cast %get3A_1889 : vector<1x16x512xf32> to vector<16x512xf32>
    %get3A_1891 = arith.index_cast %scan3A_1885 : i32 to index
    %get3A_1892 = arith.constant 0 : index
    %get3A_1893 = arith.constant 512 : index
    %get3A_1894 = vector.load %arg5[%get3A_1891, %get3A_1892, %get3A_1893] : memref<512x16x640xf32, #tpu.memory_space<vmem>>, vector<1x16x1xf32>
    %get3A_1895 = vector.shape_cast %get3A_1894 : vector<1x16x1xf32> to vector<16x1xf32>
    %concatenate3A_1896 = tpu.concatenate %broadcast_in_dim3A_1294, %add3A_1883 in 1 : vector<16x1xf32>, vector<16x512xf32> -> vector<16x513xf32>
    %max3A_1897 = arith.maximumf %add3A_1863, %concatenate3A_1896 : vector<16x513xf32>
    %sub3A_1898 = arith.subf %add3A_1863, %max3A_1897 : vector<16x513xf32>
    %exp23A_1899 = math.exp2 %sub3A_1898 : vector<16x513xf32>
    %sub3A_1900 = arith.subf %concatenate3A_1896, %max3A_1897 : vector<16x513xf32>
    %exp23A_1901 = math.exp2 %sub3A_1900 : vector<16x513xf32>
    %add3A_1902 = arith.addf %exp23A_1899, %exp23A_1901 : vector<16x513xf32>
    %log3A_1903 = math.log %add3A_1902 : vector<16x513xf32>
    %log3A_1904 = arith.constant 2.000000e+00 : f32
    %log3A_1905 = math.log %log3A_1904 : f32
    %div3A_1906 = vector.broadcast %log3A_1905 : f32 to vector<16x513xf32>
    %div3A_1907 = arith.divf %log3A_1903, %div3A_1906 : vector<16x513xf32>
    %add3A_1908 = arith.addf %max3A_1897, %div3A_1907 : vector<16x513xf32>
    %add3A_1909 = vector.broadcast %get3A_1895 : vector<16x1xf32> to vector<16x513xf32>
    %add3A_1910 = arith.addf %add3A_1908, %add3A_1909 : vector<16x513xf32>
    %slice3A_1911 = vector.extract_strided_slice %concatenate3A_1896 {offsets = [0, 0], sizes = [16, 512], strides = [1, 1]} : vector<16x513xf32> to vector<16x512xf32>
    %add3A_1912 = arith.addf %slice3A_1911, %select_n3A_1292 : vector<16x512xf32>
    %slice3A_1913 = vector.extract_strided_slice %add3A_1863 {offsets = [0, 0], sizes = [16, 512], strides = [1, 1]} : vector<16x513xf32> to vector<16x512xf32>
    %max3A_1914 = arith.maximumf %add3A_1883, %slice3A_1913 : vector<16x512xf32>
    %max3A_1915 = arith.maximumf %max3A_1914, %add3A_1912 : vector<16x512xf32>
    %sub3A_1916 = arith.subf %add3A_1883, %max3A_1915 : vector<16x512xf32>
    %exp23A_1917 = math.exp2 %sub3A_1916 : vector<16x512xf32>
    %sub3A_1918 = arith.subf %slice3A_1913, %max3A_1915 : vector<16x512xf32>
    %exp23A_1919 = math.exp2 %sub3A_1918 : vector<16x512xf32>
    %add3A_1920 = arith.addf %exp23A_1917, %exp23A_1919 : vector<16x512xf32>
    %sub3A_1921 = arith.subf %add3A_1912, %max3A_1915 : vector<16x512xf32>
    %exp23A_1922 = math.exp2 %sub3A_1921 : vector<16x512xf32>
    %add3A_1923 = arith.addf %add3A_1920, %exp23A_1922 : vector<16x512xf32>
    %log3A_1924 = math.log %add3A_1923 : vector<16x512xf32>
    %log3A_1925 = arith.constant 2.000000e+00 : f32
    %log3A_1926 = math.log %log3A_1925 : f32
    %div3A_1927 = vector.broadcast %log3A_1926 : f32 to vector<16x512xf32>
    %div3A_1928 = arith.divf %log3A_1924, %div3A_1927 : vector<16x512xf32>
    %add3A_1929 = arith.addf %max3A_1915, %div3A_1928 : vector<16x512xf32>
    %add3A_1930 = arith.addf %add3A_1929, %get3A_1890 : vector<16x512xf32>
    %scan3A_1931 = arith.constant 493 : i32
    %scan3A_1932 = arith.addi %scan3A, %scan3A_1931 : i32
    %get3A_1933 = arith.index_cast %scan3A_1932 : i32 to index
    %get3A_1934 = arith.constant 0 : index
    %get3A_1935 = arith.constant 0 : index
    %get3A_1936 = vector.load %arg5[%get3A_1933, %get3A_1934, %get3A_1935] : memref<512x16x640xf32, #tpu.memory_space<vmem>>, vector<1x16x512xf32>
    %get3A_1937 = vector.shape_cast %get3A_1936 : vector<1x16x512xf32> to vector<16x512xf32>
    %get3A_1938 = arith.index_cast %scan3A_1932 : i32 to index
    %get3A_1939 = arith.constant 0 : index
    %get3A_1940 = arith.constant 512 : index
    %get3A_1941 = vector.load %arg5[%get3A_1938, %get3A_1939, %get3A_1940] : memref<512x16x640xf32, #tpu.memory_space<vmem>>, vector<1x16x1xf32>
    %get3A_1942 = vector.shape_cast %get3A_1941 : vector<1x16x1xf32> to vector<16x1xf32>
    %concatenate3A_1943 = tpu.concatenate %broadcast_in_dim3A_1294, %add3A_1930 in 1 : vector<16x1xf32>, vector<16x512xf32> -> vector<16x513xf32>
    %max3A_1944 = arith.maximumf %add3A_1910, %concatenate3A_1943 : vector<16x513xf32>
    %sub3A_1945 = arith.subf %add3A_1910, %max3A_1944 : vector<16x513xf32>
    %exp23A_1946 = math.exp2 %sub3A_1945 : vector<16x513xf32>
    %sub3A_1947 = arith.subf %concatenate3A_1943, %max3A_1944 : vector<16x513xf32>
    %exp23A_1948 = math.exp2 %sub3A_1947 : vector<16x513xf32>
    %add3A_1949 = arith.addf %exp23A_1946, %exp23A_1948 : vector<16x513xf32>
    %log3A_1950 = math.log %add3A_1949 : vector<16x513xf32>
    %log3A_1951 = arith.constant 2.000000e+00 : f32
    %log3A_1952 = math.log %log3A_1951 : f32
    %div3A_1953 = vector.broadcast %log3A_1952 : f32 to vector<16x513xf32>
    %div3A_1954 = arith.divf %log3A_1950, %div3A_1953 : vector<16x513xf32>
    %add3A_1955 = arith.addf %max3A_1944, %div3A_1954 : vector<16x513xf32>
    %add3A_1956 = vector.broadcast %get3A_1942 : vector<16x1xf32> to vector<16x513xf32>
    %add3A_1957 = arith.addf %add3A_1955, %add3A_1956 : vector<16x513xf32>
    %slice3A_1958 = vector.extract_strided_slice %concatenate3A_1943 {offsets = [0, 0], sizes = [16, 512], strides = [1, 1]} : vector<16x513xf32> to vector<16x512xf32>
    %add3A_1959 = arith.addf %slice3A_1958, %select_n3A_1292 : vector<16x512xf32>
    %slice3A_1960 = vector.extract_strided_slice %add3A_1910 {offsets = [0, 0], sizes = [16, 512], strides = [1, 1]} : vector<16x513xf32> to vector<16x512xf32>
    %max3A_1961 = arith.maximumf %add3A_1930, %slice3A_1960 : vector<16x512xf32>
    %max3A_1962 = arith.maximumf %max3A_1961, %add3A_1959 : vector<16x512xf32>
    %sub3A_1963 = arith.subf %add3A_1930, %max3A_1962 : vector<16x512xf32>
    %exp23A_1964 = math.exp2 %sub3A_1963 : vector<16x512xf32>
    %sub3A_1965 = arith.subf %slice3A_1960, %max3A_1962 : vector<16x512xf32>
    %exp23A_1966 = math.exp2 %sub3A_1965 : vector<16x512xf32>
    %add3A_1967 = arith.addf %exp23A_1964, %exp23A_1966 : vector<16x512xf32>
    %sub3A_1968 = arith.subf %add3A_1959, %max3A_1962 : vector<16x512xf32>
    %exp23A_1969 = math.exp2 %sub3A_1968 : vector<16x512xf32>
    %add3A_1970 = arith.addf %add3A_1967, %exp23A_1969 : vector<16x512xf32>
    %log3A_1971 = math.log %add3A_1970 : vector<16x512xf32>
    %log3A_1972 = arith.constant 2.000000e+00 : f32
    %log3A_1973 = math.log %log3A_1972 : f32
    %div3A_1974 = vector.broadcast %log3A_1973 : f32 to vector<16x512xf32>
    %div3A_1975 = arith.divf %log3A_1971, %div3A_1974 : vector<16x512xf32>
    %add3A_1976 = arith.addf %max3A_1962, %div3A_1975 : vector<16x512xf32>
    %add3A_1977 = arith.addf %add3A_1976, %get3A_1937 : vector<16x512xf32>
    %scan3A_1978 = arith.constant 494 : i32
    %scan3A_1979 = arith.addi %scan3A, %scan3A_1978 : i32
    %get3A_1980 = arith.index_cast %scan3A_1979 : i32 to index
    %get3A_1981 = arith.constant 0 : index
    %get3A_1982 = arith.constant 0 : index
    %get3A_1983 = vector.load %arg5[%get3A_1980, %get3A_1981, %get3A_1982] : memref<512x16x640xf32, #tpu.memory_space<vmem>>, vector<1x16x512xf32>
    %get3A_1984 = vector.shape_cast %get3A_1983 : vector<1x16x512xf32> to vector<16x512xf32>
    %get3A_1985 = arith.index_cast %scan3A_1979 : i32 to index
    %get3A_1986 = arith.constant 0 : index
    %get3A_1987 = arith.constant 512 : index
    %get3A_1988 = vector.load %arg5[%get3A_1985, %get3A_1986, %get3A_1987] : memref<512x16x640xf32, #tpu.memory_space<vmem>>, vector<1x16x1xf32>
    %get3A_1989 = vector.shape_cast %get3A_1988 : vector<1x16x1xf32> to vector<16x1xf32>
    %concatenate3A_1990 = tpu.concatenate %broadcast_in_dim3A_1294, %add3A_1977 in 1 : vector<16x1xf32>, vector<16x512xf32> -> vector<16x513xf32>
    %max3A_1991 = arith.maximumf %add3A_1957, %concatenate3A_1990 : vector<16x513xf32>
    %sub3A_1992 = arith.subf %add3A_1957, %max3A_1991 : vector<16x513xf32>
    %exp23A_1993 = math.exp2 %sub3A_1992 : vector<16x513xf32>
    %sub3A_1994 = arith.subf %concatenate3A_1990, %max3A_1991 : vector<16x513xf32>
    %exp23A_1995 = math.exp2 %sub3A_1994 : vector<16x513xf32>
    %add3A_1996 = arith.addf %exp23A_1993, %exp23A_1995 : vector<16x513xf32>
    %log3A_1997 = math.log %add3A_1996 : vector<16x513xf32>
    %log3A_1998 = arith.constant 2.000000e+00 : f32
    %log3A_1999 = math.log %log3A_1998 : f32
    %div3A_2000 = vector.broadcast %log3A_1999 : f32 to vector<16x513xf32>
    %div3A_2001 = arith.divf %log3A_1997, %div3A_2000 : vector<16x513xf32>
    %add3A_2002 = arith.addf %max3A_1991, %div3A_2001 : vector<16x513xf32>
    %add3A_2003 = vector.broadcast %get3A_1989 : vector<16x1xf32> to vector<16x513xf32>
    %add3A_2004 = arith.addf %add3A_2002, %add3A_2003 : vector<16x513xf32>
    %slice3A_2005 = vector.extract_strided_slice %concatenate3A_1990 {offsets = [0, 0], sizes = [16, 512], strides = [1, 1]} : vector<16x513xf32> to vector<16x512xf32>
    %add3A_2006 = arith.addf %slice3A_2005, %select_n3A_1292 : vector<16x512xf32>
    %slice3A_2007 = vector.extract_strided_slice %add3A_1957 {offsets = [0, 0], sizes = [16, 512], strides = [1, 1]} : vector<16x513xf32> to vector<16x512xf32>
    %max3A_2008 = arith.maximumf %add3A_1977, %slice3A_2007 : vector<16x512xf32>
    %max3A_2009 = arith.maximumf %max3A_2008, %add3A_2006 : vector<16x512xf32>
    %sub3A_2010 = arith.subf %add3A_1977, %max3A_2009 : vector<16x512xf32>
    %exp23A_2011 = math.exp2 %sub3A_2010 : vector<16x512xf32>
    %sub3A_2012 = arith.subf %slice3A_2007, %max3A_2009 : vector<16x512xf32>
    %exp23A_2013 = math.exp2 %sub3A_2012 : vector<16x512xf32>
    %add3A_2014 = arith.addf %exp23A_2011, %exp23A_2013 : vector<16x512xf32>
    %sub3A_2015 = arith.subf %add3A_2006, %max3A_2009 : vector<16x512xf32>
    %exp23A_2016 = math.exp2 %sub3A_2015 : vector<16x512xf32>
    %add3A_2017 = arith.addf %add3A_2014, %exp23A_2016 : vector<16x512xf32>
    %log3A_2018 = math.log %add3A_2017 : vector<16x512xf32>
    %log3A_2019 = arith.constant 2.000000e+00 : f32
    %log3A_2020 = math.log %log3A_2019 : f32
    %div3A_2021 = vector.broadcast %log3A_2020 : f32 to vector<16x512xf32>
    %div3A_2022 = arith.divf %log3A_2018, %div3A_2021 : vector<16x512xf32>
    %add3A_2023 = arith.addf %max3A_2009, %div3A_2022 : vector<16x512xf32>
    %add3A_2024 = arith.addf %add3A_2023, %get3A_1984 : vector<16x512xf32>
    %scan3A_2025 = arith.constant 495 : i32
    %scan3A_2026 = arith.addi %scan3A, %scan3A_2025 : i32
    %get3A_2027 = arith.index_cast %scan3A_2026 : i32 to index
    %get3A_2028 = arith.constant 0 : index
    %get3A_2029 = arith.constant 0 : index
    %get3A_2030 = vector.load %arg5[%get3A_2027, %get3A_2028, %get3A_2029] : memref<512x16x640xf32, #tpu.memory_space<vmem>>, vector<1x16x512xf32>
    %get3A_2031 = vector.shape_cast %get3A_2030 : vector<1x16x512xf32> to vector<16x512xf32>
    %get3A_2032 = arith.index_cast %scan3A_2026 : i32 to index
    %get3A_2033 = arith.constant 0 : index
    %get3A_2034 = arith.constant 512 : index
    %get3A_2035 = vector.load %arg5[%get3A_2032, %get3A_2033, %get3A_2034] : memref<512x16x640xf32, #tpu.memory_space<vmem>>, vector<1x16x1xf32>
    %get3A_2036 = vector.shape_cast %get3A_2035 : vector<1x16x1xf32> to vector<16x1xf32>
    %concatenate3A_2037 = tpu.concatenate %broadcast_in_dim3A_1294, %add3A_2024 in 1 : vector<16x1xf32>, vector<16x512xf32> -> vector<16x513xf32>
    %max3A_2038 = arith.maximumf %add3A_2004, %concatenate3A_2037 : vector<16x513xf32>
    %sub3A_2039 = arith.subf %add3A_2004, %max3A_2038 : vector<16x513xf32>
    %exp23A_2040 = math.exp2 %sub3A_2039 : vector<16x513xf32>
    %sub3A_2041 = arith.subf %concatenate3A_2037, %max3A_2038 : vector<16x513xf32>
    %exp23A_2042 = math.exp2 %sub3A_2041 : vector<16x513xf32>
    %add3A_2043 = arith.addf %exp23A_2040, %exp23A_2042 : vector<16x513xf32>
    %log3A_2044 = math.log %add3A_2043 : vector<16x513xf32>
    %log3A_2045 = arith.constant 2.000000e+00 : f32
    %log3A_2046 = math.log %log3A_2045 : f32
    %div3A_2047 = vector.broadcast %log3A_2046 : f32 to vector<16x513xf32>
    %div3A_2048 = arith.divf %log3A_2044, %div3A_2047 : vector<16x513xf32>
    %add3A_2049 = arith.addf %max3A_2038, %div3A_2048 : vector<16x513xf32>
    %add3A_2050 = vector.broadcast %get3A_2036 : vector<16x1xf32> to vector<16x513xf32>
    %add3A_2051 = arith.addf %add3A_2049, %add3A_2050 : vector<16x513xf32>
    %slice3A_2052 = vector.extract_strided_slice %concatenate3A_2037 {offsets = [0, 0], sizes = [16, 512], strides = [1, 1]} : vector<16x513xf32> to vector<16x512xf32>
    %add3A_2053 = arith.addf %slice3A_2052, %select_n3A_1292 : vector<16x512xf32>
    %slice3A_2054 = vector.extract_strided_slice %add3A_2004 {offsets = [0, 0], sizes = [16, 512], strides = [1, 1]} : vector<16x513xf32> to vector<16x512xf32>
    %max3A_2055 = arith.maximumf %add3A_2024, %slice3A_2054 : vector<16x512xf32>
    %max3A_2056 = arith.maximumf %max3A_2055, %add3A_2053 : vector<16x512xf32>
    %sub3A_2057 = arith.subf %add3A_2024, %max3A_2056 : vector<16x512xf32>
    %exp23A_2058 = math.exp2 %sub3A_2057 : vector<16x512xf32>
    %sub3A_2059 = arith.subf %slice3A_2054, %max3A_2056 : vector<16x512xf32>
    %exp23A_2060 = math.exp2 %sub3A_2059 : vector<16x512xf32>
    %add3A_2061 = arith.addf %exp23A_2058, %exp23A_2060 : vector<16x512xf32>
    %sub3A_2062 = arith.subf %add3A_2053, %max3A_2056 : vector<16x512xf32>
    %exp23A_2063 = math.exp2 %sub3A_2062 : vector<16x512xf32>
    %add3A_2064 = arith.addf %add3A_2061, %exp23A_2063 : vector<16x512xf32>
    %log3A_2065 = math.log %add3A_2064 : vector<16x512xf32>
    %log3A_2066 = arith.constant 2.000000e+00 : f32
    %log3A_2067 = math.log %log3A_2066 : f32
    %div3A_2068 = vector.broadcast %log3A_2067 : f32 to vector<16x512xf32>
    %div3A_2069 = arith.divf %log3A_2065, %div3A_2068 : vector<16x512xf32>
    %add3A_2070 = arith.addf %max3A_2056, %div3A_2069 : vector<16x512xf32>
    %add3A_2071 = arith.addf %add3A_2070, %get3A_2031 : vector<16x512xf32>
    %scan3A_2072 = arith.constant 496 : i32
    %scan3A_2073 = arith.addi %scan3A, %scan3A_2072 : i32
    %get3A_2074 = arith.index_cast %scan3A_2073 : i32 to index
    %get3A_2075 = arith.constant 0 : index
    %get3A_2076 = arith.constant 0 : index
    %get3A_2077 = vector.load %arg5[%get3A_2074, %get3A_2075, %get3A_2076] : memref<512x16x640xf32, #tpu.memory_space<vmem>>, vector<1x16x512xf32>
    %get3A_2078 = vector.shape_cast %get3A_2077 : vector<1x16x512xf32> to vector<16x512xf32>
    %get3A_2079 = arith.index_cast %scan3A_2073 : i32 to index
    %get3A_2080 = arith.constant 0 : index
    %get3A_2081 = arith.constant 512 : index
    %get3A_2082 = vector.load %arg5[%get3A_2079, %get3A_2080, %get3A_2081] : memref<512x16x640xf32, #tpu.memory_space<vmem>>, vector<1x16x1xf32>
    %get3A_2083 = vector.shape_cast %get3A_2082 : vector<1x16x1xf32> to vector<16x1xf32>
    %concatenate3A_2084 = tpu.concatenate %broadcast_in_dim3A_1294, %add3A_2071 in 1 : vector<16x1xf32>, vector<16x512xf32> -> vector<16x513xf32>
    %max3A_2085 = arith.maximumf %add3A_2051, %concatenate3A_2084 : vector<16x513xf32>
    %sub3A_2086 = arith.subf %add3A_2051, %max3A_2085 : vector<16x513xf32>
    %exp23A_2087 = math.exp2 %sub3A_2086 : vector<16x513xf32>
    %sub3A_2088 = arith.subf %concatenate3A_2084, %max3A_2085 : vector<16x513xf32>
    %exp23A_2089 = math.exp2 %sub3A_2088 : vector<16x513xf32>
    %add3A_2090 = arith.addf %exp23A_2087, %exp23A_2089 : vector<16x513xf32>
    %log3A_2091 = math.log %add3A_2090 : vector<16x513xf32>
    %log3A_2092 = arith.constant 2.000000e+00 : f32
    %log3A_2093 = math.log %log3A_2092 : f32
    %div3A_2094 = vector.broadcast %log3A_2093 : f32 to vector<16x513xf32>
    %div3A_2095 = arith.divf %log3A_2091, %div3A_2094 : vector<16x513xf32>
    %add3A_2096 = arith.addf %max3A_2085, %div3A_2095 : vector<16x513xf32>
    %add3A_2097 = vector.broadcast %get3A_2083 : vector<16x1xf32> to vector<16x513xf32>
    %add3A_2098 = arith.addf %add3A_2096, %add3A_2097 : vector<16x513xf32>
    %slice3A_2099 = vector.extract_strided_slice %concatenate3A_2084 {offsets = [0, 0], sizes = [16, 512], strides = [1, 1]} : vector<16x513xf32> to vector<16x512xf32>
    %add3A_2100 = arith.addf %slice3A_2099, %select_n3A_1292 : vector<16x512xf32>
    %slice3A_2101 = vector.extract_strided_slice %add3A_2051 {offsets = [0, 0], sizes = [16, 512], strides = [1, 1]} : vector<16x513xf32> to vector<16x512xf32>
    %max3A_2102 = arith.maximumf %add3A_2071, %slice3A_2101 : vector<16x512xf32>
    %max3A_2103 = arith.maximumf %max3A_2102, %add3A_2100 : vector<16x512xf32>
    %sub3A_2104 = arith.subf %add3A_2071, %max3A_2103 : vector<16x512xf32>
    %exp23A_2105 = math.exp2 %sub3A_2104 : vector<16x512xf32>
    %sub3A_2106 = arith.subf %slice3A_2101, %max3A_2103 : vector<16x512xf32>
    %exp23A_2107 = math.exp2 %sub3A_2106 : vector<16x512xf32>
    %add3A_2108 = arith.addf %exp23A_2105, %exp23A_2107 : vector<16x512xf32>
    %sub3A_2109 = arith.subf %add3A_2100, %max3A_2103 : vector<16x512xf32>
    %exp23A_2110 = math.exp2 %sub3A_2109 : vector<16x512xf32>
    %add3A_2111 = arith.addf %add3A_2108, %exp23A_2110 : vector<16x512xf32>
    %log3A_2112 = math.log %add3A_2111 : vector<16x512xf32>
    %log3A_2113 = arith.constant 2.000000e+00 : f32
    %log3A_2114 = math.log %log3A_2113 : f32
    %div3A_2115 = vector.broadcast %log3A_2114 : f32 to vector<16x512xf32>
    %div3A_2116 = arith.divf %log3A_2112, %div3A_2115 : vector<16x512xf32>
    %add3A_2117 = arith.addf %max3A_2103, %div3A_2116 : vector<16x512xf32>
    %add3A_2118 = arith.addf %add3A_2117, %get3A_2078 : vector<16x512xf32>
    %scan3A_2119 = arith.constant 497 : i32
    %scan3A_2120 = arith.addi %scan3A, %scan3A_2119 : i32
    %get3A_2121 = arith.index_cast %scan3A_2120 : i32 to index
    %get3A_2122 = arith.constant 0 : index
    %get3A_2123 = arith.constant 0 : index
    %get3A_2124 = vector.load %arg5[%get3A_2121, %get3A_2122, %get3A_2123] : memref<512x16x640xf32, #tpu.memory_space<vmem>>, vector<1x16x512xf32>
    %get3A_2125 = vector.shape_cast %get3A_2124 : vector<1x16x512xf32> to vector<16x512xf32>
    %get3A_2126 = arith.index_cast %scan3A_2120 : i32 to index
    %get3A_2127 = arith.constant 0 : index
    %get3A_2128 = arith.constant 512 : index
    %get3A_2129 = vector.load %arg5[%get3A_2126, %get3A_2127, %get3A_2128] : memref<512x16x640xf32, #tpu.memory_space<vmem>>, vector<1x16x1xf32>
    %get3A_2130 = vector.shape_cast %get3A_2129 : vector<1x16x1xf32> to vector<16x1xf32>
    %concatenate3A_2131 = tpu.concatenate %broadcast_in_dim3A_1294, %add3A_2118 in 1 : vector<16x1xf32>, vector<16x512xf32> -> vector<16x513xf32>
    %max3A_2132 = arith.maximumf %add3A_2098, %concatenate3A_2131 : vector<16x513xf32>
    %sub3A_2133 = arith.subf %add3A_2098, %max3A_2132 : vector<16x513xf32>
    %exp23A_2134 = math.exp2 %sub3A_2133 : vector<16x513xf32>
    %sub3A_2135 = arith.subf %concatenate3A_2131, %max3A_2132 : vector<16x513xf32>
    %exp23A_2136 = math.exp2 %sub3A_2135 : vector<16x513xf32>
    %add3A_2137 = arith.addf %exp23A_2134, %exp23A_2136 : vector<16x513xf32>
    %log3A_2138 = math.log %add3A_2137 : vector<16x513xf32>
    %log3A_2139 = arith.constant 2.000000e+00 : f32
    %log3A_2140 = math.log %log3A_2139 : f32
    %div3A_2141 = vector.broadcast %log3A_2140 : f32 to vector<16x513xf32>
    %div3A_2142 = arith.divf %log3A_2138, %div3A_2141 : vector<16x513xf32>
    %add3A_2143 = arith.addf %max3A_2132, %div3A_2142 : vector<16x513xf32>
    %add3A_2144 = vector.broadcast %get3A_2130 : vector<16x1xf32> to vector<16x513xf32>
    %add3A_2145 = arith.addf %add3A_2143, %add3A_2144 : vector<16x513xf32>
    %slice3A_2146 = vector.extract_strided_slice %concatenate3A_2131 {offsets = [0, 0], sizes = [16, 512], strides = [1, 1]} : vector<16x513xf32> to vector<16x512xf32>
    %add3A_2147 = arith.addf %slice3A_2146, %select_n3A_1292 : vector<16x512xf32>
    %slice3A_2148 = vector.extract_strided_slice %add3A_2098 {offsets = [0, 0], sizes = [16, 512], strides = [1, 1]} : vector<16x513xf32> to vector<16x512xf32>
    %max3A_2149 = arith.maximumf %add3A_2118, %slice3A_2148 : vector<16x512xf32>
    %max3A_2150 = arith.maximumf %max3A_2149, %add3A_2147 : vector<16x512xf32>
    %sub3A_2151 = arith.subf %add3A_2118, %max3A_2150 : vector<16x512xf32>
    %exp23A_2152 = math.exp2 %sub3A_2151 : vector<16x512xf32>
    %sub3A_2153 = arith.subf %slice3A_2148, %max3A_2150 : vector<16x512xf32>
    %exp23A_2154 = math.exp2 %sub3A_2153 : vector<16x512xf32>
    %add3A_2155 = arith.addf %exp23A_2152, %exp23A_2154 : vector<16x512xf32>
    %sub3A_2156 = arith.subf %add3A_2147, %max3A_2150 : vector<16x512xf32>
    %exp23A_2157 = math.exp2 %sub3A_2156 : vector<16x512xf32>
    %add3A_2158 = arith.addf %add3A_2155, %exp23A_2157 : vector<16x512xf32>
    %log3A_2159 = math.log %add3A_2158 : vector<16x512xf32>
    %log3A_2160 = arith.constant 2.000000e+00 : f32
    %log3A_2161 = math.log %log3A_2160 : f32
    %div3A_2162 = vector.broadcast %log3A_2161 : f32 to vector<16x512xf32>
    %div3A_2163 = arith.divf %log3A_2159, %div3A_2162 : vector<16x512xf32>
    %add3A_2164 = arith.addf %max3A_2150, %div3A_2163 : vector<16x512xf32>
    %add3A_2165 = arith.addf %add3A_2164, %get3A_2125 : vector<16x512xf32>
    %scan3A_2166 = arith.constant 498 : i32
    %scan3A_2167 = arith.addi %scan3A, %scan3A_2166 : i32
    %get3A_2168 = arith.index_cast %scan3A_2167 : i32 to index
    %get3A_2169 = arith.constant 0 : index
    %get3A_2170 = arith.constant 0 : index
    %get3A_2171 = vector.load %arg5[%get3A_2168, %get3A_2169, %get3A_2170] : memref<512x16x640xf32, #tpu.memory_space<vmem>>, vector<1x16x512xf32>
    %get3A_2172 = vector.shape_cast %get3A_2171 : vector<1x16x512xf32> to vector<16x512xf32>
    %get3A_2173 = arith.index_cast %scan3A_2167 : i32 to index
    %get3A_2174 = arith.constant 0 : index
    %get3A_2175 = arith.constant 512 : index
    %get3A_2176 = vector.load %arg5[%get3A_2173, %get3A_2174, %get3A_2175] : memref<512x16x640xf32, #tpu.memory_space<vmem>>, vector<1x16x1xf32>
    %get3A_2177 = vector.shape_cast %get3A_2176 : vector<1x16x1xf32> to vector<16x1xf32>
    %concatenate3A_2178 = tpu.concatenate %broadcast_in_dim3A_1294, %add3A_2165 in 1 : vector<16x1xf32>, vector<16x512xf32> -> vector<16x513xf32>
    %max3A_2179 = arith.maximumf %add3A_2145, %concatenate3A_2178 : vector<16x513xf32>
    %sub3A_2180 = arith.subf %add3A_2145, %max3A_2179 : vector<16x513xf32>
    %exp23A_2181 = math.exp2 %sub3A_2180 : vector<16x513xf32>
    %sub3A_2182 = arith.subf %concatenate3A_2178, %max3A_2179 : vector<16x513xf32>
    %exp23A_2183 = math.exp2 %sub3A_2182 : vector<16x513xf32>
    %add3A_2184 = arith.addf %exp23A_2181, %exp23A_2183 : vector<16x513xf32>
    %log3A_2185 = math.log %add3A_2184 : vector<16x513xf32>
    %log3A_2186 = arith.constant 2.000000e+00 : f32
    %log3A_2187 = math.log %log3A_2186 : f32
    %div3A_2188 = vector.broadcast %log3A_2187 : f32 to vector<16x513xf32>
    %div3A_2189 = arith.divf %log3A_2185, %div3A_2188 : vector<16x513xf32>
    %add3A_2190 = arith.addf %max3A_2179, %div3A_2189 : vector<16x513xf32>
    %add3A_2191 = vector.broadcast %get3A_2177 : vector<16x1xf32> to vector<16x513xf32>
    %add3A_2192 = arith.addf %add3A_2190, %add3A_2191 : vector<16x513xf32>
    %slice3A_2193 = vector.extract_strided_slice %concatenate3A_2178 {offsets = [0, 0], sizes = [16, 512], strides = [1, 1]} : vector<16x513xf32> to vector<16x512xf32>
    %add3A_2194 = arith.addf %slice3A_2193, %select_n3A_1292 : vector<16x512xf32>
    %slice3A_2195 = vector.extract_strided_slice %add3A_2145 {offsets = [0, 0], sizes = [16, 512], strides = [1, 1]} : vector<16x513xf32> to vector<16x512xf32>
    %max3A_2196 = arith.maximumf %add3A_2165, %slice3A_2195 : vector<16x512xf32>
    %max3A_2197 = arith.maximumf %max3A_2196, %add3A_2194 : vector<16x512xf32>
    %sub3A_2198 = arith.subf %add3A_2165, %max3A_2197 : vector<16x512xf32>
    %exp23A_2199 = math.exp2 %sub3A_2198 : vector<16x512xf32>
    %sub3A_2200 = arith.subf %slice3A_2195, %max3A_2197 : vector<16x512xf32>
    %exp23A_2201 = math.exp2 %sub3A_2200 : vector<16x512xf32>
    %add3A_2202 = arith.addf %exp23A_2199, %exp23A_2201 : vector<16x512xf32>
    %sub3A_2203 = arith.subf %add3A_2194, %max3A_2197 : vector<16x512xf32>
    %exp23A_2204 = math.exp2 %sub3A_2203 : vector<16x512xf32>
    %add3A_2205 = arith.addf %add3A_2202, %exp23A_2204 : vector<16x512xf32>
    %log3A_2206 = math.log %add3A_2205 : vector<16x512xf32>
    %log3A_2207 = arith.constant 2.000000e+00 : f32
    %log3A_2208 = math.log %log3A_2207 : f32
    %div3A_2209 = vector.broadcast %log3A_2208 : f32 to vector<16x512xf32>
    %div3A_2210 = arith.divf %log3A_2206, %div3A_2209 : vector<16x512xf32>
    %add3A_2211 = arith.addf %max3A_2197, %div3A_2210 : vector<16x512xf32>
    %add3A_2212 = arith.addf %add3A_2211, %get3A_2172 : vector<16x512xf32>
    %scan3A_2213 = arith.constant 499 : i32
    %scan3A_2214 = arith.addi %scan3A, %scan3A_2213 : i32
    %get3A_2215 = arith.index_cast %scan3A_2214 : i32 to index
    %get3A_2216 = arith.constant 0 : index
    %get3A_2217 = arith.constant 0 : index
    %get3A_2218 = vector.load %arg5[%get3A_2215, %get3A_2216, %get3A_2217] : memref<512x16x640xf32, #tpu.memory_space<vmem>>, vector<1x16x512xf32>
    %get3A_2219 = vector.shape_cast %get3A_2218 : vector<1x16x512xf32> to vector<16x512xf32>
    %get3A_2220 = arith.index_cast %scan3A_2214 : i32 to index
    %get3A_2221 = arith.constant 0 : index
    %get3A_2222 = arith.constant 512 : index
    %get3A_2223 = vector.load %arg5[%get3A_2220, %get3A_2221, %get3A_2222] : memref<512x16x640xf32, #tpu.memory_space<vmem>>, vector<1x16x1xf32>
    %get3A_2224 = vector.shape_cast %get3A_2223 : vector<1x16x1xf32> to vector<16x1xf32>
    %concatenate3A_2225 = tpu.concatenate %broadcast_in_dim3A_1294, %add3A_2212 in 1 : vector<16x1xf32>, vector<16x512xf32> -> vector<16x513xf32>
    %max3A_2226 = arith.maximumf %add3A_2192, %concatenate3A_2225 : vector<16x513xf32>
    %sub3A_2227 = arith.subf %add3A_2192, %max3A_2226 : vector<16x513xf32>
    %exp23A_2228 = math.exp2 %sub3A_2227 : vector<16x513xf32>
    %sub3A_2229 = arith.subf %concatenate3A_2225, %max3A_2226 : vector<16x513xf32>
    %exp23A_2230 = math.exp2 %sub3A_2229 : vector<16x513xf32>
    %add3A_2231 = arith.addf %exp23A_2228, %exp23A_2230 : vector<16x513xf32>
    %log3A_2232 = math.log %add3A_2231 : vector<16x513xf32>
    %log3A_2233 = arith.constant 2.000000e+00 : f32
    %log3A_2234 = math.log %log3A_2233 : f32
    %div3A_2235 = vector.broadcast %log3A_2234 : f32 to vector<16x513xf32>
    %div3A_2236 = arith.divf %log3A_2232, %div3A_2235 : vector<16x513xf32>
    %add3A_2237 = arith.addf %max3A_2226, %div3A_2236 : vector<16x513xf32>
    %add3A_2238 = vector.broadcast %get3A_2224 : vector<16x1xf32> to vector<16x513xf32>
    %add3A_2239 = arith.addf %add3A_2237, %add3A_2238 : vector<16x513xf32>
    %slice3A_2240 = vector.extract_strided_slice %concatenate3A_2225 {offsets = [0, 0], sizes = [16, 512], strides = [1, 1]} : vector<16x513xf32> to vector<16x512xf32>
    %add3A_2241 = arith.addf %slice3A_2240, %select_n3A_1292 : vector<16x512xf32>
    %slice3A_2242 = vector.extract_strided_slice %add3A_2192 {offsets = [0, 0], sizes = [16, 512], strides = [1, 1]} : vector<16x513xf32> to vector<16x512xf32>
    %max3A_2243 = arith.maximumf %add3A_2212, %slice3A_2242 : vector<16x512xf32>
    %max3A_2244 = arith.maximumf %max3A_2243, %add3A_2241 : vector<16x512xf32>
    %sub3A_2245 = arith.subf %add3A_2212, %max3A_2244 : vector<16x512xf32>
    %exp23A_2246 = math.exp2 %sub3A_2245 : vector<16x512xf32>
    %sub3A_2247 = arith.subf %slice3A_2242, %max3A_2244 : vector<16x512xf32>
    %exp23A_2248 = math.exp2 %sub3A_2247 : vector<16x512xf32>
    %add3A_2249 = arith.addf %exp23A_2246, %exp23A_2248 : vector<16x512xf32>
    %sub3A_2250 = arith.subf %add3A_2241, %max3A_2244 : vector<16x512xf32>
    %exp23A_2251 = math.exp2 %sub3A_2250 : vector<16x512xf32>
    %add3A_2252 = arith.addf %add3A_2249, %exp23A_2251 : vector<16x512xf32>
    %log3A_2253 = math.log %add3A_2252 : vector<16x512xf32>
    %log3A_2254 = arith.constant 2.000000e+00 : f32
    %log3A_2255 = math.log %log3A_2254 : f32
    %div3A_2256 = vector.broadcast %log3A_2255 : f32 to vector<16x512xf32>
    %div3A_2257 = arith.divf %log3A_2253, %div3A_2256 : vector<16x512xf32>
    %add3A_2258 = arith.addf %max3A_2244, %div3A_2257 : vector<16x512xf32>
    %add3A_2259 = arith.addf %add3A_2258, %get3A_2219 : vector<16x512xf32>
    %scan3A_2260 = arith.constant 500 : i32
    %scan3A_2261 = arith.addi %scan3A, %scan3A_2260 : i32
    %get3A_2262 = arith.index_cast %scan3A_2261 : i32 to index
    %get3A_2263 = arith.constant 0 : index
    %get3A_2264 = arith.constant 0 : index
    %get3A_2265 = vector.load %arg5[%get3A_2262, %get3A_2263, %get3A_2264] : memref<512x16x640xf32, #tpu.memory_space<vmem>>, vector<1x16x512xf32>
    %get3A_2266 = vector.shape_cast %get3A_2265 : vector<1x16x512xf32> to vector<16x512xf32>
    %get3A_2267 = arith.index_cast %scan3A_2261 : i32 to index
    %get3A_2268 = arith.constant 0 : index
    %get3A_2269 = arith.constant 512 : index
    %get3A_2270 = vector.load %arg5[%get3A_2267, %get3A_2268, %get3A_2269] : memref<512x16x640xf32, #tpu.memory_space<vmem>>, vector<1x16x1xf32>
    %get3A_2271 = vector.shape_cast %get3A_2270 : vector<1x16x1xf32> to vector<16x1xf32>
    %concatenate3A_2272 = tpu.concatenate %broadcast_in_dim3A_1294, %add3A_2259 in 1 : vector<16x1xf32>, vector<16x512xf32> -> vector<16x513xf32>
    %max3A_2273 = arith.maximumf %add3A_2239, %concatenate3A_2272 : vector<16x513xf32>
    %sub3A_2274 = arith.subf %add3A_2239, %max3A_2273 : vector<16x513xf32>
    %exp23A_2275 = math.exp2 %sub3A_2274 : vector<16x513xf32>
    %sub3A_2276 = arith.subf %concatenate3A_2272, %max3A_2273 : vector<16x513xf32>
    %exp23A_2277 = math.exp2 %sub3A_2276 : vector<16x513xf32>
    %add3A_2278 = arith.addf %exp23A_2275, %exp23A_2277 : vector<16x513xf32>
    %log3A_2279 = math.log %add3A_2278 : vector<16x513xf32>
    %log3A_2280 = arith.constant 2.000000e+00 : f32
    %log3A_2281 = math.log %log3A_2280 : f32
    %div3A_2282 = vector.broadcast %log3A_2281 : f32 to vector<16x513xf32>
    %div3A_2283 = arith.divf %log3A_2279, %div3A_2282 : vector<16x513xf32>
    %add3A_2284 = arith.addf %max3A_2273, %div3A_2283 : vector<16x513xf32>
    %add3A_2285 = vector.broadcast %get3A_2271 : vector<16x1xf32> to vector<16x513xf32>
    %add3A_2286 = arith.addf %add3A_2284, %add3A_2285 : vector<16x513xf32>
    %slice3A_2287 = vector.extract_strided_slice %concatenate3A_2272 {offsets = [0, 0], sizes = [16, 512], strides = [1, 1]} : vector<16x513xf32> to vector<16x512xf32>
    %add3A_2288 = arith.addf %slice3A_2287, %select_n3A_1292 : vector<16x512xf32>
    %slice3A_2289 = vector.extract_strided_slice %add3A_2239 {offsets = [0, 0], sizes = [16, 512], strides = [1, 1]} : vector<16x513xf32> to vector<16x512xf32>
    %max3A_2290 = arith.maximumf %add3A_2259, %slice3A_2289 : vector<16x512xf32>
    %max3A_2291 = arith.maximumf %max3A_2290, %add3A_2288 : vector<16x512xf32>
    %sub3A_2292 = arith.subf %add3A_2259, %max3A_2291 : vector<16x512xf32>
    %exp23A_2293 = math.exp2 %sub3A_2292 : vector<16x512xf32>
    %sub3A_2294 = arith.subf %slice3A_2289, %max3A_2291 : vector<16x512xf32>
    %exp23A_2295 = math.exp2 %sub3A_2294 : vector<16x512xf32>
    %add3A_2296 = arith.addf %exp23A_2293, %exp23A_2295 : vector<16x512xf32>
    %sub3A_2297 = arith.subf %add3A_2288, %max3A_2291 : vector<16x512xf32>
    %exp23A_2298 = math.exp2 %sub3A_2297 : vector<16x512xf32>
    %add3A_2299 = arith.addf %add3A_2296, %exp23A_2298 : vector<16x512xf32>
    %log3A_2300 = math.log %add3A_2299 : vector<16x512xf32>
    %log3A_2301 = arith.constant 2.000000e+00 : f32
    %log3A_2302 = math.log %log3A_2301 : f32
    %div3A_2303 = vector.broadcast %log3A_2302 : f32 to vector<16x512xf32>
    %div3A_2304 = arith.divf %log3A_2300, %div3A_2303 : vector<16x512xf32>
    %add3A_2305 = arith.addf %max3A_2291, %div3A_2304 : vector<16x512xf32>
    %add3A_2306 = arith.addf %add3A_2305, %get3A_2266 : vector<16x512xf32>
    %scan3A_2307 = arith.constant 501 : i32
    %scan3A_2308 = arith.addi %scan3A, %scan3A_2307 : i32
    %get3A_2309 = arith.index_cast %scan3A_2308 : i32 to index
    %get3A_2310 = arith.constant 0 : index
    %get3A_2311 = arith.constant 0 : index
    %get3A_2312 = vector.load %arg5[%get3A_2309, %get3A_2310, %get3A_2311] : memref<512x16x640xf32, #tpu.memory_space<vmem>>, vector<1x16x512xf32>
    %get3A_2313 = vector.shape_cast %get3A_2312 : vector<1x16x512xf32> to vector<16x512xf32>
    %get3A_2314 = arith.index_cast %scan3A_2308 : i32 to index
    %get3A_2315 = arith.constant 0 : index
    %get3A_2316 = arith.constant 512 : index
    %get3A_2317 = vector.load %arg5[%get3A_2314, %get3A_2315, %get3A_2316] : memref<512x16x640xf32, #tpu.memory_space<vmem>>, vector<1x16x1xf32>
    %get3A_2318 = vector.shape_cast %get3A_2317 : vector<1x16x1xf32> to vector<16x1xf32>
    %concatenate3A_2319 = tpu.concatenate %broadcast_in_dim3A_1294, %add3A_2306 in 1 : vector<16x1xf32>, vector<16x512xf32> -> vector<16x513xf32>
    %max3A_2320 = arith.maximumf %add3A_2286, %concatenate3A_2319 : vector<16x513xf32>
    %sub3A_2321 = arith.subf %add3A_2286, %max3A_2320 : vector<16x513xf32>
    %exp23A_2322 = math.exp2 %sub3A_2321 : vector<16x513xf32>
    %sub3A_2323 = arith.subf %concatenate3A_2319, %max3A_2320 : vector<16x513xf32>
    %exp23A_2324 = math.exp2 %sub3A_2323 : vector<16x513xf32>
    %add3A_2325 = arith.addf %exp23A_2322, %exp23A_2324 : vector<16x513xf32>
    %log3A_2326 = math.log %add3A_2325 : vector<16x513xf32>
    %log3A_2327 = arith.constant 2.000000e+00 : f32
    %log3A_2328 = math.log %log3A_2327 : f32
    %div3A_2329 = vector.broadcast %log3A_2328 : f32 to vector<16x513xf32>
    %div3A_2330 = arith.divf %log3A_2326, %div3A_2329 : vector<16x513xf32>
    %add3A_2331 = arith.addf %max3A_2320, %div3A_2330 : vector<16x513xf32>
    %add3A_2332 = vector.broadcast %get3A_2318 : vector<16x1xf32> to vector<16x513xf32>
    %add3A_2333 = arith.addf %add3A_2331, %add3A_2332 : vector<16x513xf32>
    %slice3A_2334 = vector.extract_strided_slice %concatenate3A_2319 {offsets = [0, 0], sizes = [16, 512], strides = [1, 1]} : vector<16x513xf32> to vector<16x512xf32>
    %add3A_2335 = arith.addf %slice3A_2334, %select_n3A_1292 : vector<16x512xf32>
    %slice3A_2336 = vector.extract_strided_slice %add3A_2286 {offsets = [0, 0], sizes = [16, 512], strides = [1, 1]} : vector<16x513xf32> to vector<16x512xf32>
    %max3A_2337 = arith.maximumf %add3A_2306, %slice3A_2336 : vector<16x512xf32>
    %max3A_2338 = arith.maximumf %max3A_2337, %add3A_2335 : vector<16x512xf32>
    %sub3A_2339 = arith.subf %add3A_2306, %max3A_2338 : vector<16x512xf32>
    %exp23A_2340 = math.exp2 %sub3A_2339 : vector<16x512xf32>
    %sub3A_2341 = arith.subf %slice3A_2336, %max3A_2338 : vector<16x512xf32>
    %exp23A_2342 = math.exp2 %sub3A_2341 : vector<16x512xf32>
    %add3A_2343 = arith.addf %exp23A_2340, %exp23A_2342 : vector<16x512xf32>
    %sub3A_2344 = arith.subf %add3A_2335, %max3A_2338 : vector<16x512xf32>
    %exp23A_2345 = math.exp2 %sub3A_2344 : vector<16x512xf32>
    %add3A_2346 = arith.addf %add3A_2343, %exp23A_2345 : vector<16x512xf32>
    %log3A_2347 = math.log %add3A_2346 : vector<16x512xf32>
    %log3A_2348 = arith.constant 2.000000e+00 : f32
    %log3A_2349 = math.log %log3A_2348 : f32
    %div3A_2350 = vector.broadcast %log3A_2349 : f32 to vector<16x512xf32>
    %div3A_2351 = arith.divf %log3A_2347, %div3A_2350 : vector<16x512xf32>
    %add3A_2352 = arith.addf %max3A_2338, %div3A_2351 : vector<16x512xf32>
    %add3A_2353 = arith.addf %add3A_2352, %get3A_2313 : vector<16x512xf32>
    %scan3A_2354 = arith.constant 502 : i32
    %scan3A_2355 = arith.addi %scan3A, %scan3A_2354 : i32
    %get3A_2356 = arith.index_cast %scan3A_2355 : i32 to index
    %get3A_2357 = arith.constant 0 : index
    %get3A_2358 = arith.constant 0 : index
    %get3A_2359 = vector.load %arg5[%get3A_2356, %get3A_2357, %get3A_2358] : memref<512x16x640xf32, #tpu.memory_space<vmem>>, vector<1x16x512xf32>
    %get3A_2360 = vector.shape_cast %get3A_2359 : vector<1x16x512xf32> to vector<16x512xf32>
    %get3A_2361 = arith.index_cast %scan3A_2355 : i32 to index
    %get3A_2362 = arith.constant 0 : index
    %get3A_2363 = arith.constant 512 : index
    %get3A_2364 = vector.load %arg5[%get3A_2361, %get3A_2362, %get3A_2363] : memref<512x16x640xf32, #tpu.memory_space<vmem>>, vector<1x16x1xf32>
    %get3A_2365 = vector.shape_cast %get3A_2364 : vector<1x16x1xf32> to vector<16x1xf32>
    %concatenate3A_2366 = tpu.concatenate %broadcast_in_dim3A_1294, %add3A_2353 in 1 : vector<16x1xf32>, vector<16x512xf32> -> vector<16x513xf32>
    %max3A_2367 = arith.maximumf %add3A_2333, %concatenate3A_2366 : vector<16x513xf32>
    %sub3A_2368 = arith.subf %add3A_2333, %max3A_2367 : vector<16x513xf32>
    %exp23A_2369 = math.exp2 %sub3A_2368 : vector<16x513xf32>
    %sub3A_2370 = arith.subf %concatenate3A_2366, %max3A_2367 : vector<16x513xf32>
    %exp23A_2371 = math.exp2 %sub3A_2370 : vector<16x513xf32>
    %add3A_2372 = arith.addf %exp23A_2369, %exp23A_2371 : vector<16x513xf32>
    %log3A_2373 = math.log %add3A_2372 : vector<16x513xf32>
    %log3A_2374 = arith.constant 2.000000e+00 : f32
    %log3A_2375 = math.log %log3A_2374 : f32
    %div3A_2376 = vector.broadcast %log3A_2375 : f32 to vector<16x513xf32>
    %div3A_2377 = arith.divf %log3A_2373, %div3A_2376 : vector<16x513xf32>
    %add3A_2378 = arith.addf %max3A_2367, %div3A_2377 : vector<16x513xf32>
    %add3A_2379 = vector.broadcast %get3A_2365 : vector<16x1xf32> to vector<16x513xf32>
    %add3A_2380 = arith.addf %add3A_2378, %add3A_2379 : vector<16x513xf32>
    %slice3A_2381 = vector.extract_strided_slice %concatenate3A_2366 {offsets = [0, 0], sizes = [16, 512], strides = [1, 1]} : vector<16x513xf32> to vector<16x512xf32>
    %add3A_2382 = arith.addf %slice3A_2381, %select_n3A_1292 : vector<16x512xf32>
    %slice3A_2383 = vector.extract_strided_slice %add3A_2333 {offsets = [0, 0], sizes = [16, 512], strides = [1, 1]} : vector<16x513xf32> to vector<16x512xf32>
    %max3A_2384 = arith.maximumf %add3A_2353, %slice3A_2383 : vector<16x512xf32>
    %max3A_2385 = arith.maximumf %max3A_2384, %add3A_2382 : vector<16x512xf32>
    %sub3A_2386 = arith.subf %add3A_2353, %max3A_2385 : vector<16x512xf32>
    %exp23A_2387 = math.exp2 %sub3A_2386 : vector<16x512xf32>
    %sub3A_2388 = arith.subf %slice3A_2383, %max3A_2385 : vector<16x512xf32>
    %exp23A_2389 = math.exp2 %sub3A_2388 : vector<16x512xf32>
    %add3A_2390 = arith.addf %exp23A_2387, %exp23A_2389 : vector<16x512xf32>
    %sub3A_2391 = arith.subf %add3A_2382, %max3A_2385 : vector<16x512xf32>
    %exp23A_2392 = math.exp2 %sub3A_2391 : vector<16x512xf32>
    %add3A_2393 = arith.addf %add3A_2390, %exp23A_2392 : vector<16x512xf32>
    %log3A_2394 = math.log %add3A_2393 : vector<16x512xf32>
    %log3A_2395 = arith.constant 2.000000e+00 : f32
    %log3A_2396 = math.log %log3A_2395 : f32
    %div3A_2397 = vector.broadcast %log3A_2396 : f32 to vector<16x512xf32>
    %div3A_2398 = arith.divf %log3A_2394, %div3A_2397 : vector<16x512xf32>
    %add3A_2399 = arith.addf %max3A_2385, %div3A_2398 : vector<16x512xf32>
    %add3A_2400 = arith.addf %add3A_2399, %get3A_2360 : vector<16x512xf32>
    %scan3A_2401 = arith.constant 503 : i32
    %scan3A_2402 = arith.addi %scan3A, %scan3A_2401 : i32
    %get3A_2403 = arith.index_cast %scan3A_2402 : i32 to index
    %get3A_2404 = arith.constant 0 : index
    %get3A_2405 = arith.constant 0 : index
    %get3A_2406 = vector.load %arg5[%get3A_2403, %get3A_2404, %get3A_2405] : memref<512x16x640xf32, #tpu.memory_space<vmem>>, vector<1x16x512xf32>
    %get3A_2407 = vector.shape_cast %get3A_2406 : vector<1x16x512xf32> to vector<16x512xf32>
    %get3A_2408 = arith.index_cast %scan3A_2402 : i32 to index
    %get3A_2409 = arith.constant 0 : index
    %get3A_2410 = arith.constant 512 : index
    %get3A_2411 = vector.load %arg5[%get3A_2408, %get3A_2409, %get3A_2410] : memref<512x16x640xf32, #tpu.memory_space<vmem>>, vector<1x16x1xf32>
    %get3A_2412 = vector.shape_cast %get3A_2411 : vector<1x16x1xf32> to vector<16x1xf32>
    %concatenate3A_2413 = tpu.concatenate %broadcast_in_dim3A_1294, %add3A_2400 in 1 : vector<16x1xf32>, vector<16x512xf32> -> vector<16x513xf32>
    %max3A_2414 = arith.maximumf %add3A_2380, %concatenate3A_2413 : vector<16x513xf32>
    %sub3A_2415 = arith.subf %add3A_2380, %max3A_2414 : vector<16x513xf32>
    %exp23A_2416 = math.exp2 %sub3A_2415 : vector<16x513xf32>
    %sub3A_2417 = arith.subf %concatenate3A_2413, %max3A_2414 : vector<16x513xf32>
    %exp23A_2418 = math.exp2 %sub3A_2417 : vector<16x513xf32>
    %add3A_2419 = arith.addf %exp23A_2416, %exp23A_2418 : vector<16x513xf32>
    %log3A_2420 = math.log %add3A_2419 : vector<16x513xf32>
    %log3A_2421 = arith.constant 2.000000e+00 : f32
    %log3A_2422 = math.log %log3A_2421 : f32
    %div3A_2423 = vector.broadcast %log3A_2422 : f32 to vector<16x513xf32>
    %div3A_2424 = arith.divf %log3A_2420, %div3A_2423 : vector<16x513xf32>
    %add3A_2425 = arith.addf %max3A_2414, %div3A_2424 : vector<16x513xf32>
    %add3A_2426 = vector.broadcast %get3A_2412 : vector<16x1xf32> to vector<16x513xf32>
    %add3A_2427 = arith.addf %add3A_2425, %add3A_2426 : vector<16x513xf32>
    %slice3A_2428 = vector.extract_strided_slice %concatenate3A_2413 {offsets = [0, 0], sizes = [16, 512], strides = [1, 1]} : vector<16x513xf32> to vector<16x512xf32>
    %add3A_2429 = arith.addf %slice3A_2428, %select_n3A_1292 : vector<16x512xf32>
    %slice3A_2430 = vector.extract_strided_slice %add3A_2380 {offsets = [0, 0], sizes = [16, 512], strides = [1, 1]} : vector<16x513xf32> to vector<16x512xf32>
    %max3A_2431 = arith.maximumf %add3A_2400, %slice3A_2430 : vector<16x512xf32>
    %max3A_2432 = arith.maximumf %max3A_2431, %add3A_2429 : vector<16x512xf32>
    %sub3A_2433 = arith.subf %add3A_2400, %max3A_2432 : vector<16x512xf32>
    %exp23A_2434 = math.exp2 %sub3A_2433 : vector<16x512xf32>
    %sub3A_2435 = arith.subf %slice3A_2430, %max3A_2432 : vector<16x512xf32>
    %exp23A_2436 = math.exp2 %sub3A_2435 : vector<16x512xf32>
    %add3A_2437 = arith.addf %exp23A_2434, %exp23A_2436 : vector<16x512xf32>
    %sub3A_2438 = arith.subf %add3A_2429, %max3A_2432 : vector<16x512xf32>
    %exp23A_2439 = math.exp2 %sub3A_2438 : vector<16x512xf32>
    %add3A_2440 = arith.addf %add3A_2437, %exp23A_2439 : vector<16x512xf32>
    %log3A_2441 = math.log %add3A_2440 : vector<16x512xf32>
    %log3A_2442 = arith.constant 2.000000e+00 : f32
    %log3A_2443 = math.log %log3A_2442 : f32
    %div3A_2444 = vector.broadcast %log3A_2443 : f32 to vector<16x512xf32>
    %div3A_2445 = arith.divf %log3A_2441, %div3A_2444 : vector<16x512xf32>
    %add3A_2446 = arith.addf %max3A_2432, %div3A_2445 : vector<16x512xf32>
    %add3A_2447 = arith.addf %add3A_2446, %get3A_2407 : vector<16x512xf32>
    %scan3A_2448 = arith.constant 504 : i32
    %scan3A_2449 = arith.addi %scan3A, %scan3A_2448 : i32
    %get3A_2450 = arith.index_cast %scan3A_2449 : i32 to index
    %get3A_2451 = arith.constant 0 : index
    %get3A_2452 = arith.constant 0 : index
    %get3A_2453 = vector.load %arg5[%get3A_2450, %get3A_2451, %get3A_2452] : memref<512x16x640xf32, #tpu.memory_space<vmem>>, vector<1x16x512xf32>
    %get3A_2454 = vector.shape_cast %get3A_2453 : vector<1x16x512xf32> to vector<16x512xf32>
    %get3A_2455 = arith.index_cast %scan3A_2449 : i32 to index
    %get3A_2456 = arith.constant 0 : index
    %get3A_2457 = arith.constant 512 : index
    %get3A_2458 = vector.load %arg5[%get3A_2455, %get3A_2456, %get3A_2457] : memref<512x16x640xf32, #tpu.memory_space<vmem>>, vector<1x16x1xf32>
    %get3A_2459 = vector.shape_cast %get3A_2458 : vector<1x16x1xf32> to vector<16x1xf32>
    %concatenate3A_2460 = tpu.concatenate %broadcast_in_dim3A_1294, %add3A_2447 in 1 : vector<16x1xf32>, vector<16x512xf32> -> vector<16x513xf32>
    %max3A_2461 = arith.maximumf %add3A_2427, %concatenate3A_2460 : vector<16x513xf32>
    %sub3A_2462 = arith.subf %add3A_2427, %max3A_2461 : vector<16x513xf32>
    %exp23A_2463 = math.exp2 %sub3A_2462 : vector<16x513xf32>
    %sub3A_2464 = arith.subf %concatenate3A_2460, %max3A_2461 : vector<16x513xf32>
    %exp23A_2465 = math.exp2 %sub3A_2464 : vector<16x513xf32>
    %add3A_2466 = arith.addf %exp23A_2463, %exp23A_2465 : vector<16x513xf32>
    %log3A_2467 = math.log %add3A_2466 : vector<16x513xf32>
    %log3A_2468 = arith.constant 2.000000e+00 : f32
    %log3A_2469 = math.log %log3A_2468 : f32
    %div3A_2470 = vector.broadcast %log3A_2469 : f32 to vector<16x513xf32>
    %div3A_2471 = arith.divf %log3A_2467, %div3A_2470 : vector<16x513xf32>
    %add3A_2472 = arith.addf %max3A_2461, %div3A_2471 : vector<16x513xf32>
    %add3A_2473 = vector.broadcast %get3A_2459 : vector<16x1xf32> to vector<16x513xf32>
    %add3A_2474 = arith.addf %add3A_2472, %add3A_2473 : vector<16x513xf32>
    %slice3A_2475 = vector.extract_strided_slice %concatenate3A_2460 {offsets = [0, 0], sizes = [16, 512], strides = [1, 1]} : vector<16x513xf32> to vector<16x512xf32>
    %add3A_2476 = arith.addf %slice3A_2475, %select_n3A_1292 : vector<16x512xf32>
    %slice3A_2477 = vector.extract_strided_slice %add3A_2427 {offsets = [0, 0], sizes = [16, 512], strides = [1, 1]} : vector<16x513xf32> to vector<16x512xf32>
    %max3A_2478 = arith.maximumf %add3A_2447, %slice3A_2477 : vector<16x512xf32>
    %max3A_2479 = arith.maximumf %max3A_2478, %add3A_2476 : vector<16x512xf32>
    %sub3A_2480 = arith.subf %add3A_2447, %max3A_2479 : vector<16x512xf32>
    %exp23A_2481 = math.exp2 %sub3A_2480 : vector<16x512xf32>
    %sub3A_2482 = arith.subf %slice3A_2477, %max3A_2479 : vector<16x512xf32>
    %exp23A_2483 = math.exp2 %sub3A_2482 : vector<16x512xf32>
    %add3A_2484 = arith.addf %exp23A_2481, %exp23A_2483 : vector<16x512xf32>
    %sub3A_2485 = arith.subf %add3A_2476, %max3A_2479 : vector<16x512xf32>
    %exp23A_2486 = math.exp2 %sub3A_2485 : vector<16x512xf32>
    %add3A_2487 = arith.addf %add3A_2484, %exp23A_2486 : vector<16x512xf32>
    %log3A_2488 = math.log %add3A_2487 : vector<16x512xf32>
    %log3A_2489 = arith.constant 2.000000e+00 : f32
    %log3A_2490 = math.log %log3A_2489 : f32
    %div3A_2491 = vector.broadcast %log3A_2490 : f32 to vector<16x512xf32>
    %div3A_2492 = arith.divf %log3A_2488, %div3A_2491 : vector<16x512xf32>
    %add3A_2493 = arith.addf %max3A_2479, %div3A_2492 : vector<16x512xf32>
    %add3A_2494 = arith.addf %add3A_2493, %get3A_2454 : vector<16x512xf32>
    %scan3A_2495 = arith.constant 505 : i32
    %scan3A_2496 = arith.addi %scan3A, %scan3A_2495 : i32
    %get3A_2497 = arith.index_cast %scan3A_2496 : i32 to index
    %get3A_2498 = arith.constant 0 : index
    %get3A_2499 = arith.constant 0 : index
    %get3A_2500 = vector.load %arg5[%get3A_2497, %get3A_2498, %get3A_2499] : memref<512x16x640xf32, #tpu.memory_space<vmem>>, vector<1x16x512xf32>
    %get3A_2501 = vector.shape_cast %get3A_2500 : vector<1x16x512xf32> to vector<16x512xf32>
    %get3A_2502 = arith.index_cast %scan3A_2496 : i32 to index
    %get3A_2503 = arith.constant 0 : index
    %get3A_2504 = arith.constant 512 : index
    %get3A_2505 = vector.load %arg5[%get3A_2502, %get3A_2503, %get3A_2504] : memref<512x16x640xf32, #tpu.memory_space<vmem>>, vector<1x16x1xf32>
    %get3A_2506 = vector.shape_cast %get3A_2505 : vector<1x16x1xf32> to vector<16x1xf32>
    %concatenate3A_2507 = tpu.concatenate %broadcast_in_dim3A_1294, %add3A_2494 in 1 : vector<16x1xf32>, vector<16x512xf32> -> vector<16x513xf32>
    %max3A_2508 = arith.maximumf %add3A_2474, %concatenate3A_2507 : vector<16x513xf32>
    %sub3A_2509 = arith.subf %add3A_2474, %max3A_2508 : vector<16x513xf32>
    %exp23A_2510 = math.exp2 %sub3A_2509 : vector<16x513xf32>
    %sub3A_2511 = arith.subf %concatenate3A_2507, %max3A_2508 : vector<16x513xf32>
    %exp23A_2512 = math.exp2 %sub3A_2511 : vector<16x513xf32>
    %add3A_2513 = arith.addf %exp23A_2510, %exp23A_2512 : vector<16x513xf32>
    %log3A_2514 = math.log %add3A_2513 : vector<16x513xf32>
    %log3A_2515 = arith.constant 2.000000e+00 : f32
    %log3A_2516 = math.log %log3A_2515 : f32
    %div3A_2517 = vector.broadcast %log3A_2516 : f32 to vector<16x513xf32>
    %div3A_2518 = arith.divf %log3A_2514, %div3A_2517 : vector<16x513xf32>
    %add3A_2519 = arith.addf %max3A_2508, %div3A_2518 : vector<16x513xf32>
    %add3A_2520 = vector.broadcast %get3A_2506 : vector<16x1xf32> to vector<16x513xf32>
    %add3A_2521 = arith.addf %add3A_2519, %add3A_2520 : vector<16x513xf32>
    %slice3A_2522 = vector.extract_strided_slice %concatenate3A_2507 {offsets = [0, 0], sizes = [16, 512], strides = [1, 1]} : vector<16x513xf32> to vector<16x512xf32>
    %add3A_2523 = arith.addf %slice3A_2522, %select_n3A_1292 : vector<16x512xf32>
    %slice3A_2524 = vector.extract_strided_slice %add3A_2474 {offsets = [0, 0], sizes = [16, 512], strides = [1, 1]} : vector<16x513xf32> to vector<16x512xf32>
    %max3A_2525 = arith.maximumf %add3A_2494, %slice3A_2524 : vector<16x512xf32>
    %max3A_2526 = arith.maximumf %max3A_2525, %add3A_2523 : vector<16x512xf32>
    %sub3A_2527 = arith.subf %add3A_2494, %max3A_2526 : vector<16x512xf32>
    %exp23A_2528 = math.exp2 %sub3A_2527 : vector<16x512xf32>
    %sub3A_2529 = arith.subf %slice3A_2524, %max3A_2526 : vector<16x512xf32>
    %exp23A_2530 = math.exp2 %sub3A_2529 : vector<16x512xf32>
    %add3A_2531 = arith.addf %exp23A_2528, %exp23A_2530 : vector<16x512xf32>
    %sub3A_2532 = arith.subf %add3A_2523, %max3A_2526 : vector<16x512xf32>
    %exp23A_2533 = math.exp2 %sub3A_2532 : vector<16x512xf32>
    %add3A_2534 = arith.addf %add3A_2531, %exp23A_2533 : vector<16x512xf32>
    %log3A_2535 = math.log %add3A_2534 : vector<16x512xf32>
    %log3A_2536 = arith.constant 2.000000e+00 : f32
    %log3A_2537 = math.log %log3A_2536 : f32
    %div3A_2538 = vector.broadcast %log3A_2537 : f32 to vector<16x512xf32>
    %div3A_2539 = arith.divf %log3A_2535, %div3A_2538 : vector<16x512xf32>
    %add3A_2540 = arith.addf %max3A_2526, %div3A_2539 : vector<16x512xf32>
    %add3A_2541 = arith.addf %add3A_2540, %get3A_2501 : vector<16x512xf32>
    %scan3A_2542 = arith.constant 506 : i32
    %scan3A_2543 = arith.addi %scan3A, %scan3A_2542 : i32
    %get3A_2544 = arith.index_cast %scan3A_2543 : i32 to index
    %get3A_2545 = arith.constant 0 : index
    %get3A_2546 = arith.constant 0 : index
    %get3A_2547 = vector.load %arg5[%get3A_2544, %get3A_2545, %get3A_2546] : memref<512x16x640xf32, #tpu.memory_space<vmem>>, vector<1x16x512xf32>
    %get3A_2548 = vector.shape_cast %get3A_2547 : vector<1x16x512xf32> to vector<16x512xf32>
    %get3A_2549 = arith.index_cast %scan3A_2543 : i32 to index
    %get3A_2550 = arith.constant 0 : index
    %get3A_2551 = arith.constant 512 : index
    %get3A_2552 = vector.load %arg5[%get3A_2549, %get3A_2550, %get3A_2551] : memref<512x16x640xf32, #tpu.memory_space<vmem>>, vector<1x16x1xf32>
    %get3A_2553 = vector.shape_cast %get3A_2552 : vector<1x16x1xf32> to vector<16x1xf32>
    %concatenate3A_2554 = tpu.concatenate %broadcast_in_dim3A_1294, %add3A_2541 in 1 : vector<16x1xf32>, vector<16x512xf32> -> vector<16x513xf32>
    %max3A_2555 = arith.maximumf %add3A_2521, %concatenate3A_2554 : vector<16x513xf32>
    %sub3A_2556 = arith.subf %add3A_2521, %max3A_2555 : vector<16x513xf32>
    %exp23A_2557 = math.exp2 %sub3A_2556 : vector<16x513xf32>
    %sub3A_2558 = arith.subf %concatenate3A_2554, %max3A_2555 : vector<16x513xf32>
    %exp23A_2559 = math.exp2 %sub3A_2558 : vector<16x513xf32>
    %add3A_2560 = arith.addf %exp23A_2557, %exp23A_2559 : vector<16x513xf32>
    %log3A_2561 = math.log %add3A_2560 : vector<16x513xf32>
    %log3A_2562 = arith.constant 2.000000e+00 : f32
    %log3A_2563 = math.log %log3A_2562 : f32
    %div3A_2564 = vector.broadcast %log3A_2563 : f32 to vector<16x513xf32>
    %div3A_2565 = arith.divf %log3A_2561, %div3A_2564 : vector<16x513xf32>
    %add3A_2566 = arith.addf %max3A_2555, %div3A_2565 : vector<16x513xf32>
    %add3A_2567 = vector.broadcast %get3A_2553 : vector<16x1xf32> to vector<16x513xf32>
    %add3A_2568 = arith.addf %add3A_2566, %add3A_2567 : vector<16x513xf32>
    %slice3A_2569 = vector.extract_strided_slice %concatenate3A_2554 {offsets = [0, 0], sizes = [16, 512], strides = [1, 1]} : vector<16x513xf32> to vector<16x512xf32>
    %add3A_2570 = arith.addf %slice3A_2569, %select_n3A_1292 : vector<16x512xf32>
    %slice3A_2571 = vector.extract_strided_slice %add3A_2521 {offsets = [0, 0], sizes = [16, 512], strides = [1, 1]} : vector<16x513xf32> to vector<16x512xf32>
    %max3A_2572 = arith.maximumf %add3A_2541, %slice3A_2571 : vector<16x512xf32>
    %max3A_2573 = arith.maximumf %max3A_2572, %add3A_2570 : vector<16x512xf32>
    %sub3A_2574 = arith.subf %add3A_2541, %max3A_2573 : vector<16x512xf32>
    %exp23A_2575 = math.exp2 %sub3A_2574 : vector<16x512xf32>
    %sub3A_2576 = arith.subf %slice3A_2571, %max3A_2573 : vector<16x512xf32>
    %exp23A_2577 = math.exp2 %sub3A_2576 : vector<16x512xf32>
    %add3A_2578 = arith.addf %exp23A_2575, %exp23A_2577 : vector<16x512xf32>
    %sub3A_2579 = arith.subf %add3A_2570, %max3A_2573 : vector<16x512xf32>
    %exp23A_2580 = math.exp2 %sub3A_2579 : vector<16x512xf32>
    %add3A_2581 = arith.addf %add3A_2578, %exp23A_2580 : vector<16x512xf32>
    %log3A_2582 = math.log %add3A_2581 : vector<16x512xf32>
    %log3A_2583 = arith.constant 2.000000e+00 : f32
    %log3A_2584 = math.log %log3A_2583 : f32
    %div3A_2585 = vector.broadcast %log3A_2584 : f32 to vector<16x512xf32>
    %div3A_2586 = arith.divf %log3A_2582, %div3A_2585 : vector<16x512xf32>
    %add3A_2587 = arith.addf %max3A_2573, %div3A_2586 : vector<16x512xf32>
    %add3A_2588 = arith.addf %add3A_2587, %get3A_2548 : vector<16x512xf32>
    %scan3A_2589 = arith.constant 507 : i32
    %scan3A_2590 = arith.addi %scan3A, %scan3A_2589 : i32
    %get3A_2591 = arith.index_cast %scan3A_2590 : i32 to index
    %get3A_2592 = arith.constant 0 : index
    %get3A_2593 = arith.constant 0 : index
    %get3A_2594 = vector.load %arg5[%get3A_2591, %get3A_2592, %get3A_2593] : memref<512x16x640xf32, #tpu.memory_space<vmem>>, vector<1x16x512xf32>
    %get3A_2595 = vector.shape_cast %get3A_2594 : vector<1x16x512xf32> to vector<16x512xf32>
    %get3A_2596 = arith.index_cast %scan3A_2590 : i32 to index
    %get3A_2597 = arith.constant 0 : index
    %get3A_2598 = arith.constant 512 : index
    %get3A_2599 = vector.load %arg5[%get3A_2596, %get3A_2597, %get3A_2598] : memref<512x16x640xf32, #tpu.memory_space<vmem>>, vector<1x16x1xf32>
    %get3A_2600 = vector.shape_cast %get3A_2599 : vector<1x16x1xf32> to vector<16x1xf32>
    %concatenate3A_2601 = tpu.concatenate %broadcast_in_dim3A_1294, %add3A_2588 in 1 : vector<16x1xf32>, vector<16x512xf32> -> vector<16x513xf32>
    %max3A_2602 = arith.maximumf %add3A_2568, %concatenate3A_2601 : vector<16x513xf32>
    %sub3A_2603 = arith.subf %add3A_2568, %max3A_2602 : vector<16x513xf32>
    %exp23A_2604 = math.exp2 %sub3A_2603 : vector<16x513xf32>
    %sub3A_2605 = arith.subf %concatenate3A_2601, %max3A_2602 : vector<16x513xf32>
    %exp23A_2606 = math.exp2 %sub3A_2605 : vector<16x513xf32>
    %add3A_2607 = arith.addf %exp23A_2604, %exp23A_2606 : vector<16x513xf32>
    %log3A_2608 = math.log %add3A_2607 : vector<16x513xf32>
    %log3A_2609 = arith.constant 2.000000e+00 : f32
    %log3A_2610 = math.log %log3A_2609 : f32
    %div3A_2611 = vector.broadcast %log3A_2610 : f32 to vector<16x513xf32>
    %div3A_2612 = arith.divf %log3A_2608, %div3A_2611 : vector<16x513xf32>
    %add3A_2613 = arith.addf %max3A_2602, %div3A_2612 : vector<16x513xf32>
    %add3A_2614 = vector.broadcast %get3A_2600 : vector<16x1xf32> to vector<16x513xf32>
    %add3A_2615 = arith.addf %add3A_2613, %add3A_2614 : vector<16x513xf32>
    %slice3A_2616 = vector.extract_strided_slice %concatenate3A_2601 {offsets = [0, 0], sizes = [16, 512], strides = [1, 1]} : vector<16x513xf32> to vector<16x512xf32>
    %add3A_2617 = arith.addf %slice3A_2616, %select_n3A_1292 : vector<16x512xf32>
    %slice3A_2618 = vector.extract_strided_slice %add3A_2568 {offsets = [0, 0], sizes = [16, 512], strides = [1, 1]} : vector<16x513xf32> to vector<16x512xf32>
    %max3A_2619 = arith.maximumf %add3A_2588, %slice3A_2618 : vector<16x512xf32>
    %max3A_2620 = arith.maximumf %max3A_2619, %add3A_2617 : vector<16x512xf32>
    %sub3A_2621 = arith.subf %add3A_2588, %max3A_2620 : vector<16x512xf32>
    %exp23A_2622 = math.exp2 %sub3A_2621 : vector<16x512xf32>
    %sub3A_2623 = arith.subf %slice3A_2618, %max3A_2620 : vector<16x512xf32>
    %exp23A_2624 = math.exp2 %sub3A_2623 : vector<16x512xf32>
    %add3A_2625 = arith.addf %exp23A_2622, %exp23A_2624 : vector<16x512xf32>
    %sub3A_2626 = arith.subf %add3A_2617, %max3A_2620 : vector<16x512xf32>
    %exp23A_2627 = math.exp2 %sub3A_2626 : vector<16x512xf32>
    %add3A_2628 = arith.addf %add3A_2625, %exp23A_2627 : vector<16x512xf32>
    %log3A_2629 = math.log %add3A_2628 : vector<16x512xf32>
    %log3A_2630 = arith.constant 2.000000e+00 : f32
    %log3A_2631 = math.log %log3A_2630 : f32
    %div3A_2632 = vector.broadcast %log3A_2631 : f32 to vector<16x512xf32>
    %div3A_2633 = arith.divf %log3A_2629, %div3A_2632 : vector<16x512xf32>
    %add3A_2634 = arith.addf %max3A_2620, %div3A_2633 : vector<16x512xf32>
    %add3A_2635 = arith.addf %add3A_2634, %get3A_2595 : vector<16x512xf32>
    %scan3A_2636 = arith.constant 508 : i32
    %scan3A_2637 = arith.addi %scan3A, %scan3A_2636 : i32
    %get3A_2638 = arith.index_cast %scan3A_2637 : i32 to index
    %get3A_2639 = arith.constant 0 : index
    %get3A_2640 = arith.constant 0 : index
    %get3A_2641 = vector.load %arg5[%get3A_2638, %get3A_2639, %get3A_2640] : memref<512x16x640xf32, #tpu.memory_space<vmem>>, vector<1x16x512xf32>
    %get3A_2642 = vector.shape_cast %get3A_2641 : vector<1x16x512xf32> to vector<16x512xf32>
    %get3A_2643 = arith.index_cast %scan3A_2637 : i32 to index
    %get3A_2644 = arith.constant 0 : index
    %get3A_2645 = arith.constant 512 : index
    %get3A_2646 = vector.load %arg5[%get3A_2643, %get3A_2644, %get3A_2645] : memref<512x16x640xf32, #tpu.memory_space<vmem>>, vector<1x16x1xf32>
    %get3A_2647 = vector.shape_cast %get3A_2646 : vector<1x16x1xf32> to vector<16x1xf32>
    %concatenate3A_2648 = tpu.concatenate %broadcast_in_dim3A_1294, %add3A_2635 in 1 : vector<16x1xf32>, vector<16x512xf32> -> vector<16x513xf32>
    %max3A_2649 = arith.maximumf %add3A_2615, %concatenate3A_2648 : vector<16x513xf32>
    %sub3A_2650 = arith.subf %add3A_2615, %max3A_2649 : vector<16x513xf32>
    %exp23A_2651 = math.exp2 %sub3A_2650 : vector<16x513xf32>
    %sub3A_2652 = arith.subf %concatenate3A_2648, %max3A_2649 : vector<16x513xf32>
    %exp23A_2653 = math.exp2 %sub3A_2652 : vector<16x513xf32>
    %add3A_2654 = arith.addf %exp23A_2651, %exp23A_2653 : vector<16x513xf32>
    %log3A_2655 = math.log %add3A_2654 : vector<16x513xf32>
    %log3A_2656 = arith.constant 2.000000e+00 : f32
    %log3A_2657 = math.log %log3A_2656 : f32
    %div3A_2658 = vector.broadcast %log3A_2657 : f32 to vector<16x513xf32>
    %div3A_2659 = arith.divf %log3A_2655, %div3A_2658 : vector<16x513xf32>
    %add3A_2660 = arith.addf %max3A_2649, %div3A_2659 : vector<16x513xf32>
    %add3A_2661 = vector.broadcast %get3A_2647 : vector<16x1xf32> to vector<16x513xf32>
    %add3A_2662 = arith.addf %add3A_2660, %add3A_2661 : vector<16x513xf32>
    %slice3A_2663 = vector.extract_strided_slice %concatenate3A_2648 {offsets = [0, 0], sizes = [16, 512], strides = [1, 1]} : vector<16x513xf32> to vector<16x512xf32>
    %add3A_2664 = arith.addf %slice3A_2663, %select_n3A_1292 : vector<16x512xf32>
    %slice3A_2665 = vector.extract_strided_slice %add3A_2615 {offsets = [0, 0], sizes = [16, 512], strides = [1, 1]} : vector<16x513xf32> to vector<16x512xf32>
    %max3A_2666 = arith.maximumf %add3A_2635, %slice3A_2665 : vector<16x512xf32>
    %max3A_2667 = arith.maximumf %max3A_2666, %add3A_2664 : vector<16x512xf32>
    %sub3A_2668 = arith.subf %add3A_2635, %max3A_2667 : vector<16x512xf32>
    %exp23A_2669 = math.exp2 %sub3A_2668 : vector<16x512xf32>
    %sub3A_2670 = arith.subf %slice3A_2665, %max3A_2667 : vector<16x512xf32>
    %exp23A_2671 = math.exp2 %sub3A_2670 : vector<16x512xf32>
    %add3A_2672 = arith.addf %exp23A_2669, %exp23A_2671 : vector<16x512xf32>
    %sub3A_2673 = arith.subf %add3A_2664, %max3A_2667 : vector<16x512xf32>
    %exp23A_2674 = math.exp2 %sub3A_2673 : vector<16x512xf32>
    %add3A_2675 = arith.addf %add3A_2672, %exp23A_2674 : vector<16x512xf32>
    %log3A_2676 = math.log %add3A_2675 : vector<16x512xf32>
    %log3A_2677 = arith.constant 2.000000e+00 : f32
    %log3A_2678 = math.log %log3A_2677 : f32
    %div3A_2679 = vector.broadcast %log3A_2678 : f32 to vector<16x512xf32>
    %div3A_2680 = arith.divf %log3A_2676, %div3A_2679 : vector<16x512xf32>
    %add3A_2681 = arith.addf %max3A_2667, %div3A_2680 : vector<16x512xf32>
    %add3A_2682 = arith.addf %add3A_2681, %get3A_2642 : vector<16x512xf32>
    %scan3A_2683 = arith.constant 509 : i32
    %scan3A_2684 = arith.addi %scan3A, %scan3A_2683 : i32
    %get3A_2685 = arith.index_cast %scan3A_2684 : i32 to index
    %get3A_2686 = arith.constant 0 : index
    %get3A_2687 = arith.constant 0 : index
    %get3A_2688 = vector.load %arg5[%get3A_2685, %get3A_2686, %get3A_2687] : memref<512x16x640xf32, #tpu.memory_space<vmem>>, vector<1x16x512xf32>
    %get3A_2689 = vector.shape_cast %get3A_2688 : vector<1x16x512xf32> to vector<16x512xf32>
    %get3A_2690 = arith.index_cast %scan3A_2684 : i32 to index
    %get3A_2691 = arith.constant 0 : index
    %get3A_2692 = arith.constant 512 : index
    %get3A_2693 = vector.load %arg5[%get3A_2690, %get3A_2691, %get3A_2692] : memref<512x16x640xf32, #tpu.memory_space<vmem>>, vector<1x16x1xf32>
    %get3A_2694 = vector.shape_cast %get3A_2693 : vector<1x16x1xf32> to vector<16x1xf32>
    %concatenate3A_2695 = tpu.concatenate %broadcast_in_dim3A_1294, %add3A_2682 in 1 : vector<16x1xf32>, vector<16x512xf32> -> vector<16x513xf32>
    %max3A_2696 = arith.maximumf %add3A_2662, %concatenate3A_2695 : vector<16x513xf32>
    %sub3A_2697 = arith.subf %add3A_2662, %max3A_2696 : vector<16x513xf32>
    %exp23A_2698 = math.exp2 %sub3A_2697 : vector<16x513xf32>
    %sub3A_2699 = arith.subf %concatenate3A_2695, %max3A_2696 : vector<16x513xf32>
    %exp23A_2700 = math.exp2 %sub3A_2699 : vector<16x513xf32>
    %add3A_2701 = arith.addf %exp23A_2698, %exp23A_2700 : vector<16x513xf32>
    %log3A_2702 = math.log %add3A_2701 : vector<16x513xf32>
    %log3A_2703 = arith.constant 2.000000e+00 : f32
    %log3A_2704 = math.log %log3A_2703 : f32
    %div3A_2705 = vector.broadcast %log3A_2704 : f32 to vector<16x513xf32>
    %div3A_2706 = arith.divf %log3A_2702, %div3A_2705 : vector<16x513xf32>
    %add3A_2707 = arith.addf %max3A_2696, %div3A_2706 : vector<16x513xf32>
    %add3A_2708 = vector.broadcast %get3A_2694 : vector<16x1xf32> to vector<16x513xf32>
    %add3A_2709 = arith.addf %add3A_2707, %add3A_2708 : vector<16x513xf32>
    %slice3A_2710 = vector.extract_strided_slice %concatenate3A_2695 {offsets = [0, 0], sizes = [16, 512], strides = [1, 1]} : vector<16x513xf32> to vector<16x512xf32>
    %add3A_2711 = arith.addf %slice3A_2710, %select_n3A_1292 : vector<16x512xf32>
    %slice3A_2712 = vector.extract_strided_slice %add3A_2662 {offsets = [0, 0], sizes = [16, 512], strides = [1, 1]} : vector<16x513xf32> to vector<16x512xf32>
    %max3A_2713 = arith.maximumf %add3A_2682, %slice3A_2712 : vector<16x512xf32>
    %max3A_2714 = arith.maximumf %max3A_2713, %add3A_2711 : vector<16x512xf32>
    %sub3A_2715 = arith.subf %add3A_2682, %max3A_2714 : vector<16x512xf32>
    %exp23A_2716 = math.exp2 %sub3A_2715 : vector<16x512xf32>
    %sub3A_2717 = arith.subf %slice3A_2712, %max3A_2714 : vector<16x512xf32>
    %exp23A_2718 = math.exp2 %sub3A_2717 : vector<16x512xf32>
    %add3A_2719 = arith.addf %exp23A_2716, %exp23A_2718 : vector<16x512xf32>
    %sub3A_2720 = arith.subf %add3A_2711, %max3A_2714 : vector<16x512xf32>
    %exp23A_2721 = math.exp2 %sub3A_2720 : vector<16x512xf32>
    %add3A_2722 = arith.addf %add3A_2719, %exp23A_2721 : vector<16x512xf32>
    %log3A_2723 = math.log %add3A_2722 : vector<16x512xf32>
    %log3A_2724 = arith.constant 2.000000e+00 : f32
    %log3A_2725 = math.log %log3A_2724 : f32
    %div3A_2726 = vector.broadcast %log3A_2725 : f32 to vector<16x512xf32>
    %div3A_2727 = arith.divf %log3A_2723, %div3A_2726 : vector<16x512xf32>
    %add3A_2728 = arith.addf %max3A_2714, %div3A_2727 : vector<16x512xf32>
    %add3A_2729 = arith.addf %add3A_2728, %get3A_2689 : vector<16x512xf32>
    %scan3A_2730 = arith.constant 510 : i32
    %scan3A_2731 = arith.addi %scan3A, %scan3A_2730 : i32
    %get3A_2732 = arith.index_cast %scan3A_2731 : i32 to index
    %get3A_2733 = arith.constant 0 : index
    %get3A_2734 = arith.constant 0 : index
    %get3A_2735 = vector.load %arg5[%get3A_2732, %get3A_2733, %get3A_2734] : memref<512x16x640xf32, #tpu.memory_space<vmem>>, vector<1x16x512xf32>
    %get3A_2736 = vector.shape_cast %get3A_2735 : vector<1x16x512xf32> to vector<16x512xf32>
    %get3A_2737 = arith.index_cast %scan3A_2731 : i32 to index
    %get3A_2738 = arith.constant 0 : index
    %get3A_2739 = arith.constant 512 : index
    %get3A_2740 = vector.load %arg5[%get3A_2737, %get3A_2738, %get3A_2739] : memref<512x16x640xf32, #tpu.memory_space<vmem>>, vector<1x16x1xf32>
    %get3A_2741 = vector.shape_cast %get3A_2740 : vector<1x16x1xf32> to vector<16x1xf32>
    %concatenate3A_2742 = tpu.concatenate %broadcast_in_dim3A_1294, %add3A_2729 in 1 : vector<16x1xf32>, vector<16x512xf32> -> vector<16x513xf32>
    %max3A_2743 = arith.maximumf %add3A_2709, %concatenate3A_2742 : vector<16x513xf32>
    %sub3A_2744 = arith.subf %add3A_2709, %max3A_2743 : vector<16x513xf32>
    %exp23A_2745 = math.exp2 %sub3A_2744 : vector<16x513xf32>
    %sub3A_2746 = arith.subf %concatenate3A_2742, %max3A_2743 : vector<16x513xf32>
    %exp23A_2747 = math.exp2 %sub3A_2746 : vector<16x513xf32>
    %add3A_2748 = arith.addf %exp23A_2745, %exp23A_2747 : vector<16x513xf32>
    %log3A_2749 = math.log %add3A_2748 : vector<16x513xf32>
    %log3A_2750 = arith.constant 2.000000e+00 : f32
    %log3A_2751 = math.log %log3A_2750 : f32
    %div3A_2752 = vector.broadcast %log3A_2751 : f32 to vector<16x513xf32>
    %div3A_2753 = arith.divf %log3A_2749, %div3A_2752 : vector<16x513xf32>
    %add3A_2754 = arith.addf %max3A_2743, %div3A_2753 : vector<16x513xf32>
    %add3A_2755 = vector.broadcast %get3A_2741 : vector<16x1xf32> to vector<16x513xf32>
    %add3A_2756 = arith.addf %add3A_2754, %add3A_2755 : vector<16x513xf32>
    %slice3A_2757 = vector.extract_strided_slice %concatenate3A_2742 {offsets = [0, 0], sizes = [16, 512], strides = [1, 1]} : vector<16x513xf32> to vector<16x512xf32>
    %add3A_2758 = arith.addf %slice3A_2757, %select_n3A_1292 : vector<16x512xf32>
    %slice3A_2759 = vector.extract_strided_slice %add3A_2709 {offsets = [0, 0], sizes = [16, 512], strides = [1, 1]} : vector<16x513xf32> to vector<16x512xf32>
    %max3A_2760 = arith.maximumf %add3A_2729, %slice3A_2759 : vector<16x512xf32>
    %max3A_2761 = arith.maximumf %max3A_2760, %add3A_2758 : vector<16x512xf32>
    %sub3A_2762 = arith.subf %add3A_2729, %max3A_2761 : vector<16x512xf32>
    %exp23A_2763 = math.exp2 %sub3A_2762 : vector<16x512xf32>
    %sub3A_2764 = arith.subf %slice3A_2759, %max3A_2761 : vector<16x512xf32>
    %exp23A_2765 = math.exp2 %sub3A_2764 : vector<16x512xf32>
    %add3A_2766 = arith.addf %exp23A_2763, %exp23A_2765 : vector<16x512xf32>
    %sub3A_2767 = arith.subf %add3A_2758, %max3A_2761 : vector<16x512xf32>
    %exp23A_2768 = math.exp2 %sub3A_2767 : vector<16x512xf32>
    %add3A_2769 = arith.addf %add3A_2766, %exp23A_2768 : vector<16x512xf32>
    %log3A_2770 = math.log %add3A_2769 : vector<16x512xf32>
    %log3A_2771 = arith.constant 2.000000e+00 : f32
    %log3A_2772 = math.log %log3A_2771 : f32
    %div3A_2773 = vector.broadcast %log3A_2772 : f32 to vector<16x512xf32>
    %div3A_2774 = arith.divf %log3A_2770, %div3A_2773 : vector<16x512xf32>
    %add3A_2775 = arith.addf %max3A_2761, %div3A_2774 : vector<16x512xf32>
    %add3A_2776 = arith.addf %add3A_2775, %get3A_2736 : vector<16x512xf32>
    %scan3A_2777 = arith.constant 511 : i32
    %eq3A_2778 = vector.broadcast %get3A_1275 : vector<16x1xi32> to vector<16x513xi32>
    %eq3A_2779 = arith.cmpi eq, %iota3A_1282, %eq3A_2778 : vector<16x513xi32>
    %jit3A_2780 = arith.constant 0.000000e+00 : f32
    %broadcast_in_dim3A_2781 = vector.broadcast %jit3A_2780 : f32 to vector<16x513xf32>
    %select_n3A_2782 = arith.select %eq3A_2779, %add3A_2756, %broadcast_in_dim3A_2781 : vector<16x513xi1>, vector<16x513xf32>
    %reduce_sum3A_2783 = arith.constant dense<0.000000e+00> : vector<16xf32>
    %reduce_sum3A_2784 = vector.multi_reduction <add>, %select_n3A_2782, %reduce_sum3A_2783 [1] : vector<16x513xf32> to vector<16xf32>
    %broadcast_in_dim3A_2785 = vector.shape_cast %reduce_sum3A_2784 : vector<16xf32> to vector<16x1xf32>
    %sub3A_2786 = arith.constant 1 : i32
    %sub3A_2787 = vector.broadcast %sub3A_2786 : i32 to vector<16x1xi32>
    %sub3A_2788 = arith.subi %get3A_1275, %sub3A_2787 : vector<16x1xi32>
    %eq3A_2789 = vector.broadcast %sub3A_2788 : vector<16x1xi32> to vector<16x512xi32>
    %eq3A_2790 = arith.cmpi eq, %iota3A_1283, %eq3A_2789 : vector<16x512xi32>
    %jit3A_2791 = arith.constant 0.000000e+00 : f32
    %broadcast_in_dim3A_2792 = vector.broadcast %jit3A_2791 : f32 to vector<16x512xf32>
    %select_n3A_2793 = arith.select %eq3A_2790, %add3A_2776, %broadcast_in_dim3A_2792 : vector<16x512xi1>, vector<16x512xf32>
    %reduce_sum3A_2794 = arith.constant dense<0.000000e+00> : vector<16xf32>
    %reduce_sum3A_2795 = vector.multi_reduction <add>, %select_n3A_2793, %reduce_sum3A_2794 [1] : vector<16x512xf32> to vector<16xf32>
    %broadcast_in_dim3A_2796 = vector.shape_cast %reduce_sum3A_2795 : vector<16xf32> to vector<16x1xf32>
    %max3A_2797 = arith.maximumf %broadcast_in_dim3A_2785, %broadcast_in_dim3A_2796 : vector<16x1xf32>
    %sub3A_2798 = arith.subf %broadcast_in_dim3A_2785, %max3A_2797 : vector<16x1xf32>
    %exp23A_2799 = math.exp2 %sub3A_2798 : vector<16x1xf32>
    %sub3A_2800 = arith.subf %broadcast_in_dim3A_2796, %max3A_2797 : vector<16x1xf32>
    %exp23A_2801 = math.exp2 %sub3A_2800 : vector<16x1xf32>
    %add3A_2802 = arith.addf %exp23A_2799, %exp23A_2801 : vector<16x1xf32>
    %log3A_2803 = math.log %add3A_2802 : vector<16x1xf32>
    %log3A_2804 = arith.constant 2.000000e+00 : f32
    %log3A_2805 = math.log %log3A_2804 : f32
    %div3A_2806 = vector.broadcast %log3A_2805 : f32 to vector<16x1xf32>
    %div3A_2807 = arith.divf %log3A_2803, %div3A_2806 : vector<16x1xf32>
    %add3A_2808 = arith.addf %max3A_2797, %div3A_2807 : vector<16x1xf32>
    %gt3A = arith.constant 0 : i32
    %gt3A_2809 = vector.broadcast %gt3A : i32 to vector<16x1xi32>
    %gt3A_2810 = arith.cmpi sgt, %get3A_1275, %gt3A_2809 : vector<16x1xi32>
    %select_n3A_2811 = arith.select %gt3A_2810, %add3A_2808, %broadcast_in_dim3A_2785 : vector<16x1xi1>, vector<16x1xf32>
    %exp23A_2812 = math.exp2 %select_n3A_2811 : vector<16x1xf32>
    %swap3A_2813 = arith.constant 0 : index
    %swap3A_2814 = arith.constant 0 : index
    %swap3A_2815 = vector.load %arg3[%swap3A_2813, %swap3A_2814] : memref<16x1xf32, #tpu.memory_space<vmem>>, vector<16x1xf32>
    tpu.vector_store %arg3[%swap3A_2813, %swap3A_2814], %exp23A_2812 {strides = array<i32>} : memref<16x1xf32, #tpu.memory_space<vmem>>, vector<16x1xf32>,
    return
  }
}

</mosaic_0001>

<sc_bundles>
// kernel: kernel.5.cloned.1.call-start
scs
__scs_entry_jumppad:
0x0: {  	(pc) =	sbr.rel $0x88, $3  }
0x1: {  	(tag) =	ssettag $0x0;
	lr =	simm.s32 $0x1  }
0x2: {  	[smem:$0x3FA0] =	sst lr;
	_ =	strace $0xD0000000  }
0x3: {  	_ = 	snop  }
0x4: {  	_ = 	snop  }
0x5: {  	_ = 	snop  }
0x6: {  	_ = 	snop  }
0x7: {  	_ = 	snop  }
__scs_overlays_trampoline_lowered:
0x8: {  	[smem:$0x3FAF] =	sst s0  }
0x9: {  	[smem:$0x3FB0] =	sst s1  }
0xa: {  	[smem:$0x3FB1] =	sst s2  }
0xb: {  	[smem:$0x3FB2] =	sst s3  }
0xc: {  	[smem:$0x3FB3] =	sst s4  }
0xd: {  	[smem:$0x3FB4] =	sst s5  }
0xe: {  	[smem:$0x3FB5] =	sst s6  }
0xf: {  	[smem:$0x3FB6] =	sst s7  }
0x10: {  	[smem:$0x3FB7] =	sst s8  }
0x11: {  	[smem:$0x3FB8] =	sst s9;
	s0 =	simm.s32 @!p0 $0x0  }
0x12: {  	s1 =	sld [smem:$0x3F9E];
	s0 =	simm.s32 @p0 $0x1  }
0x13: {  	[smem:$0x3FB9] =	sst s0;
	s0 =	simm.s32 @!p1 $0x0  }
0x14: {  	s2 =	sld [smem:$0x3F9D];
	s0 =	simm.s32 @p1 $0x1  }
0x15: {  	[smem:$0x3FBA] =	sst s0;
	s0 =	simm.s32 @!p2 $0x0  }
0x16: {  	s3 =	sld [smem:$0x3FDB];
	s0 =	simm.s32 @p2 $0x1  }
0x17: {  	s4 =	simm.s32 $0x1BF5;
	[smem:$0x3FBC] =	sst s0  }
0x18: {  	s0 =	sld [smem:$0x3F9F];
	_ =	swait.ge [sflag:s4], $0x0  }
0x19: {  	s7 =	sld [smem:$0x3FA0]  }
0x1a: {  	s8 =	sadd.s32 $0xFFFFE003, lr  }
0x1b: {  	s9 =	sadd.s32 $0xFFFFFEF7, lr;
	s5 =	simm.s32 $0xFFFFFFFF;
	p2 =	slt.u32 s8, $0xFFFFF086  }
0x1c: {  	p1 =	slt.u32 s9, $0xF7A;
	s5 =	simm.s32 @!p2 $0x0  }
0x1d: {  	s5 =	simm.s32 @p1 $0x1;
	p0 =	seq.s32 s7, s2  }
0x1e: {  	s7 =	smul.u32 @!p0 $0xF7A, s2;
	p2 =	seq.s32 @!p0 s5, $0x0  }
0x1f: {  	s9 =	smul.u32 $0xF7A, s1;
	s8 =	simm.s32 @!p0 $0x1BF5;
	p2 =	por !p2, p0  }
0x20: {  	[sflag:s8] =	ssyncset.s32 @!p0 $0xFFFFF086;
	s6 =	sadd.s32 @!p0 s3, s7;
	s7 =	simm.s32 @!p0 $0x108  }
0x21: {  	s3 =	sadd.s32 s3, s9;
	s6 =	sadd.s32 @!p0 $0x88, s6;
	s7 =	simm.s32 @p2 $0x1082  }
0x22: {  	[simem:s7], [sflag:s8] =	dma.local @!p0 [hbm:s6], $0xF7A  }
0x23: {  	s9 =	sor.u32 $0xD0000000, s2;
	s6 =	simm.s32 $0x108;
	_ =	swait.ge @!p0 [sflag:s8], $0x0  }
0x24: {  	s3 =	sadd.s32 $0x88, s3;
	s6 =	simm.s32 @!p1 $0x1082;
	[sflag:s4] =	ssyncset.s32 $0xFFFFF086  }
0x25: {  	[simem:s6], [sflag:s4] =	dma.local [hbm:s3], $0xF7A  }
0x26: {  	[smem:$0x3FA0] =	sst s1;
	(tag) =	ssettag s2;
	_ =	strace s9  }
0x27: {  	s1 =	sld [smem:$0x3FB0]  }
0x28: {  	s2 =	sld [smem:$0x3FB1]  }
0x29: {  	s4 =	sld [smem:$0x3FB3]  }
0x2a: {  	p0 =	seq.s32 s5, $0x0;
	s5 =	sld [smem:$0x3FB4]  }
0x2b: {  	s6 =	sld [smem:$0x3FB5]  }
0x2c: {  	s7 =	sld [smem:$0x3FB6]  }
0x2d: {  	s3 =	simm.s32 $0x108;
	s8 =	sld [smem:$0x3FB7]  }
0x2e: {  	s3 =	simm.s32 @!p0 $0x1082;
	s9 =	sld [smem:$0x3FB8]  }
0x2f: {  	lr =	sadd.s32 s0, s3;
	s0 =	sld [smem:$0x3FAF]  }
0x30: {  	s3 =	sld [smem:$0x3FB2]  }
0x31: {  	[smem:$0x3FBB] =	sst s10  }
0x32: {  	s10 =	sld [smem:$0x3FB9];
	_ =	sdelay $0x3  }
0x33: {  	p0 =	seq.s32 s10, $0x1;
	s10 =	sld [smem:$0x3FBB];
	_ =	sdelay $0x3  }
0x34: {  	[smem:$0x3FBB] =	sst s10  }
0x35: {  	s10 =	sld [smem:$0x3FBA];
	_ =	sdelay $0x3  }
0x36: {  	p1 =	seq.s32 s10, $0x1;
	s10 =	sld [smem:$0x3FBB];
	_ =	sdelay $0x3  }
0x37: {  	[smem:$0x3FBB] =	sst s10  }
0x38: {  	s10 =	sld [smem:$0x3FBC]  }
0x39: {  	_ = 	snop;
	(pc) =	sbr.ind lr, $3  }
0x3a: {  	_ = 	snop  }
0x3b: {  	_ = 	snop  }
0x3c: {  	p2 =	seq.s32 s10, $0x1;
	s10 =	sld [smem:$0x3FBB]  }
0x3d: {  	_ =	shalt  }
0x3e: {  	_ =	shalt  }
0x3f: {  	_ =	shalt  }
0x40: {  	_ =	shalt  }
0x41: {  	_ =	shalt  }
0x42: {  	_ =	shalt  }
0x43: {  	_ =	shalt  }
0x44: {  	_ =	shalt  }
0x45: {  	_ =	shalt  }
0x46: {  	_ =	shalt  }
0x47: {  	_ =	shalt  }
0x48: {  	_ =	shalt  }
0x49: {  	_ =	shalt  }
0x4a: {  	_ =	shalt  }
0x4b: {  	_ =	shalt  }
0x4c: {  	_ =	shalt  }
0x4d: {  	_ =	shalt  }
0x4e: {  	_ =	shalt  }
0x4f: {  	_ =	shalt  }
0x50: {  	_ =	shalt  }
0x51: {  	_ =	shalt  }
0x52: {  	_ =	shalt  }
0x53: {  	_ =	shalt  }
0x54: {  	_ =	shalt  }
0x55: {  	_ =	shalt  }
0x56: {  	_ =	shalt  }
0x57: {  	_ =	shalt  }
0x58: {  	_ =	shalt  }
0x59: {  	_ =	shalt  }
0x5a: {  	_ =	shalt  }
0x5b: {  	_ =	shalt  }
0x5c: {  	_ =	shalt  }
0x5d: {  	_ =	shalt  }
0x5e: {  	_ =	shalt  }
0x5f: {  	_ =	shalt  }
0x60: {  	_ =	shalt  }
0x61: {  	_ =	shalt  }
0x62: {  	_ =	shalt  }
0x63: {  	_ =	shalt  }
0x64: {  	_ =	shalt  }
0x65: {  	_ =	shalt  }
0x66: {  	_ =	shalt  }
0x67: {  	_ =	shalt  }
0x68: {  	_ =	shalt  }
0x69: {  	_ =	shalt  }
0x6a: {  	_ =	shalt  }
0x6b: {  	_ =	shalt  }
0x6c: {  	_ =	shalt  }
0x6d: {  	_ =	shalt  }
0x6e: {  	_ =	shalt  }
0x6f: {  	_ =	shalt  }
0x70: {  	_ =	shalt  }
0x71: {  	_ =	shalt  }
0x72: {  	_ =	shalt  }
0x73: {  	_ =	shalt  }
0x74: {  	_ =	shalt  }
0x75: {  	_ =	shalt  }
0x76: {  	_ =	shalt  }
0x77: {  	_ =	shalt  }
0x78: {  	_ =	shalt  }
0x79: {  	_ =	shalt  }
0x7a: {  	_ =	shalt  }
0x7b: {  	_ =	shalt  }
0x7c: {  	_ =	shalt  }
0x7d: {  	_ =	shalt  }
0x7e: {  	_ =	shalt  }
0x7f: {  	_ =	shalt  }
0x80: {  	_ =	shalt  }
0x81: {  	_ =	shalt  }
0x82: {  	_ =	shalt  }
0x83: {  	_ =	shalt  }
0x84: {  	_ =	shalt  }
0x85: {  	_ =	shalt  }
0x86: {  	_ =	shalt  }
0x87: {  	_ =	shalt  }
.Lfunc_end0:
.L_simem_size_0:
called_computation_lowered:
.L_overlay_start_0:
0x88: {  	s2 =	sld [smem:$0x3FD9]  }
0x89: {  	s3 =	sld [smem:$0x3FFE];
	_ =	sdelay $0x1  }
0x8a: {  	s1 =	srdreg.scid  }
0x8b: {  	s0 =	sand.u32 $0x1, s1  }
0x8c: {  	s14 =	sshll.u32 s0, $0xA;
	s2 =	sadd.s32 s3, s2  }
0x8d: {  	s2 =	sadd.s32 s2, s14  }
0x8e: {  	[smem:$0x3FC7] =	sst s2  }
0x8f: {  	_ = 	snop  }
0x90: {  	s2 =	sld [smem:$0x3FD0];
	_ =	sdelay $0x2  }
0x91: {  	s15 =	simm.s32 $0xA;
	s4 =	simm.s32 $0x10  }
0x92: {  	[smem:s4], [sflag:s15] =	dma.local [hbm:s2], $0x1  }
0x93: {  	_ =	swait.eq [sflag:s15], $0x1  }
0x94: {  	[sflag:s15] =	ssyncset.done $0x0  }
0x95: {  	[sflag:s15] =	ssyncadd.s32 $0xFFFFFFFF  }
0x96: {  	s16 =	sld [smem:$0x10];
	(tm) =	ssettm $0x1  }
0x97: {  	s17 =	sld [smem:$0x3FFB];
	_ =	sdelay $0x3  }
0x98: {  	_ =	strace s17  }
0x99: {  	s3 =	sld [smem:$0x3FFC];
	_ =	sdelay $0x3  }
0x9a: {  	_ =	strace s3  }
0x9b: {  	s3 =	sld [smem:$0x3FFD];
	_ =	sdelay $0x3  }
0x9c: {  	_ =	strace s3  }
0x9d: {  	_ =	strace $0x8FFFFFFF  }
0x9e: {  	s18 =	sld [smem:$0x3FDB];
	_ =	sdelay $0x1  }
0x9f: {  	s19 =	simm.s32 $_scs_section_size  }
0xa0: {  	s5 =	simm.s32 $_size__tile_overlayer_lowered;
	s6 =	simm.s32 $_tile_overlayer_lowered  }
0xa1: {  	s22 =	simm.s32 $0x1BFF;
	s21 =	sshll.u32 s6, $0x1;
	s3 =	sadd.s32 s19, s18  }
0xa2: {  	s7 =	simm.s32 $0x0;
	s20 =	sshll.u32 s5, $0x1;
	s5 =	sadd.s32 s21, s3  }
0xa3: {  	[timem:s7], [sflag:s22] =	dma.local [hbm:s5], s20  }
0xa4: {  	_ =	swait.ge [sflag:s22], s20  }
0xa5: {  	s4 =	ssub.s32 $0x0, s20;
	[sflag:s22] =	ssyncset.done $0x0  }
0xa6: {  	[sflag:s22] =	ssyncadd.s32 s4;
	_ =	sdelay $0x1  }
0xa7: {  	s23 =	simm.s32 $0x1B8B  }
0xa8: {  	_ =	swait.ge [sflag:s23], $0x1  }
0xa9: {  	[sflag:s23] =	ssyncset.done $0x0  }
0xaa: {  	s25 =	simm.s32 $0x1B8E;
	s24 =	sld [smem:$0x3FFE];
	[sflag:s23] =	ssyncadd.s32 $0xFFFFFFFF  }
0xab: {  	s26 =	simm.s32 $execute0_lowered;
	[smem:$0x3FD2] =	sst s25  }
0xac: {  	s5 =	sshll.u32 s26, $0x1;
	_ =	strace $0x80000046;
	[dreg:$0x1] =	wrdreg $0xFFFFFFFF  }
0xad: {  	s28 =	simm.s32 $_size_execute0_lowered;
	s3 =	sadd.s32 s3, s5;
	[dreg:$0x0] =	wrdreg $0x0  }
0xae: {  	s5 =	sshll.u32 s28, $0x1;
	[dreg:$0x2] =	wrdreg s3  }
0xaf: {  	[dreg:$0x3] =	wrdreg s5  }
0xb0: {  	[dreg:$0x4] =	wrdreg $0xC0  }
0xb1: {  	_ =	task [dreg:s7], $0x5FFFF  }
0xb2: {  	[dreg:$0x1] =	wrdreg $0xFFFFFFFF  }
0xb3: {  	[dreg:$0x0] =	wrdreg $0x60  }
0xb4: {  	[dreg:$0x2] =	wrdreg s24  }
0xb5: {  	[dreg:$0x3] =	wrdreg s16  }
0xb6: {  	[dreg:$0x4] =	wrdreg $0x9  }
0xb7: {  	_ =	task.clear_ibuf [dreg:s7], $0x5FFFF;
	_ =	strace $0x90000046  }
0xb8: {  	s29 =	simm.s32 $0x9;
	_ =	strace $0x80000048  }
0xb9: {  	_ =	swait.ge [sflag:s29], $0x1  }
0xba: {  	[sflag:s29] =	ssyncadd.s32 $0xFFFFFFFF  }
0xbb: {  	_ =	strace $0x90000048  }
0xbc: {  	_ =	sfence  }
0xbd: {  	s30 =	sld [smem:$0x0];
	_ =	sdelay $0x2  }
0xbe: {  	s31 =	sshll.u32 s1, $0xD;
	s1 =	sshrl.u32 s1, $0x2  }
0xbf: {  	s3 =	sand.u32 $0x4000, s31;
	s1 =	sadd.s32 s1, s30  }
0xc0: {  	s0 =	sor.u32 s3, s0;
	s1 =	sshll.u32 s1, $0x11  }
0xc1: {  	s0 =	sor.u32 s1, s0  }
0xc2: {  	s0 =	sadd.s32 $0x8F2B, s0  }
0xc3: {  	[sflag:s0] =	ssyncadd.remote.s32 $0x1  }
0xc4: {  	_ =	sfence.sel $0xFFFF  }
0xc5: {  	[dreg:$0x0] =	wrdreg $0xFFFFFFFF;
	(pc) =	sbr.abs _section_cstart, $3  }
0xc6: {  	[dreg:$0x1] =	wrdreg $0xFFFFFFFF  }
0xc7: {  	_ =	task.clear_ibuf [dreg:s7], $0x2FFFF;
	_ =	strace $0x9FFFFFFF  }
0xc8: {  	(tm) =	ssettm $0x7FFFFFFF  }
0xc9: {  	_ =	shalt  }
tec
execute0_lowered:
.L_overlay_start_1:
0x0: {  	(tag) =	ssettag $0x1  }
0x1: {  	s1 =	stileid.u32  }
0x2: {  	p0 =	sgt.u32 s1, $0x7  }
.Ltmp0:
0x3: {  	_ = 	snop;
	(pc) =	sbr.rel @p0 .LBB2_5-.Ltmp0, $4  }
0x4: {  	s4 =	rddreg [dreg:$0x0]  }
0x5: {  	s3 =	rddreg [dreg:$0x1];
	s2 =	simm.s32 $0x0  }
0x6: {  	[smem:$0x7FF] =	sst s2  }
0x7: {  	s0 =	rddreg [dreg:$0x2];
	_ =	strace $0x80000047  }
0x8: {  	s5 =	srdreg.scid  }
0x9: {  	s6 =	sshll.u32 s1, $0x5;
	s7 =	sshll.u32 s1, $0x7;
	s5 =	sand.u32 $0x1, s5  }
0xa: {  	s9 =	simm.s32 $0x200;
	s6 =	sand.u32 $0x60, s6;
	s8 =	sshll.u32 s5, $0x4  }
0xb: {  	s7 =	sand.u32 $0x200, s7;
	s5 =	ssub.s32 $0x2, s5;
	s6 =	sor.u32 s8, s6  }
0xc: {  	s31 =	sshrl.u32 s5, $0x1;
	s8 =	simm.s32 $0x1;
	s6 =	sor.u32 s7, s6  }
0xd: {  	s5 =	ssub.s32 s5, s31;
	s7 =	simm.s32 $0x400;
	s3 =	sadd.s32 s3, s6  }
0xe: {  	v0 =	vimm.s32 $0x0;
	s4 =	sadd.s32 s4, s6;
	s5 =	smax.u32 s5, $0x1;
	s6 =	simm.s32 $0x80  }
.LBB2_2:
0xf: {  	s10 =	simm.s32 $0x0  }
0x10: {  	[tilespmem:s10], [sflag:$0x1] =	stream.strided.gather [hbm4b:s4+s6], $0x200, s7, s6, $0x38;
	[tilespmem:$0x400] =	vst v63  }
0x11: {  	_ =	swait.ge [sflag:s8], $0x200  }
0x12: {  	[sflag:s8] =	ssyncset.done $0x0  }
0x13: {  	[sflag:s8] =	ssyncadd.s32 $0xFFFFFE00  }
0x14: {  	[tilespmem:$0x200] =	vst v0  }
0x15: {  	[tilespmem:$0x210] =	vst v0  }
0x16: {  	[tilespmem:$0x220] =	vst v0  }
0x17: {  	[tilespmem:$0x230] =	vst v0  }
0x18: {  	[tilespmem:$0x240] =	vst v0  }
0x19: {  	[tilespmem:$0x250] =	vst v0  }
0x1a: {  	[tilespmem:$0x260] =	vst v0  }
0x1b: {  	[tilespmem:$0x270] =	vst v0  }
0x1c: {  	[tilespmem:$0x280] =	vst v0  }
0x1d: {  	[tilespmem:$0x290] =	vst v0  }
0x1e: {  	[tilespmem:$0x2A0] =	vst v0  }
0x1f: {  	[tilespmem:$0x2B0] =	vst v0  }
0x20: {  	[tilespmem:$0x2C0] =	vst v0  }
0x21: {  	[tilespmem:$0x2D0] =	vst v0  }
0x22: {  	[tilespmem:$0x2E0] =	vst v0  }
0x23: {  	[tilespmem:$0x2F0] =	vst v0  }
0x24: {  	[tilespmem:$0x300] =	vst v0  }
0x25: {  	[tilespmem:$0x310] =	vst v0  }
0x26: {  	[tilespmem:$0x320] =	vst v0  }
0x27: {  	[tilespmem:$0x330] =	vst v0  }
0x28: {  	[tilespmem:$0x340] =	vst v0  }
0x29: {  	[tilespmem:$0x350] =	vst v0  }
0x2a: {  	[tilespmem:$0x360] =	vst v0  }
0x2b: {  	[tilespmem:$0x370] =	vst v0  }
0x2c: {  	[tilespmem:$0x380] =	vst v0  }
0x2d: {  	[tilespmem:$0x390] =	vst v0  }
0x2e: {  	[tilespmem:$0x3A0] =	vst v0  }
0x2f: {  	[tilespmem:$0x3B0] =	vst v0  }
0x30: {  	[tilespmem:$0x3C0] =	vst v0  }
0x31: {  	[tilespmem:$0x3D0] =	vst v0  }
0x32: {  	[tilespmem:$0x3E0] =	vst v0  }
0x33: {  	s11 =	simm.s32 $0x0;
	[tilespmem:$0x3F0] =	vst v0  }
0x34: {  	v1 =	vld [tilespmem:s11+$0x0];
	_ =	sdelay $0x4  }
0x35: {  	vm0 =	vgt.s32 v1, $0xFFFFFFFF  }
0x36: {  	v2 =	vsel vm0, $0x1, v0  }
0x37: {  	(xrf0) =	vadd.scan.msk.s32 $0xffff, v2;
	_ =	sdelay $0x4  }
0x38: {  	v2 =	vsel vm0, $0xFFFFFFFF, v0  }
0x39: {  	v2 =	vadd.s32 s10, v2;
	v3, _, _ =	vpop (xrf0)  }
0x3a: {  	v2 =	vadd.s32 v3, v2;
	(v2sf) =	vpush v3, $0xF;
	_ =	sdelay $0x4  }
0x3b: {  	s12 =	simm.s32 $0x10;
	s11 =	simm.s32 $0x80;
	[tilespmem:v2+s9+$0x0] =	vst.idx.msk vm0, v1  }
.LBB2_3:
0x3c: {  	p0 =	sne.s32 s11, $0x7C0;
	v1 =	vld [tilespmem:s12+$0x0];
	_ =	sdelay $0x4  }
0x3d: {  	vm0 =	vgt.s32 v1, $0xFFFFFFFF  }
0x3e: {  	v2 =	vsel vm0, $0xFFFFFFFF, v0;
	v3 =	vsel vm0, $0x1, v0  }
0x3f: {  	(xrf0) =	vadd.scan.msk.s32 $0xffff, v3;
	_ =	sdelay $0x1  }
0x40: {  	s12 =	spop (v2sf)  }
0x41: {  	s10 =	sadd.s32 s10, s12  }
0x42: {  	v2 =	vadd.s32 s10, v2;
	_ =	sdelay $0x1  }
0x43: {  	v3, _, _ =	vpop (xrf0)  }
0x44: {  	v2 =	vadd.s32 v3, v2;
	(v2sf) =	vpush v3, $0xF  }
.Ltmp1:
0x45: {  	(pc) =	sbr.rel @p0 .LBB2_3-.Ltmp1, $2  }
0x46: {  	_ =	sdelay $0x2  }
0x47: {  	s12 =	sshra.s32 s11, $0x2;
	s11 =	sadd.s32 $0x40, s11;
	[tilespmem:v2+s9+$0x0] =	vst.idx.msk vm0, v1  }
0x48: {  	v1 =	vld [tilespmem:s12+$0x0];
	_ =	sdelay $0x4  }
0x49: {  	vm0 =	vgt.s32 v1, $0xFFFFFFFF  }
0x4a: {  	v2 =	vsel vm0, $0x1, v0  }
0x4b: {  	(xrf0) =	vadd.scan.msk.s32 $0xffff, v2;
	_ =	sdelay $0x5  }
0x4c: {  	v2, _, _ =	vpop (xrf0)  }
0x4d: {  	(v2sf) =	vpush v2, $0xF;
	_ =	sdelay $0x3  }
0x4e: {  	s11 =	spop (v2sf)  }
0x4f: {  	v3 =	vsel vm0, $0xFFFFFFFF, v0;
	s10 =	sadd.s32 s10, s11  }
0x50: {  	v3 =	vadd.s32 s10, v3  }
0x51: {  	v2 =	vadd.s32 v2, v3;
	_ =	sdelay $0x3  }
0x52: {  	s2 =	sadd.s32 $0x1, s2  }
0x53: {  	p0 =	sne.s32 s2, s5;
	[tilespmem:v2+s9+$0x0] =	vst.idx.msk vm0, v1  }
0x54: {  	[hbm4b:s3+s6] =	stream.strided.scatter [tilespmem:s9], [sflag:$0x1], $0x200, s7, s6, $0x38;
	[tilespmem:$0x400] =	vst v63  }
.Ltmp2:
0x55: {  	_ = 	snop;
	(pc) =	sbr.rel @p0 .LBB2_2-.Ltmp2, $4  }
0x56: {  	s31 =	spop (v2sf)  }
0x57: {  	_ =	swait.ge [sflag:s8], $0x200  }
0x58: {  	[sflag:s8] =	ssyncset.done $0x0  }
0x59: {  	[sflag:s8] =	ssyncadd.s32 $0xFFFFFE00  }
.LBB2_5:
0x5a: {  	_ =	sfence.sel $0x180000  }
0x5b: {  	[bflag:$0x0] =	sbarrier.arrive $0xFFFF  }
0x5c: {  	p0 =	sne.s32 s1, $0x0;
	_ =	strace $0x90000047  }
0x5d: {  	s0 =	sadd.s32 @!p0 $0x100000, s0;
	[bflag:$0x2] =	sbarrier.arrive $0xFFFF  }
0x5e: {  	[sflag:s0] =	ssyncadd.tile.s32 @!p0 $0x1;
	_ =	shalt  }
.Lfunc_end2:
_tile_overlayer_lowered:
.L_overlay_start_2:
0x5f: {  	(tag) =	ssettag $0x2  }
0x60: {  	s0 =	rddreg [dreg:$0x0];
	s2 =	stileid.u32  }
0x61: {  	s1 =	rddreg [dreg:$0x1];
	p0 =	sne.s32 s2, $0x0  }
0x62: {  	s3 =	rddreg [dreg:$0x2];
	[bflag:$0x3] =	sbarrier.arrive $0xFFFF;
	s2 =	simm.s32 @!p0 $0x1C01  }
0x63: {  	[timem:s3], [sflag:s2] =	dma.local @!p0 [hbm:s0], s1  }
0x64: {  	s0 =	simm.s32 @!p0 $0x1  }
0x65: {  	_ =	swait.ge @!p0 [sflag:s0], s1  }
0x66: {  	s1 =	ssub.s32 @!p0 $0x0, s1;
	[sflag:s0] =	ssyncset.done @!p0 $0x0  }
0x67: {  	[sflag:s0] =	ssyncadd.s32 @!p0 s1  }
0x68: {  	[bflag:$0x3] =	sbarrier.arrive $0xFFFF  }
0x69: {  	_ =	shalt  }

</sc_bundles>
